<compile_context>
chip_gen: v7x
topology: tpu7x:2x2x1
jax: 0.10.2.dev20260603
libtpu: 0.0.44.dev20260713+nightly
codegen_flags: <defaults>
</compile_context>

<pallas_src>
import jax
import jax.numpy as jnp
from jax import lax
from jax.experimental import pallas as pl
from jax.experimental.pallas import tpu as pltpu
from jax.experimental.pallas import tpu_sc as plsc

NC, NS = 2, 16
NW = NC * NS


def _sc_mesh():
    return plsc.VectorSubcoreMesh(
        core_axis_name="c", subcore_axis_name="s", num_cores=NC, num_subcores=NS)


def _make_deg(n, e, k=125):
    ept = e // NW
    ch = ept // k
    kpad = ((k + 15) // 16) * 16
    assert e % NW == 0 and ept % k == 0 and k <= 128

    def body(ei_hbm, zero_hbm, out_hbm, didx, ones, acc, sem):
        c = lax.axis_index("c")
        s = lax.axis_index("s")
        wid = c * NS + s

        @pl.when(s == 0)
        def _():
            pltpu.sync_copy(zero_hbm, acc)

        pltpu.sync_copy(ei_hbm.at[1, wid], didx)
        for j in range(kpad // 16):
            ones[pl.ds(j * 16, 16)] = jnp.full((16,), 1.0, jnp.float32)
        plsc.subcore_barrier()

        grp = 10
        assert ch % grp == 0
        def step(i, carry):
            for b in range(grp):
                pltpu.async_copy(ones.at[pl.ds(0, k)],
                                 acc.at[didx.at[i * grp + b]], sem, add=True)
            for b in range(grp):
                pltpu.make_async_copy(ones.at[pl.ds(0, k)],
                                      acc.at[didx.at[0]], sem).wait()
            return carry

        lax.fori_loop(0, ch // grp, step, 0)
        plsc.subcore_barrier()

        @pl.when(s == 0)
        def _():
            pltpu.sync_copy(acc, out_hbm.at[c])

    return pl.kernel(
        body,
        out_type=jax.ShapeDtypeStruct((NC, n), jnp.float32),
        mesh=_sc_mesh(),
        compiler_params=pltpu.CompilerParams(use_tc_tiling_on_sc=False),
        scratch_types=[
            pltpu.VMEM((ch, k), jnp.int32),
            pltpu.VMEM((kpad,), jnp.float32),
            pltpu.VMEM_SHARED((n,), jnp.float32),
            pltpu.SemaphoreType.DMA,
        ],
    ), ch, k


_NBUF = 8


def _make_scatter(n, e, f, k=125):
    ept = e // NW
    ch = ept // k
    assert e % NW == 0 and ept % k == 0 and k <= 128 and ch % _NBUF == 0

    def body(y_hbm, ei_hbm, zero_hbm, out_hbm,
             sidx, didx, rows, acc, gsem, ssem):
        c = lax.axis_index("c")
        s = lax.axis_index("s")
        wid = c * NS + s

        @pl.when(s == 0)
        def _():
            pltpu.sync_copy(zero_hbm, acc)

        pltpu.sync_copy(ei_hbm.at[0, wid], sidx)
        pltpu.sync_copy(ei_hbm.at[1, wid], didx)
        plsc.subcore_barrier()

        def fire_gather(j, b):
            pltpu.async_copy(y_hbm.at[sidx.at[j]], rows.at[b], gsem.at[b])

        def wait_gather(j, b):
            pltpu.make_async_copy(
                y_hbm.at[sidx.at[j]], rows.at[b], gsem.at[b]).wait()

        def fire_scat(j, b):
            pltpu.async_copy(rows.at[b], acc.at[didx.at[j]], ssem.at[b],
                             add=True)

        def wait_scat(j, b):
            pltpu.make_async_copy(
                rows.at[b], acc.at[didx.at[j]], ssem.at[b]).wait()

        for b in range(_NBUF):
            fire_gather(b, b)

        def steady(io, carry):
            for b in range(_NBUF):
                j = io * _NBUF + b
                wait_gather(j, b)
                fire_scat(j, b)
            for b in range(_NBUF):
                j = io * _NBUF + b
                wait_scat(j, b)
                fire_gather(j + _NBUF, b)
            return carry

        lax.fori_loop(0, ch // _NBUF - 1, steady, 0)

        for b in range(_NBUF):
            j = ch - _NBUF + b
            wait_gather(j, b)
            fire_scat(j, b)
        for b in range(_NBUF):
            wait_scat(ch - _NBUF + b, b)
        plsc.subcore_barrier()

        @pl.when(s == 0)
        def _():
            pltpu.sync_copy(acc, out_hbm.at[c])

    return pl.kernel(
        body,
        out_type=jax.ShapeDtypeStruct((NC, n, f), jnp.float32),
        mesh=_sc_mesh(),
        compiler_params=pltpu.CompilerParams(use_tc_tiling_on_sc=False),
        scratch_types=[
            pltpu.VMEM((ch, k), jnp.int32),
            pltpu.VMEM((ch, k), jnp.int32),
            pltpu.VMEM((_NBUF, k, f), jnp.float32),
            pltpu.VMEM_SHARED((n, f), jnp.float32),
            pltpu.SemaphoreType.DMA((_NBUF,)),
            pltpu.SemaphoreType.DMA((_NBUF,)),
        ],
    ), ch, k



def _tc_a_body(x_ref, w1bd_ref, xw_ref):
    xw_ref[...] = jnp.dot(x_ref[...], w1bd_ref[...],
                          preferred_element_type=jnp.float32)


def _tc_b_body(p1_ref, y1_ref, dflat_ref, b1f_ref, g_ref):
    d = dflat_ref[...]
    h = (p1_ref[0] + p1_ref[1] + y1_ref[...]) * d + b1f_ref[...][None, :]
    g_ref[...] = jnp.maximum(h, 0.0) * d


def _tc_c_body(p2_ref, g_ref, dflat_ref, w2e_ref, b2_ref, out_ref):
    mf = (p2_ref[0] + p2_ref[1] + g_ref[...]) * dflat_ref[...]
    for j in range(8):
        o = jnp.dot(mf, w2e_ref[j], preferred_element_type=jnp.float32) \
            + b2_ref[...][None, :]
        m = jnp.max(o, axis=1, keepdims=True)
        ex = jnp.exp(o - m)
        out_ref[:, j, :] = o - m - jnp.log(jnp.sum(ex, axis=1, keepdims=True))


def _tc_a(xr, w1bd):
    nf = xr.shape[0]
    return pl.pallas_call(
        _tc_a_body,
        out_shape=jax.ShapeDtypeStruct((nf, 128), jnp.float32),
    )(xr, w1bd)


def _tc_b(p1f, y1f, dflat, b1f):
    nf = y1f.shape[0]
    return pl.pallas_call(
        _tc_b_body,
        out_shape=jax.ShapeDtypeStruct((nf, 128), jnp.float32),
    )(p1f, y1f, dflat, b1f)


def _tc_c(p2f, gf, dflat, w2e, b2):
    nf = gf.shape[0]
    c = b2.shape[0]
    return pl.pallas_call(
        _tc_c_body,
        out_shape=jax.ShapeDtypeStruct((nf, 8, c), jnp.float32),
    )(p2f, gf, dflat, w2e, b2)


def kernel(x, edge_index, W1, b1, W2, b2):
    n, dft = x.shape
    e = edge_index.shape[1]
    hid, ncls = W1.shape[1], W2.shape[1]
    assert hid == 16 and n % 8 == 0
    nf = n * hid // 128

    s_fn, ch, k = _make_scatter(n, e, hid)
    deg_fn, dch, dk = _make_deg(n, e)
    assert (dch, dk) == (ch, k)
    ei4 = edge_index.reshape(2, NW, ch, k)

    degp = deg_fn(ei4, jnp.zeros((n,), jnp.float32))
    dvec = lax.rsqrt(degp[0] + degp[1] + 1.0)
    dflat = jnp.repeat(dvec, hid).reshape(nf, 128)

    w1bd = jax.scipy.linalg.block_diag(*([W1] * 8))
    b1f = jnp.tile(b1, 8)
    w2e = jnp.stack([jnp.pad(W2, ((hid * j, 128 - hid * (j + 1)), (0, 0)))
                     for j in range(8)])

    zf = jnp.zeros((n, hid), jnp.float32)

    xwf = _tc_a(x.reshape(nf, 8 * dft), w1bd)
    y1f = xwf * dflat
    p1 = s_fn(y1f.reshape(n, hid), ei4, zf)
    gf = _tc_b(p1.reshape(2, nf, 128), y1f, dflat, b1f)
    p2 = s_fn(gf.reshape(n, hid), ei4, zf)
    out = _tc_c(p2.reshape(2, nf, 128), gf, dflat, w2e, b2)
    return out.reshape(n, ncls)

# --- scband reference (transcript-rebuilt; emitter-appended) ---
"""Pipeline reference for scband-net-46016279609830 (READ-ONLY COPY).

The authoritative reference and input builder live on the scoring server;
editing this copy changes nothing except your own understanding.
"""

import jax, jax.numpy as jnp
import numpy as np


def gcn_conv(x, edge_index, W, b):
    # Faithful GCNConv: add self-loops, symmetric normalization, linear transform,
    # gather messages at src, scatter-add at dst, add bias.
    n = x.shape[0]
    loop = jnp.arange(n, dtype=edge_index.dtype)
    src = jnp.concatenate([edge_index[0], loop])
    dst = jnp.concatenate([edge_index[1], loop])
    xw = x @ W
    ones = jnp.ones(src.shape[0], dtype=x.dtype)
    deg = jnp.zeros((n,), dtype=x.dtype).at[dst].add(ones)
    deg_inv_sqrt = jnp.where(deg > 0, deg ** -0.5, 0.0)
    norm = deg_inv_sqrt[src] * deg_inv_sqrt[dst]
    msg = norm[:, None] * jnp.take(xw, src, axis=0)
    out = jnp.zeros((n, W.shape[1]), dtype=x.dtype).at[dst].add(msg)
    return out + b


def setup_inputs(seed: int = 0) -> dict:
    key = jax.random.key(seed)
    k1, k2, k3, k4, k5, k6 = jax.random.split(key, 6)
    n_nodes, d_feat, hidden, n_classes = 10000, 128, 16, 40
    n_edges = 320000
    x = jax.random.normal(k1, (n_nodes, d_feat), dtype=jnp.float32)
    edge_index = jax.random.randint(k2, (2, n_edges), 0, n_nodes, dtype=jnp.int32)
    W1 = jax.random.normal(k3, (d_feat, hidden), dtype=jnp.float32) * (1.0 / np.sqrt(d_feat))
    b1 = jnp.zeros((hidden,), dtype=jnp.float32)
    W2 = jax.random.normal(k4, (hidden, n_classes), dtype=jnp.float32) * (1.0 / np.sqrt(hidden))
    b2 = jnp.zeros((n_classes,), dtype=jnp.float32)
    return {"x": x, "edge_index": edge_index, "W1": W1, "b1": b1, "W2": W2, "b2": b2}


def reference(x, edge_index, W1, b1, W2, b2):
    h = gcn_conv(x, edge_index, W1, b1)
    h = jax.nn.relu(h)
    # dropout is identity in eval mode (reference uses eval semantics)
    h = gcn_conv(h, edge_index, W2, b2)
    return jax.nn.log_softmax(h, axis=1)

if __name__ == "__main__":
    import jax
    _d = setup_inputs()
    print(jax.jit(kernel)(*tuple(_d.values())))

</pallas_src>

<mosaic_0001>
#map = affine_map<(d0, d1) -> (0, 0, 0, 0)>
#map1 = affine_map<(d0, d1) -> (0)>
#map2 = affine_map<(d0, d1) -> (0, 0)>
module attributes {stable_mosaic.version = 14 : i64} {
  func.func @body(%arg0: i32, %arg1: i32, %arg2: memref<2x32x80x125xi32, #tpu.memory_space<hbm>>, %arg3: memref<10000xf32, #tpu.memory_space<hbm>>, %arg4: memref<2x10000xf32, #tpu.memory_space<hbm>>, %arg5: memref<80x125xi32, #tpu.memory_space<vmem>>, %arg6: memref<128xf32, #tpu.memory_space<vmem>>, %arg7: memref<10000xf32, #tpu.memory_space<vmem_shared>>, %arg8: memref<!tpu.dma_semaphore, #tpu.memory_space<semaphore_mem>>) attributes {dimension_semantics = [#tpu.dimension_semantics<core_parallel>, #tpu.dimension_semantics<subcore_parallel>], iteration_bounds = array<i64: 2, 16>, scalar_prefetch = 0 : i64, scratch_operands = 4 : i64, tpu.core_type = #tpu.core_type<sc_vector_subcore>, window_params = [{transform_indices = #map}, {transform_indices = #map1}, {transform_indices = #map2}]} {
    %mul3A = arith.constant 16 : i32
    %mul3A_0 = arith.muli %arg0, %mul3A : i32
    %add3A = arith.addi %mul3A_0, %arg1 : i32
    %eq3A = arith.constant 0 : i32
    %eq3A_1 = arith.cmpi eq, %arg1, %eq3A : i32
    %convert_element_type3A = arith.extui %eq3A_1 : i1 to i32
    %cond3A = arith.constant 0 : i32
    %cond3A_2 = arith.cmpi ne, %convert_element_type3A, %cond3A : i32
    scf.if %cond3A_2 {
      "tpu.region"() ({
        %run_scoped3A_60 = tpu.sem_alloc : memref<!tpu.dma_semaphore, #tpu.memory_space<semaphore_mem>>
        tpu.enqueue_dma source(%arg3 : memref<10000xf32, #tpu.memory_space<hbm>>) target(%arg7 : memref<10000xf32, #tpu.memory_space<vmem_shared>>) target_semaphore(%run_scoped3A_60 : memref<!tpu.dma_semaphore, #tpu.memory_space<semaphore_mem>>)
        tpu.wait_dma2 semaphore(%run_scoped3A_60 : memref<!tpu.dma_semaphore, #tpu.memory_space<semaphore_mem>>) src(%arg3 : memref<10000xf32, #tpu.memory_space<hbm>>) dst(%arg7 : memref<10000xf32, #tpu.memory_space<vmem_shared>>)
        tpu.yield
      }) : () -> ()
    } else {
    }
    %run_scoped3A = arith.constant 1 : i32
    "tpu.region"() ({
      %run_scoped3A_60 = tpu.sem_alloc : memref<!tpu.dma_semaphore, #tpu.memory_space<semaphore_mem>>
      %dma_start3A = arith.constant 0 : i32
      %dma_start3A_61 = arith.constant 0 : i32
      %dma_start3A_62 = tpu.memref_slice %arg2[%run_scoped3A, %add3A, %dma_start3A, %dma_start3A_61] : memref<2x32x80x125xi32, #tpu.memory_space<hbm>> -> memref<1x1x80x125xi32, #tpu.memory_space<hbm>>
      %dma_start3A_63 = tpu.memref_squeeze %dma_start3A_62 : memref<1x1x80x125xi32, #tpu.memory_space<hbm>> -> memref<80x125xi32, #tpu.memory_space<hbm>>
      %dma_start3A_64 = arith.constant 0 : i32
      %dma_start3A_65 = arith.constant 0 : i32
      %dma_start3A_66 = tpu.memref_slice %arg2[%run_scoped3A, %add3A, %dma_start3A_64, %dma_start3A_65] : memref<2x32x80x125xi32, #tpu.memory_space<hbm>> -> memref<1x1x80x125xi32, #tpu.memory_space<hbm>>
      %dma_start3A_67 = tpu.memref_squeeze %dma_start3A_66 : memref<1x1x80x125xi32, #tpu.memory_space<hbm>> -> memref<80x125xi32, #tpu.memory_space<hbm>>
      tpu.enqueue_dma source(%dma_start3A_67 : memref<80x125xi32, #tpu.memory_space<hbm>>) target(%arg5 : memref<80x125xi32, #tpu.memory_space<vmem>>) target_semaphore(%run_scoped3A_60 : memref<!tpu.dma_semaphore, #tpu.memory_space<semaphore_mem>>)
      %dma_wait3A = arith.constant 0 : i32
      %dma_wait3A_68 = arith.constant 0 : i32
      %dma_wait3A_69 = tpu.memref_slice %arg2[%run_scoped3A, %add3A, %dma_wait3A, %dma_wait3A_68] : memref<2x32x80x125xi32, #tpu.memory_space<hbm>> -> memref<1x1x80x125xi32, #tpu.memory_space<hbm>>
      %dma_wait3A_70 = tpu.memref_squeeze %dma_wait3A_69 : memref<1x1x80x125xi32, #tpu.memory_space<hbm>> -> memref<80x125xi32, #tpu.memory_space<hbm>>
      %dma_wait3A_71 = arith.constant 0 : i32
      %dma_wait3A_72 = arith.constant 0 : i32
      %dma_wait3A_73 = tpu.memref_slice %arg2[%run_scoped3A, %add3A, %dma_wait3A_71, %dma_wait3A_72] : memref<2x32x80x125xi32, #tpu.memory_space<hbm>> -> memref<1x1x80x125xi32, #tpu.memory_space<hbm>>
      %dma_wait3A_74 = tpu.memref_squeeze %dma_wait3A_73 : memref<1x1x80x125xi32, #tpu.memory_space<hbm>> -> memref<80x125xi32, #tpu.memory_space<hbm>>
      tpu.wait_dma2 semaphore(%run_scoped3A_60 : memref<!tpu.dma_semaphore, #tpu.memory_space<semaphore_mem>>) src(%dma_wait3A_74 : memref<80x125xi32, #tpu.memory_space<hbm>>) dst(%arg5 : memref<80x125xi32, #tpu.memory_space<vmem>>)
      tpu.yield
    }) : () -> ()
    %broadcast_in_dim3A = arith.constant 1.000000e+00 : f32
    %broadcast_in_dim3A_3 = vector.broadcast %broadcast_in_dim3A : f32 to vector<16xf32>
    %swap3A = arith.constant 0 : index
    %swap3A_4 = tpu.vector_load %arg6[%swap3A] {strides = array<i32>} : memref<128xf32, #tpu.memory_space<vmem>>, vector<16xf32>,
    %swap3A_5 = vector.shape_cast %swap3A_4 : vector<16xf32> to vector<16xf32>
    %swap3A_6 = vector.shape_cast %broadcast_in_dim3A_3 : vector<16xf32> to vector<16xf32>
    tpu.vector_store %arg6[%swap3A], %swap3A_6 {strides = array<i32>} : memref<128xf32, #tpu.memory_space<vmem>>, vector<16xf32>,
    %broadcast_in_dim3A_7 = arith.constant 1.000000e+00 : f32
    %broadcast_in_dim3A_8 = vector.broadcast %broadcast_in_dim3A_7 : f32 to vector<16xf32>
    %swap3A_9 = arith.constant 16 : index
    %swap3A_10 = tpu.vector_load %arg6[%swap3A_9] {strides = array<i32>} : memref<128xf32, #tpu.memory_space<vmem>>, vector<16xf32>,
    %swap3A_11 = vector.shape_cast %swap3A_10 : vector<16xf32> to vector<16xf32>
    %swap3A_12 = vector.shape_cast %broadcast_in_dim3A_8 : vector<16xf32> to vector<16xf32>
    tpu.vector_store %arg6[%swap3A_9], %swap3A_12 {strides = array<i32>} : memref<128xf32, #tpu.memory_space<vmem>>, vector<16xf32>,
    %broadcast_in_dim3A_13 = arith.constant 1.000000e+00 : f32
    %broadcast_in_dim3A_14 = vector.broadcast %broadcast_in_dim3A_13 : f32 to vector<16xf32>
    %swap3A_15 = arith.constant 32 : index
    %swap3A_16 = tpu.vector_load %arg6[%swap3A_15] {strides = array<i32>} : memref<128xf32, #tpu.memory_space<vmem>>, vector<16xf32>,
    %swap3A_17 = vector.shape_cast %swap3A_16 : vector<16xf32> to vector<16xf32>
    %swap3A_18 = vector.shape_cast %broadcast_in_dim3A_14 : vector<16xf32> to vector<16xf32>
    tpu.vector_store %arg6[%swap3A_15], %swap3A_18 {strides = array<i32>} : memref<128xf32, #tpu.memory_space<vmem>>, vector<16xf32>,
    %broadcast_in_dim3A_19 = arith.constant 1.000000e+00 : f32
    %broadcast_in_dim3A_20 = vector.broadcast %broadcast_in_dim3A_19 : f32 to vector<16xf32>
    %swap3A_21 = arith.constant 48 : index
    %swap3A_22 = tpu.vector_load %arg6[%swap3A_21] {strides = array<i32>} : memref<128xf32, #tpu.memory_space<vmem>>, vector<16xf32>,
    %swap3A_23 = vector.shape_cast %swap3A_22 : vector<16xf32> to vector<16xf32>
    %swap3A_24 = vector.shape_cast %broadcast_in_dim3A_20 : vector<16xf32> to vector<16xf32>
    tpu.vector_store %arg6[%swap3A_21], %swap3A_24 {strides = array<i32>} : memref<128xf32, #tpu.memory_space<vmem>>, vector<16xf32>,
    %broadcast_in_dim3A_25 = arith.constant 1.000000e+00 : f32
    %broadcast_in_dim3A_26 = vector.broadcast %broadcast_in_dim3A_25 : f32 to vector<16xf32>
    %swap3A_27 = arith.constant 64 : index
    %swap3A_28 = tpu.vector_load %arg6[%swap3A_27] {strides = array<i32>} : memref<128xf32, #tpu.memory_space<vmem>>, vector<16xf32>,
    %swap3A_29 = vector.shape_cast %swap3A_28 : vector<16xf32> to vector<16xf32>
    %swap3A_30 = vector.shape_cast %broadcast_in_dim3A_26 : vector<16xf32> to vector<16xf32>
    tpu.vector_store %arg6[%swap3A_27], %swap3A_30 {strides = array<i32>} : memref<128xf32, #tpu.memory_space<vmem>>, vector<16xf32>,
    %broadcast_in_dim3A_31 = arith.constant 1.000000e+00 : f32
    %broadcast_in_dim3A_32 = vector.broadcast %broadcast_in_dim3A_31 : f32 to vector<16xf32>
    %swap3A_33 = arith.constant 80 : index
    %swap3A_34 = tpu.vector_load %arg6[%swap3A_33] {strides = array<i32>} : memref<128xf32, #tpu.memory_space<vmem>>, vector<16xf32>,
    %swap3A_35 = vector.shape_cast %swap3A_34 : vector<16xf32> to vector<16xf32>
    %swap3A_36 = vector.shape_cast %broadcast_in_dim3A_32 : vector<16xf32> to vector<16xf32>
    tpu.vector_store %arg6[%swap3A_33], %swap3A_36 {strides = array<i32>} : memref<128xf32, #tpu.memory_space<vmem>>, vector<16xf32>,
    %broadcast_in_dim3A_37 = arith.constant 1.000000e+00 : f32
    %broadcast_in_dim3A_38 = vector.broadcast %broadcast_in_dim3A_37 : f32 to vector<16xf32>
    %swap3A_39 = arith.constant 96 : index
    %swap3A_40 = tpu.vector_load %arg6[%swap3A_39] {strides = array<i32>} : memref<128xf32, #tpu.memory_space<vmem>>, vector<16xf32>,
    %swap3A_41 = vector.shape_cast %swap3A_40 : vector<16xf32> to vector<16xf32>
    %swap3A_42 = vector.shape_cast %broadcast_in_dim3A_38 : vector<16xf32> to vector<16xf32>
    tpu.vector_store %arg6[%swap3A_39], %swap3A_42 {strides = array<i32>} : memref<128xf32, #tpu.memory_space<vmem>>, vector<16xf32>,
    %broadcast_in_dim3A_43 = arith.constant 1.000000e+00 : f32
    %broadcast_in_dim3A_44 = vector.broadcast %broadcast_in_dim3A_43 : f32 to vector<16xf32>
    %swap3A_45 = arith.constant 112 : index
    %swap3A_46 = tpu.vector_load %arg6[%swap3A_45] {strides = array<i32>} : memref<128xf32, #tpu.memory_space<vmem>>, vector<16xf32>,
    %swap3A_47 = vector.shape_cast %swap3A_46 : vector<16xf32> to vector<16xf32>
    %swap3A_48 = vector.shape_cast %broadcast_in_dim3A_44 : vector<16xf32> to vector<16xf32>
    tpu.vector_store %arg6[%swap3A_45], %swap3A_48 {strides = array<i32>} : memref<128xf32, #tpu.memory_space<vmem>>, vector<16xf32>,
    %barrier3A = arith.constant 0 : index
    tpu.barrier barrier_id(%barrier3A)
    %scan3A = arith.constant 0 : i32
    %scan3A_49 = arith.constant 0 : i32
    %scan3A_50 = arith.constant 8 : i32
    %scan3A_51 = arith.addi %scan3A_49, %scan3A_50 : i32
    %scan3A_52 = arith.constant 1 : i32
    scf.for %scan3A_60 = %scan3A_49 to %scan3A_51 step %scan3A_52  : i32 {
      %mul3A_61 = arith.constant 10 : i32
      %mul3A_62 = arith.muli %scan3A_60, %mul3A_61 : i32
      %add3A_63 = arith.constant 0 : i32
      %add3A_64 = arith.addi %mul3A_62, %add3A_63 : i32
      %dma_start3A = arith.constant 0 : i32
      %dma_start3A_65 = tpu.memref_slice %arg6[%dma_start3A] : memref<128xf32, #tpu.memory_space<vmem>> -> memref<125xf32, #tpu.memory_space<vmem>>
      %dma_start3A_66 = arith.constant 0 : i32
      %dma_start3A_67 = tpu.memref_slice %arg5[%add3A_64, %dma_start3A_66] : memref<80x125xi32, #tpu.memory_space<vmem>> -> memref<1x125xi32, #tpu.memory_space<vmem>>
      %dma_start3A_68 = tpu.memref_squeeze %dma_start3A_67 : memref<1x125xi32, #tpu.memory_space<vmem>> -> memref<125xi32, #tpu.memory_space<vmem>>
      %dma_start3A_69 = arith.constant 0 : i32
      %dma_start3A_70 = tpu.memref_slice %arg7[%dma_start3A_69] : memref<10000xf32, #tpu.memory_space<vmem_shared>> -> memref<10000xf32, #tpu.memory_space<vmem_shared>>
      tpu.enqueue_indirect_dma source(%dma_start3A_65 : memref<125xf32, #tpu.memory_space<vmem>>) target(%dma_start3A_70 : memref<10000xf32, #tpu.memory_space<vmem_shared>>) offsets(%dma_start3A_68 : memref<125xi32, #tpu.memory_space<vmem>>) semaphore(%arg8 : memref<!tpu.dma_semaphore, #tpu.memory_space<semaphore_mem>>) {add = true}
      %mul3A_71 = arith.constant 10 : i32
      %mul3A_72 = arith.muli %scan3A_60, %mul3A_71 : i32
      %add3A_73 = arith.constant 1 : i32
      %add3A_74 = arith.addi %mul3A_72, %add3A_73 : i32
      %dma_start3A_75 = arith.constant 0 : i32
      %dma_start3A_76 = tpu.memref_slice %arg6[%dma_start3A_75] : memref<128xf32, #tpu.memory_space<vmem>> -> memref<125xf32, #tpu.memory_space<vmem>>
      %dma_start3A_77 = arith.constant 0 : i32
      %dma_start3A_78 = tpu.memref_slice %arg5[%add3A_74, %dma_start3A_77] : memref<80x125xi32, #tpu.memory_space<vmem>> -> memref<1x125xi32, #tpu.memory_space<vmem>>
      %dma_start3A_79 = tpu.memref_squeeze %dma_start3A_78 : memref<1x125xi32, #tpu.memory_space<vmem>> -> memref<125xi32, #tpu.memory_space<vmem>>
      %dma_start3A_80 = arith.constant 0 : i32
      %dma_start3A_81 = tpu.memref_slice %arg7[%dma_start3A_80] : memref<10000xf32, #tpu.memory_space<vmem_shared>> -> memref<10000xf32, #tpu.memory_space<vmem_shared>>
      tpu.enqueue_indirect_dma source(%dma_start3A_76 : memref<125xf32, #tpu.memory_space<vmem>>) target(%dma_start3A_81 : memref<10000xf32, #tpu.memory_space<vmem_shared>>) offsets(%dma_start3A_79 : memref<125xi32, #tpu.memory_space<vmem>>) semaphore(%arg8 : memref<!tpu.dma_semaphore, #tpu.memory_space<semaphore_mem>>) {add = true}
      %mul3A_82 = arith.constant 10 : i32
      %mul3A_83 = arith.muli %scan3A_60, %mul3A_82 : i32
      %add3A_84 = arith.constant 2 : i32
      %add3A_85 = arith.addi %mul3A_83, %add3A_84 : i32
      %dma_start3A_86 = arith.constant 0 : i32
      %dma_start3A_87 = tpu.memref_slice %arg6[%dma_start3A_86] : memref<128xf32, #tpu.memory_space<vmem>> -> memref<125xf32, #tpu.memory_space<vmem>>
      %dma_start3A_88 = arith.constant 0 : i32
      %dma_start3A_89 = tpu.memref_slice %arg5[%add3A_85, %dma_start3A_88] : memref<80x125xi32, #tpu.memory_space<vmem>> -> memref<1x125xi32, #tpu.memory_space<vmem>>
      %dma_start3A_90 = tpu.memref_squeeze %dma_start3A_89 : memref<1x125xi32, #tpu.memory_space<vmem>> -> memref<125xi32, #tpu.memory_space<vmem>>
      %dma_start3A_91 = arith.constant 0 : i32
      %dma_start3A_92 = tpu.memref_slice %arg7[%dma_start3A_91] : memref<10000xf32, #tpu.memory_space<vmem_shared>> -> memref<10000xf32, #tpu.memory_space<vmem_shared>>
      tpu.enqueue_indirect_dma source(%dma_start3A_87 : memref<125xf32, #tpu.memory_space<vmem>>) target(%dma_start3A_92 : memref<10000xf32, #tpu.memory_space<vmem_shared>>) offsets(%dma_start3A_90 : memref<125xi32, #tpu.memory_space<vmem>>) semaphore(%arg8 : memref<!tpu.dma_semaphore, #tpu.memory_space<semaphore_mem>>) {add = true}
      %mul3A_93 = arith.constant 10 : i32
      %mul3A_94 = arith.muli %scan3A_60, %mul3A_93 : i32
      %add3A_95 = arith.constant 3 : i32
      %add3A_96 = arith.addi %mul3A_94, %add3A_95 : i32
      %dma_start3A_97 = arith.constant 0 : i32
      %dma_start3A_98 = tpu.memref_slice %arg6[%dma_start3A_97] : memref<128xf32, #tpu.memory_space<vmem>> -> memref<125xf32, #tpu.memory_space<vmem>>
      %dma_start3A_99 = arith.constant 0 : i32
      %dma_start3A_100 = tpu.memref_slice %arg5[%add3A_96, %dma_start3A_99] : memref<80x125xi32, #tpu.memory_space<vmem>> -> memref<1x125xi32, #tpu.memory_space<vmem>>
      %dma_start3A_101 = tpu.memref_squeeze %dma_start3A_100 : memref<1x125xi32, #tpu.memory_space<vmem>> -> memref<125xi32, #tpu.memory_space<vmem>>
      %dma_start3A_102 = arith.constant 0 : i32
      %dma_start3A_103 = tpu.memref_slice %arg7[%dma_start3A_102] : memref<10000xf32, #tpu.memory_space<vmem_shared>> -> memref<10000xf32, #tpu.memory_space<vmem_shared>>
      tpu.enqueue_indirect_dma source(%dma_start3A_98 : memref<125xf32, #tpu.memory_space<vmem>>) target(%dma_start3A_103 : memref<10000xf32, #tpu.memory_space<vmem_shared>>) offsets(%dma_start3A_101 : memref<125xi32, #tpu.memory_space<vmem>>) semaphore(%arg8 : memref<!tpu.dma_semaphore, #tpu.memory_space<semaphore_mem>>) {add = true}
      %mul3A_104 = arith.constant 10 : i32
      %mul3A_105 = arith.muli %scan3A_60, %mul3A_104 : i32
      %add3A_106 = arith.constant 4 : i32
      %add3A_107 = arith.addi %mul3A_105, %add3A_106 : i32
      %dma_start3A_108 = arith.constant 0 : i32
      %dma_start3A_109 = tpu.memref_slice %arg6[%dma_start3A_108] : memref<128xf32, #tpu.memory_space<vmem>> -> memref<125xf32, #tpu.memory_space<vmem>>
      %dma_start3A_110 = arith.constant 0 : i32
      %dma_start3A_111 = tpu.memref_slice %arg5[%add3A_107, %dma_start3A_110] : memref<80x125xi32, #tpu.memory_space<vmem>> -> memref<1x125xi32, #tpu.memory_space<vmem>>
      %dma_start3A_112 = tpu.memref_squeeze %dma_start3A_111 : memref<1x125xi32, #tpu.memory_space<vmem>> -> memref<125xi32, #tpu.memory_space<vmem>>
      %dma_start3A_113 = arith.constant 0 : i32
      %dma_start3A_114 = tpu.memref_slice %arg7[%dma_start3A_113] : memref<10000xf32, #tpu.memory_space<vmem_shared>> -> memref<10000xf32, #tpu.memory_space<vmem_shared>>
      tpu.enqueue_indirect_dma source(%dma_start3A_109 : memref<125xf32, #tpu.memory_space<vmem>>) target(%dma_start3A_114 : memref<10000xf32, #tpu.memory_space<vmem_shared>>) offsets(%dma_start3A_112 : memref<125xi32, #tpu.memory_space<vmem>>) semaphore(%arg8 : memref<!tpu.dma_semaphore, #tpu.memory_space<semaphore_mem>>) {add = true}
      %mul3A_115 = arith.constant 10 : i32
      %mul3A_116 = arith.muli %scan3A_60, %mul3A_115 : i32
      %add3A_117 = arith.constant 5 : i32
      %add3A_118 = arith.addi %mul3A_116, %add3A_117 : i32
      %dma_start3A_119 = arith.constant 0 : i32
      %dma_start3A_120 = tpu.memref_slice %arg6[%dma_start3A_119] : memref<128xf32, #tpu.memory_space<vmem>> -> memref<125xf32, #tpu.memory_space<vmem>>
      %dma_start3A_121 = arith.constant 0 : i32
      %dma_start3A_122 = tpu.memref_slice %arg5[%add3A_118, %dma_start3A_121] : memref<80x125xi32, #tpu.memory_space<vmem>> -> memref<1x125xi32, #tpu.memory_space<vmem>>
      %dma_start3A_123 = tpu.memref_squeeze %dma_start3A_122 : memref<1x125xi32, #tpu.memory_space<vmem>> -> memref<125xi32, #tpu.memory_space<vmem>>
      %dma_start3A_124 = arith.constant 0 : i32
      %dma_start3A_125 = tpu.memref_slice %arg7[%dma_start3A_124] : memref<10000xf32, #tpu.memory_space<vmem_shared>> -> memref<10000xf32, #tpu.memory_space<vmem_shared>>
      tpu.enqueue_indirect_dma source(%dma_start3A_120 : memref<125xf32, #tpu.memory_space<vmem>>) target(%dma_start3A_125 : memref<10000xf32, #tpu.memory_space<vmem_shared>>) offsets(%dma_start3A_123 : memref<125xi32, #tpu.memory_space<vmem>>) semaphore(%arg8 : memref<!tpu.dma_semaphore, #tpu.memory_space<semaphore_mem>>) {add = true}
      %mul3A_126 = arith.constant 10 : i32
      %mul3A_127 = arith.muli %scan3A_60, %mul3A_126 : i32
      %add3A_128 = arith.constant 6 : i32
      %add3A_129 = arith.addi %mul3A_127, %add3A_128 : i32
      %dma_start3A_130 = arith.constant 0 : i32
      %dma_start3A_131 = tpu.memref_slice %arg6[%dma_start3A_130] : memref<128xf32, #tpu.memory_space<vmem>> -> memref<125xf32, #tpu.memory_space<vmem>>
      %dma_start3A_132 = arith.constant 0 : i32
      %dma_start3A_133 = tpu.memref_slice %arg5[%add3A_129, %dma_start3A_132] : memref<80x125xi32, #tpu.memory_space<vmem>> -> memref<1x125xi32, #tpu.memory_space<vmem>>
      %dma_start3A_134 = tpu.memref_squeeze %dma_start3A_133 : memref<1x125xi32, #tpu.memory_space<vmem>> -> memref<125xi32, #tpu.memory_space<vmem>>
      %dma_start3A_135 = arith.constant 0 : i32
      %dma_start3A_136 = tpu.memref_slice %arg7[%dma_start3A_135] : memref<10000xf32, #tpu.memory_space<vmem_shared>> -> memref<10000xf32, #tpu.memory_space<vmem_shared>>
      tpu.enqueue_indirect_dma source(%dma_start3A_131 : memref<125xf32, #tpu.memory_space<vmem>>) target(%dma_start3A_136 : memref<10000xf32, #tpu.memory_space<vmem_shared>>) offsets(%dma_start3A_134 : memref<125xi32, #tpu.memory_space<vmem>>) semaphore(%arg8 : memref<!tpu.dma_semaphore, #tpu.memory_space<semaphore_mem>>) {add = true}
      %mul3A_137 = arith.constant 10 : i32
      %mul3A_138 = arith.muli %scan3A_60, %mul3A_137 : i32
      %add3A_139 = arith.constant 7 : i32
      %add3A_140 = arith.addi %mul3A_138, %add3A_139 : i32
      %dma_start3A_141 = arith.constant 0 : i32
      %dma_start3A_142 = tpu.memref_slice %arg6[%dma_start3A_141] : memref<128xf32, #tpu.memory_space<vmem>> -> memref<125xf32, #tpu.memory_space<vmem>>
      %dma_start3A_143 = arith.constant 0 : i32
      %dma_start3A_144 = tpu.memref_slice %arg5[%add3A_140, %dma_start3A_143] : memref<80x125xi32, #tpu.memory_space<vmem>> -> memref<1x125xi32, #tpu.memory_space<vmem>>
      %dma_start3A_145 = tpu.memref_squeeze %dma_start3A_144 : memref<1x125xi32, #tpu.memory_space<vmem>> -> memref<125xi32, #tpu.memory_space<vmem>>
      %dma_start3A_146 = arith.constant 0 : i32
      %dma_start3A_147 = tpu.memref_slice %arg7[%dma_start3A_146] : memref<10000xf32, #tpu.memory_space<vmem_shared>> -> memref<10000xf32, #tpu.memory_space<vmem_shared>>
      tpu.enqueue_indirect_dma source(%dma_start3A_142 : memref<125xf32, #tpu.memory_space<vmem>>) target(%dma_start3A_147 : memref<10000xf32, #tpu.memory_space<vmem_shared>>) offsets(%dma_start3A_145 : memref<125xi32, #tpu.memory_space<vmem>>) semaphore(%arg8 : memref<!tpu.dma_semaphore, #tpu.memory_space<semaphore_mem>>) {add = true}
      %mul3A_148 = arith.constant 10 : i32
      %mul3A_149 = arith.muli %scan3A_60, %mul3A_148 : i32
      %add3A_150 = arith.constant 8 : i32
      %add3A_151 = arith.addi %mul3A_149, %add3A_150 : i32
      %dma_start3A_152 = arith.constant 0 : i32
      %dma_start3A_153 = tpu.memref_slice %arg6[%dma_start3A_152] : memref<128xf32, #tpu.memory_space<vmem>> -> memref<125xf32, #tpu.memory_space<vmem>>
      %dma_start3A_154 = arith.constant 0 : i32
      %dma_start3A_155 = tpu.memref_slice %arg5[%add3A_151, %dma_start3A_154] : memref<80x125xi32, #tpu.memory_space<vmem>> -> memref<1x125xi32, #tpu.memory_space<vmem>>
      %dma_start3A_156 = tpu.memref_squeeze %dma_start3A_155 : memref<1x125xi32, #tpu.memory_space<vmem>> -> memref<125xi32, #tpu.memory_space<vmem>>
      %dma_start3A_157 = arith.constant 0 : i32
      %dma_start3A_158 = tpu.memref_slice %arg7[%dma_start3A_157] : memref<10000xf32, #tpu.memory_space<vmem_shared>> -> memref<10000xf32, #tpu.memory_space<vmem_shared>>
      tpu.enqueue_indirect_dma source(%dma_start3A_153 : memref<125xf32, #tpu.memory_space<vmem>>) target(%dma_start3A_158 : memref<10000xf32, #tpu.memory_space<vmem_shared>>) offsets(%dma_start3A_156 : memref<125xi32, #tpu.memory_space<vmem>>) semaphore(%arg8 : memref<!tpu.dma_semaphore, #tpu.memory_space<semaphore_mem>>) {add = true}
      %mul3A_159 = arith.constant 10 : i32
      %mul3A_160 = arith.muli %scan3A_60, %mul3A_159 : i32
      %add3A_161 = arith.constant 9 : i32
      %add3A_162 = arith.addi %mul3A_160, %add3A_161 : i32
      %dma_start3A_163 = arith.constant 0 : i32
      %dma_start3A_164 = tpu.memref_slice %arg6[%dma_start3A_163] : memref<128xf32, #tpu.memory_space<vmem>> -> memref<125xf32, #tpu.memory_space<vmem>>
      %dma_start3A_165 = arith.constant 0 : i32
      %dma_start3A_166 = tpu.memref_slice %arg5[%add3A_162, %dma_start3A_165] : memref<80x125xi32, #tpu.memory_space<vmem>> -> memref<1x125xi32, #tpu.memory_space<vmem>>
      %dma_start3A_167 = tpu.memref_squeeze %dma_start3A_166 : memref<1x125xi32, #tpu.memory_space<vmem>> -> memref<125xi32, #tpu.memory_space<vmem>>
      %dma_start3A_168 = arith.constant 0 : i32
      %dma_start3A_169 = tpu.memref_slice %arg7[%dma_start3A_168] : memref<10000xf32, #tpu.memory_space<vmem_shared>> -> memref<10000xf32, #tpu.memory_space<vmem_shared>>
      tpu.enqueue_indirect_dma source(%dma_start3A_164 : memref<125xf32, #tpu.memory_space<vmem>>) target(%dma_start3A_169 : memref<10000xf32, #tpu.memory_space<vmem_shared>>) offsets(%dma_start3A_167 : memref<125xi32, #tpu.memory_space<vmem>>) semaphore(%arg8 : memref<!tpu.dma_semaphore, #tpu.memory_space<semaphore_mem>>) {add = true}
      %dma_wait3A = arith.constant 0 : i32
      %dma_wait3A_170 = arith.constant 0 : i32
      %dma_wait3A_171 = tpu.memref_slice %arg6[%dma_wait3A_170] : memref<128xf32, #tpu.memory_space<vmem>> -> memref<125xf32, #tpu.memory_space<vmem>>
      %dma_wait3A_172 = arith.constant 0 : i32
      %dma_wait3A_173 = tpu.memref_slice %arg5[%dma_wait3A, %dma_wait3A_172] : memref<80x125xi32, #tpu.memory_space<vmem>> -> memref<1x125xi32, #tpu.memory_space<vmem>>
      %dma_wait3A_174 = tpu.memref_squeeze %dma_wait3A_173 : memref<1x125xi32, #tpu.memory_space<vmem>> -> memref<125xi32, #tpu.memory_space<vmem>>
      %dma_wait3A_175 = arith.constant 0 : i32
      %dma_wait3A_176 = tpu.memref_slice %arg7[%dma_wait3A_175] : memref<10000xf32, #tpu.memory_space<vmem_shared>> -> memref<10000xf32, #tpu.memory_space<vmem_shared>>
      tpu.wait_indirect_dma semaphore(%arg8 : memref<!tpu.dma_semaphore, #tpu.memory_space<semaphore_mem>>) src(%dma_wait3A_171 : memref<125xf32, #tpu.memory_space<vmem>>) dst(%dma_wait3A_176 : memref<10000xf32, #tpu.memory_space<vmem_shared>>)
      %dma_wait3A_177 = arith.constant 0 : i32
      %dma_wait3A_178 = arith.constant 0 : i32
      %dma_wait3A_179 = tpu.memref_slice %arg6[%dma_wait3A_178] : memref<128xf32, #tpu.memory_space<vmem>> -> memref<125xf32, #tpu.memory_space<vmem>>
      %dma_wait3A_180 = arith.constant 0 : i32
      %dma_wait3A_181 = tpu.memref_slice %arg5[%dma_wait3A_177, %dma_wait3A_180] : memref<80x125xi32, #tpu.memory_space<vmem>> -> memref<1x125xi32, #tpu.memory_space<vmem>>
      %dma_wait3A_182 = tpu.memref_squeeze %dma_wait3A_181 : memref<1x125xi32, #tpu.memory_space<vmem>> -> memref<125xi32, #tpu.memory_space<vmem>>
      %dma_wait3A_183 = arith.constant 0 : i32
      %dma_wait3A_184 = tpu.memref_slice %arg7[%dma_wait3A_183] : memref<10000xf32, #tpu.memory_space<vmem_shared>> -> memref<10000xf32, #tpu.memory_space<vmem_shared>>
      tpu.wait_indirect_dma semaphore(%arg8 : memref<!tpu.dma_semaphore, #tpu.memory_space<semaphore_mem>>) src(%dma_wait3A_179 : memref<125xf32, #tpu.memory_space<vmem>>) dst(%dma_wait3A_184 : memref<10000xf32, #tpu.memory_space<vmem_shared>>)
      %dma_wait3A_185 = arith.constant 0 : i32
      %dma_wait3A_186 = arith.constant 0 : i32
      %dma_wait3A_187 = tpu.memref_slice %arg6[%dma_wait3A_186] : memref<128xf32, #tpu.memory_space<vmem>> -> memref<125xf32, #tpu.memory_space<vmem>>
      %dma_wait3A_188 = arith.constant 0 : i32
      %dma_wait3A_189 = tpu.memref_slice %arg5[%dma_wait3A_185, %dma_wait3A_188] : memref<80x125xi32, #tpu.memory_space<vmem>> -> memref<1x125xi32, #tpu.memory_space<vmem>>
      %dma_wait3A_190 = tpu.memref_squeeze %dma_wait3A_189 : memref<1x125xi32, #tpu.memory_space<vmem>> -> memref<125xi32, #tpu.memory_space<vmem>>
      %dma_wait3A_191 = arith.constant 0 : i32
      %dma_wait3A_192 = tpu.memref_slice %arg7[%dma_wait3A_191] : memref<10000xf32, #tpu.memory_space<vmem_shared>> -> memref<10000xf32, #tpu.memory_space<vmem_shared>>
      tpu.wait_indirect_dma semaphore(%arg8 : memref<!tpu.dma_semaphore, #tpu.memory_space<semaphore_mem>>) src(%dma_wait3A_187 : memref<125xf32, #tpu.memory_space<vmem>>) dst(%dma_wait3A_192 : memref<10000xf32, #tpu.memory_space<vmem_shared>>)
      %dma_wait3A_193 = arith.constant 0 : i32
      %dma_wait3A_194 = arith.constant 0 : i32
      %dma_wait3A_195 = tpu.memref_slice %arg6[%dma_wait3A_194] : memref<128xf32, #tpu.memory_space<vmem>> -> memref<125xf32, #tpu.memory_space<vmem>>
      %dma_wait3A_196 = arith.constant 0 : i32
      %dma_wait3A_197 = tpu.memref_slice %arg5[%dma_wait3A_193, %dma_wait3A_196] : memref<80x125xi32, #tpu.memory_space<vmem>> -> memref<1x125xi32, #tpu.memory_space<vmem>>
      %dma_wait3A_198 = tpu.memref_squeeze %dma_wait3A_197 : memref<1x125xi32, #tpu.memory_space<vmem>> -> memref<125xi32, #tpu.memory_space<vmem>>
      %dma_wait3A_199 = arith.constant 0 : i32
      %dma_wait3A_200 = tpu.memref_slice %arg7[%dma_wait3A_199] : memref<10000xf32, #tpu.memory_space<vmem_shared>> -> memref<10000xf32, #tpu.memory_space<vmem_shared>>
      tpu.wait_indirect_dma semaphore(%arg8 : memref<!tpu.dma_semaphore, #tpu.memory_space<semaphore_mem>>) src(%dma_wait3A_195 : memref<125xf32, #tpu.memory_space<vmem>>) dst(%dma_wait3A_200 : memref<10000xf32, #tpu.memory_space<vmem_shared>>)
      %dma_wait3A_201 = arith.constant 0 : i32
      %dma_wait3A_202 = arith.constant 0 : i32
      %dma_wait3A_203 = tpu.memref_slice %arg6[%dma_wait3A_202] : memref<128xf32, #tpu.memory_space<vmem>> -> memref<125xf32, #tpu.memory_space<vmem>>
      %dma_wait3A_204 = arith.constant 0 : i32
      %dma_wait3A_205 = tpu.memref_slice %arg5[%dma_wait3A_201, %dma_wait3A_204] : memref<80x125xi32, #tpu.memory_space<vmem>> -> memref<1x125xi32, #tpu.memory_space<vmem>>
      %dma_wait3A_206 = tpu.memref_squeeze %dma_wait3A_205 : memref<1x125xi32, #tpu.memory_space<vmem>> -> memref<125xi32, #tpu.memory_space<vmem>>
      %dma_wait3A_207 = arith.constant 0 : i32
      %dma_wait3A_208 = tpu.memref_slice %arg7[%dma_wait3A_207] : memref<10000xf32, #tpu.memory_space<vmem_shared>> -> memref<10000xf32, #tpu.memory_space<vmem_shared>>
      tpu.wait_indirect_dma semaphore(%arg8 : memref<!tpu.dma_semaphore, #tpu.memory_space<semaphore_mem>>) src(%dma_wait3A_203 : memref<125xf32, #tpu.memory_space<vmem>>) dst(%dma_wait3A_208 : memref<10000xf32, #tpu.memory_space<vmem_shared>>)
      %dma_wait3A_209 = arith.constant 0 : i32
      %dma_wait3A_210 = arith.constant 0 : i32
      %dma_wait3A_211 = tpu.memref_slice %arg6[%dma_wait3A_210] : memref<128xf32, #tpu.memory_space<vmem>> -> memref<125xf32, #tpu.memory_space<vmem>>
      %dma_wait3A_212 = arith.constant 0 : i32
      %dma_wait3A_213 = tpu.memref_slice %arg5[%dma_wait3A_209, %dma_wait3A_212] : memref<80x125xi32, #tpu.memory_space<vmem>> -> memref<1x125xi32, #tpu.memory_space<vmem>>
      %dma_wait3A_214 = tpu.memref_squeeze %dma_wait3A_213 : memref<1x125xi32, #tpu.memory_space<vmem>> -> memref<125xi32, #tpu.memory_space<vmem>>
      %dma_wait3A_215 = arith.constant 0 : i32
      %dma_wait3A_216 = tpu.memref_slice %arg7[%dma_wait3A_215] : memref<10000xf32, #tpu.memory_space<vmem_shared>> -> memref<10000xf32, #tpu.memory_space<vmem_shared>>
      tpu.wait_indirect_dma semaphore(%arg8 : memref<!tpu.dma_semaphore, #tpu.memory_space<semaphore_mem>>) src(%dma_wait3A_211 : memref<125xf32, #tpu.memory_space<vmem>>) dst(%dma_wait3A_216 : memref<10000xf32, #tpu.memory_space<vmem_shared>>)
      %dma_wait3A_217 = arith.constant 0 : i32
      %dma_wait3A_218 = arith.constant 0 : i32
      %dma_wait3A_219 = tpu.memref_slice %arg6[%dma_wait3A_218] : memref<128xf32, #tpu.memory_space<vmem>> -> memref<125xf32, #tpu.memory_space<vmem>>
      %dma_wait3A_220 = arith.constant 0 : i32
      %dma_wait3A_221 = tpu.memref_slice %arg5[%dma_wait3A_217, %dma_wait3A_220] : memref<80x125xi32, #tpu.memory_space<vmem>> -> memref<1x125xi32, #tpu.memory_space<vmem>>
      %dma_wait3A_222 = tpu.memref_squeeze %dma_wait3A_221 : memref<1x125xi32, #tpu.memory_space<vmem>> -> memref<125xi32, #tpu.memory_space<vmem>>
      %dma_wait3A_223 = arith.constant 0 : i32
      %dma_wait3A_224 = tpu.memref_slice %arg7[%dma_wait3A_223] : memref<10000xf32, #tpu.memory_space<vmem_shared>> -> memref<10000xf32, #tpu.memory_space<vmem_shared>>
      tpu.wait_indirect_dma semaphore(%arg8 : memref<!tpu.dma_semaphore, #tpu.memory_space<semaphore_mem>>) src(%dma_wait3A_219 : memref<125xf32, #tpu.memory_space<vmem>>) dst(%dma_wait3A_224 : memref<10000xf32, #tpu.memory_space<vmem_shared>>)
      %dma_wait3A_225 = arith.constant 0 : i32
      %dma_wait3A_226 = arith.constant 0 : i32
      %dma_wait3A_227 = tpu.memref_slice %arg6[%dma_wait3A_226] : memref<128xf32, #tpu.memory_space<vmem>> -> memref<125xf32, #tpu.memory_space<vmem>>
      %dma_wait3A_228 = arith.constant 0 : i32
      %dma_wait3A_229 = tpu.memref_slice %arg5[%dma_wait3A_225, %dma_wait3A_228] : memref<80x125xi32, #tpu.memory_space<vmem>> -> memref<1x125xi32, #tpu.memory_space<vmem>>
      %dma_wait3A_230 = tpu.memref_squeeze %dma_wait3A_229 : memref<1x125xi32, #tpu.memory_space<vmem>> -> memref<125xi32, #tpu.memory_space<vmem>>
      %dma_wait3A_231 = arith.constant 0 : i32
      %dma_wait3A_232 = tpu.memref_slice %arg7[%dma_wait3A_231] : memref<10000xf32, #tpu.memory_space<vmem_shared>> -> memref<10000xf32, #tpu.memory_space<vmem_shared>>
      tpu.wait_indirect_dma semaphore(%arg8 : memref<!tpu.dma_semaphore, #tpu.memory_space<semaphore_mem>>) src(%dma_wait3A_227 : memref<125xf32, #tpu.memory_space<vmem>>) dst(%dma_wait3A_232 : memref<10000xf32, #tpu.memory_space<vmem_shared>>)
      %dma_wait3A_233 = arith.constant 0 : i32
      %dma_wait3A_234 = arith.constant 0 : i32
      %dma_wait3A_235 = tpu.memref_slice %arg6[%dma_wait3A_234] : memref<128xf32, #tpu.memory_space<vmem>> -> memref<125xf32, #tpu.memory_space<vmem>>
      %dma_wait3A_236 = arith.constant 0 : i32
      %dma_wait3A_237 = tpu.memref_slice %arg5[%dma_wait3A_233, %dma_wait3A_236] : memref<80x125xi32, #tpu.memory_space<vmem>> -> memref<1x125xi32, #tpu.memory_space<vmem>>
      %dma_wait3A_238 = tpu.memref_squeeze %dma_wait3A_237 : memref<1x125xi32, #tpu.memory_space<vmem>> -> memref<125xi32, #tpu.memory_space<vmem>>
      %dma_wait3A_239 = arith.constant 0 : i32
      %dma_wait3A_240 = tpu.memref_slice %arg7[%dma_wait3A_239] : memref<10000xf32, #tpu.memory_space<vmem_shared>> -> memref<10000xf32, #tpu.memory_space<vmem_shared>>
      tpu.wait_indirect_dma semaphore(%arg8 : memref<!tpu.dma_semaphore, #tpu.memory_space<semaphore_mem>>) src(%dma_wait3A_235 : memref<125xf32, #tpu.memory_space<vmem>>) dst(%dma_wait3A_240 : memref<10000xf32, #tpu.memory_space<vmem_shared>>)
      %dma_wait3A_241 = arith.constant 0 : i32
      %dma_wait3A_242 = arith.constant 0 : i32
      %dma_wait3A_243 = tpu.memref_slice %arg6[%dma_wait3A_242] : memref<128xf32, #tpu.memory_space<vmem>> -> memref<125xf32, #tpu.memory_space<vmem>>
      %dma_wait3A_244 = arith.constant 0 : i32
      %dma_wait3A_245 = tpu.memref_slice %arg5[%dma_wait3A_241, %dma_wait3A_244] : memref<80x125xi32, #tpu.memory_space<vmem>> -> memref<1x125xi32, #tpu.memory_space<vmem>>
      %dma_wait3A_246 = tpu.memref_squeeze %dma_wait3A_245 : memref<1x125xi32, #tpu.memory_space<vmem>> -> memref<125xi32, #tpu.memory_space<vmem>>
      %dma_wait3A_247 = arith.constant 0 : i32
      %dma_wait3A_248 = tpu.memref_slice %arg7[%dma_wait3A_247] : memref<10000xf32, #tpu.memory_space<vmem_shared>> -> memref<10000xf32, #tpu.memory_space<vmem_shared>>
      tpu.wait_indirect_dma semaphore(%arg8 : memref<!tpu.dma_semaphore, #tpu.memory_space<semaphore_mem>>) src(%dma_wait3A_243 : memref<125xf32, #tpu.memory_space<vmem>>) dst(%dma_wait3A_248 : memref<10000xf32, #tpu.memory_space<vmem_shared>>)
    }
    %scan3A_53 = arith.constant 8 : i32
    %barrier3A_54 = arith.constant 0 : index
    tpu.barrier barrier_id(%barrier3A_54)
    %eq3A_55 = arith.constant 0 : i32
    %eq3A_56 = arith.cmpi eq, %arg1, %eq3A_55 : i32
    %convert_element_type3A_57 = arith.extui %eq3A_56 : i1 to i32
    %cond3A_58 = arith.constant 0 : i32
    %cond3A_59 = arith.cmpi ne, %convert_element_type3A_57, %cond3A_58 : i32
    scf.if %cond3A_59 {
      "tpu.region"() ({
        %run_scoped3A_60 = tpu.sem_alloc : memref<!tpu.dma_semaphore, #tpu.memory_space<semaphore_mem>>
        %dma_start3A = arith.constant 0 : i32
        %dma_start3A_61 = tpu.memref_slice %arg4[%arg0, %dma_start3A] : memref<2x10000xf32, #tpu.memory_space<hbm>> -> memref<1x10000xf32, #tpu.memory_space<hbm>>
        %dma_start3A_62 = tpu.memref_squeeze %dma_start3A_61 : memref<1x10000xf32, #tpu.memory_space<hbm>> -> memref<10000xf32, #tpu.memory_space<hbm>>
        tpu.enqueue_dma source(%arg7 : memref<10000xf32, #tpu.memory_space<vmem_shared>>) target(%dma_start3A_62 : memref<10000xf32, #tpu.memory_space<hbm>>) target_semaphore(%run_scoped3A_60 : memref<!tpu.dma_semaphore, #tpu.memory_space<semaphore_mem>>)
        %dma_wait3A = arith.constant 0 : i32
        %dma_wait3A_63 = tpu.memref_slice %arg4[%arg0, %dma_wait3A] : memref<2x10000xf32, #tpu.memory_space<hbm>> -> memref<1x10000xf32, #tpu.memory_space<hbm>>
        %dma_wait3A_64 = tpu.memref_squeeze %dma_wait3A_63 : memref<1x10000xf32, #tpu.memory_space<hbm>> -> memref<10000xf32, #tpu.memory_space<hbm>>
        tpu.wait_dma2 semaphore(%run_scoped3A_60 : memref<!tpu.dma_semaphore, #tpu.memory_space<semaphore_mem>>) src(%arg7 : memref<10000xf32, #tpu.memory_space<vmem_shared>>) dst(%dma_wait3A_64 : memref<10000xf32, #tpu.memory_space<hbm>>)
        tpu.yield
      }) : () -> ()
    } else {
    }
    return
  }
}

#map = affine_map<(d0, d1) -> (0, 0)>
#map1 = affine_map<(d0, d1) -> (0, 0, 0, 0)>
#map2 = affine_map<(d0, d1) -> (0, 0, 0)>
module attributes {stable_mosaic.version = 14 : i64} {
  func.func @body(%arg0: i32, %arg1: i32, %arg2: memref<10000x16xf32, #tpu.memory_space<hbm>>, %arg3: memref<2x32x80x125xi32, #tpu.memory_space<hbm>>, %arg4: memref<10000x16xf32, #tpu.memory_space<hbm>>, %arg5: memref<2x10000x16xf32, #tpu.memory_space<hbm>>, %arg6: memref<80x125xi32, #tpu.memory_space<vmem>>, %arg7: memref<80x125xi32, #tpu.memory_space<vmem>>, %arg8: memref<8x125x16xf32, #tpu.memory_space<vmem>>, %arg9: memref<10000x16xf32, #tpu.memory_space<vmem_shared>>, %arg10: memref<8x!tpu.dma_semaphore, #tpu.memory_space<semaphore_mem>>, %arg11: memref<8x!tpu.dma_semaphore, #tpu.memory_space<semaphore_mem>>) attributes {dimension_semantics = [#tpu.dimension_semantics<core_parallel>, #tpu.dimension_semantics<subcore_parallel>], iteration_bounds = array<i64: 2, 16>, scalar_prefetch = 0 : i64, scratch_operands = 6 : i64, tpu.core_type = #tpu.core_type<sc_vector_subcore>, window_params = [{transform_indices = #map}, {transform_indices = #map1}, {transform_indices = #map}, {transform_indices = #map2}]} {
    %mul3A = arith.constant 16 : i32
    %mul3A_0 = arith.muli %arg0, %mul3A : i32
    %add3A = arith.addi %mul3A_0, %arg1 : i32
    %eq3A = arith.constant 0 : i32
    %eq3A_1 = arith.cmpi eq, %arg1, %eq3A : i32
    %convert_element_type3A = arith.extui %eq3A_1 : i1 to i32
    %cond3A = arith.constant 0 : i32
    %cond3A_2 = arith.cmpi ne, %convert_element_type3A, %cond3A : i32
    scf.if %cond3A_2 {
      "tpu.region"() ({
        %run_scoped3A_493 = tpu.sem_alloc : memref<!tpu.dma_semaphore, #tpu.memory_space<semaphore_mem>>
        tpu.enqueue_dma source(%arg4 : memref<10000x16xf32, #tpu.memory_space<hbm>>) target(%arg9 : memref<10000x16xf32, #tpu.memory_space<vmem_shared>>) target_semaphore(%run_scoped3A_493 : memref<!tpu.dma_semaphore, #tpu.memory_space<semaphore_mem>>)
        tpu.wait_dma2 semaphore(%run_scoped3A_493 : memref<!tpu.dma_semaphore, #tpu.memory_space<semaphore_mem>>) src(%arg4 : memref<10000x16xf32, #tpu.memory_space<hbm>>) dst(%arg9 : memref<10000x16xf32, #tpu.memory_space<vmem_shared>>)
        tpu.yield
      }) : () -> ()
    } else {
    }
    %run_scoped3A = arith.constant 0 : i32
    "tpu.region"() ({
      %run_scoped3A_493 = tpu.sem_alloc : memref<!tpu.dma_semaphore, #tpu.memory_space<semaphore_mem>>
      %dma_start3A_494 = arith.constant 0 : i32
      %dma_start3A_495 = arith.constant 0 : i32
      %dma_start3A_496 = tpu.memref_slice %arg3[%run_scoped3A, %add3A, %dma_start3A_494, %dma_start3A_495] : memref<2x32x80x125xi32, #tpu.memory_space<hbm>> -> memref<1x1x80x125xi32, #tpu.memory_space<hbm>>
      %dma_start3A_497 = tpu.memref_squeeze %dma_start3A_496 : memref<1x1x80x125xi32, #tpu.memory_space<hbm>> -> memref<80x125xi32, #tpu.memory_space<hbm>>
      %dma_start3A_498 = arith.constant 0 : i32
      %dma_start3A_499 = arith.constant 0 : i32
      %dma_start3A_500 = tpu.memref_slice %arg3[%run_scoped3A, %add3A, %dma_start3A_498, %dma_start3A_499] : memref<2x32x80x125xi32, #tpu.memory_space<hbm>> -> memref<1x1x80x125xi32, #tpu.memory_space<hbm>>
      %dma_start3A_501 = tpu.memref_squeeze %dma_start3A_500 : memref<1x1x80x125xi32, #tpu.memory_space<hbm>> -> memref<80x125xi32, #tpu.memory_space<hbm>>
      tpu.enqueue_dma source(%dma_start3A_501 : memref<80x125xi32, #tpu.memory_space<hbm>>) target(%arg6 : memref<80x125xi32, #tpu.memory_space<vmem>>) target_semaphore(%run_scoped3A_493 : memref<!tpu.dma_semaphore, #tpu.memory_space<semaphore_mem>>)
      %dma_wait3A_502 = arith.constant 0 : i32
      %dma_wait3A_503 = arith.constant 0 : i32
      %dma_wait3A_504 = tpu.memref_slice %arg3[%run_scoped3A, %add3A, %dma_wait3A_502, %dma_wait3A_503] : memref<2x32x80x125xi32, #tpu.memory_space<hbm>> -> memref<1x1x80x125xi32, #tpu.memory_space<hbm>>
      %dma_wait3A_505 = tpu.memref_squeeze %dma_wait3A_504 : memref<1x1x80x125xi32, #tpu.memory_space<hbm>> -> memref<80x125xi32, #tpu.memory_space<hbm>>
      %dma_wait3A_506 = arith.constant 0 : i32
      %dma_wait3A_507 = arith.constant 0 : i32
      %dma_wait3A_508 = tpu.memref_slice %arg3[%run_scoped3A, %add3A, %dma_wait3A_506, %dma_wait3A_507] : memref<2x32x80x125xi32, #tpu.memory_space<hbm>> -> memref<1x1x80x125xi32, #tpu.memory_space<hbm>>
      %dma_wait3A_509 = tpu.memref_squeeze %dma_wait3A_508 : memref<1x1x80x125xi32, #tpu.memory_space<hbm>> -> memref<80x125xi32, #tpu.memory_space<hbm>>
      tpu.wait_dma2 semaphore(%run_scoped3A_493 : memref<!tpu.dma_semaphore, #tpu.memory_space<semaphore_mem>>) src(%dma_wait3A_509 : memref<80x125xi32, #tpu.memory_space<hbm>>) dst(%arg6 : memref<80x125xi32, #tpu.memory_space<vmem>>)
      tpu.yield
    }) : () -> ()
    %run_scoped3A_3 = arith.constant 1 : i32
    "tpu.region"() ({
      %run_scoped3A_493 = tpu.sem_alloc : memref<!tpu.dma_semaphore, #tpu.memory_space<semaphore_mem>>
      %dma_start3A_494 = arith.constant 0 : i32
      %dma_start3A_495 = arith.constant 0 : i32
      %dma_start3A_496 = tpu.memref_slice %arg3[%run_scoped3A_3, %add3A, %dma_start3A_494, %dma_start3A_495] : memref<2x32x80x125xi32, #tpu.memory_space<hbm>> -> memref<1x1x80x125xi32, #tpu.memory_space<hbm>>
      %dma_start3A_497 = tpu.memref_squeeze %dma_start3A_496 : memref<1x1x80x125xi32, #tpu.memory_space<hbm>> -> memref<80x125xi32, #tpu.memory_space<hbm>>
      %dma_start3A_498 = arith.constant 0 : i32
      %dma_start3A_499 = arith.constant 0 : i32
      %dma_start3A_500 = tpu.memref_slice %arg3[%run_scoped3A_3, %add3A, %dma_start3A_498, %dma_start3A_499] : memref<2x32x80x125xi32, #tpu.memory_space<hbm>> -> memref<1x1x80x125xi32, #tpu.memory_space<hbm>>
      %dma_start3A_501 = tpu.memref_squeeze %dma_start3A_500 : memref<1x1x80x125xi32, #tpu.memory_space<hbm>> -> memref<80x125xi32, #tpu.memory_space<hbm>>
      tpu.enqueue_dma source(%dma_start3A_501 : memref<80x125xi32, #tpu.memory_space<hbm>>) target(%arg7 : memref<80x125xi32, #tpu.memory_space<vmem>>) target_semaphore(%run_scoped3A_493 : memref<!tpu.dma_semaphore, #tpu.memory_space<semaphore_mem>>)
      %dma_wait3A_502 = arith.constant 0 : i32
      %dma_wait3A_503 = arith.constant 0 : i32
      %dma_wait3A_504 = tpu.memref_slice %arg3[%run_scoped3A_3, %add3A, %dma_wait3A_502, %dma_wait3A_503] : memref<2x32x80x125xi32, #tpu.memory_space<hbm>> -> memref<1x1x80x125xi32, #tpu.memory_space<hbm>>
      %dma_wait3A_505 = tpu.memref_squeeze %dma_wait3A_504 : memref<1x1x80x125xi32, #tpu.memory_space<hbm>> -> memref<80x125xi32, #tpu.memory_space<hbm>>
      %dma_wait3A_506 = arith.constant 0 : i32
      %dma_wait3A_507 = arith.constant 0 : i32
      %dma_wait3A_508 = tpu.memref_slice %arg3[%run_scoped3A_3, %add3A, %dma_wait3A_506, %dma_wait3A_507] : memref<2x32x80x125xi32, #tpu.memory_space<hbm>> -> memref<1x1x80x125xi32, #tpu.memory_space<hbm>>
      %dma_wait3A_509 = tpu.memref_squeeze %dma_wait3A_508 : memref<1x1x80x125xi32, #tpu.memory_space<hbm>> -> memref<80x125xi32, #tpu.memory_space<hbm>>
      tpu.wait_dma2 semaphore(%run_scoped3A_493 : memref<!tpu.dma_semaphore, #tpu.memory_space<semaphore_mem>>) src(%dma_wait3A_509 : memref<80x125xi32, #tpu.memory_space<hbm>>) dst(%arg7 : memref<80x125xi32, #tpu.memory_space<vmem>>)
      tpu.yield
    }) : () -> ()
    %barrier3A = arith.constant 0 : index
    tpu.barrier barrier_id(%barrier3A)
    %dma_start3A = arith.constant 0 : i32
    %dma_start3A_4 = arith.constant 0 : i32
    %dma_start3A_5 = arith.constant 0 : i32
    %dma_start3A_6 = arith.constant 0 : i32
    %dma_start3A_7 = arith.constant 0 : i32
    %dma_start3A_8 = tpu.memref_slice %arg8[%dma_start3A_4, %dma_start3A_6, %dma_start3A_7] : memref<8x125x16xf32, #tpu.memory_space<vmem>> -> memref<1x125x16xf32, #tpu.memory_space<vmem>>
    %dma_start3A_9 = tpu.memref_squeeze %dma_start3A_8 : memref<1x125x16xf32, #tpu.memory_space<vmem>> -> memref<125x16xf32, #tpu.memory_space<vmem>>
    %dma_start3A_10 = arith.constant 0 : i32
    %dma_start3A_11 = tpu.memref_slice %arg6[%dma_start3A, %dma_start3A_10] : memref<80x125xi32, #tpu.memory_space<vmem>> -> memref<1x125xi32, #tpu.memory_space<vmem>>
    %dma_start3A_12 = tpu.memref_squeeze %dma_start3A_11 : memref<1x125xi32, #tpu.memory_space<vmem>> -> memref<125xi32, #tpu.memory_space<vmem>>
    %dma_start3A_13 = arith.constant 0 : i32
    %dma_start3A_14 = arith.constant 0 : i32
    %dma_start3A_15 = tpu.memref_slice %arg2[%dma_start3A_13, %dma_start3A_14] : memref<10000x16xf32, #tpu.memory_space<hbm>> -> memref<10000x16xf32, #tpu.memory_space<hbm>>
    %dma_start3A_16 = tpu.memref_slice %arg10[%dma_start3A_5] : memref<8x!tpu.dma_semaphore, #tpu.memory_space<semaphore_mem>> -> memref<1x!tpu.dma_semaphore, #tpu.memory_space<semaphore_mem>>
    %dma_start3A_17 = tpu.memref_squeeze %dma_start3A_16 : memref<1x!tpu.dma_semaphore, #tpu.memory_space<semaphore_mem>> -> memref<!tpu.dma_semaphore, #tpu.memory_space<semaphore_mem>>
    tpu.enqueue_indirect_dma source(%dma_start3A_15 : memref<10000x16xf32, #tpu.memory_space<hbm>>) target(%dma_start3A_9 : memref<125x16xf32, #tpu.memory_space<vmem>>) offsets(%dma_start3A_12 : memref<125xi32, #tpu.memory_space<vmem>>) semaphore(%dma_start3A_17 : memref<!tpu.dma_semaphore, #tpu.memory_space<semaphore_mem>>)
    %dma_start3A_18 = arith.constant 1 : i32
    %dma_start3A_19 = arith.constant 1 : i32
    %dma_start3A_20 = arith.constant 1 : i32
    %dma_start3A_21 = arith.constant 0 : i32
    %dma_start3A_22 = arith.constant 0 : i32
    %dma_start3A_23 = tpu.memref_slice %arg8[%dma_start3A_19, %dma_start3A_21, %dma_start3A_22] : memref<8x125x16xf32, #tpu.memory_space<vmem>> -> memref<1x125x16xf32, #tpu.memory_space<vmem>>
    %dma_start3A_24 = tpu.memref_squeeze %dma_start3A_23 : memref<1x125x16xf32, #tpu.memory_space<vmem>> -> memref<125x16xf32, #tpu.memory_space<vmem>>
    %dma_start3A_25 = arith.constant 0 : i32
    %dma_start3A_26 = tpu.memref_slice %arg6[%dma_start3A_18, %dma_start3A_25] : memref<80x125xi32, #tpu.memory_space<vmem>> -> memref<1x125xi32, #tpu.memory_space<vmem>>
    %dma_start3A_27 = tpu.memref_squeeze %dma_start3A_26 : memref<1x125xi32, #tpu.memory_space<vmem>> -> memref<125xi32, #tpu.memory_space<vmem>>
    %dma_start3A_28 = arith.constant 0 : i32
    %dma_start3A_29 = arith.constant 0 : i32
    %dma_start3A_30 = tpu.memref_slice %arg2[%dma_start3A_28, %dma_start3A_29] : memref<10000x16xf32, #tpu.memory_space<hbm>> -> memref<10000x16xf32, #tpu.memory_space<hbm>>
    %dma_start3A_31 = tpu.memref_slice %arg10[%dma_start3A_20] : memref<8x!tpu.dma_semaphore, #tpu.memory_space<semaphore_mem>> -> memref<1x!tpu.dma_semaphore, #tpu.memory_space<semaphore_mem>>
    %dma_start3A_32 = tpu.memref_squeeze %dma_start3A_31 : memref<1x!tpu.dma_semaphore, #tpu.memory_space<semaphore_mem>> -> memref<!tpu.dma_semaphore, #tpu.memory_space<semaphore_mem>>
    tpu.enqueue_indirect_dma source(%dma_start3A_30 : memref<10000x16xf32, #tpu.memory_space<hbm>>) target(%dma_start3A_24 : memref<125x16xf32, #tpu.memory_space<vmem>>) offsets(%dma_start3A_27 : memref<125xi32, #tpu.memory_space<vmem>>) semaphore(%dma_start3A_32 : memref<!tpu.dma_semaphore, #tpu.memory_space<semaphore_mem>>)
    %dma_start3A_33 = arith.constant 2 : i32
    %dma_start3A_34 = arith.constant 2 : i32
    %dma_start3A_35 = arith.constant 2 : i32
    %dma_start3A_36 = arith.constant 0 : i32
    %dma_start3A_37 = arith.constant 0 : i32
    %dma_start3A_38 = tpu.memref_slice %arg8[%dma_start3A_34, %dma_start3A_36, %dma_start3A_37] : memref<8x125x16xf32, #tpu.memory_space<vmem>> -> memref<1x125x16xf32, #tpu.memory_space<vmem>>
    %dma_start3A_39 = tpu.memref_squeeze %dma_start3A_38 : memref<1x125x16xf32, #tpu.memory_space<vmem>> -> memref<125x16xf32, #tpu.memory_space<vmem>>
    %dma_start3A_40 = arith.constant 0 : i32
    %dma_start3A_41 = tpu.memref_slice %arg6[%dma_start3A_33, %dma_start3A_40] : memref<80x125xi32, #tpu.memory_space<vmem>> -> memref<1x125xi32, #tpu.memory_space<vmem>>
    %dma_start3A_42 = tpu.memref_squeeze %dma_start3A_41 : memref<1x125xi32, #tpu.memory_space<vmem>> -> memref<125xi32, #tpu.memory_space<vmem>>
    %dma_start3A_43 = arith.constant 0 : i32
    %dma_start3A_44 = arith.constant 0 : i32
    %dma_start3A_45 = tpu.memref_slice %arg2[%dma_start3A_43, %dma_start3A_44] : memref<10000x16xf32, #tpu.memory_space<hbm>> -> memref<10000x16xf32, #tpu.memory_space<hbm>>
    %dma_start3A_46 = tpu.memref_slice %arg10[%dma_start3A_35] : memref<8x!tpu.dma_semaphore, #tpu.memory_space<semaphore_mem>> -> memref<1x!tpu.dma_semaphore, #tpu.memory_space<semaphore_mem>>
    %dma_start3A_47 = tpu.memref_squeeze %dma_start3A_46 : memref<1x!tpu.dma_semaphore, #tpu.memory_space<semaphore_mem>> -> memref<!tpu.dma_semaphore, #tpu.memory_space<semaphore_mem>>
    tpu.enqueue_indirect_dma source(%dma_start3A_45 : memref<10000x16xf32, #tpu.memory_space<hbm>>) target(%dma_start3A_39 : memref<125x16xf32, #tpu.memory_space<vmem>>) offsets(%dma_start3A_42 : memref<125xi32, #tpu.memory_space<vmem>>) semaphore(%dma_start3A_47 : memref<!tpu.dma_semaphore, #tpu.memory_space<semaphore_mem>>)
    %dma_start3A_48 = arith.constant 3 : i32
    %dma_start3A_49 = arith.constant 3 : i32
    %dma_start3A_50 = arith.constant 3 : i32
    %dma_start3A_51 = arith.constant 0 : i32
    %dma_start3A_52 = arith.constant 0 : i32
    %dma_start3A_53 = tpu.memref_slice %arg8[%dma_start3A_49, %dma_start3A_51, %dma_start3A_52] : memref<8x125x16xf32, #tpu.memory_space<vmem>> -> memref<1x125x16xf32, #tpu.memory_space<vmem>>
    %dma_start3A_54 = tpu.memref_squeeze %dma_start3A_53 : memref<1x125x16xf32, #tpu.memory_space<vmem>> -> memref<125x16xf32, #tpu.memory_space<vmem>>
    %dma_start3A_55 = arith.constant 0 : i32
    %dma_start3A_56 = tpu.memref_slice %arg6[%dma_start3A_48, %dma_start3A_55] : memref<80x125xi32, #tpu.memory_space<vmem>> -> memref<1x125xi32, #tpu.memory_space<vmem>>
    %dma_start3A_57 = tpu.memref_squeeze %dma_start3A_56 : memref<1x125xi32, #tpu.memory_space<vmem>> -> memref<125xi32, #tpu.memory_space<vmem>>
    %dma_start3A_58 = arith.constant 0 : i32
    %dma_start3A_59 = arith.constant 0 : i32
    %dma_start3A_60 = tpu.memref_slice %arg2[%dma_start3A_58, %dma_start3A_59] : memref<10000x16xf32, #tpu.memory_space<hbm>> -> memref<10000x16xf32, #tpu.memory_space<hbm>>
    %dma_start3A_61 = tpu.memref_slice %arg10[%dma_start3A_50] : memref<8x!tpu.dma_semaphore, #tpu.memory_space<semaphore_mem>> -> memref<1x!tpu.dma_semaphore, #tpu.memory_space<semaphore_mem>>
    %dma_start3A_62 = tpu.memref_squeeze %dma_start3A_61 : memref<1x!tpu.dma_semaphore, #tpu.memory_space<semaphore_mem>> -> memref<!tpu.dma_semaphore, #tpu.memory_space<semaphore_mem>>
    tpu.enqueue_indirect_dma source(%dma_start3A_60 : memref<10000x16xf32, #tpu.memory_space<hbm>>) target(%dma_start3A_54 : memref<125x16xf32, #tpu.memory_space<vmem>>) offsets(%dma_start3A_57 : memref<125xi32, #tpu.memory_space<vmem>>) semaphore(%dma_start3A_62 : memref<!tpu.dma_semaphore, #tpu.memory_space<semaphore_mem>>)
    %dma_start3A_63 = arith.constant 4 : i32
    %dma_start3A_64 = arith.constant 4 : i32
    %dma_start3A_65 = arith.constant 4 : i32
    %dma_start3A_66 = arith.constant 0 : i32
    %dma_start3A_67 = arith.constant 0 : i32
    %dma_start3A_68 = tpu.memref_slice %arg8[%dma_start3A_64, %dma_start3A_66, %dma_start3A_67] : memref<8x125x16xf32, #tpu.memory_space<vmem>> -> memref<1x125x16xf32, #tpu.memory_space<vmem>>
    %dma_start3A_69 = tpu.memref_squeeze %dma_start3A_68 : memref<1x125x16xf32, #tpu.memory_space<vmem>> -> memref<125x16xf32, #tpu.memory_space<vmem>>
    %dma_start3A_70 = arith.constant 0 : i32
    %dma_start3A_71 = tpu.memref_slice %arg6[%dma_start3A_63, %dma_start3A_70] : memref<80x125xi32, #tpu.memory_space<vmem>> -> memref<1x125xi32, #tpu.memory_space<vmem>>
    %dma_start3A_72 = tpu.memref_squeeze %dma_start3A_71 : memref<1x125xi32, #tpu.memory_space<vmem>> -> memref<125xi32, #tpu.memory_space<vmem>>
    %dma_start3A_73 = arith.constant 0 : i32
    %dma_start3A_74 = arith.constant 0 : i32
    %dma_start3A_75 = tpu.memref_slice %arg2[%dma_start3A_73, %dma_start3A_74] : memref<10000x16xf32, #tpu.memory_space<hbm>> -> memref<10000x16xf32, #tpu.memory_space<hbm>>
    %dma_start3A_76 = tpu.memref_slice %arg10[%dma_start3A_65] : memref<8x!tpu.dma_semaphore, #tpu.memory_space<semaphore_mem>> -> memref<1x!tpu.dma_semaphore, #tpu.memory_space<semaphore_mem>>
    %dma_start3A_77 = tpu.memref_squeeze %dma_start3A_76 : memref<1x!tpu.dma_semaphore, #tpu.memory_space<semaphore_mem>> -> memref<!tpu.dma_semaphore, #tpu.memory_space<semaphore_mem>>
    tpu.enqueue_indirect_dma source(%dma_start3A_75 : memref<10000x16xf32, #tpu.memory_space<hbm>>) target(%dma_start3A_69 : memref<125x16xf32, #tpu.memory_space<vmem>>) offsets(%dma_start3A_72 : memref<125xi32, #tpu.memory_space<vmem>>) semaphore(%dma_start3A_77 : memref<!tpu.dma_semaphore, #tpu.memory_space<semaphore_mem>>)
    %dma_start3A_78 = arith.constant 5 : i32
    %dma_start3A_79 = arith.constant 5 : i32
    %dma_start3A_80 = arith.constant 5 : i32
    %dma_start3A_81 = arith.constant 0 : i32
    %dma_start3A_82 = arith.constant 0 : i32
    %dma_start3A_83 = tpu.memref_slice %arg8[%dma_start3A_79, %dma_start3A_81, %dma_start3A_82] : memref<8x125x16xf32, #tpu.memory_space<vmem>> -> memref<1x125x16xf32, #tpu.memory_space<vmem>>
    %dma_start3A_84 = tpu.memref_squeeze %dma_start3A_83 : memref<1x125x16xf32, #tpu.memory_space<vmem>> -> memref<125x16xf32, #tpu.memory_space<vmem>>
    %dma_start3A_85 = arith.constant 0 : i32
    %dma_start3A_86 = tpu.memref_slice %arg6[%dma_start3A_78, %dma_start3A_85] : memref<80x125xi32, #tpu.memory_space<vmem>> -> memref<1x125xi32, #tpu.memory_space<vmem>>
    %dma_start3A_87 = tpu.memref_squeeze %dma_start3A_86 : memref<1x125xi32, #tpu.memory_space<vmem>> -> memref<125xi32, #tpu.memory_space<vmem>>
    %dma_start3A_88 = arith.constant 0 : i32
    %dma_start3A_89 = arith.constant 0 : i32
    %dma_start3A_90 = tpu.memref_slice %arg2[%dma_start3A_88, %dma_start3A_89] : memref<10000x16xf32, #tpu.memory_space<hbm>> -> memref<10000x16xf32, #tpu.memory_space<hbm>>
    %dma_start3A_91 = tpu.memref_slice %arg10[%dma_start3A_80] : memref<8x!tpu.dma_semaphore, #tpu.memory_space<semaphore_mem>> -> memref<1x!tpu.dma_semaphore, #tpu.memory_space<semaphore_mem>>
    %dma_start3A_92 = tpu.memref_squeeze %dma_start3A_91 : memref<1x!tpu.dma_semaphore, #tpu.memory_space<semaphore_mem>> -> memref<!tpu.dma_semaphore, #tpu.memory_space<semaphore_mem>>
    tpu.enqueue_indirect_dma source(%dma_start3A_90 : memref<10000x16xf32, #tpu.memory_space<hbm>>) target(%dma_start3A_84 : memref<125x16xf32, #tpu.memory_space<vmem>>) offsets(%dma_start3A_87 : memref<125xi32, #tpu.memory_space<vmem>>) semaphore(%dma_start3A_92 : memref<!tpu.dma_semaphore, #tpu.memory_space<semaphore_mem>>)
    %dma_start3A_93 = arith.constant 6 : i32
    %dma_start3A_94 = arith.constant 6 : i32
    %dma_start3A_95 = arith.constant 6 : i32
    %dma_start3A_96 = arith.constant 0 : i32
    %dma_start3A_97 = arith.constant 0 : i32
    %dma_start3A_98 = tpu.memref_slice %arg8[%dma_start3A_94, %dma_start3A_96, %dma_start3A_97] : memref<8x125x16xf32, #tpu.memory_space<vmem>> -> memref<1x125x16xf32, #tpu.memory_space<vmem>>
    %dma_start3A_99 = tpu.memref_squeeze %dma_start3A_98 : memref<1x125x16xf32, #tpu.memory_space<vmem>> -> memref<125x16xf32, #tpu.memory_space<vmem>>
    %dma_start3A_100 = arith.constant 0 : i32
    %dma_start3A_101 = tpu.memref_slice %arg6[%dma_start3A_93, %dma_start3A_100] : memref<80x125xi32, #tpu.memory_space<vmem>> -> memref<1x125xi32, #tpu.memory_space<vmem>>
    %dma_start3A_102 = tpu.memref_squeeze %dma_start3A_101 : memref<1x125xi32, #tpu.memory_space<vmem>> -> memref<125xi32, #tpu.memory_space<vmem>>
    %dma_start3A_103 = arith.constant 0 : i32
    %dma_start3A_104 = arith.constant 0 : i32
    %dma_start3A_105 = tpu.memref_slice %arg2[%dma_start3A_103, %dma_start3A_104] : memref<10000x16xf32, #tpu.memory_space<hbm>> -> memref<10000x16xf32, #tpu.memory_space<hbm>>
    %dma_start3A_106 = tpu.memref_slice %arg10[%dma_start3A_95] : memref<8x!tpu.dma_semaphore, #tpu.memory_space<semaphore_mem>> -> memref<1x!tpu.dma_semaphore, #tpu.memory_space<semaphore_mem>>
    %dma_start3A_107 = tpu.memref_squeeze %dma_start3A_106 : memref<1x!tpu.dma_semaphore, #tpu.memory_space<semaphore_mem>> -> memref<!tpu.dma_semaphore, #tpu.memory_space<semaphore_mem>>
    tpu.enqueue_indirect_dma source(%dma_start3A_105 : memref<10000x16xf32, #tpu.memory_space<hbm>>) target(%dma_start3A_99 : memref<125x16xf32, #tpu.memory_space<vmem>>) offsets(%dma_start3A_102 : memref<125xi32, #tpu.memory_space<vmem>>) semaphore(%dma_start3A_107 : memref<!tpu.dma_semaphore, #tpu.memory_space<semaphore_mem>>)
    %dma_start3A_108 = arith.constant 7 : i32
    %dma_start3A_109 = arith.constant 7 : i32
    %dma_start3A_110 = arith.constant 7 : i32
    %dma_start3A_111 = arith.constant 0 : i32
    %dma_start3A_112 = arith.constant 0 : i32
    %dma_start3A_113 = tpu.memref_slice %arg8[%dma_start3A_109, %dma_start3A_111, %dma_start3A_112] : memref<8x125x16xf32, #tpu.memory_space<vmem>> -> memref<1x125x16xf32, #tpu.memory_space<vmem>>
    %dma_start3A_114 = tpu.memref_squeeze %dma_start3A_113 : memref<1x125x16xf32, #tpu.memory_space<vmem>> -> memref<125x16xf32, #tpu.memory_space<vmem>>
    %dma_start3A_115 = arith.constant 0 : i32
    %dma_start3A_116 = tpu.memref_slice %arg6[%dma_start3A_108, %dma_start3A_115] : memref<80x125xi32, #tpu.memory_space<vmem>> -> memref<1x125xi32, #tpu.memory_space<vmem>>
    %dma_start3A_117 = tpu.memref_squeeze %dma_start3A_116 : memref<1x125xi32, #tpu.memory_space<vmem>> -> memref<125xi32, #tpu.memory_space<vmem>>
    %dma_start3A_118 = arith.constant 0 : i32
    %dma_start3A_119 = arith.constant 0 : i32
    %dma_start3A_120 = tpu.memref_slice %arg2[%dma_start3A_118, %dma_start3A_119] : memref<10000x16xf32, #tpu.memory_space<hbm>> -> memref<10000x16xf32, #tpu.memory_space<hbm>>
    %dma_start3A_121 = tpu.memref_slice %arg10[%dma_start3A_110] : memref<8x!tpu.dma_semaphore, #tpu.memory_space<semaphore_mem>> -> memref<1x!tpu.dma_semaphore, #tpu.memory_space<semaphore_mem>>
    %dma_start3A_122 = tpu.memref_squeeze %dma_start3A_121 : memref<1x!tpu.dma_semaphore, #tpu.memory_space<semaphore_mem>> -> memref<!tpu.dma_semaphore, #tpu.memory_space<semaphore_mem>>
    tpu.enqueue_indirect_dma source(%dma_start3A_120 : memref<10000x16xf32, #tpu.memory_space<hbm>>) target(%dma_start3A_114 : memref<125x16xf32, #tpu.memory_space<vmem>>) offsets(%dma_start3A_117 : memref<125xi32, #tpu.memory_space<vmem>>) semaphore(%dma_start3A_122 : memref<!tpu.dma_semaphore, #tpu.memory_space<semaphore_mem>>)
    %scan3A = arith.constant 0 : i32
    %scan3A_123 = arith.constant 0 : i32
    %scan3A_124 = arith.constant 9 : i32
    %scan3A_125 = arith.addi %scan3A_123, %scan3A_124 : i32
    %scan3A_126 = arith.constant 1 : i32
    scf.for %scan3A_493 = %scan3A_123 to %scan3A_125 step %scan3A_126  : i32 {
      %mul3A_494 = arith.constant 8 : i32
      %mul3A_495 = arith.muli %scan3A_493, %mul3A_494 : i32
      %add3A_496 = arith.constant 0 : i32
      %add3A_497 = arith.addi %mul3A_495, %add3A_496 : i32
      %dma_wait3A_498 = arith.constant 0 : i32
      %dma_wait3A_499 = arith.constant 0 : i32
      %dma_wait3A_500 = arith.constant 0 : i32
      %dma_wait3A_501 = arith.constant 0 : i32
      %dma_wait3A_502 = tpu.memref_slice %arg8[%dma_wait3A_498, %dma_wait3A_500, %dma_wait3A_501] : memref<8x125x16xf32, #tpu.memory_space<vmem>> -> memref<1x125x16xf32, #tpu.memory_space<vmem>>
      %dma_wait3A_503 = tpu.memref_squeeze %dma_wait3A_502 : memref<1x125x16xf32, #tpu.memory_space<vmem>> -> memref<125x16xf32, #tpu.memory_space<vmem>>
      %dma_wait3A_504 = arith.constant 0 : i32
      %dma_wait3A_505 = tpu.memref_slice %arg6[%add3A_497, %dma_wait3A_504] : memref<80x125xi32, #tpu.memory_space<vmem>> -> memref<1x125xi32, #tpu.memory_space<vmem>>
      %dma_wait3A_506 = tpu.memref_squeeze %dma_wait3A_505 : memref<1x125xi32, #tpu.memory_space<vmem>> -> memref<125xi32, #tpu.memory_space<vmem>>
      %dma_wait3A_507 = arith.constant 0 : i32
      %dma_wait3A_508 = arith.constant 0 : i32
      %dma_wait3A_509 = tpu.memref_slice %arg2[%dma_wait3A_507, %dma_wait3A_508] : memref<10000x16xf32, #tpu.memory_space<hbm>> -> memref<10000x16xf32, #tpu.memory_space<hbm>>
      %dma_wait3A_510 = tpu.memref_slice %arg10[%dma_wait3A_499] : memref<8x!tpu.dma_semaphore, #tpu.memory_space<semaphore_mem>> -> memref<1x!tpu.dma_semaphore, #tpu.memory_space<semaphore_mem>>
      %dma_wait3A_511 = tpu.memref_squeeze %dma_wait3A_510 : memref<1x!tpu.dma_semaphore, #tpu.memory_space<semaphore_mem>> -> memref<!tpu.dma_semaphore, #tpu.memory_space<semaphore_mem>>
      tpu.wait_indirect_dma semaphore(%dma_wait3A_511 : memref<!tpu.dma_semaphore, #tpu.memory_space<semaphore_mem>>) src(%dma_wait3A_509 : memref<10000x16xf32, #tpu.memory_space<hbm>>) dst(%dma_wait3A_503 : memref<125x16xf32, #tpu.memory_space<vmem>>)
      %dma_start3A_512 = arith.constant 0 : i32
      %dma_start3A_513 = arith.constant 0 : i32
      %dma_start3A_514 = arith.constant 0 : i32
      %dma_start3A_515 = arith.constant 0 : i32
      %dma_start3A_516 = tpu.memref_slice %arg8[%dma_start3A_512, %dma_start3A_514, %dma_start3A_515] : memref<8x125x16xf32, #tpu.memory_space<vmem>> -> memref<1x125x16xf32, #tpu.memory_space<vmem>>
      %dma_start3A_517 = tpu.memref_squeeze %dma_start3A_516 : memref<1x125x16xf32, #tpu.memory_space<vmem>> -> memref<125x16xf32, #tpu.memory_space<vmem>>
      %dma_start3A_518 = arith.constant 0 : i32
      %dma_start3A_519 = tpu.memref_slice %arg7[%add3A_497, %dma_start3A_518] : memref<80x125xi32, #tpu.memory_space<vmem>> -> memref<1x125xi32, #tpu.memory_space<vmem>>
      %dma_start3A_520 = tpu.memref_squeeze %dma_start3A_519 : memref<1x125xi32, #tpu.memory_space<vmem>> -> memref<125xi32, #tpu.memory_space<vmem>>
      %dma_start3A_521 = arith.constant 0 : i32
      %dma_start3A_522 = arith.constant 0 : i32
      %dma_start3A_523 = tpu.memref_slice %arg9[%dma_start3A_521, %dma_start3A_522] : memref<10000x16xf32, #tpu.memory_space<vmem_shared>> -> memref<10000x16xf32, #tpu.memory_space<vmem_shared>>
      %dma_start3A_524 = tpu.memref_slice %arg11[%dma_start3A_513] : memref<8x!tpu.dma_semaphore, #tpu.memory_space<semaphore_mem>> -> memref<1x!tpu.dma_semaphore, #tpu.memory_space<semaphore_mem>>
      %dma_start3A_525 = tpu.memref_squeeze %dma_start3A_524 : memref<1x!tpu.dma_semaphore, #tpu.memory_space<semaphore_mem>> -> memref<!tpu.dma_semaphore, #tpu.memory_space<semaphore_mem>>
      tpu.enqueue_indirect_dma source(%dma_start3A_517 : memref<125x16xf32, #tpu.memory_space<vmem>>) target(%dma_start3A_523 : memref<10000x16xf32, #tpu.memory_space<vmem_shared>>) offsets(%dma_start3A_520 : memref<125xi32, #tpu.memory_space<vmem>>) semaphore(%dma_start3A_525 : memref<!tpu.dma_semaphore, #tpu.memory_space<semaphore_mem>>) {add = true}
      %mul3A_526 = arith.constant 8 : i32
      %mul3A_527 = arith.muli %scan3A_493, %mul3A_526 : i32
      %add3A_528 = arith.constant 1 : i32
      %add3A_529 = arith.addi %mul3A_527, %add3A_528 : i32
      %dma_wait3A_530 = arith.constant 1 : i32
      %dma_wait3A_531 = arith.constant 1 : i32
      %dma_wait3A_532 = arith.constant 0 : i32
      %dma_wait3A_533 = arith.constant 0 : i32
      %dma_wait3A_534 = tpu.memref_slice %arg8[%dma_wait3A_530, %dma_wait3A_532, %dma_wait3A_533] : memref<8x125x16xf32, #tpu.memory_space<vmem>> -> memref<1x125x16xf32, #tpu.memory_space<vmem>>
      %dma_wait3A_535 = tpu.memref_squeeze %dma_wait3A_534 : memref<1x125x16xf32, #tpu.memory_space<vmem>> -> memref<125x16xf32, #tpu.memory_space<vmem>>
      %dma_wait3A_536 = arith.constant 0 : i32
      %dma_wait3A_537 = tpu.memref_slice %arg6[%add3A_529, %dma_wait3A_536] : memref<80x125xi32, #tpu.memory_space<vmem>> -> memref<1x125xi32, #tpu.memory_space<vmem>>
      %dma_wait3A_538 = tpu.memref_squeeze %dma_wait3A_537 : memref<1x125xi32, #tpu.memory_space<vmem>> -> memref<125xi32, #tpu.memory_space<vmem>>
      %dma_wait3A_539 = arith.constant 0 : i32
      %dma_wait3A_540 = arith.constant 0 : i32
      %dma_wait3A_541 = tpu.memref_slice %arg2[%dma_wait3A_539, %dma_wait3A_540] : memref<10000x16xf32, #tpu.memory_space<hbm>> -> memref<10000x16xf32, #tpu.memory_space<hbm>>
      %dma_wait3A_542 = tpu.memref_slice %arg10[%dma_wait3A_531] : memref<8x!tpu.dma_semaphore, #tpu.memory_space<semaphore_mem>> -> memref<1x!tpu.dma_semaphore, #tpu.memory_space<semaphore_mem>>
      %dma_wait3A_543 = tpu.memref_squeeze %dma_wait3A_542 : memref<1x!tpu.dma_semaphore, #tpu.memory_space<semaphore_mem>> -> memref<!tpu.dma_semaphore, #tpu.memory_space<semaphore_mem>>
      tpu.wait_indirect_dma semaphore(%dma_wait3A_543 : memref<!tpu.dma_semaphore, #tpu.memory_space<semaphore_mem>>) src(%dma_wait3A_541 : memref<10000x16xf32, #tpu.memory_space<hbm>>) dst(%dma_wait3A_535 : memref<125x16xf32, #tpu.memory_space<vmem>>)
      %dma_start3A_544 = arith.constant 1 : i32
      %dma_start3A_545 = arith.constant 1 : i32
      %dma_start3A_546 = arith.constant 0 : i32
      %dma_start3A_547 = arith.constant 0 : i32
      %dma_start3A_548 = tpu.memref_slice %arg8[%dma_start3A_544, %dma_start3A_546, %dma_start3A_547] : memref<8x125x16xf32, #tpu.memory_space<vmem>> -> memref<1x125x16xf32, #tpu.memory_space<vmem>>
      %dma_start3A_549 = tpu.memref_squeeze %dma_start3A_548 : memref<1x125x16xf32, #tpu.memory_space<vmem>> -> memref<125x16xf32, #tpu.memory_space<vmem>>
      %dma_start3A_550 = arith.constant 0 : i32
      %dma_start3A_551 = tpu.memref_slice %arg7[%add3A_529, %dma_start3A_550] : memref<80x125xi32, #tpu.memory_space<vmem>> -> memref<1x125xi32, #tpu.memory_space<vmem>>
      %dma_start3A_552 = tpu.memref_squeeze %dma_start3A_551 : memref<1x125xi32, #tpu.memory_space<vmem>> -> memref<125xi32, #tpu.memory_space<vmem>>
      %dma_start3A_553 = arith.constant 0 : i32
      %dma_start3A_554 = arith.constant 0 : i32
      %dma_start3A_555 = tpu.memref_slice %arg9[%dma_start3A_553, %dma_start3A_554] : memref<10000x16xf32, #tpu.memory_space<vmem_shared>> -> memref<10000x16xf32, #tpu.memory_space<vmem_shared>>
      %dma_start3A_556 = tpu.memref_slice %arg11[%dma_start3A_545] : memref<8x!tpu.dma_semaphore, #tpu.memory_space<semaphore_mem>> -> memref<1x!tpu.dma_semaphore, #tpu.memory_space<semaphore_mem>>
      %dma_start3A_557 = tpu.memref_squeeze %dma_start3A_556 : memref<1x!tpu.dma_semaphore, #tpu.memory_space<semaphore_mem>> -> memref<!tpu.dma_semaphore, #tpu.memory_space<semaphore_mem>>
      tpu.enqueue_indirect_dma source(%dma_start3A_549 : memref<125x16xf32, #tpu.memory_space<vmem>>) target(%dma_start3A_555 : memref<10000x16xf32, #tpu.memory_space<vmem_shared>>) offsets(%dma_start3A_552 : memref<125xi32, #tpu.memory_space<vmem>>) semaphore(%dma_start3A_557 : memref<!tpu.dma_semaphore, #tpu.memory_space<semaphore_mem>>) {add = true}
      %mul3A_558 = arith.constant 8 : i32
      %mul3A_559 = arith.muli %scan3A_493, %mul3A_558 : i32
      %add3A_560 = arith.constant 2 : i32
      %add3A_561 = arith.addi %mul3A_559, %add3A_560 : i32
      %dma_wait3A_562 = arith.constant 2 : i32
      %dma_wait3A_563 = arith.constant 2 : i32
      %dma_wait3A_564 = arith.constant 0 : i32
      %dma_wait3A_565 = arith.constant 0 : i32
      %dma_wait3A_566 = tpu.memref_slice %arg8[%dma_wait3A_562, %dma_wait3A_564, %dma_wait3A_565] : memref<8x125x16xf32, #tpu.memory_space<vmem>> -> memref<1x125x16xf32, #tpu.memory_space<vmem>>
      %dma_wait3A_567 = tpu.memref_squeeze %dma_wait3A_566 : memref<1x125x16xf32, #tpu.memory_space<vmem>> -> memref<125x16xf32, #tpu.memory_space<vmem>>
      %dma_wait3A_568 = arith.constant 0 : i32
      %dma_wait3A_569 = tpu.memref_slice %arg6[%add3A_561, %dma_wait3A_568] : memref<80x125xi32, #tpu.memory_space<vmem>> -> memref<1x125xi32, #tpu.memory_space<vmem>>
      %dma_wait3A_570 = tpu.memref_squeeze %dma_wait3A_569 : memref<1x125xi32, #tpu.memory_space<vmem>> -> memref<125xi32, #tpu.memory_space<vmem>>
      %dma_wait3A_571 = arith.constant 0 : i32
      %dma_wait3A_572 = arith.constant 0 : i32
      %dma_wait3A_573 = tpu.memref_slice %arg2[%dma_wait3A_571, %dma_wait3A_572] : memref<10000x16xf32, #tpu.memory_space<hbm>> -> memref<10000x16xf32, #tpu.memory_space<hbm>>
      %dma_wait3A_574 = tpu.memref_slice %arg10[%dma_wait3A_563] : memref<8x!tpu.dma_semaphore, #tpu.memory_space<semaphore_mem>> -> memref<1x!tpu.dma_semaphore, #tpu.memory_space<semaphore_mem>>
      %dma_wait3A_575 = tpu.memref_squeeze %dma_wait3A_574 : memref<1x!tpu.dma_semaphore, #tpu.memory_space<semaphore_mem>> -> memref<!tpu.dma_semaphore, #tpu.memory_space<semaphore_mem>>
      tpu.wait_indirect_dma semaphore(%dma_wait3A_575 : memref<!tpu.dma_semaphore, #tpu.memory_space<semaphore_mem>>) src(%dma_wait3A_573 : memref<10000x16xf32, #tpu.memory_space<hbm>>) dst(%dma_wait3A_567 : memref<125x16xf32, #tpu.memory_space<vmem>>)
      %dma_start3A_576 = arith.constant 2 : i32
      %dma_start3A_577 = arith.constant 2 : i32
      %dma_start3A_578 = arith.constant 0 : i32
      %dma_start3A_579 = arith.constant 0 : i32
      %dma_start3A_580 = tpu.memref_slice %arg8[%dma_start3A_576, %dma_start3A_578, %dma_start3A_579] : memref<8x125x16xf32, #tpu.memory_space<vmem>> -> memref<1x125x16xf32, #tpu.memory_space<vmem>>
      %dma_start3A_581 = tpu.memref_squeeze %dma_start3A_580 : memref<1x125x16xf32, #tpu.memory_space<vmem>> -> memref<125x16xf32, #tpu.memory_space<vmem>>
      %dma_start3A_582 = arith.constant 0 : i32
      %dma_start3A_583 = tpu.memref_slice %arg7[%add3A_561, %dma_start3A_582] : memref<80x125xi32, #tpu.memory_space<vmem>> -> memref<1x125xi32, #tpu.memory_space<vmem>>
      %dma_start3A_584 = tpu.memref_squeeze %dma_start3A_583 : memref<1x125xi32, #tpu.memory_space<vmem>> -> memref<125xi32, #tpu.memory_space<vmem>>
      %dma_start3A_585 = arith.constant 0 : i32
      %dma_start3A_586 = arith.constant 0 : i32
      %dma_start3A_587 = tpu.memref_slice %arg9[%dma_start3A_585, %dma_start3A_586] : memref<10000x16xf32, #tpu.memory_space<vmem_shared>> -> memref<10000x16xf32, #tpu.memory_space<vmem_shared>>
      %dma_start3A_588 = tpu.memref_slice %arg11[%dma_start3A_577] : memref<8x!tpu.dma_semaphore, #tpu.memory_space<semaphore_mem>> -> memref<1x!tpu.dma_semaphore, #tpu.memory_space<semaphore_mem>>
      %dma_start3A_589 = tpu.memref_squeeze %dma_start3A_588 : memref<1x!tpu.dma_semaphore, #tpu.memory_space<semaphore_mem>> -> memref<!tpu.dma_semaphore, #tpu.memory_space<semaphore_mem>>
      tpu.enqueue_indirect_dma source(%dma_start3A_581 : memref<125x16xf32, #tpu.memory_space<vmem>>) target(%dma_start3A_587 : memref<10000x16xf32, #tpu.memory_space<vmem_shared>>) offsets(%dma_start3A_584 : memref<125xi32, #tpu.memory_space<vmem>>) semaphore(%dma_start3A_589 : memref<!tpu.dma_semaphore, #tpu.memory_space<semaphore_mem>>) {add = true}
      %mul3A_590 = arith.constant 8 : i32
      %mul3A_591 = arith.muli %scan3A_493, %mul3A_590 : i32
      %add3A_592 = arith.constant 3 : i32
      %add3A_593 = arith.addi %mul3A_591, %add3A_592 : i32
      %dma_wait3A_594 = arith.constant 3 : i32
      %dma_wait3A_595 = arith.constant 3 : i32
      %dma_wait3A_596 = arith.constant 0 : i32
      %dma_wait3A_597 = arith.constant 0 : i32
      %dma_wait3A_598 = tpu.memref_slice %arg8[%dma_wait3A_594, %dma_wait3A_596, %dma_wait3A_597] : memref<8x125x16xf32, #tpu.memory_space<vmem>> -> memref<1x125x16xf32, #tpu.memory_space<vmem>>
      %dma_wait3A_599 = tpu.memref_squeeze %dma_wait3A_598 : memref<1x125x16xf32, #tpu.memory_space<vmem>> -> memref<125x16xf32, #tpu.memory_space<vmem>>
      %dma_wait3A_600 = arith.constant 0 : i32
      %dma_wait3A_601 = tpu.memref_slice %arg6[%add3A_593, %dma_wait3A_600] : memref<80x125xi32, #tpu.memory_space<vmem>> -> memref<1x125xi32, #tpu.memory_space<vmem>>
      %dma_wait3A_602 = tpu.memref_squeeze %dma_wait3A_601 : memref<1x125xi32, #tpu.memory_space<vmem>> -> memref<125xi32, #tpu.memory_space<vmem>>
      %dma_wait3A_603 = arith.constant 0 : i32
      %dma_wait3A_604 = arith.constant 0 : i32
      %dma_wait3A_605 = tpu.memref_slice %arg2[%dma_wait3A_603, %dma_wait3A_604] : memref<10000x16xf32, #tpu.memory_space<hbm>> -> memref<10000x16xf32, #tpu.memory_space<hbm>>
      %dma_wait3A_606 = tpu.memref_slice %arg10[%dma_wait3A_595] : memref<8x!tpu.dma_semaphore, #tpu.memory_space<semaphore_mem>> -> memref<1x!tpu.dma_semaphore, #tpu.memory_space<semaphore_mem>>
      %dma_wait3A_607 = tpu.memref_squeeze %dma_wait3A_606 : memref<1x!tpu.dma_semaphore, #tpu.memory_space<semaphore_mem>> -> memref<!tpu.dma_semaphore, #tpu.memory_space<semaphore_mem>>
      tpu.wait_indirect_dma semaphore(%dma_wait3A_607 : memref<!tpu.dma_semaphore, #tpu.memory_space<semaphore_mem>>) src(%dma_wait3A_605 : memref<10000x16xf32, #tpu.memory_space<hbm>>) dst(%dma_wait3A_599 : memref<125x16xf32, #tpu.memory_space<vmem>>)
      %dma_start3A_608 = arith.constant 3 : i32
      %dma_start3A_609 = arith.constant 3 : i32
      %dma_start3A_610 = arith.constant 0 : i32
      %dma_start3A_611 = arith.constant 0 : i32
      %dma_start3A_612 = tpu.memref_slice %arg8[%dma_start3A_608, %dma_start3A_610, %dma_start3A_611] : memref<8x125x16xf32, #tpu.memory_space<vmem>> -> memref<1x125x16xf32, #tpu.memory_space<vmem>>
      %dma_start3A_613 = tpu.memref_squeeze %dma_start3A_612 : memref<1x125x16xf32, #tpu.memory_space<vmem>> -> memref<125x16xf32, #tpu.memory_space<vmem>>
      %dma_start3A_614 = arith.constant 0 : i32
      %dma_start3A_615 = tpu.memref_slice %arg7[%add3A_593, %dma_start3A_614] : memref<80x125xi32, #tpu.memory_space<vmem>> -> memref<1x125xi32, #tpu.memory_space<vmem>>
      %dma_start3A_616 = tpu.memref_squeeze %dma_start3A_615 : memref<1x125xi32, #tpu.memory_space<vmem>> -> memref<125xi32, #tpu.memory_space<vmem>>
      %dma_start3A_617 = arith.constant 0 : i32
      %dma_start3A_618 = arith.constant 0 : i32
      %dma_start3A_619 = tpu.memref_slice %arg9[%dma_start3A_617, %dma_start3A_618] : memref<10000x16xf32, #tpu.memory_space<vmem_shared>> -> memref<10000x16xf32, #tpu.memory_space<vmem_shared>>
      %dma_start3A_620 = tpu.memref_slice %arg11[%dma_start3A_609] : memref<8x!tpu.dma_semaphore, #tpu.memory_space<semaphore_mem>> -> memref<1x!tpu.dma_semaphore, #tpu.memory_space<semaphore_mem>>
      %dma_start3A_621 = tpu.memref_squeeze %dma_start3A_620 : memref<1x!tpu.dma_semaphore, #tpu.memory_space<semaphore_mem>> -> memref<!tpu.dma_semaphore, #tpu.memory_space<semaphore_mem>>
      tpu.enqueue_indirect_dma source(%dma_start3A_613 : memref<125x16xf32, #tpu.memory_space<vmem>>) target(%dma_start3A_619 : memref<10000x16xf32, #tpu.memory_space<vmem_shared>>) offsets(%dma_start3A_616 : memref<125xi32, #tpu.memory_space<vmem>>) semaphore(%dma_start3A_621 : memref<!tpu.dma_semaphore, #tpu.memory_space<semaphore_mem>>) {add = true}
      %mul3A_622 = arith.constant 8 : i32
      %mul3A_623 = arith.muli %scan3A_493, %mul3A_622 : i32
      %add3A_624 = arith.constant 4 : i32
      %add3A_625 = arith.addi %mul3A_623, %add3A_624 : i32
      %dma_wait3A_626 = arith.constant 4 : i32
      %dma_wait3A_627 = arith.constant 4 : i32
      %dma_wait3A_628 = arith.constant 0 : i32
      %dma_wait3A_629 = arith.constant 0 : i32
      %dma_wait3A_630 = tpu.memref_slice %arg8[%dma_wait3A_626, %dma_wait3A_628, %dma_wait3A_629] : memref<8x125x16xf32, #tpu.memory_space<vmem>> -> memref<1x125x16xf32, #tpu.memory_space<vmem>>
      %dma_wait3A_631 = tpu.memref_squeeze %dma_wait3A_630 : memref<1x125x16xf32, #tpu.memory_space<vmem>> -> memref<125x16xf32, #tpu.memory_space<vmem>>
      %dma_wait3A_632 = arith.constant 0 : i32
      %dma_wait3A_633 = tpu.memref_slice %arg6[%add3A_625, %dma_wait3A_632] : memref<80x125xi32, #tpu.memory_space<vmem>> -> memref<1x125xi32, #tpu.memory_space<vmem>>
      %dma_wait3A_634 = tpu.memref_squeeze %dma_wait3A_633 : memref<1x125xi32, #tpu.memory_space<vmem>> -> memref<125xi32, #tpu.memory_space<vmem>>
      %dma_wait3A_635 = arith.constant 0 : i32
      %dma_wait3A_636 = arith.constant 0 : i32
      %dma_wait3A_637 = tpu.memref_slice %arg2[%dma_wait3A_635, %dma_wait3A_636] : memref<10000x16xf32, #tpu.memory_space<hbm>> -> memref<10000x16xf32, #tpu.memory_space<hbm>>
      %dma_wait3A_638 = tpu.memref_slice %arg10[%dma_wait3A_627] : memref<8x!tpu.dma_semaphore, #tpu.memory_space<semaphore_mem>> -> memref<1x!tpu.dma_semaphore, #tpu.memory_space<semaphore_mem>>
      %dma_wait3A_639 = tpu.memref_squeeze %dma_wait3A_638 : memref<1x!tpu.dma_semaphore, #tpu.memory_space<semaphore_mem>> -> memref<!tpu.dma_semaphore, #tpu.memory_space<semaphore_mem>>
      tpu.wait_indirect_dma semaphore(%dma_wait3A_639 : memref<!tpu.dma_semaphore, #tpu.memory_space<semaphore_mem>>) src(%dma_wait3A_637 : memref<10000x16xf32, #tpu.memory_space<hbm>>) dst(%dma_wait3A_631 : memref<125x16xf32, #tpu.memory_space<vmem>>)
      %dma_start3A_640 = arith.constant 4 : i32
      %dma_start3A_641 = arith.constant 4 : i32
      %dma_start3A_642 = arith.constant 0 : i32
      %dma_start3A_643 = arith.constant 0 : i32
      %dma_start3A_644 = tpu.memref_slice %arg8[%dma_start3A_640, %dma_start3A_642, %dma_start3A_643] : memref<8x125x16xf32, #tpu.memory_space<vmem>> -> memref<1x125x16xf32, #tpu.memory_space<vmem>>
      %dma_start3A_645 = tpu.memref_squeeze %dma_start3A_644 : memref<1x125x16xf32, #tpu.memory_space<vmem>> -> memref<125x16xf32, #tpu.memory_space<vmem>>
      %dma_start3A_646 = arith.constant 0 : i32
      %dma_start3A_647 = tpu.memref_slice %arg7[%add3A_625, %dma_start3A_646] : memref<80x125xi32, #tpu.memory_space<vmem>> -> memref<1x125xi32, #tpu.memory_space<vmem>>
      %dma_start3A_648 = tpu.memref_squeeze %dma_start3A_647 : memref<1x125xi32, #tpu.memory_space<vmem>> -> memref<125xi32, #tpu.memory_space<vmem>>
      %dma_start3A_649 = arith.constant 0 : i32
      %dma_start3A_650 = arith.constant 0 : i32
      %dma_start3A_651 = tpu.memref_slice %arg9[%dma_start3A_649, %dma_start3A_650] : memref<10000x16xf32, #tpu.memory_space<vmem_shared>> -> memref<10000x16xf32, #tpu.memory_space<vmem_shared>>
      %dma_start3A_652 = tpu.memref_slice %arg11[%dma_start3A_641] : memref<8x!tpu.dma_semaphore, #tpu.memory_space<semaphore_mem>> -> memref<1x!tpu.dma_semaphore, #tpu.memory_space<semaphore_mem>>
      %dma_start3A_653 = tpu.memref_squeeze %dma_start3A_652 : memref<1x!tpu.dma_semaphore, #tpu.memory_space<semaphore_mem>> -> memref<!tpu.dma_semaphore, #tpu.memory_space<semaphore_mem>>
      tpu.enqueue_indirect_dma source(%dma_start3A_645 : memref<125x16xf32, #tpu.memory_space<vmem>>) target(%dma_start3A_651 : memref<10000x16xf32, #tpu.memory_space<vmem_shared>>) offsets(%dma_start3A_648 : memref<125xi32, #tpu.memory_space<vmem>>) semaphore(%dma_start3A_653 : memref<!tpu.dma_semaphore, #tpu.memory_space<semaphore_mem>>) {add = true}
      %mul3A_654 = arith.constant 8 : i32
      %mul3A_655 = arith.muli %scan3A_493, %mul3A_654 : i32
      %add3A_656 = arith.constant 5 : i32
      %add3A_657 = arith.addi %mul3A_655, %add3A_656 : i32
      %dma_wait3A_658 = arith.constant 5 : i32
      %dma_wait3A_659 = arith.constant 5 : i32
      %dma_wait3A_660 = arith.constant 0 : i32
      %dma_wait3A_661 = arith.constant 0 : i32
      %dma_wait3A_662 = tpu.memref_slice %arg8[%dma_wait3A_658, %dma_wait3A_660, %dma_wait3A_661] : memref<8x125x16xf32, #tpu.memory_space<vmem>> -> memref<1x125x16xf32, #tpu.memory_space<vmem>>
      %dma_wait3A_663 = tpu.memref_squeeze %dma_wait3A_662 : memref<1x125x16xf32, #tpu.memory_space<vmem>> -> memref<125x16xf32, #tpu.memory_space<vmem>>
      %dma_wait3A_664 = arith.constant 0 : i32
      %dma_wait3A_665 = tpu.memref_slice %arg6[%add3A_657, %dma_wait3A_664] : memref<80x125xi32, #tpu.memory_space<vmem>> -> memref<1x125xi32, #tpu.memory_space<vmem>>
      %dma_wait3A_666 = tpu.memref_squeeze %dma_wait3A_665 : memref<1x125xi32, #tpu.memory_space<vmem>> -> memref<125xi32, #tpu.memory_space<vmem>>
      %dma_wait3A_667 = arith.constant 0 : i32
      %dma_wait3A_668 = arith.constant 0 : i32
      %dma_wait3A_669 = tpu.memref_slice %arg2[%dma_wait3A_667, %dma_wait3A_668] : memref<10000x16xf32, #tpu.memory_space<hbm>> -> memref<10000x16xf32, #tpu.memory_space<hbm>>
      %dma_wait3A_670 = tpu.memref_slice %arg10[%dma_wait3A_659] : memref<8x!tpu.dma_semaphore, #tpu.memory_space<semaphore_mem>> -> memref<1x!tpu.dma_semaphore, #tpu.memory_space<semaphore_mem>>
      %dma_wait3A_671 = tpu.memref_squeeze %dma_wait3A_670 : memref<1x!tpu.dma_semaphore, #tpu.memory_space<semaphore_mem>> -> memref<!tpu.dma_semaphore, #tpu.memory_space<semaphore_mem>>
      tpu.wait_indirect_dma semaphore(%dma_wait3A_671 : memref<!tpu.dma_semaphore, #tpu.memory_space<semaphore_mem>>) src(%dma_wait3A_669 : memref<10000x16xf32, #tpu.memory_space<hbm>>) dst(%dma_wait3A_663 : memref<125x16xf32, #tpu.memory_space<vmem>>)
      %dma_start3A_672 = arith.constant 5 : i32
      %dma_start3A_673 = arith.constant 5 : i32
      %dma_start3A_674 = arith.constant 0 : i32
      %dma_start3A_675 = arith.constant 0 : i32
      %dma_start3A_676 = tpu.memref_slice %arg8[%dma_start3A_672, %dma_start3A_674, %dma_start3A_675] : memref<8x125x16xf32, #tpu.memory_space<vmem>> -> memref<1x125x16xf32, #tpu.memory_space<vmem>>
      %dma_start3A_677 = tpu.memref_squeeze %dma_start3A_676 : memref<1x125x16xf32, #tpu.memory_space<vmem>> -> memref<125x16xf32, #tpu.memory_space<vmem>>
      %dma_start3A_678 = arith.constant 0 : i32
      %dma_start3A_679 = tpu.memref_slice %arg7[%add3A_657, %dma_start3A_678] : memref<80x125xi32, #tpu.memory_space<vmem>> -> memref<1x125xi32, #tpu.memory_space<vmem>>
      %dma_start3A_680 = tpu.memref_squeeze %dma_start3A_679 : memref<1x125xi32, #tpu.memory_space<vmem>> -> memref<125xi32, #tpu.memory_space<vmem>>
      %dma_start3A_681 = arith.constant 0 : i32
      %dma_start3A_682 = arith.constant 0 : i32
      %dma_start3A_683 = tpu.memref_slice %arg9[%dma_start3A_681, %dma_start3A_682] : memref<10000x16xf32, #tpu.memory_space<vmem_shared>> -> memref<10000x16xf32, #tpu.memory_space<vmem_shared>>
      %dma_start3A_684 = tpu.memref_slice %arg11[%dma_start3A_673] : memref<8x!tpu.dma_semaphore, #tpu.memory_space<semaphore_mem>> -> memref<1x!tpu.dma_semaphore, #tpu.memory_space<semaphore_mem>>
      %dma_start3A_685 = tpu.memref_squeeze %dma_start3A_684 : memref<1x!tpu.dma_semaphore, #tpu.memory_space<semaphore_mem>> -> memref<!tpu.dma_semaphore, #tpu.memory_space<semaphore_mem>>
      tpu.enqueue_indirect_dma source(%dma_start3A_677 : memref<125x16xf32, #tpu.memory_space<vmem>>) target(%dma_start3A_683 : memref<10000x16xf32, #tpu.memory_space<vmem_shared>>) offsets(%dma_start3A_680 : memref<125xi32, #tpu.memory_space<vmem>>) semaphore(%dma_start3A_685 : memref<!tpu.dma_semaphore, #tpu.memory_space<semaphore_mem>>) {add = true}
      %mul3A_686 = arith.constant 8 : i32
      %mul3A_687 = arith.muli %scan3A_493, %mul3A_686 : i32
      %add3A_688 = arith.constant 6 : i32
      %add3A_689 = arith.addi %mul3A_687, %add3A_688 : i32
      %dma_wait3A_690 = arith.constant 6 : i32
      %dma_wait3A_691 = arith.constant 6 : i32
      %dma_wait3A_692 = arith.constant 0 : i32
      %dma_wait3A_693 = arith.constant 0 : i32
      %dma_wait3A_694 = tpu.memref_slice %arg8[%dma_wait3A_690, %dma_wait3A_692, %dma_wait3A_693] : memref<8x125x16xf32, #tpu.memory_space<vmem>> -> memref<1x125x16xf32, #tpu.memory_space<vmem>>
      %dma_wait3A_695 = tpu.memref_squeeze %dma_wait3A_694 : memref<1x125x16xf32, #tpu.memory_space<vmem>> -> memref<125x16xf32, #tpu.memory_space<vmem>>
      %dma_wait3A_696 = arith.constant 0 : i32
      %dma_wait3A_697 = tpu.memref_slice %arg6[%add3A_689, %dma_wait3A_696] : memref<80x125xi32, #tpu.memory_space<vmem>> -> memref<1x125xi32, #tpu.memory_space<vmem>>
      %dma_wait3A_698 = tpu.memref_squeeze %dma_wait3A_697 : memref<1x125xi32, #tpu.memory_space<vmem>> -> memref<125xi32, #tpu.memory_space<vmem>>
      %dma_wait3A_699 = arith.constant 0 : i32
      %dma_wait3A_700 = arith.constant 0 : i32
      %dma_wait3A_701 = tpu.memref_slice %arg2[%dma_wait3A_699, %dma_wait3A_700] : memref<10000x16xf32, #tpu.memory_space<hbm>> -> memref<10000x16xf32, #tpu.memory_space<hbm>>
      %dma_wait3A_702 = tpu.memref_slice %arg10[%dma_wait3A_691] : memref<8x!tpu.dma_semaphore, #tpu.memory_space<semaphore_mem>> -> memref<1x!tpu.dma_semaphore, #tpu.memory_space<semaphore_mem>>
      %dma_wait3A_703 = tpu.memref_squeeze %dma_wait3A_702 : memref<1x!tpu.dma_semaphore, #tpu.memory_space<semaphore_mem>> -> memref<!tpu.dma_semaphore, #tpu.memory_space<semaphore_mem>>
      tpu.wait_indirect_dma semaphore(%dma_wait3A_703 : memref<!tpu.dma_semaphore, #tpu.memory_space<semaphore_mem>>) src(%dma_wait3A_701 : memref<10000x16xf32, #tpu.memory_space<hbm>>) dst(%dma_wait3A_695 : memref<125x16xf32, #tpu.memory_space<vmem>>)
      %dma_start3A_704 = arith.constant 6 : i32
      %dma_start3A_705 = arith.constant 6 : i32
      %dma_start3A_706 = arith.constant 0 : i32
      %dma_start3A_707 = arith.constant 0 : i32
      %dma_start3A_708 = tpu.memref_slice %arg8[%dma_start3A_704, %dma_start3A_706, %dma_start3A_707] : memref<8x125x16xf32, #tpu.memory_space<vmem>> -> memref<1x125x16xf32, #tpu.memory_space<vmem>>
      %dma_start3A_709 = tpu.memref_squeeze %dma_start3A_708 : memref<1x125x16xf32, #tpu.memory_space<vmem>> -> memref<125x16xf32, #tpu.memory_space<vmem>>
      %dma_start3A_710 = arith.constant 0 : i32
      %dma_start3A_711 = tpu.memref_slice %arg7[%add3A_689, %dma_start3A_710] : memref<80x125xi32, #tpu.memory_space<vmem>> -> memref<1x125xi32, #tpu.memory_space<vmem>>
      %dma_start3A_712 = tpu.memref_squeeze %dma_start3A_711 : memref<1x125xi32, #tpu.memory_space<vmem>> -> memref<125xi32, #tpu.memory_space<vmem>>
      %dma_start3A_713 = arith.constant 0 : i32
      %dma_start3A_714 = arith.constant 0 : i32
      %dma_start3A_715 = tpu.memref_slice %arg9[%dma_start3A_713, %dma_start3A_714] : memref<10000x16xf32, #tpu.memory_space<vmem_shared>> -> memref<10000x16xf32, #tpu.memory_space<vmem_shared>>
      %dma_start3A_716 = tpu.memref_slice %arg11[%dma_start3A_705] : memref<8x!tpu.dma_semaphore, #tpu.memory_space<semaphore_mem>> -> memref<1x!tpu.dma_semaphore, #tpu.memory_space<semaphore_mem>>
      %dma_start3A_717 = tpu.memref_squeeze %dma_start3A_716 : memref<1x!tpu.dma_semaphore, #tpu.memory_space<semaphore_mem>> -> memref<!tpu.dma_semaphore, #tpu.memory_space<semaphore_mem>>
      tpu.enqueue_indirect_dma source(%dma_start3A_709 : memref<125x16xf32, #tpu.memory_space<vmem>>) target(%dma_start3A_715 : memref<10000x16xf32, #tpu.memory_space<vmem_shared>>) offsets(%dma_start3A_712 : memref<125xi32, #tpu.memory_space<vmem>>) semaphore(%dma_start3A_717 : memref<!tpu.dma_semaphore, #tpu.memory_space<semaphore_mem>>) {add = true}
      %mul3A_718 = arith.constant 8 : i32
      %mul3A_719 = arith.muli %scan3A_493, %mul3A_718 : i32
      %add3A_720 = arith.constant 7 : i32
      %add3A_721 = arith.addi %mul3A_719, %add3A_720 : i32
      %dma_wait3A_722 = arith.constant 7 : i32
      %dma_wait3A_723 = arith.constant 7 : i32
      %dma_wait3A_724 = arith.constant 0 : i32
      %dma_wait3A_725 = arith.constant 0 : i32
      %dma_wait3A_726 = tpu.memref_slice %arg8[%dma_wait3A_722, %dma_wait3A_724, %dma_wait3A_725] : memref<8x125x16xf32, #tpu.memory_space<vmem>> -> memref<1x125x16xf32, #tpu.memory_space<vmem>>
      %dma_wait3A_727 = tpu.memref_squeeze %dma_wait3A_726 : memref<1x125x16xf32, #tpu.memory_space<vmem>> -> memref<125x16xf32, #tpu.memory_space<vmem>>
      %dma_wait3A_728 = arith.constant 0 : i32
      %dma_wait3A_729 = tpu.memref_slice %arg6[%add3A_721, %dma_wait3A_728] : memref<80x125xi32, #tpu.memory_space<vmem>> -> memref<1x125xi32, #tpu.memory_space<vmem>>
      %dma_wait3A_730 = tpu.memref_squeeze %dma_wait3A_729 : memref<1x125xi32, #tpu.memory_space<vmem>> -> memref<125xi32, #tpu.memory_space<vmem>>
      %dma_wait3A_731 = arith.constant 0 : i32
      %dma_wait3A_732 = arith.constant 0 : i32
      %dma_wait3A_733 = tpu.memref_slice %arg2[%dma_wait3A_731, %dma_wait3A_732] : memref<10000x16xf32, #tpu.memory_space<hbm>> -> memref<10000x16xf32, #tpu.memory_space<hbm>>
      %dma_wait3A_734 = tpu.memref_slice %arg10[%dma_wait3A_723] : memref<8x!tpu.dma_semaphore, #tpu.memory_space<semaphore_mem>> -> memref<1x!tpu.dma_semaphore, #tpu.memory_space<semaphore_mem>>
      %dma_wait3A_735 = tpu.memref_squeeze %dma_wait3A_734 : memref<1x!tpu.dma_semaphore, #tpu.memory_space<semaphore_mem>> -> memref<!tpu.dma_semaphore, #tpu.memory_space<semaphore_mem>>
      tpu.wait_indirect_dma semaphore(%dma_wait3A_735 : memref<!tpu.dma_semaphore, #tpu.memory_space<semaphore_mem>>) src(%dma_wait3A_733 : memref<10000x16xf32, #tpu.memory_space<hbm>>) dst(%dma_wait3A_727 : memref<125x16xf32, #tpu.memory_space<vmem>>)
      %dma_start3A_736 = arith.constant 7 : i32
      %dma_start3A_737 = arith.constant 7 : i32
      %dma_start3A_738 = arith.constant 0 : i32
      %dma_start3A_739 = arith.constant 0 : i32
      %dma_start3A_740 = tpu.memref_slice %arg8[%dma_start3A_736, %dma_start3A_738, %dma_start3A_739] : memref<8x125x16xf32, #tpu.memory_space<vmem>> -> memref<1x125x16xf32, #tpu.memory_space<vmem>>
      %dma_start3A_741 = tpu.memref_squeeze %dma_start3A_740 : memref<1x125x16xf32, #tpu.memory_space<vmem>> -> memref<125x16xf32, #tpu.memory_space<vmem>>
      %dma_start3A_742 = arith.constant 0 : i32
      %dma_start3A_743 = tpu.memref_slice %arg7[%add3A_721, %dma_start3A_742] : memref<80x125xi32, #tpu.memory_space<vmem>> -> memref<1x125xi32, #tpu.memory_space<vmem>>
      %dma_start3A_744 = tpu.memref_squeeze %dma_start3A_743 : memref<1x125xi32, #tpu.memory_space<vmem>> -> memref<125xi32, #tpu.memory_space<vmem>>
      %dma_start3A_745 = arith.constant 0 : i32
      %dma_start3A_746 = arith.constant 0 : i32
      %dma_start3A_747 = tpu.memref_slice %arg9[%dma_start3A_745, %dma_start3A_746] : memref<10000x16xf32, #tpu.memory_space<vmem_shared>> -> memref<10000x16xf32, #tpu.memory_space<vmem_shared>>
      %dma_start3A_748 = tpu.memref_slice %arg11[%dma_start3A_737] : memref<8x!tpu.dma_semaphore, #tpu.memory_space<semaphore_mem>> -> memref<1x!tpu.dma_semaphore, #tpu.memory_space<semaphore_mem>>
      %dma_start3A_749 = tpu.memref_squeeze %dma_start3A_748 : memref<1x!tpu.dma_semaphore, #tpu.memory_space<semaphore_mem>> -> memref<!tpu.dma_semaphore, #tpu.memory_space<semaphore_mem>>
      tpu.enqueue_indirect_dma source(%dma_start3A_741 : memref<125x16xf32, #tpu.memory_space<vmem>>) target(%dma_start3A_747 : memref<10000x16xf32, #tpu.memory_space<vmem_shared>>) offsets(%dma_start3A_744 : memref<125xi32, #tpu.memory_space<vmem>>) semaphore(%dma_start3A_749 : memref<!tpu.dma_semaphore, #tpu.memory_space<semaphore_mem>>) {add = true}
      %mul3A_750 = arith.constant 8 : i32
      %mul3A_751 = arith.muli %scan3A_493, %mul3A_750 : i32
      %add3A_752 = arith.constant 0 : i32
      %add3A_753 = arith.addi %mul3A_751, %add3A_752 : i32
      %dma_wait3A_754 = arith.constant 0 : i32
      %dma_wait3A_755 = arith.constant 0 : i32
      %dma_wait3A_756 = arith.constant 0 : i32
      %dma_wait3A_757 = arith.constant 0 : i32
      %dma_wait3A_758 = tpu.memref_slice %arg8[%dma_wait3A_754, %dma_wait3A_756, %dma_wait3A_757] : memref<8x125x16xf32, #tpu.memory_space<vmem>> -> memref<1x125x16xf32, #tpu.memory_space<vmem>>
      %dma_wait3A_759 = tpu.memref_squeeze %dma_wait3A_758 : memref<1x125x16xf32, #tpu.memory_space<vmem>> -> memref<125x16xf32, #tpu.memory_space<vmem>>
      %dma_wait3A_760 = arith.constant 0 : i32
      %dma_wait3A_761 = tpu.memref_slice %arg7[%add3A_753, %dma_wait3A_760] : memref<80x125xi32, #tpu.memory_space<vmem>> -> memref<1x125xi32, #tpu.memory_space<vmem>>
      %dma_wait3A_762 = tpu.memref_squeeze %dma_wait3A_761 : memref<1x125xi32, #tpu.memory_space<vmem>> -> memref<125xi32, #tpu.memory_space<vmem>>
      %dma_wait3A_763 = arith.constant 0 : i32
      %dma_wait3A_764 = arith.constant 0 : i32
      %dma_wait3A_765 = tpu.memref_slice %arg9[%dma_wait3A_763, %dma_wait3A_764] : memref<10000x16xf32, #tpu.memory_space<vmem_shared>> -> memref<10000x16xf32, #tpu.memory_space<vmem_shared>>
      %dma_wait3A_766 = tpu.memref_slice %arg11[%dma_wait3A_755] : memref<8x!tpu.dma_semaphore, #tpu.memory_space<semaphore_mem>> -> memref<1x!tpu.dma_semaphore, #tpu.memory_space<semaphore_mem>>
      %dma_wait3A_767 = tpu.memref_squeeze %dma_wait3A_766 : memref<1x!tpu.dma_semaphore, #tpu.memory_space<semaphore_mem>> -> memref<!tpu.dma_semaphore, #tpu.memory_space<semaphore_mem>>
      tpu.wait_indirect_dma semaphore(%dma_wait3A_767 : memref<!tpu.dma_semaphore, #tpu.memory_space<semaphore_mem>>) src(%dma_wait3A_759 : memref<125x16xf32, #tpu.memory_space<vmem>>) dst(%dma_wait3A_765 : memref<10000x16xf32, #tpu.memory_space<vmem_shared>>)
      %add3A_768 = arith.constant 8 : i32
      %add3A_769 = arith.addi %add3A_753, %add3A_768 : i32
      %dma_start3A_770 = arith.constant 0 : i32
      %dma_start3A_771 = arith.constant 0 : i32
      %dma_start3A_772 = arith.constant 0 : i32
      %dma_start3A_773 = arith.constant 0 : i32
      %dma_start3A_774 = tpu.memref_slice %arg8[%dma_start3A_770, %dma_start3A_772, %dma_start3A_773] : memref<8x125x16xf32, #tpu.memory_space<vmem>> -> memref<1x125x16xf32, #tpu.memory_space<vmem>>
      %dma_start3A_775 = tpu.memref_squeeze %dma_start3A_774 : memref<1x125x16xf32, #tpu.memory_space<vmem>> -> memref<125x16xf32, #tpu.memory_space<vmem>>
      %dma_start3A_776 = arith.constant 0 : i32
      %dma_start3A_777 = tpu.memref_slice %arg6[%add3A_769, %dma_start3A_776] : memref<80x125xi32, #tpu.memory_space<vmem>> -> memref<1x125xi32, #tpu.memory_space<vmem>>
      %dma_start3A_778 = tpu.memref_squeeze %dma_start3A_777 : memref<1x125xi32, #tpu.memory_space<vmem>> -> memref<125xi32, #tpu.memory_space<vmem>>
      %dma_start3A_779 = arith.constant 0 : i32
      %dma_start3A_780 = arith.constant 0 : i32
      %dma_start3A_781 = tpu.memref_slice %arg2[%dma_start3A_779, %dma_start3A_780] : memref<10000x16xf32, #tpu.memory_space<hbm>> -> memref<10000x16xf32, #tpu.memory_space<hbm>>
      %dma_start3A_782 = tpu.memref_slice %arg10[%dma_start3A_771] : memref<8x!tpu.dma_semaphore, #tpu.memory_space<semaphore_mem>> -> memref<1x!tpu.dma_semaphore, #tpu.memory_space<semaphore_mem>>
      %dma_start3A_783 = tpu.memref_squeeze %dma_start3A_782 : memref<1x!tpu.dma_semaphore, #tpu.memory_space<semaphore_mem>> -> memref<!tpu.dma_semaphore, #tpu.memory_space<semaphore_mem>>
      tpu.enqueue_indirect_dma source(%dma_start3A_781 : memref<10000x16xf32, #tpu.memory_space<hbm>>) target(%dma_start3A_775 : memref<125x16xf32, #tpu.memory_space<vmem>>) offsets(%dma_start3A_778 : memref<125xi32, #tpu.memory_space<vmem>>) semaphore(%dma_start3A_783 : memref<!tpu.dma_semaphore, #tpu.memory_space<semaphore_mem>>)
      %mul3A_784 = arith.constant 8 : i32
      %mul3A_785 = arith.muli %scan3A_493, %mul3A_784 : i32
      %add3A_786 = arith.constant 1 : i32
      %add3A_787 = arith.addi %mul3A_785, %add3A_786 : i32
      %dma_wait3A_788 = arith.constant 1 : i32
      %dma_wait3A_789 = arith.constant 1 : i32
      %dma_wait3A_790 = arith.constant 0 : i32
      %dma_wait3A_791 = arith.constant 0 : i32
      %dma_wait3A_792 = tpu.memref_slice %arg8[%dma_wait3A_788, %dma_wait3A_790, %dma_wait3A_791] : memref<8x125x16xf32, #tpu.memory_space<vmem>> -> memref<1x125x16xf32, #tpu.memory_space<vmem>>
      %dma_wait3A_793 = tpu.memref_squeeze %dma_wait3A_792 : memref<1x125x16xf32, #tpu.memory_space<vmem>> -> memref<125x16xf32, #tpu.memory_space<vmem>>
      %dma_wait3A_794 = arith.constant 0 : i32
      %dma_wait3A_795 = tpu.memref_slice %arg7[%add3A_787, %dma_wait3A_794] : memref<80x125xi32, #tpu.memory_space<vmem>> -> memref<1x125xi32, #tpu.memory_space<vmem>>
      %dma_wait3A_796 = tpu.memref_squeeze %dma_wait3A_795 : memref<1x125xi32, #tpu.memory_space<vmem>> -> memref<125xi32, #tpu.memory_space<vmem>>
      %dma_wait3A_797 = arith.constant 0 : i32
      %dma_wait3A_798 = arith.constant 0 : i32
      %dma_wait3A_799 = tpu.memref_slice %arg9[%dma_wait3A_797, %dma_wait3A_798] : memref<10000x16xf32, #tpu.memory_space<vmem_shared>> -> memref<10000x16xf32, #tpu.memory_space<vmem_shared>>
      %dma_wait3A_800 = tpu.memref_slice %arg11[%dma_wait3A_789] : memref<8x!tpu.dma_semaphore, #tpu.memory_space<semaphore_mem>> -> memref<1x!tpu.dma_semaphore, #tpu.memory_space<semaphore_mem>>
      %dma_wait3A_801 = tpu.memref_squeeze %dma_wait3A_800 : memref<1x!tpu.dma_semaphore, #tpu.memory_space<semaphore_mem>> -> memref<!tpu.dma_semaphore, #tpu.memory_space<semaphore_mem>>
      tpu.wait_indirect_dma semaphore(%dma_wait3A_801 : memref<!tpu.dma_semaphore, #tpu.memory_space<semaphore_mem>>) src(%dma_wait3A_793 : memref<125x16xf32, #tpu.memory_space<vmem>>) dst(%dma_wait3A_799 : memref<10000x16xf32, #tpu.memory_space<vmem_shared>>)
      %add3A_802 = arith.constant 8 : i32
      %add3A_803 = arith.addi %add3A_787, %add3A_802 : i32
      %dma_start3A_804 = arith.constant 1 : i32
      %dma_start3A_805 = arith.constant 1 : i32
      %dma_start3A_806 = arith.constant 0 : i32
      %dma_start3A_807 = arith.constant 0 : i32
      %dma_start3A_808 = tpu.memref_slice %arg8[%dma_start3A_804, %dma_start3A_806, %dma_start3A_807] : memref<8x125x16xf32, #tpu.memory_space<vmem>> -> memref<1x125x16xf32, #tpu.memory_space<vmem>>
      %dma_start3A_809 = tpu.memref_squeeze %dma_start3A_808 : memref<1x125x16xf32, #tpu.memory_space<vmem>> -> memref<125x16xf32, #tpu.memory_space<vmem>>
      %dma_start3A_810 = arith.constant 0 : i32
      %dma_start3A_811 = tpu.memref_slice %arg6[%add3A_803, %dma_start3A_810] : memref<80x125xi32, #tpu.memory_space<vmem>> -> memref<1x125xi32, #tpu.memory_space<vmem>>
      %dma_start3A_812 = tpu.memref_squeeze %dma_start3A_811 : memref<1x125xi32, #tpu.memory_space<vmem>> -> memref<125xi32, #tpu.memory_space<vmem>>
      %dma_start3A_813 = arith.constant 0 : i32
      %dma_start3A_814 = arith.constant 0 : i32
      %dma_start3A_815 = tpu.memref_slice %arg2[%dma_start3A_813, %dma_start3A_814] : memref<10000x16xf32, #tpu.memory_space<hbm>> -> memref<10000x16xf32, #tpu.memory_space<hbm>>
      %dma_start3A_816 = tpu.memref_slice %arg10[%dma_start3A_805] : memref<8x!tpu.dma_semaphore, #tpu.memory_space<semaphore_mem>> -> memref<1x!tpu.dma_semaphore, #tpu.memory_space<semaphore_mem>>
      %dma_start3A_817 = tpu.memref_squeeze %dma_start3A_816 : memref<1x!tpu.dma_semaphore, #tpu.memory_space<semaphore_mem>> -> memref<!tpu.dma_semaphore, #tpu.memory_space<semaphore_mem>>
      tpu.enqueue_indirect_dma source(%dma_start3A_815 : memref<10000x16xf32, #tpu.memory_space<hbm>>) target(%dma_start3A_809 : memref<125x16xf32, #tpu.memory_space<vmem>>) offsets(%dma_start3A_812 : memref<125xi32, #tpu.memory_space<vmem>>) semaphore(%dma_start3A_817 : memref<!tpu.dma_semaphore, #tpu.memory_space<semaphore_mem>>)
      %mul3A_818 = arith.constant 8 : i32
      %mul3A_819 = arith.muli %scan3A_493, %mul3A_818 : i32
      %add3A_820 = arith.constant 2 : i32
      %add3A_821 = arith.addi %mul3A_819, %add3A_820 : i32
      %dma_wait3A_822 = arith.constant 2 : i32
      %dma_wait3A_823 = arith.constant 2 : i32
      %dma_wait3A_824 = arith.constant 0 : i32
      %dma_wait3A_825 = arith.constant 0 : i32
      %dma_wait3A_826 = tpu.memref_slice %arg8[%dma_wait3A_822, %dma_wait3A_824, %dma_wait3A_825] : memref<8x125x16xf32, #tpu.memory_space<vmem>> -> memref<1x125x16xf32, #tpu.memory_space<vmem>>
      %dma_wait3A_827 = tpu.memref_squeeze %dma_wait3A_826 : memref<1x125x16xf32, #tpu.memory_space<vmem>> -> memref<125x16xf32, #tpu.memory_space<vmem>>
      %dma_wait3A_828 = arith.constant 0 : i32
      %dma_wait3A_829 = tpu.memref_slice %arg7[%add3A_821, %dma_wait3A_828] : memref<80x125xi32, #tpu.memory_space<vmem>> -> memref<1x125xi32, #tpu.memory_space<vmem>>
      %dma_wait3A_830 = tpu.memref_squeeze %dma_wait3A_829 : memref<1x125xi32, #tpu.memory_space<vmem>> -> memref<125xi32, #tpu.memory_space<vmem>>
      %dma_wait3A_831 = arith.constant 0 : i32
      %dma_wait3A_832 = arith.constant 0 : i32
      %dma_wait3A_833 = tpu.memref_slice %arg9[%dma_wait3A_831, %dma_wait3A_832] : memref<10000x16xf32, #tpu.memory_space<vmem_shared>> -> memref<10000x16xf32, #tpu.memory_space<vmem_shared>>
      %dma_wait3A_834 = tpu.memref_slice %arg11[%dma_wait3A_823] : memref<8x!tpu.dma_semaphore, #tpu.memory_space<semaphore_mem>> -> memref<1x!tpu.dma_semaphore, #tpu.memory_space<semaphore_mem>>
      %dma_wait3A_835 = tpu.memref_squeeze %dma_wait3A_834 : memref<1x!tpu.dma_semaphore, #tpu.memory_space<semaphore_mem>> -> memref<!tpu.dma_semaphore, #tpu.memory_space<semaphore_mem>>
      tpu.wait_indirect_dma semaphore(%dma_wait3A_835 : memref<!tpu.dma_semaphore, #tpu.memory_space<semaphore_mem>>) src(%dma_wait3A_827 : memref<125x16xf32, #tpu.memory_space<vmem>>) dst(%dma_wait3A_833 : memref<10000x16xf32, #tpu.memory_space<vmem_shared>>)
      %add3A_836 = arith.constant 8 : i32
      %add3A_837 = arith.addi %add3A_821, %add3A_836 : i32
      %dma_start3A_838 = arith.constant 2 : i32
      %dma_start3A_839 = arith.constant 2 : i32
      %dma_start3A_840 = arith.constant 0 : i32
      %dma_start3A_841 = arith.constant 0 : i32
      %dma_start3A_842 = tpu.memref_slice %arg8[%dma_start3A_838, %dma_start3A_840, %dma_start3A_841] : memref<8x125x16xf32, #tpu.memory_space<vmem>> -> memref<1x125x16xf32, #tpu.memory_space<vmem>>
      %dma_start3A_843 = tpu.memref_squeeze %dma_start3A_842 : memref<1x125x16xf32, #tpu.memory_space<vmem>> -> memref<125x16xf32, #tpu.memory_space<vmem>>
      %dma_start3A_844 = arith.constant 0 : i32
      %dma_start3A_845 = tpu.memref_slice %arg6[%add3A_837, %dma_start3A_844] : memref<80x125xi32, #tpu.memory_space<vmem>> -> memref<1x125xi32, #tpu.memory_space<vmem>>
      %dma_start3A_846 = tpu.memref_squeeze %dma_start3A_845 : memref<1x125xi32, #tpu.memory_space<vmem>> -> memref<125xi32, #tpu.memory_space<vmem>>
      %dma_start3A_847 = arith.constant 0 : i32
      %dma_start3A_848 = arith.constant 0 : i32
      %dma_start3A_849 = tpu.memref_slice %arg2[%dma_start3A_847, %dma_start3A_848] : memref<10000x16xf32, #tpu.memory_space<hbm>> -> memref<10000x16xf32, #tpu.memory_space<hbm>>
      %dma_start3A_850 = tpu.memref_slice %arg10[%dma_start3A_839] : memref<8x!tpu.dma_semaphore, #tpu.memory_space<semaphore_mem>> -> memref<1x!tpu.dma_semaphore, #tpu.memory_space<semaphore_mem>>
      %dma_start3A_851 = tpu.memref_squeeze %dma_start3A_850 : memref<1x!tpu.dma_semaphore, #tpu.memory_space<semaphore_mem>> -> memref<!tpu.dma_semaphore, #tpu.memory_space<semaphore_mem>>
      tpu.enqueue_indirect_dma source(%dma_start3A_849 : memref<10000x16xf32, #tpu.memory_space<hbm>>) target(%dma_start3A_843 : memref<125x16xf32, #tpu.memory_space<vmem>>) offsets(%dma_start3A_846 : memref<125xi32, #tpu.memory_space<vmem>>) semaphore(%dma_start3A_851 : memref<!tpu.dma_semaphore, #tpu.memory_space<semaphore_mem>>)
      %mul3A_852 = arith.constant 8 : i32
      %mul3A_853 = arith.muli %scan3A_493, %mul3A_852 : i32
      %add3A_854 = arith.constant 3 : i32
      %add3A_855 = arith.addi %mul3A_853, %add3A_854 : i32
      %dma_wait3A_856 = arith.constant 3 : i32
      %dma_wait3A_857 = arith.constant 3 : i32
      %dma_wait3A_858 = arith.constant 0 : i32
      %dma_wait3A_859 = arith.constant 0 : i32
      %dma_wait3A_860 = tpu.memref_slice %arg8[%dma_wait3A_856, %dma_wait3A_858, %dma_wait3A_859] : memref<8x125x16xf32, #tpu.memory_space<vmem>> -> memref<1x125x16xf32, #tpu.memory_space<vmem>>
      %dma_wait3A_861 = tpu.memref_squeeze %dma_wait3A_860 : memref<1x125x16xf32, #tpu.memory_space<vmem>> -> memref<125x16xf32, #tpu.memory_space<vmem>>
      %dma_wait3A_862 = arith.constant 0 : i32
      %dma_wait3A_863 = tpu.memref_slice %arg7[%add3A_855, %dma_wait3A_862] : memref<80x125xi32, #tpu.memory_space<vmem>> -> memref<1x125xi32, #tpu.memory_space<vmem>>
      %dma_wait3A_864 = tpu.memref_squeeze %dma_wait3A_863 : memref<1x125xi32, #tpu.memory_space<vmem>> -> memref<125xi32, #tpu.memory_space<vmem>>
      %dma_wait3A_865 = arith.constant 0 : i32
      %dma_wait3A_866 = arith.constant 0 : i32
      %dma_wait3A_867 = tpu.memref_slice %arg9[%dma_wait3A_865, %dma_wait3A_866] : memref<10000x16xf32, #tpu.memory_space<vmem_shared>> -> memref<10000x16xf32, #tpu.memory_space<vmem_shared>>
      %dma_wait3A_868 = tpu.memref_slice %arg11[%dma_wait3A_857] : memref<8x!tpu.dma_semaphore, #tpu.memory_space<semaphore_mem>> -> memref<1x!tpu.dma_semaphore, #tpu.memory_space<semaphore_mem>>
      %dma_wait3A_869 = tpu.memref_squeeze %dma_wait3A_868 : memref<1x!tpu.dma_semaphore, #tpu.memory_space<semaphore_mem>> -> memref<!tpu.dma_semaphore, #tpu.memory_space<semaphore_mem>>
      tpu.wait_indirect_dma semaphore(%dma_wait3A_869 : memref<!tpu.dma_semaphore, #tpu.memory_space<semaphore_mem>>) src(%dma_wait3A_861 : memref<125x16xf32, #tpu.memory_space<vmem>>) dst(%dma_wait3A_867 : memref<10000x16xf32, #tpu.memory_space<vmem_shared>>)
      %add3A_870 = arith.constant 8 : i32
      %add3A_871 = arith.addi %add3A_855, %add3A_870 : i32
      %dma_start3A_872 = arith.constant 3 : i32
      %dma_start3A_873 = arith.constant 3 : i32
      %dma_start3A_874 = arith.constant 0 : i32
      %dma_start3A_875 = arith.constant 0 : i32
      %dma_start3A_876 = tpu.memref_slice %arg8[%dma_start3A_872, %dma_start3A_874, %dma_start3A_875] : memref<8x125x16xf32, #tpu.memory_space<vmem>> -> memref<1x125x16xf32, #tpu.memory_space<vmem>>
      %dma_start3A_877 = tpu.memref_squeeze %dma_start3A_876 : memref<1x125x16xf32, #tpu.memory_space<vmem>> -> memref<125x16xf32, #tpu.memory_space<vmem>>
      %dma_start3A_878 = arith.constant 0 : i32
      %dma_start3A_879 = tpu.memref_slice %arg6[%add3A_871, %dma_start3A_878] : memref<80x125xi32, #tpu.memory_space<vmem>> -> memref<1x125xi32, #tpu.memory_space<vmem>>
      %dma_start3A_880 = tpu.memref_squeeze %dma_start3A_879 : memref<1x125xi32, #tpu.memory_space<vmem>> -> memref<125xi32, #tpu.memory_space<vmem>>
      %dma_start3A_881 = arith.constant 0 : i32
      %dma_start3A_882 = arith.constant 0 : i32
      %dma_start3A_883 = tpu.memref_slice %arg2[%dma_start3A_881, %dma_start3A_882] : memref<10000x16xf32, #tpu.memory_space<hbm>> -> memref<10000x16xf32, #tpu.memory_space<hbm>>
      %dma_start3A_884 = tpu.memref_slice %arg10[%dma_start3A_873] : memref<8x!tpu.dma_semaphore, #tpu.memory_space<semaphore_mem>> -> memref<1x!tpu.dma_semaphore, #tpu.memory_space<semaphore_mem>>
      %dma_start3A_885 = tpu.memref_squeeze %dma_start3A_884 : memref<1x!tpu.dma_semaphore, #tpu.memory_space<semaphore_mem>> -> memref<!tpu.dma_semaphore, #tpu.memory_space<semaphore_mem>>
      tpu.enqueue_indirect_dma source(%dma_start3A_883 : memref<10000x16xf32, #tpu.memory_space<hbm>>) target(%dma_start3A_877 : memref<125x16xf32, #tpu.memory_space<vmem>>) offsets(%dma_start3A_880 : memref<125xi32, #tpu.memory_space<vmem>>) semaphore(%dma_start3A_885 : memref<!tpu.dma_semaphore, #tpu.memory_space<semaphore_mem>>)
      %mul3A_886 = arith.constant 8 : i32
      %mul3A_887 = arith.muli %scan3A_493, %mul3A_886 : i32
      %add3A_888 = arith.constant 4 : i32
      %add3A_889 = arith.addi %mul3A_887, %add3A_888 : i32
      %dma_wait3A_890 = arith.constant 4 : i32
      %dma_wait3A_891 = arith.constant 4 : i32
      %dma_wait3A_892 = arith.constant 0 : i32
      %dma_wait3A_893 = arith.constant 0 : i32
      %dma_wait3A_894 = tpu.memref_slice %arg8[%dma_wait3A_890, %dma_wait3A_892, %dma_wait3A_893] : memref<8x125x16xf32, #tpu.memory_space<vmem>> -> memref<1x125x16xf32, #tpu.memory_space<vmem>>
      %dma_wait3A_895 = tpu.memref_squeeze %dma_wait3A_894 : memref<1x125x16xf32, #tpu.memory_space<vmem>> -> memref<125x16xf32, #tpu.memory_space<vmem>>
      %dma_wait3A_896 = arith.constant 0 : i32
      %dma_wait3A_897 = tpu.memref_slice %arg7[%add3A_889, %dma_wait3A_896] : memref<80x125xi32, #tpu.memory_space<vmem>> -> memref<1x125xi32, #tpu.memory_space<vmem>>
      %dma_wait3A_898 = tpu.memref_squeeze %dma_wait3A_897 : memref<1x125xi32, #tpu.memory_space<vmem>> -> memref<125xi32, #tpu.memory_space<vmem>>
      %dma_wait3A_899 = arith.constant 0 : i32
      %dma_wait3A_900 = arith.constant 0 : i32
      %dma_wait3A_901 = tpu.memref_slice %arg9[%dma_wait3A_899, %dma_wait3A_900] : memref<10000x16xf32, #tpu.memory_space<vmem_shared>> -> memref<10000x16xf32, #tpu.memory_space<vmem_shared>>
      %dma_wait3A_902 = tpu.memref_slice %arg11[%dma_wait3A_891] : memref<8x!tpu.dma_semaphore, #tpu.memory_space<semaphore_mem>> -> memref<1x!tpu.dma_semaphore, #tpu.memory_space<semaphore_mem>>
      %dma_wait3A_903 = tpu.memref_squeeze %dma_wait3A_902 : memref<1x!tpu.dma_semaphore, #tpu.memory_space<semaphore_mem>> -> memref<!tpu.dma_semaphore, #tpu.memory_space<semaphore_mem>>
      tpu.wait_indirect_dma semaphore(%dma_wait3A_903 : memref<!tpu.dma_semaphore, #tpu.memory_space<semaphore_mem>>) src(%dma_wait3A_895 : memref<125x16xf32, #tpu.memory_space<vmem>>) dst(%dma_wait3A_901 : memref<10000x16xf32, #tpu.memory_space<vmem_shared>>)
      %add3A_904 = arith.constant 8 : i32
      %add3A_905 = arith.addi %add3A_889, %add3A_904 : i32
      %dma_start3A_906 = arith.constant 4 : i32
      %dma_start3A_907 = arith.constant 4 : i32
      %dma_start3A_908 = arith.constant 0 : i32
      %dma_start3A_909 = arith.constant 0 : i32
      %dma_start3A_910 = tpu.memref_slice %arg8[%dma_start3A_906, %dma_start3A_908, %dma_start3A_909] : memref<8x125x16xf32, #tpu.memory_space<vmem>> -> memref<1x125x16xf32, #tpu.memory_space<vmem>>
      %dma_start3A_911 = tpu.memref_squeeze %dma_start3A_910 : memref<1x125x16xf32, #tpu.memory_space<vmem>> -> memref<125x16xf32, #tpu.memory_space<vmem>>
      %dma_start3A_912 = arith.constant 0 : i32
      %dma_start3A_913 = tpu.memref_slice %arg6[%add3A_905, %dma_start3A_912] : memref<80x125xi32, #tpu.memory_space<vmem>> -> memref<1x125xi32, #tpu.memory_space<vmem>>
      %dma_start3A_914 = tpu.memref_squeeze %dma_start3A_913 : memref<1x125xi32, #tpu.memory_space<vmem>> -> memref<125xi32, #tpu.memory_space<vmem>>
      %dma_start3A_915 = arith.constant 0 : i32
      %dma_start3A_916 = arith.constant 0 : i32
      %dma_start3A_917 = tpu.memref_slice %arg2[%dma_start3A_915, %dma_start3A_916] : memref<10000x16xf32, #tpu.memory_space<hbm>> -> memref<10000x16xf32, #tpu.memory_space<hbm>>
      %dma_start3A_918 = tpu.memref_slice %arg10[%dma_start3A_907] : memref<8x!tpu.dma_semaphore, #tpu.memory_space<semaphore_mem>> -> memref<1x!tpu.dma_semaphore, #tpu.memory_space<semaphore_mem>>
      %dma_start3A_919 = tpu.memref_squeeze %dma_start3A_918 : memref<1x!tpu.dma_semaphore, #tpu.memory_space<semaphore_mem>> -> memref<!tpu.dma_semaphore, #tpu.memory_space<semaphore_mem>>
      tpu.enqueue_indirect_dma source(%dma_start3A_917 : memref<10000x16xf32, #tpu.memory_space<hbm>>) target(%dma_start3A_911 : memref<125x16xf32, #tpu.memory_space<vmem>>) offsets(%dma_start3A_914 : memref<125xi32, #tpu.memory_space<vmem>>) semaphore(%dma_start3A_919 : memref<!tpu.dma_semaphore, #tpu.memory_space<semaphore_mem>>)
      %mul3A_920 = arith.constant 8 : i32
      %mul3A_921 = arith.muli %scan3A_493, %mul3A_920 : i32
      %add3A_922 = arith.constant 5 : i32
      %add3A_923 = arith.addi %mul3A_921, %add3A_922 : i32
      %dma_wait3A_924 = arith.constant 5 : i32
      %dma_wait3A_925 = arith.constant 5 : i32
      %dma_wait3A_926 = arith.constant 0 : i32
      %dma_wait3A_927 = arith.constant 0 : i32
      %dma_wait3A_928 = tpu.memref_slice %arg8[%dma_wait3A_924, %dma_wait3A_926, %dma_wait3A_927] : memref<8x125x16xf32, #tpu.memory_space<vmem>> -> memref<1x125x16xf32, #tpu.memory_space<vmem>>
      %dma_wait3A_929 = tpu.memref_squeeze %dma_wait3A_928 : memref<1x125x16xf32, #tpu.memory_space<vmem>> -> memref<125x16xf32, #tpu.memory_space<vmem>>
      %dma_wait3A_930 = arith.constant 0 : i32
      %dma_wait3A_931 = tpu.memref_slice %arg7[%add3A_923, %dma_wait3A_930] : memref<80x125xi32, #tpu.memory_space<vmem>> -> memref<1x125xi32, #tpu.memory_space<vmem>>
      %dma_wait3A_932 = tpu.memref_squeeze %dma_wait3A_931 : memref<1x125xi32, #tpu.memory_space<vmem>> -> memref<125xi32, #tpu.memory_space<vmem>>
      %dma_wait3A_933 = arith.constant 0 : i32
      %dma_wait3A_934 = arith.constant 0 : i32
      %dma_wait3A_935 = tpu.memref_slice %arg9[%dma_wait3A_933, %dma_wait3A_934] : memref<10000x16xf32, #tpu.memory_space<vmem_shared>> -> memref<10000x16xf32, #tpu.memory_space<vmem_shared>>
      %dma_wait3A_936 = tpu.memref_slice %arg11[%dma_wait3A_925] : memref<8x!tpu.dma_semaphore, #tpu.memory_space<semaphore_mem>> -> memref<1x!tpu.dma_semaphore, #tpu.memory_space<semaphore_mem>>
      %dma_wait3A_937 = tpu.memref_squeeze %dma_wait3A_936 : memref<1x!tpu.dma_semaphore, #tpu.memory_space<semaphore_mem>> -> memref<!tpu.dma_semaphore, #tpu.memory_space<semaphore_mem>>
      tpu.wait_indirect_dma semaphore(%dma_wait3A_937 : memref<!tpu.dma_semaphore, #tpu.memory_space<semaphore_mem>>) src(%dma_wait3A_929 : memref<125x16xf32, #tpu.memory_space<vmem>>) dst(%dma_wait3A_935 : memref<10000x16xf32, #tpu.memory_space<vmem_shared>>)
      %add3A_938 = arith.constant 8 : i32
      %add3A_939 = arith.addi %add3A_923, %add3A_938 : i32
      %dma_start3A_940 = arith.constant 5 : i32
      %dma_start3A_941 = arith.constant 5 : i32
      %dma_start3A_942 = arith.constant 0 : i32
      %dma_start3A_943 = arith.constant 0 : i32
      %dma_start3A_944 = tpu.memref_slice %arg8[%dma_start3A_940, %dma_start3A_942, %dma_start3A_943] : memref<8x125x16xf32, #tpu.memory_space<vmem>> -> memref<1x125x16xf32, #tpu.memory_space<vmem>>
      %dma_start3A_945 = tpu.memref_squeeze %dma_start3A_944 : memref<1x125x16xf32, #tpu.memory_space<vmem>> -> memref<125x16xf32, #tpu.memory_space<vmem>>
      %dma_start3A_946 = arith.constant 0 : i32
      %dma_start3A_947 = tpu.memref_slice %arg6[%add3A_939, %dma_start3A_946] : memref<80x125xi32, #tpu.memory_space<vmem>> -> memref<1x125xi32, #tpu.memory_space<vmem>>
      %dma_start3A_948 = tpu.memref_squeeze %dma_start3A_947 : memref<1x125xi32, #tpu.memory_space<vmem>> -> memref<125xi32, #tpu.memory_space<vmem>>
      %dma_start3A_949 = arith.constant 0 : i32
      %dma_start3A_950 = arith.constant 0 : i32
      %dma_start3A_951 = tpu.memref_slice %arg2[%dma_start3A_949, %dma_start3A_950] : memref<10000x16xf32, #tpu.memory_space<hbm>> -> memref<10000x16xf32, #tpu.memory_space<hbm>>
      %dma_start3A_952 = tpu.memref_slice %arg10[%dma_start3A_941] : memref<8x!tpu.dma_semaphore, #tpu.memory_space<semaphore_mem>> -> memref<1x!tpu.dma_semaphore, #tpu.memory_space<semaphore_mem>>
      %dma_start3A_953 = tpu.memref_squeeze %dma_start3A_952 : memref<1x!tpu.dma_semaphore, #tpu.memory_space<semaphore_mem>> -> memref<!tpu.dma_semaphore, #tpu.memory_space<semaphore_mem>>
      tpu.enqueue_indirect_dma source(%dma_start3A_951 : memref<10000x16xf32, #tpu.memory_space<hbm>>) target(%dma_start3A_945 : memref<125x16xf32, #tpu.memory_space<vmem>>) offsets(%dma_start3A_948 : memref<125xi32, #tpu.memory_space<vmem>>) semaphore(%dma_start3A_953 : memref<!tpu.dma_semaphore, #tpu.memory_space<semaphore_mem>>)
      %mul3A_954 = arith.constant 8 : i32
      %mul3A_955 = arith.muli %scan3A_493, %mul3A_954 : i32
      %add3A_956 = arith.constant 6 : i32
      %add3A_957 = arith.addi %mul3A_955, %add3A_956 : i32
      %dma_wait3A_958 = arith.constant 6 : i32
      %dma_wait3A_959 = arith.constant 6 : i32
      %dma_wait3A_960 = arith.constant 0 : i32
      %dma_wait3A_961 = arith.constant 0 : i32
      %dma_wait3A_962 = tpu.memref_slice %arg8[%dma_wait3A_958, %dma_wait3A_960, %dma_wait3A_961] : memref<8x125x16xf32, #tpu.memory_space<vmem>> -> memref<1x125x16xf32, #tpu.memory_space<vmem>>
      %dma_wait3A_963 = tpu.memref_squeeze %dma_wait3A_962 : memref<1x125x16xf32, #tpu.memory_space<vmem>> -> memref<125x16xf32, #tpu.memory_space<vmem>>
      %dma_wait3A_964 = arith.constant 0 : i32
      %dma_wait3A_965 = tpu.memref_slice %arg7[%add3A_957, %dma_wait3A_964] : memref<80x125xi32, #tpu.memory_space<vmem>> -> memref<1x125xi32, #tpu.memory_space<vmem>>
      %dma_wait3A_966 = tpu.memref_squeeze %dma_wait3A_965 : memref<1x125xi32, #tpu.memory_space<vmem>> -> memref<125xi32, #tpu.memory_space<vmem>>
      %dma_wait3A_967 = arith.constant 0 : i32
      %dma_wait3A_968 = arith.constant 0 : i32
      %dma_wait3A_969 = tpu.memref_slice %arg9[%dma_wait3A_967, %dma_wait3A_968] : memref<10000x16xf32, #tpu.memory_space<vmem_shared>> -> memref<10000x16xf32, #tpu.memory_space<vmem_shared>>
      %dma_wait3A_970 = tpu.memref_slice %arg11[%dma_wait3A_959] : memref<8x!tpu.dma_semaphore, #tpu.memory_space<semaphore_mem>> -> memref<1x!tpu.dma_semaphore, #tpu.memory_space<semaphore_mem>>
      %dma_wait3A_971 = tpu.memref_squeeze %dma_wait3A_970 : memref<1x!tpu.dma_semaphore, #tpu.memory_space<semaphore_mem>> -> memref<!tpu.dma_semaphore, #tpu.memory_space<semaphore_mem>>
      tpu.wait_indirect_dma semaphore(%dma_wait3A_971 : memref<!tpu.dma_semaphore, #tpu.memory_space<semaphore_mem>>) src(%dma_wait3A_963 : memref<125x16xf32, #tpu.memory_space<vmem>>) dst(%dma_wait3A_969 : memref<10000x16xf32, #tpu.memory_space<vmem_shared>>)
      %add3A_972 = arith.constant 8 : i32
      %add3A_973 = arith.addi %add3A_957, %add3A_972 : i32
      %dma_start3A_974 = arith.constant 6 : i32
      %dma_start3A_975 = arith.constant 6 : i32
      %dma_start3A_976 = arith.constant 0 : i32
      %dma_start3A_977 = arith.constant 0 : i32
      %dma_start3A_978 = tpu.memref_slice %arg8[%dma_start3A_974, %dma_start3A_976, %dma_start3A_977] : memref<8x125x16xf32, #tpu.memory_space<vmem>> -> memref<1x125x16xf32, #tpu.memory_space<vmem>>
      %dma_start3A_979 = tpu.memref_squeeze %dma_start3A_978 : memref<1x125x16xf32, #tpu.memory_space<vmem>> -> memref<125x16xf32, #tpu.memory_space<vmem>>
      %dma_start3A_980 = arith.constant 0 : i32
      %dma_start3A_981 = tpu.memref_slice %arg6[%add3A_973, %dma_start3A_980] : memref<80x125xi32, #tpu.memory_space<vmem>> -> memref<1x125xi32, #tpu.memory_space<vmem>>
      %dma_start3A_982 = tpu.memref_squeeze %dma_start3A_981 : memref<1x125xi32, #tpu.memory_space<vmem>> -> memref<125xi32, #tpu.memory_space<vmem>>
      %dma_start3A_983 = arith.constant 0 : i32
      %dma_start3A_984 = arith.constant 0 : i32
      %dma_start3A_985 = tpu.memref_slice %arg2[%dma_start3A_983, %dma_start3A_984] : memref<10000x16xf32, #tpu.memory_space<hbm>> -> memref<10000x16xf32, #tpu.memory_space<hbm>>
      %dma_start3A_986 = tpu.memref_slice %arg10[%dma_start3A_975] : memref<8x!tpu.dma_semaphore, #tpu.memory_space<semaphore_mem>> -> memref<1x!tpu.dma_semaphore, #tpu.memory_space<semaphore_mem>>
      %dma_start3A_987 = tpu.memref_squeeze %dma_start3A_986 : memref<1x!tpu.dma_semaphore, #tpu.memory_space<semaphore_mem>> -> memref<!tpu.dma_semaphore, #tpu.memory_space<semaphore_mem>>
      tpu.enqueue_indirect_dma source(%dma_start3A_985 : memref<10000x16xf32, #tpu.memory_space<hbm>>) target(%dma_start3A_979 : memref<125x16xf32, #tpu.memory_space<vmem>>) offsets(%dma_start3A_982 : memref<125xi32, #tpu.memory_space<vmem>>) semaphore(%dma_start3A_987 : memref<!tpu.dma_semaphore, #tpu.memory_space<semaphore_mem>>)
      %mul3A_988 = arith.constant 8 : i32
      %mul3A_989 = arith.muli %scan3A_493, %mul3A_988 : i32
      %add3A_990 = arith.constant 7 : i32
      %add3A_991 = arith.addi %mul3A_989, %add3A_990 : i32
      %dma_wait3A_992 = arith.constant 7 : i32
      %dma_wait3A_993 = arith.constant 7 : i32
      %dma_wait3A_994 = arith.constant 0 : i32
      %dma_wait3A_995 = arith.constant 0 : i32
      %dma_wait3A_996 = tpu.memref_slice %arg8[%dma_wait3A_992, %dma_wait3A_994, %dma_wait3A_995] : memref<8x125x16xf32, #tpu.memory_space<vmem>> -> memref<1x125x16xf32, #tpu.memory_space<vmem>>
      %dma_wait3A_997 = tpu.memref_squeeze %dma_wait3A_996 : memref<1x125x16xf32, #tpu.memory_space<vmem>> -> memref<125x16xf32, #tpu.memory_space<vmem>>
      %dma_wait3A_998 = arith.constant 0 : i32
      %dma_wait3A_999 = tpu.memref_slice %arg7[%add3A_991, %dma_wait3A_998] : memref<80x125xi32, #tpu.memory_space<vmem>> -> memref<1x125xi32, #tpu.memory_space<vmem>>
      %dma_wait3A_1000 = tpu.memref_squeeze %dma_wait3A_999 : memref<1x125xi32, #tpu.memory_space<vmem>> -> memref<125xi32, #tpu.memory_space<vmem>>
      %dma_wait3A_1001 = arith.constant 0 : i32
      %dma_wait3A_1002 = arith.constant 0 : i32
      %dma_wait3A_1003 = tpu.memref_slice %arg9[%dma_wait3A_1001, %dma_wait3A_1002] : memref<10000x16xf32, #tpu.memory_space<vmem_shared>> -> memref<10000x16xf32, #tpu.memory_space<vmem_shared>>
      %dma_wait3A_1004 = tpu.memref_slice %arg11[%dma_wait3A_993] : memref<8x!tpu.dma_semaphore, #tpu.memory_space<semaphore_mem>> -> memref<1x!tpu.dma_semaphore, #tpu.memory_space<semaphore_mem>>
      %dma_wait3A_1005 = tpu.memref_squeeze %dma_wait3A_1004 : memref<1x!tpu.dma_semaphore, #tpu.memory_space<semaphore_mem>> -> memref<!tpu.dma_semaphore, #tpu.memory_space<semaphore_mem>>
      tpu.wait_indirect_dma semaphore(%dma_wait3A_1005 : memref<!tpu.dma_semaphore, #tpu.memory_space<semaphore_mem>>) src(%dma_wait3A_997 : memref<125x16xf32, #tpu.memory_space<vmem>>) dst(%dma_wait3A_1003 : memref<10000x16xf32, #tpu.memory_space<vmem_shared>>)
      %add3A_1006 = arith.constant 8 : i32
      %add3A_1007 = arith.addi %add3A_991, %add3A_1006 : i32
      %dma_start3A_1008 = arith.constant 7 : i32
      %dma_start3A_1009 = arith.constant 7 : i32
      %dma_start3A_1010 = arith.constant 0 : i32
      %dma_start3A_1011 = arith.constant 0 : i32
      %dma_start3A_1012 = tpu.memref_slice %arg8[%dma_start3A_1008, %dma_start3A_1010, %dma_start3A_1011] : memref<8x125x16xf32, #tpu.memory_space<vmem>> -> memref<1x125x16xf32, #tpu.memory_space<vmem>>
      %dma_start3A_1013 = tpu.memref_squeeze %dma_start3A_1012 : memref<1x125x16xf32, #tpu.memory_space<vmem>> -> memref<125x16xf32, #tpu.memory_space<vmem>>
      %dma_start3A_1014 = arith.constant 0 : i32
      %dma_start3A_1015 = tpu.memref_slice %arg6[%add3A_1007, %dma_start3A_1014] : memref<80x125xi32, #tpu.memory_space<vmem>> -> memref<1x125xi32, #tpu.memory_space<vmem>>
      %dma_start3A_1016 = tpu.memref_squeeze %dma_start3A_1015 : memref<1x125xi32, #tpu.memory_space<vmem>> -> memref<125xi32, #tpu.memory_space<vmem>>
      %dma_start3A_1017 = arith.constant 0 : i32
      %dma_start3A_1018 = arith.constant 0 : i32
      %dma_start3A_1019 = tpu.memref_slice %arg2[%dma_start3A_1017, %dma_start3A_1018] : memref<10000x16xf32, #tpu.memory_space<hbm>> -> memref<10000x16xf32, #tpu.memory_space<hbm>>
      %dma_start3A_1020 = tpu.memref_slice %arg10[%dma_start3A_1009] : memref<8x!tpu.dma_semaphore, #tpu.memory_space<semaphore_mem>> -> memref<1x!tpu.dma_semaphore, #tpu.memory_space<semaphore_mem>>
      %dma_start3A_1021 = tpu.memref_squeeze %dma_start3A_1020 : memref<1x!tpu.dma_semaphore, #tpu.memory_space<semaphore_mem>> -> memref<!tpu.dma_semaphore, #tpu.memory_space<semaphore_mem>>
      tpu.enqueue_indirect_dma source(%dma_start3A_1019 : memref<10000x16xf32, #tpu.memory_space<hbm>>) target(%dma_start3A_1013 : memref<125x16xf32, #tpu.memory_space<vmem>>) offsets(%dma_start3A_1016 : memref<125xi32, #tpu.memory_space<vmem>>) semaphore(%dma_start3A_1021 : memref<!tpu.dma_semaphore, #tpu.memory_space<semaphore_mem>>)
    }
    %scan3A_127 = arith.constant 9 : i32
    %dma_wait3A = arith.constant 72 : i32
    %dma_wait3A_128 = arith.constant 0 : i32
    %dma_wait3A_129 = arith.constant 0 : i32
    %dma_wait3A_130 = arith.constant 0 : i32
    %dma_wait3A_131 = arith.constant 0 : i32
    %dma_wait3A_132 = tpu.memref_slice %arg8[%dma_wait3A_128, %dma_wait3A_130, %dma_wait3A_131] : memref<8x125x16xf32, #tpu.memory_space<vmem>> -> memref<1x125x16xf32, #tpu.memory_space<vmem>>
    %dma_wait3A_133 = tpu.memref_squeeze %dma_wait3A_132 : memref<1x125x16xf32, #tpu.memory_space<vmem>> -> memref<125x16xf32, #tpu.memory_space<vmem>>
    %dma_wait3A_134 = arith.constant 0 : i32
    %dma_wait3A_135 = tpu.memref_slice %arg6[%dma_wait3A, %dma_wait3A_134] : memref<80x125xi32, #tpu.memory_space<vmem>> -> memref<1x125xi32, #tpu.memory_space<vmem>>
    %dma_wait3A_136 = tpu.memref_squeeze %dma_wait3A_135 : memref<1x125xi32, #tpu.memory_space<vmem>> -> memref<125xi32, #tpu.memory_space<vmem>>
    %dma_wait3A_137 = arith.constant 0 : i32
    %dma_wait3A_138 = arith.constant 0 : i32
    %dma_wait3A_139 = tpu.memref_slice %arg2[%dma_wait3A_137, %dma_wait3A_138] : memref<10000x16xf32, #tpu.memory_space<hbm>> -> memref<10000x16xf32, #tpu.memory_space<hbm>>
    %dma_wait3A_140 = tpu.memref_slice %arg10[%dma_wait3A_129] : memref<8x!tpu.dma_semaphore, #tpu.memory_space<semaphore_mem>> -> memref<1x!tpu.dma_semaphore, #tpu.memory_space<semaphore_mem>>
    %dma_wait3A_141 = tpu.memref_squeeze %dma_wait3A_140 : memref<1x!tpu.dma_semaphore, #tpu.memory_space<semaphore_mem>> -> memref<!tpu.dma_semaphore, #tpu.memory_space<semaphore_mem>>
    tpu.wait_indirect_dma semaphore(%dma_wait3A_141 : memref<!tpu.dma_semaphore, #tpu.memory_space<semaphore_mem>>) src(%dma_wait3A_139 : memref<10000x16xf32, #tpu.memory_space<hbm>>) dst(%dma_wait3A_133 : memref<125x16xf32, #tpu.memory_space<vmem>>)
    %dma_start3A_142 = arith.constant 0 : i32
    %dma_start3A_143 = arith.constant 72 : i32
    %dma_start3A_144 = arith.constant 0 : i32
    %dma_start3A_145 = arith.constant 0 : i32
    %dma_start3A_146 = arith.constant 0 : i32
    %dma_start3A_147 = tpu.memref_slice %arg8[%dma_start3A_142, %dma_start3A_145, %dma_start3A_146] : memref<8x125x16xf32, #tpu.memory_space<vmem>> -> memref<1x125x16xf32, #tpu.memory_space<vmem>>
    %dma_start3A_148 = tpu.memref_squeeze %dma_start3A_147 : memref<1x125x16xf32, #tpu.memory_space<vmem>> -> memref<125x16xf32, #tpu.memory_space<vmem>>
    %dma_start3A_149 = arith.constant 0 : i32
    %dma_start3A_150 = tpu.memref_slice %arg7[%dma_start3A_143, %dma_start3A_149] : memref<80x125xi32, #tpu.memory_space<vmem>> -> memref<1x125xi32, #tpu.memory_space<vmem>>
    %dma_start3A_151 = tpu.memref_squeeze %dma_start3A_150 : memref<1x125xi32, #tpu.memory_space<vmem>> -> memref<125xi32, #tpu.memory_space<vmem>>
    %dma_start3A_152 = arith.constant 0 : i32
    %dma_start3A_153 = arith.constant 0 : i32
    %dma_start3A_154 = tpu.memref_slice %arg9[%dma_start3A_152, %dma_start3A_153] : memref<10000x16xf32, #tpu.memory_space<vmem_shared>> -> memref<10000x16xf32, #tpu.memory_space<vmem_shared>>
    %dma_start3A_155 = tpu.memref_slice %arg11[%dma_start3A_144] : memref<8x!tpu.dma_semaphore, #tpu.memory_space<semaphore_mem>> -> memref<1x!tpu.dma_semaphore, #tpu.memory_space<semaphore_mem>>
    %dma_start3A_156 = tpu.memref_squeeze %dma_start3A_155 : memref<1x!tpu.dma_semaphore, #tpu.memory_space<semaphore_mem>> -> memref<!tpu.dma_semaphore, #tpu.memory_space<semaphore_mem>>
    tpu.enqueue_indirect_dma source(%dma_start3A_148 : memref<125x16xf32, #tpu.memory_space<vmem>>) target(%dma_start3A_154 : memref<10000x16xf32, #tpu.memory_space<vmem_shared>>) offsets(%dma_start3A_151 : memref<125xi32, #tpu.memory_space<vmem>>) semaphore(%dma_start3A_156 : memref<!tpu.dma_semaphore, #tpu.memory_space<semaphore_mem>>) {add = true}
    %dma_wait3A_157 = arith.constant 73 : i32
    %dma_wait3A_158 = arith.constant 1 : i32
    %dma_wait3A_159 = arith.constant 1 : i32
    %dma_wait3A_160 = arith.constant 0 : i32
    %dma_wait3A_161 = arith.constant 0 : i32
    %dma_wait3A_162 = tpu.memref_slice %arg8[%dma_wait3A_158, %dma_wait3A_160, %dma_wait3A_161] : memref<8x125x16xf32, #tpu.memory_space<vmem>> -> memref<1x125x16xf32, #tpu.memory_space<vmem>>
    %dma_wait3A_163 = tpu.memref_squeeze %dma_wait3A_162 : memref<1x125x16xf32, #tpu.memory_space<vmem>> -> memref<125x16xf32, #tpu.memory_space<vmem>>
    %dma_wait3A_164 = arith.constant 0 : i32
    %dma_wait3A_165 = tpu.memref_slice %arg6[%dma_wait3A_157, %dma_wait3A_164] : memref<80x125xi32, #tpu.memory_space<vmem>> -> memref<1x125xi32, #tpu.memory_space<vmem>>
    %dma_wait3A_166 = tpu.memref_squeeze %dma_wait3A_165 : memref<1x125xi32, #tpu.memory_space<vmem>> -> memref<125xi32, #tpu.memory_space<vmem>>
    %dma_wait3A_167 = arith.constant 0 : i32
    %dma_wait3A_168 = arith.constant 0 : i32
    %dma_wait3A_169 = tpu.memref_slice %arg2[%dma_wait3A_167, %dma_wait3A_168] : memref<10000x16xf32, #tpu.memory_space<hbm>> -> memref<10000x16xf32, #tpu.memory_space<hbm>>
    %dma_wait3A_170 = tpu.memref_slice %arg10[%dma_wait3A_159] : memref<8x!tpu.dma_semaphore, #tpu.memory_space<semaphore_mem>> -> memref<1x!tpu.dma_semaphore, #tpu.memory_space<semaphore_mem>>
    %dma_wait3A_171 = tpu.memref_squeeze %dma_wait3A_170 : memref<1x!tpu.dma_semaphore, #tpu.memory_space<semaphore_mem>> -> memref<!tpu.dma_semaphore, #tpu.memory_space<semaphore_mem>>
    tpu.wait_indirect_dma semaphore(%dma_wait3A_171 : memref<!tpu.dma_semaphore, #tpu.memory_space<semaphore_mem>>) src(%dma_wait3A_169 : memref<10000x16xf32, #tpu.memory_space<hbm>>) dst(%dma_wait3A_163 : memref<125x16xf32, #tpu.memory_space<vmem>>)
    %dma_start3A_172 = arith.constant 1 : i32
    %dma_start3A_173 = arith.constant 73 : i32
    %dma_start3A_174 = arith.constant 1 : i32
    %dma_start3A_175 = arith.constant 0 : i32
    %dma_start3A_176 = arith.constant 0 : i32
    %dma_start3A_177 = tpu.memref_slice %arg8[%dma_start3A_172, %dma_start3A_175, %dma_start3A_176] : memref<8x125x16xf32, #tpu.memory_space<vmem>> -> memref<1x125x16xf32, #tpu.memory_space<vmem>>
    %dma_start3A_178 = tpu.memref_squeeze %dma_start3A_177 : memref<1x125x16xf32, #tpu.memory_space<vmem>> -> memref<125x16xf32, #tpu.memory_space<vmem>>
    %dma_start3A_179 = arith.constant 0 : i32
    %dma_start3A_180 = tpu.memref_slice %arg7[%dma_start3A_173, %dma_start3A_179] : memref<80x125xi32, #tpu.memory_space<vmem>> -> memref<1x125xi32, #tpu.memory_space<vmem>>
    %dma_start3A_181 = tpu.memref_squeeze %dma_start3A_180 : memref<1x125xi32, #tpu.memory_space<vmem>> -> memref<125xi32, #tpu.memory_space<vmem>>
    %dma_start3A_182 = arith.constant 0 : i32
    %dma_start3A_183 = arith.constant 0 : i32
    %dma_start3A_184 = tpu.memref_slice %arg9[%dma_start3A_182, %dma_start3A_183] : memref<10000x16xf32, #tpu.memory_space<vmem_shared>> -> memref<10000x16xf32, #tpu.memory_space<vmem_shared>>
    %dma_start3A_185 = tpu.memref_slice %arg11[%dma_start3A_174] : memref<8x!tpu.dma_semaphore, #tpu.memory_space<semaphore_mem>> -> memref<1x!tpu.dma_semaphore, #tpu.memory_space<semaphore_mem>>
    %dma_start3A_186 = tpu.memref_squeeze %dma_start3A_185 : memref<1x!tpu.dma_semaphore, #tpu.memory_space<semaphore_mem>> -> memref<!tpu.dma_semaphore, #tpu.memory_space<semaphore_mem>>
    tpu.enqueue_indirect_dma source(%dma_start3A_178 : memref<125x16xf32, #tpu.memory_space<vmem>>) target(%dma_start3A_184 : memref<10000x16xf32, #tpu.memory_space<vmem_shared>>) offsets(%dma_start3A_181 : memref<125xi32, #tpu.memory_space<vmem>>) semaphore(%dma_start3A_186 : memref<!tpu.dma_semaphore, #tpu.memory_space<semaphore_mem>>) {add = true}
    %dma_wait3A_187 = arith.constant 74 : i32
    %dma_wait3A_188 = arith.constant 2 : i32
    %dma_wait3A_189 = arith.constant 2 : i32
    %dma_wait3A_190 = arith.constant 0 : i32
    %dma_wait3A_191 = arith.constant 0 : i32
    %dma_wait3A_192 = tpu.memref_slice %arg8[%dma_wait3A_188, %dma_wait3A_190, %dma_wait3A_191] : memref<8x125x16xf32, #tpu.memory_space<vmem>> -> memref<1x125x16xf32, #tpu.memory_space<vmem>>
    %dma_wait3A_193 = tpu.memref_squeeze %dma_wait3A_192 : memref<1x125x16xf32, #tpu.memory_space<vmem>> -> memref<125x16xf32, #tpu.memory_space<vmem>>
    %dma_wait3A_194 = arith.constant 0 : i32
    %dma_wait3A_195 = tpu.memref_slice %arg6[%dma_wait3A_187, %dma_wait3A_194] : memref<80x125xi32, #tpu.memory_space<vmem>> -> memref<1x125xi32, #tpu.memory_space<vmem>>
    %dma_wait3A_196 = tpu.memref_squeeze %dma_wait3A_195 : memref<1x125xi32, #tpu.memory_space<vmem>> -> memref<125xi32, #tpu.memory_space<vmem>>
    %dma_wait3A_197 = arith.constant 0 : i32
    %dma_wait3A_198 = arith.constant 0 : i32
    %dma_wait3A_199 = tpu.memref_slice %arg2[%dma_wait3A_197, %dma_wait3A_198] : memref<10000x16xf32, #tpu.memory_space<hbm>> -> memref<10000x16xf32, #tpu.memory_space<hbm>>
    %dma_wait3A_200 = tpu.memref_slice %arg10[%dma_wait3A_189] : memref<8x!tpu.dma_semaphore, #tpu.memory_space<semaphore_mem>> -> memref<1x!tpu.dma_semaphore, #tpu.memory_space<semaphore_mem>>
    %dma_wait3A_201 = tpu.memref_squeeze %dma_wait3A_200 : memref<1x!tpu.dma_semaphore, #tpu.memory_space<semaphore_mem>> -> memref<!tpu.dma_semaphore, #tpu.memory_space<semaphore_mem>>
    tpu.wait_indirect_dma semaphore(%dma_wait3A_201 : memref<!tpu.dma_semaphore, #tpu.memory_space<semaphore_mem>>) src(%dma_wait3A_199 : memref<10000x16xf32, #tpu.memory_space<hbm>>) dst(%dma_wait3A_193 : memref<125x16xf32, #tpu.memory_space<vmem>>)
    %dma_start3A_202 = arith.constant 2 : i32
    %dma_start3A_203 = arith.constant 74 : i32
    %dma_start3A_204 = arith.constant 2 : i32
    %dma_start3A_205 = arith.constant 0 : i32
    %dma_start3A_206 = arith.constant 0 : i32
    %dma_start3A_207 = tpu.memref_slice %arg8[%dma_start3A_202, %dma_start3A_205, %dma_start3A_206] : memref<8x125x16xf32, #tpu.memory_space<vmem>> -> memref<1x125x16xf32, #tpu.memory_space<vmem>>
    %dma_start3A_208 = tpu.memref_squeeze %dma_start3A_207 : memref<1x125x16xf32, #tpu.memory_space<vmem>> -> memref<125x16xf32, #tpu.memory_space<vmem>>
    %dma_start3A_209 = arith.constant 0 : i32
    %dma_start3A_210 = tpu.memref_slice %arg7[%dma_start3A_203, %dma_start3A_209] : memref<80x125xi32, #tpu.memory_space<vmem>> -> memref<1x125xi32, #tpu.memory_space<vmem>>
    %dma_start3A_211 = tpu.memref_squeeze %dma_start3A_210 : memref<1x125xi32, #tpu.memory_space<vmem>> -> memref<125xi32, #tpu.memory_space<vmem>>
    %dma_start3A_212 = arith.constant 0 : i32
    %dma_start3A_213 = arith.constant 0 : i32
    %dma_start3A_214 = tpu.memref_slice %arg9[%dma_start3A_212, %dma_start3A_213] : memref<10000x16xf32, #tpu.memory_space<vmem_shared>> -> memref<10000x16xf32, #tpu.memory_space<vmem_shared>>
    %dma_start3A_215 = tpu.memref_slice %arg11[%dma_start3A_204] : memref<8x!tpu.dma_semaphore, #tpu.memory_space<semaphore_mem>> -> memref<1x!tpu.dma_semaphore, #tpu.memory_space<semaphore_mem>>
    %dma_start3A_216 = tpu.memref_squeeze %dma_start3A_215 : memref<1x!tpu.dma_semaphore, #tpu.memory_space<semaphore_mem>> -> memref<!tpu.dma_semaphore, #tpu.memory_space<semaphore_mem>>
    tpu.enqueue_indirect_dma source(%dma_start3A_208 : memref<125x16xf32, #tpu.memory_space<vmem>>) target(%dma_start3A_214 : memref<10000x16xf32, #tpu.memory_space<vmem_shared>>) offsets(%dma_start3A_211 : memref<125xi32, #tpu.memory_space<vmem>>) semaphore(%dma_start3A_216 : memref<!tpu.dma_semaphore, #tpu.memory_space<semaphore_mem>>) {add = true}
    %dma_wait3A_217 = arith.constant 75 : i32
    %dma_wait3A_218 = arith.constant 3 : i32
    %dma_wait3A_219 = arith.constant 3 : i32
    %dma_wait3A_220 = arith.constant 0 : i32
    %dma_wait3A_221 = arith.constant 0 : i32
    %dma_wait3A_222 = tpu.memref_slice %arg8[%dma_wait3A_218, %dma_wait3A_220, %dma_wait3A_221] : memref<8x125x16xf32, #tpu.memory_space<vmem>> -> memref<1x125x16xf32, #tpu.memory_space<vmem>>
    %dma_wait3A_223 = tpu.memref_squeeze %dma_wait3A_222 : memref<1x125x16xf32, #tpu.memory_space<vmem>> -> memref<125x16xf32, #tpu.memory_space<vmem>>
    %dma_wait3A_224 = arith.constant 0 : i32
    %dma_wait3A_225 = tpu.memref_slice %arg6[%dma_wait3A_217, %dma_wait3A_224] : memref<80x125xi32, #tpu.memory_space<vmem>> -> memref<1x125xi32, #tpu.memory_space<vmem>>
    %dma_wait3A_226 = tpu.memref_squeeze %dma_wait3A_225 : memref<1x125xi32, #tpu.memory_space<vmem>> -> memref<125xi32, #tpu.memory_space<vmem>>
    %dma_wait3A_227 = arith.constant 0 : i32
    %dma_wait3A_228 = arith.constant 0 : i32
    %dma_wait3A_229 = tpu.memref_slice %arg2[%dma_wait3A_227, %dma_wait3A_228] : memref<10000x16xf32, #tpu.memory_space<hbm>> -> memref<10000x16xf32, #tpu.memory_space<hbm>>
    %dma_wait3A_230 = tpu.memref_slice %arg10[%dma_wait3A_219] : memref<8x!tpu.dma_semaphore, #tpu.memory_space<semaphore_mem>> -> memref<1x!tpu.dma_semaphore, #tpu.memory_space<semaphore_mem>>
    %dma_wait3A_231 = tpu.memref_squeeze %dma_wait3A_230 : memref<1x!tpu.dma_semaphore, #tpu.memory_space<semaphore_mem>> -> memref<!tpu.dma_semaphore, #tpu.memory_space<semaphore_mem>>
    tpu.wait_indirect_dma semaphore(%dma_wait3A_231 : memref<!tpu.dma_semaphore, #tpu.memory_space<semaphore_mem>>) src(%dma_wait3A_229 : memref<10000x16xf32, #tpu.memory_space<hbm>>) dst(%dma_wait3A_223 : memref<125x16xf32, #tpu.memory_space<vmem>>)
    %dma_start3A_232 = arith.constant 3 : i32
    %dma_start3A_233 = arith.constant 75 : i32
    %dma_start3A_234 = arith.constant 3 : i32
    %dma_start3A_235 = arith.constant 0 : i32
    %dma_start3A_236 = arith.constant 0 : i32
    %dma_start3A_237 = tpu.memref_slice %arg8[%dma_start3A_232, %dma_start3A_235, %dma_start3A_236] : memref<8x125x16xf32, #tpu.memory_space<vmem>> -> memref<1x125x16xf32, #tpu.memory_space<vmem>>
    %dma_start3A_238 = tpu.memref_squeeze %dma_start3A_237 : memref<1x125x16xf32, #tpu.memory_space<vmem>> -> memref<125x16xf32, #tpu.memory_space<vmem>>
    %dma_start3A_239 = arith.constant 0 : i32
    %dma_start3A_240 = tpu.memref_slice %arg7[%dma_start3A_233, %dma_start3A_239] : memref<80x125xi32, #tpu.memory_space<vmem>> -> memref<1x125xi32, #tpu.memory_space<vmem>>
    %dma_start3A_241 = tpu.memref_squeeze %dma_start3A_240 : memref<1x125xi32, #tpu.memory_space<vmem>> -> memref<125xi32, #tpu.memory_space<vmem>>
    %dma_start3A_242 = arith.constant 0 : i32
    %dma_start3A_243 = arith.constant 0 : i32
    %dma_start3A_244 = tpu.memref_slice %arg9[%dma_start3A_242, %dma_start3A_243] : memref<10000x16xf32, #tpu.memory_space<vmem_shared>> -> memref<10000x16xf32, #tpu.memory_space<vmem_shared>>
    %dma_start3A_245 = tpu.memref_slice %arg11[%dma_start3A_234] : memref<8x!tpu.dma_semaphore, #tpu.memory_space<semaphore_mem>> -> memref<1x!tpu.dma_semaphore, #tpu.memory_space<semaphore_mem>>
    %dma_start3A_246 = tpu.memref_squeeze %dma_start3A_245 : memref<1x!tpu.dma_semaphore, #tpu.memory_space<semaphore_mem>> -> memref<!tpu.dma_semaphore, #tpu.memory_space<semaphore_mem>>
    tpu.enqueue_indirect_dma source(%dma_start3A_238 : memref<125x16xf32, #tpu.memory_space<vmem>>) target(%dma_start3A_244 : memref<10000x16xf32, #tpu.memory_space<vmem_shared>>) offsets(%dma_start3A_241 : memref<125xi32, #tpu.memory_space<vmem>>) semaphore(%dma_start3A_246 : memref<!tpu.dma_semaphore, #tpu.memory_space<semaphore_mem>>) {add = true}
    %dma_wait3A_247 = arith.constant 76 : i32
    %dma_wait3A_248 = arith.constant 4 : i32
    %dma_wait3A_249 = arith.constant 4 : i32
    %dma_wait3A_250 = arith.constant 0 : i32
    %dma_wait3A_251 = arith.constant 0 : i32
    %dma_wait3A_252 = tpu.memref_slice %arg8[%dma_wait3A_248, %dma_wait3A_250, %dma_wait3A_251] : memref<8x125x16xf32, #tpu.memory_space<vmem>> -> memref<1x125x16xf32, #tpu.memory_space<vmem>>
    %dma_wait3A_253 = tpu.memref_squeeze %dma_wait3A_252 : memref<1x125x16xf32, #tpu.memory_space<vmem>> -> memref<125x16xf32, #tpu.memory_space<vmem>>
    %dma_wait3A_254 = arith.constant 0 : i32
    %dma_wait3A_255 = tpu.memref_slice %arg6[%dma_wait3A_247, %dma_wait3A_254] : memref<80x125xi32, #tpu.memory_space<vmem>> -> memref<1x125xi32, #tpu.memory_space<vmem>>
    %dma_wait3A_256 = tpu.memref_squeeze %dma_wait3A_255 : memref<1x125xi32, #tpu.memory_space<vmem>> -> memref<125xi32, #tpu.memory_space<vmem>>
    %dma_wait3A_257 = arith.constant 0 : i32
    %dma_wait3A_258 = arith.constant 0 : i32
    %dma_wait3A_259 = tpu.memref_slice %arg2[%dma_wait3A_257, %dma_wait3A_258] : memref<10000x16xf32, #tpu.memory_space<hbm>> -> memref<10000x16xf32, #tpu.memory_space<hbm>>
    %dma_wait3A_260 = tpu.memref_slice %arg10[%dma_wait3A_249] : memref<8x!tpu.dma_semaphore, #tpu.memory_space<semaphore_mem>> -> memref<1x!tpu.dma_semaphore, #tpu.memory_space<semaphore_mem>>
    %dma_wait3A_261 = tpu.memref_squeeze %dma_wait3A_260 : memref<1x!tpu.dma_semaphore, #tpu.memory_space<semaphore_mem>> -> memref<!tpu.dma_semaphore, #tpu.memory_space<semaphore_mem>>
    tpu.wait_indirect_dma semaphore(%dma_wait3A_261 : memref<!tpu.dma_semaphore, #tpu.memory_space<semaphore_mem>>) src(%dma_wait3A_259 : memref<10000x16xf32, #tpu.memory_space<hbm>>) dst(%dma_wait3A_253 : memref<125x16xf32, #tpu.memory_space<vmem>>)
    %dma_start3A_262 = arith.constant 4 : i32
    %dma_start3A_263 = arith.constant 76 : i32
    %dma_start3A_264 = arith.constant 4 : i32
    %dma_start3A_265 = arith.constant 0 : i32
    %dma_start3A_266 = arith.constant 0 : i32
    %dma_start3A_267 = tpu.memref_slice %arg8[%dma_start3A_262, %dma_start3A_265, %dma_start3A_266] : memref<8x125x16xf32, #tpu.memory_space<vmem>> -> memref<1x125x16xf32, #tpu.memory_space<vmem>>
    %dma_start3A_268 = tpu.memref_squeeze %dma_start3A_267 : memref<1x125x16xf32, #tpu.memory_space<vmem>> -> memref<125x16xf32, #tpu.memory_space<vmem>>
    %dma_start3A_269 = arith.constant 0 : i32
    %dma_start3A_270 = tpu.memref_slice %arg7[%dma_start3A_263, %dma_start3A_269] : memref<80x125xi32, #tpu.memory_space<vmem>> -> memref<1x125xi32, #tpu.memory_space<vmem>>
    %dma_start3A_271 = tpu.memref_squeeze %dma_start3A_270 : memref<1x125xi32, #tpu.memory_space<vmem>> -> memref<125xi32, #tpu.memory_space<vmem>>
    %dma_start3A_272 = arith.constant 0 : i32
    %dma_start3A_273 = arith.constant 0 : i32
    %dma_start3A_274 = tpu.memref_slice %arg9[%dma_start3A_272, %dma_start3A_273] : memref<10000x16xf32, #tpu.memory_space<vmem_shared>> -> memref<10000x16xf32, #tpu.memory_space<vmem_shared>>
    %dma_start3A_275 = tpu.memref_slice %arg11[%dma_start3A_264] : memref<8x!tpu.dma_semaphore, #tpu.memory_space<semaphore_mem>> -> memref<1x!tpu.dma_semaphore, #tpu.memory_space<semaphore_mem>>
    %dma_start3A_276 = tpu.memref_squeeze %dma_start3A_275 : memref<1x!tpu.dma_semaphore, #tpu.memory_space<semaphore_mem>> -> memref<!tpu.dma_semaphore, #tpu.memory_space<semaphore_mem>>
    tpu.enqueue_indirect_dma source(%dma_start3A_268 : memref<125x16xf32, #tpu.memory_space<vmem>>) target(%dma_start3A_274 : memref<10000x16xf32, #tpu.memory_space<vmem_shared>>) offsets(%dma_start3A_271 : memref<125xi32, #tpu.memory_space<vmem>>) semaphore(%dma_start3A_276 : memref<!tpu.dma_semaphore, #tpu.memory_space<semaphore_mem>>) {add = true}
    %dma_wait3A_277 = arith.constant 77 : i32
    %dma_wait3A_278 = arith.constant 5 : i32
    %dma_wait3A_279 = arith.constant 5 : i32
    %dma_wait3A_280 = arith.constant 0 : i32
    %dma_wait3A_281 = arith.constant 0 : i32
    %dma_wait3A_282 = tpu.memref_slice %arg8[%dma_wait3A_278, %dma_wait3A_280, %dma_wait3A_281] : memref<8x125x16xf32, #tpu.memory_space<vmem>> -> memref<1x125x16xf32, #tpu.memory_space<vmem>>
    %dma_wait3A_283 = tpu.memref_squeeze %dma_wait3A_282 : memref<1x125x16xf32, #tpu.memory_space<vmem>> -> memref<125x16xf32, #tpu.memory_space<vmem>>
    %dma_wait3A_284 = arith.constant 0 : i32
    %dma_wait3A_285 = tpu.memref_slice %arg6[%dma_wait3A_277, %dma_wait3A_284] : memref<80x125xi32, #tpu.memory_space<vmem>> -> memref<1x125xi32, #tpu.memory_space<vmem>>
    %dma_wait3A_286 = tpu.memref_squeeze %dma_wait3A_285 : memref<1x125xi32, #tpu.memory_space<vmem>> -> memref<125xi32, #tpu.memory_space<vmem>>
    %dma_wait3A_287 = arith.constant 0 : i32
    %dma_wait3A_288 = arith.constant 0 : i32
    %dma_wait3A_289 = tpu.memref_slice %arg2[%dma_wait3A_287, %dma_wait3A_288] : memref<10000x16xf32, #tpu.memory_space<hbm>> -> memref<10000x16xf32, #tpu.memory_space<hbm>>
    %dma_wait3A_290 = tpu.memref_slice %arg10[%dma_wait3A_279] : memref<8x!tpu.dma_semaphore, #tpu.memory_space<semaphore_mem>> -> memref<1x!tpu.dma_semaphore, #tpu.memory_space<semaphore_mem>>
    %dma_wait3A_291 = tpu.memref_squeeze %dma_wait3A_290 : memref<1x!tpu.dma_semaphore, #tpu.memory_space<semaphore_mem>> -> memref<!tpu.dma_semaphore, #tpu.memory_space<semaphore_mem>>
    tpu.wait_indirect_dma semaphore(%dma_wait3A_291 : memref<!tpu.dma_semaphore, #tpu.memory_space<semaphore_mem>>) src(%dma_wait3A_289 : memref<10000x16xf32, #tpu.memory_space<hbm>>) dst(%dma_wait3A_283 : memref<125x16xf32, #tpu.memory_space<vmem>>)
    %dma_start3A_292 = arith.constant 5 : i32
    %dma_start3A_293 = arith.constant 77 : i32
    %dma_start3A_294 = arith.constant 5 : i32
    %dma_start3A_295 = arith.constant 0 : i32
    %dma_start3A_296 = arith.constant 0 : i32
    %dma_start3A_297 = tpu.memref_slice %arg8[%dma_start3A_292, %dma_start3A_295, %dma_start3A_296] : memref<8x125x16xf32, #tpu.memory_space<vmem>> -> memref<1x125x16xf32, #tpu.memory_space<vmem>>
    %dma_start3A_298 = tpu.memref_squeeze %dma_start3A_297 : memref<1x125x16xf32, #tpu.memory_space<vmem>> -> memref<125x16xf32, #tpu.memory_space<vmem>>
    %dma_start3A_299 = arith.constant 0 : i32
    %dma_start3A_300 = tpu.memref_slice %arg7[%dma_start3A_293, %dma_start3A_299] : memref<80x125xi32, #tpu.memory_space<vmem>> -> memref<1x125xi32, #tpu.memory_space<vmem>>
    %dma_start3A_301 = tpu.memref_squeeze %dma_start3A_300 : memref<1x125xi32, #tpu.memory_space<vmem>> -> memref<125xi32, #tpu.memory_space<vmem>>
    %dma_start3A_302 = arith.constant 0 : i32
    %dma_start3A_303 = arith.constant 0 : i32
    %dma_start3A_304 = tpu.memref_slice %arg9[%dma_start3A_302, %dma_start3A_303] : memref<10000x16xf32, #tpu.memory_space<vmem_shared>> -> memref<10000x16xf32, #tpu.memory_space<vmem_shared>>
    %dma_start3A_305 = tpu.memref_slice %arg11[%dma_start3A_294] : memref<8x!tpu.dma_semaphore, #tpu.memory_space<semaphore_mem>> -> memref<1x!tpu.dma_semaphore, #tpu.memory_space<semaphore_mem>>
    %dma_start3A_306 = tpu.memref_squeeze %dma_start3A_305 : memref<1x!tpu.dma_semaphore, #tpu.memory_space<semaphore_mem>> -> memref<!tpu.dma_semaphore, #tpu.memory_space<semaphore_mem>>
    tpu.enqueue_indirect_dma source(%dma_start3A_298 : memref<125x16xf32, #tpu.memory_space<vmem>>) target(%dma_start3A_304 : memref<10000x16xf32, #tpu.memory_space<vmem_shared>>) offsets(%dma_start3A_301 : memref<125xi32, #tpu.memory_space<vmem>>) semaphore(%dma_start3A_306 : memref<!tpu.dma_semaphore, #tpu.memory_space<semaphore_mem>>) {add = true}
    %dma_wait3A_307 = arith.constant 78 : i32
    %dma_wait3A_308 = arith.constant 6 : i32
    %dma_wait3A_309 = arith.constant 6 : i32
    %dma_wait3A_310 = arith.constant 0 : i32
    %dma_wait3A_311 = arith.constant 0 : i32
    %dma_wait3A_312 = tpu.memref_slice %arg8[%dma_wait3A_308, %dma_wait3A_310, %dma_wait3A_311] : memref<8x125x16xf32, #tpu.memory_space<vmem>> -> memref<1x125x16xf32, #tpu.memory_space<vmem>>
    %dma_wait3A_313 = tpu.memref_squeeze %dma_wait3A_312 : memref<1x125x16xf32, #tpu.memory_space<vmem>> -> memref<125x16xf32, #tpu.memory_space<vmem>>
    %dma_wait3A_314 = arith.constant 0 : i32
    %dma_wait3A_315 = tpu.memref_slice %arg6[%dma_wait3A_307, %dma_wait3A_314] : memref<80x125xi32, #tpu.memory_space<vmem>> -> memref<1x125xi32, #tpu.memory_space<vmem>>
    %dma_wait3A_316 = tpu.memref_squeeze %dma_wait3A_315 : memref<1x125xi32, #tpu.memory_space<vmem>> -> memref<125xi32, #tpu.memory_space<vmem>>
    %dma_wait3A_317 = arith.constant 0 : i32
    %dma_wait3A_318 = arith.constant 0 : i32
    %dma_wait3A_319 = tpu.memref_slice %arg2[%dma_wait3A_317, %dma_wait3A_318] : memref<10000x16xf32, #tpu.memory_space<hbm>> -> memref<10000x16xf32, #tpu.memory_space<hbm>>
    %dma_wait3A_320 = tpu.memref_slice %arg10[%dma_wait3A_309] : memref<8x!tpu.dma_semaphore, #tpu.memory_space<semaphore_mem>> -> memref<1x!tpu.dma_semaphore, #tpu.memory_space<semaphore_mem>>
    %dma_wait3A_321 = tpu.memref_squeeze %dma_wait3A_320 : memref<1x!tpu.dma_semaphore, #tpu.memory_space<semaphore_mem>> -> memref<!tpu.dma_semaphore, #tpu.memory_space<semaphore_mem>>
    tpu.wait_indirect_dma semaphore(%dma_wait3A_321 : memref<!tpu.dma_semaphore, #tpu.memory_space<semaphore_mem>>) src(%dma_wait3A_319 : memref<10000x16xf32, #tpu.memory_space<hbm>>) dst(%dma_wait3A_313 : memref<125x16xf32, #tpu.memory_space<vmem>>)
    %dma_start3A_322 = arith.constant 6 : i32
    %dma_start3A_323 = arith.constant 78 : i32
    %dma_start3A_324 = arith.constant 6 : i32
    %dma_start3A_325 = arith.constant 0 : i32
    %dma_start3A_326 = arith.constant 0 : i32
    %dma_start3A_327 = tpu.memref_slice %arg8[%dma_start3A_322, %dma_start3A_325, %dma_start3A_326] : memref<8x125x16xf32, #tpu.memory_space<vmem>> -> memref<1x125x16xf32, #tpu.memory_space<vmem>>
    %dma_start3A_328 = tpu.memref_squeeze %dma_start3A_327 : memref<1x125x16xf32, #tpu.memory_space<vmem>> -> memref<125x16xf32, #tpu.memory_space<vmem>>
    %dma_start3A_329 = arith.constant 0 : i32
    %dma_start3A_330 = tpu.memref_slice %arg7[%dma_start3A_323, %dma_start3A_329] : memref<80x125xi32, #tpu.memory_space<vmem>> -> memref<1x125xi32, #tpu.memory_space<vmem>>
    %dma_start3A_331 = tpu.memref_squeeze %dma_start3A_330 : memref<1x125xi32, #tpu.memory_space<vmem>> -> memref<125xi32, #tpu.memory_space<vmem>>
    %dma_start3A_332 = arith.constant 0 : i32
    %dma_start3A_333 = arith.constant 0 : i32
    %dma_start3A_334 = tpu.memref_slice %arg9[%dma_start3A_332, %dma_start3A_333] : memref<10000x16xf32, #tpu.memory_space<vmem_shared>> -> memref<10000x16xf32, #tpu.memory_space<vmem_shared>>
    %dma_start3A_335 = tpu.memref_slice %arg11[%dma_start3A_324] : memref<8x!tpu.dma_semaphore, #tpu.memory_space<semaphore_mem>> -> memref<1x!tpu.dma_semaphore, #tpu.memory_space<semaphore_mem>>
    %dma_start3A_336 = tpu.memref_squeeze %dma_start3A_335 : memref<1x!tpu.dma_semaphore, #tpu.memory_space<semaphore_mem>> -> memref<!tpu.dma_semaphore, #tpu.memory_space<semaphore_mem>>
    tpu.enqueue_indirect_dma source(%dma_start3A_328 : memref<125x16xf32, #tpu.memory_space<vmem>>) target(%dma_start3A_334 : memref<10000x16xf32, #tpu.memory_space<vmem_shared>>) offsets(%dma_start3A_331 : memref<125xi32, #tpu.memory_space<vmem>>) semaphore(%dma_start3A_336 : memref<!tpu.dma_semaphore, #tpu.memory_space<semaphore_mem>>) {add = true}
    %dma_wait3A_337 = arith.constant 79 : i32
    %dma_wait3A_338 = arith.constant 7 : i32
    %dma_wait3A_339 = arith.constant 7 : i32
    %dma_wait3A_340 = arith.constant 0 : i32
    %dma_wait3A_341 = arith.constant 0 : i32
    %dma_wait3A_342 = tpu.memref_slice %arg8[%dma_wait3A_338, %dma_wait3A_340, %dma_wait3A_341] : memref<8x125x16xf32, #tpu.memory_space<vmem>> -> memref<1x125x16xf32, #tpu.memory_space<vmem>>
    %dma_wait3A_343 = tpu.memref_squeeze %dma_wait3A_342 : memref<1x125x16xf32, #tpu.memory_space<vmem>> -> memref<125x16xf32, #tpu.memory_space<vmem>>
    %dma_wait3A_344 = arith.constant 0 : i32
    %dma_wait3A_345 = tpu.memref_slice %arg6[%dma_wait3A_337, %dma_wait3A_344] : memref<80x125xi32, #tpu.memory_space<vmem>> -> memref<1x125xi32, #tpu.memory_space<vmem>>
    %dma_wait3A_346 = tpu.memref_squeeze %dma_wait3A_345 : memref<1x125xi32, #tpu.memory_space<vmem>> -> memref<125xi32, #tpu.memory_space<vmem>>
    %dma_wait3A_347 = arith.constant 0 : i32
    %dma_wait3A_348 = arith.constant 0 : i32
    %dma_wait3A_349 = tpu.memref_slice %arg2[%dma_wait3A_347, %dma_wait3A_348] : memref<10000x16xf32, #tpu.memory_space<hbm>> -> memref<10000x16xf32, #tpu.memory_space<hbm>>
    %dma_wait3A_350 = tpu.memref_slice %arg10[%dma_wait3A_339] : memref<8x!tpu.dma_semaphore, #tpu.memory_space<semaphore_mem>> -> memref<1x!tpu.dma_semaphore, #tpu.memory_space<semaphore_mem>>
    %dma_wait3A_351 = tpu.memref_squeeze %dma_wait3A_350 : memref<1x!tpu.dma_semaphore, #tpu.memory_space<semaphore_mem>> -> memref<!tpu.dma_semaphore, #tpu.memory_space<semaphore_mem>>
    tpu.wait_indirect_dma semaphore(%dma_wait3A_351 : memref<!tpu.dma_semaphore, #tpu.memory_space<semaphore_mem>>) src(%dma_wait3A_349 : memref<10000x16xf32, #tpu.memory_space<hbm>>) dst(%dma_wait3A_343 : memref<125x16xf32, #tpu.memory_space<vmem>>)
    %dma_start3A_352 = arith.constant 7 : i32
    %dma_start3A_353 = arith.constant 79 : i32
    %dma_start3A_354 = arith.constant 7 : i32
    %dma_start3A_355 = arith.constant 0 : i32
    %dma_start3A_356 = arith.constant 0 : i32
    %dma_start3A_357 = tpu.memref_slice %arg8[%dma_start3A_352, %dma_start3A_355, %dma_start3A_356] : memref<8x125x16xf32, #tpu.memory_space<vmem>> -> memref<1x125x16xf32, #tpu.memory_space<vmem>>
    %dma_start3A_358 = tpu.memref_squeeze %dma_start3A_357 : memref<1x125x16xf32, #tpu.memory_space<vmem>> -> memref<125x16xf32, #tpu.memory_space<vmem>>
    %dma_start3A_359 = arith.constant 0 : i32
    %dma_start3A_360 = tpu.memref_slice %arg7[%dma_start3A_353, %dma_start3A_359] : memref<80x125xi32, #tpu.memory_space<vmem>> -> memref<1x125xi32, #tpu.memory_space<vmem>>
    %dma_start3A_361 = tpu.memref_squeeze %dma_start3A_360 : memref<1x125xi32, #tpu.memory_space<vmem>> -> memref<125xi32, #tpu.memory_space<vmem>>
    %dma_start3A_362 = arith.constant 0 : i32
    %dma_start3A_363 = arith.constant 0 : i32
    %dma_start3A_364 = tpu.memref_slice %arg9[%dma_start3A_362, %dma_start3A_363] : memref<10000x16xf32, #tpu.memory_space<vmem_shared>> -> memref<10000x16xf32, #tpu.memory_space<vmem_shared>>
    %dma_start3A_365 = tpu.memref_slice %arg11[%dma_start3A_354] : memref<8x!tpu.dma_semaphore, #tpu.memory_space<semaphore_mem>> -> memref<1x!tpu.dma_semaphore, #tpu.memory_space<semaphore_mem>>
    %dma_start3A_366 = tpu.memref_squeeze %dma_start3A_365 : memref<1x!tpu.dma_semaphore, #tpu.memory_space<semaphore_mem>> -> memref<!tpu.dma_semaphore, #tpu.memory_space<semaphore_mem>>
    tpu.enqueue_indirect_dma source(%dma_start3A_358 : memref<125x16xf32, #tpu.memory_space<vmem>>) target(%dma_start3A_364 : memref<10000x16xf32, #tpu.memory_space<vmem_shared>>) offsets(%dma_start3A_361 : memref<125xi32, #tpu.memory_space<vmem>>) semaphore(%dma_start3A_366 : memref<!tpu.dma_semaphore, #tpu.memory_space<semaphore_mem>>) {add = true}
    %dma_wait3A_367 = arith.constant 0 : i32
    %dma_wait3A_368 = arith.constant 72 : i32
    %dma_wait3A_369 = arith.constant 0 : i32
    %dma_wait3A_370 = arith.constant 0 : i32
    %dma_wait3A_371 = arith.constant 0 : i32
    %dma_wait3A_372 = tpu.memref_slice %arg8[%dma_wait3A_367, %dma_wait3A_370, %dma_wait3A_371] : memref<8x125x16xf32, #tpu.memory_space<vmem>> -> memref<1x125x16xf32, #tpu.memory_space<vmem>>
    %dma_wait3A_373 = tpu.memref_squeeze %dma_wait3A_372 : memref<1x125x16xf32, #tpu.memory_space<vmem>> -> memref<125x16xf32, #tpu.memory_space<vmem>>
    %dma_wait3A_374 = arith.constant 0 : i32
    %dma_wait3A_375 = tpu.memref_slice %arg7[%dma_wait3A_368, %dma_wait3A_374] : memref<80x125xi32, #tpu.memory_space<vmem>> -> memref<1x125xi32, #tpu.memory_space<vmem>>
    %dma_wait3A_376 = tpu.memref_squeeze %dma_wait3A_375 : memref<1x125xi32, #tpu.memory_space<vmem>> -> memref<125xi32, #tpu.memory_space<vmem>>
    %dma_wait3A_377 = arith.constant 0 : i32
    %dma_wait3A_378 = arith.constant 0 : i32
    %dma_wait3A_379 = tpu.memref_slice %arg9[%dma_wait3A_377, %dma_wait3A_378] : memref<10000x16xf32, #tpu.memory_space<vmem_shared>> -> memref<10000x16xf32, #tpu.memory_space<vmem_shared>>
    %dma_wait3A_380 = tpu.memref_slice %arg11[%dma_wait3A_369] : memref<8x!tpu.dma_semaphore, #tpu.memory_space<semaphore_mem>> -> memref<1x!tpu.dma_semaphore, #tpu.memory_space<semaphore_mem>>
    %dma_wait3A_381 = tpu.memref_squeeze %dma_wait3A_380 : memref<1x!tpu.dma_semaphore, #tpu.memory_space<semaphore_mem>> -> memref<!tpu.dma_semaphore, #tpu.memory_space<semaphore_mem>>
    tpu.wait_indirect_dma semaphore(%dma_wait3A_381 : memref<!tpu.dma_semaphore, #tpu.memory_space<semaphore_mem>>) src(%dma_wait3A_373 : memref<125x16xf32, #tpu.memory_space<vmem>>) dst(%dma_wait3A_379 : memref<10000x16xf32, #tpu.memory_space<vmem_shared>>)
    %dma_wait3A_382 = arith.constant 1 : i32
    %dma_wait3A_383 = arith.constant 73 : i32
    %dma_wait3A_384 = arith.constant 1 : i32
    %dma_wait3A_385 = arith.constant 0 : i32
    %dma_wait3A_386 = arith.constant 0 : i32
    %dma_wait3A_387 = tpu.memref_slice %arg8[%dma_wait3A_382, %dma_wait3A_385, %dma_wait3A_386] : memref<8x125x16xf32, #tpu.memory_space<vmem>> -> memref<1x125x16xf32, #tpu.memory_space<vmem>>
    %dma_wait3A_388 = tpu.memref_squeeze %dma_wait3A_387 : memref<1x125x16xf32, #tpu.memory_space<vmem>> -> memref<125x16xf32, #tpu.memory_space<vmem>>
    %dma_wait3A_389 = arith.constant 0 : i32
    %dma_wait3A_390 = tpu.memref_slice %arg7[%dma_wait3A_383, %dma_wait3A_389] : memref<80x125xi32, #tpu.memory_space<vmem>> -> memref<1x125xi32, #tpu.memory_space<vmem>>
    %dma_wait3A_391 = tpu.memref_squeeze %dma_wait3A_390 : memref<1x125xi32, #tpu.memory_space<vmem>> -> memref<125xi32, #tpu.memory_space<vmem>>
    %dma_wait3A_392 = arith.constant 0 : i32
    %dma_wait3A_393 = arith.constant 0 : i32
    %dma_wait3A_394 = tpu.memref_slice %arg9[%dma_wait3A_392, %dma_wait3A_393] : memref<10000x16xf32, #tpu.memory_space<vmem_shared>> -> memref<10000x16xf32, #tpu.memory_space<vmem_shared>>
    %dma_wait3A_395 = tpu.memref_slice %arg11[%dma_wait3A_384] : memref<8x!tpu.dma_semaphore, #tpu.memory_space<semaphore_mem>> -> memref<1x!tpu.dma_semaphore, #tpu.memory_space<semaphore_mem>>
    %dma_wait3A_396 = tpu.memref_squeeze %dma_wait3A_395 : memref<1x!tpu.dma_semaphore, #tpu.memory_space<semaphore_mem>> -> memref<!tpu.dma_semaphore, #tpu.memory_space<semaphore_mem>>
    tpu.wait_indirect_dma semaphore(%dma_wait3A_396 : memref<!tpu.dma_semaphore, #tpu.memory_space<semaphore_mem>>) src(%dma_wait3A_388 : memref<125x16xf32, #tpu.memory_space<vmem>>) dst(%dma_wait3A_394 : memref<10000x16xf32, #tpu.memory_space<vmem_shared>>)
    %dma_wait3A_397 = arith.constant 2 : i32
    %dma_wait3A_398 = arith.constant 74 : i32
    %dma_wait3A_399 = arith.constant 2 : i32
    %dma_wait3A_400 = arith.constant 0 : i32
    %dma_wait3A_401 = arith.constant 0 : i32
    %dma_wait3A_402 = tpu.memref_slice %arg8[%dma_wait3A_397, %dma_wait3A_400, %dma_wait3A_401] : memref<8x125x16xf32, #tpu.memory_space<vmem>> -> memref<1x125x16xf32, #tpu.memory_space<vmem>>
    %dma_wait3A_403 = tpu.memref_squeeze %dma_wait3A_402 : memref<1x125x16xf32, #tpu.memory_space<vmem>> -> memref<125x16xf32, #tpu.memory_space<vmem>>
    %dma_wait3A_404 = arith.constant 0 : i32
    %dma_wait3A_405 = tpu.memref_slice %arg7[%dma_wait3A_398, %dma_wait3A_404] : memref<80x125xi32, #tpu.memory_space<vmem>> -> memref<1x125xi32, #tpu.memory_space<vmem>>
    %dma_wait3A_406 = tpu.memref_squeeze %dma_wait3A_405 : memref<1x125xi32, #tpu.memory_space<vmem>> -> memref<125xi32, #tpu.memory_space<vmem>>
    %dma_wait3A_407 = arith.constant 0 : i32
    %dma_wait3A_408 = arith.constant 0 : i32
    %dma_wait3A_409 = tpu.memref_slice %arg9[%dma_wait3A_407, %dma_wait3A_408] : memref<10000x16xf32, #tpu.memory_space<vmem_shared>> -> memref<10000x16xf32, #tpu.memory_space<vmem_shared>>
    %dma_wait3A_410 = tpu.memref_slice %arg11[%dma_wait3A_399] : memref<8x!tpu.dma_semaphore, #tpu.memory_space<semaphore_mem>> -> memref<1x!tpu.dma_semaphore, #tpu.memory_space<semaphore_mem>>
    %dma_wait3A_411 = tpu.memref_squeeze %dma_wait3A_410 : memref<1x!tpu.dma_semaphore, #tpu.memory_space<semaphore_mem>> -> memref<!tpu.dma_semaphore, #tpu.memory_space<semaphore_mem>>
    tpu.wait_indirect_dma semaphore(%dma_wait3A_411 : memref<!tpu.dma_semaphore, #tpu.memory_space<semaphore_mem>>) src(%dma_wait3A_403 : memref<125x16xf32, #tpu.memory_space<vmem>>) dst(%dma_wait3A_409 : memref<10000x16xf32, #tpu.memory_space<vmem_shared>>)
    %dma_wait3A_412 = arith.constant 3 : i32
    %dma_wait3A_413 = arith.constant 75 : i32
    %dma_wait3A_414 = arith.constant 3 : i32
    %dma_wait3A_415 = arith.constant 0 : i32
    %dma_wait3A_416 = arith.constant 0 : i32
    %dma_wait3A_417 = tpu.memref_slice %arg8[%dma_wait3A_412, %dma_wait3A_415, %dma_wait3A_416] : memref<8x125x16xf32, #tpu.memory_space<vmem>> -> memref<1x125x16xf32, #tpu.memory_space<vmem>>
    %dma_wait3A_418 = tpu.memref_squeeze %dma_wait3A_417 : memref<1x125x16xf32, #tpu.memory_space<vmem>> -> memref<125x16xf32, #tpu.memory_space<vmem>>
    %dma_wait3A_419 = arith.constant 0 : i32
    %dma_wait3A_420 = tpu.memref_slice %arg7[%dma_wait3A_413, %dma_wait3A_419] : memref<80x125xi32, #tpu.memory_space<vmem>> -> memref<1x125xi32, #tpu.memory_space<vmem>>
    %dma_wait3A_421 = tpu.memref_squeeze %dma_wait3A_420 : memref<1x125xi32, #tpu.memory_space<vmem>> -> memref<125xi32, #tpu.memory_space<vmem>>
    %dma_wait3A_422 = arith.constant 0 : i32
    %dma_wait3A_423 = arith.constant 0 : i32
    %dma_wait3A_424 = tpu.memref_slice %arg9[%dma_wait3A_422, %dma_wait3A_423] : memref<10000x16xf32, #tpu.memory_space<vmem_shared>> -> memref<10000x16xf32, #tpu.memory_space<vmem_shared>>
    %dma_wait3A_425 = tpu.memref_slice %arg11[%dma_wait3A_414] : memref<8x!tpu.dma_semaphore, #tpu.memory_space<semaphore_mem>> -> memref<1x!tpu.dma_semaphore, #tpu.memory_space<semaphore_mem>>
    %dma_wait3A_426 = tpu.memref_squeeze %dma_wait3A_425 : memref<1x!tpu.dma_semaphore, #tpu.memory_space<semaphore_mem>> -> memref<!tpu.dma_semaphore, #tpu.memory_space<semaphore_mem>>
    tpu.wait_indirect_dma semaphore(%dma_wait3A_426 : memref<!tpu.dma_semaphore, #tpu.memory_space<semaphore_mem>>) src(%dma_wait3A_418 : memref<125x16xf32, #tpu.memory_space<vmem>>) dst(%dma_wait3A_424 : memref<10000x16xf32, #tpu.memory_space<vmem_shared>>)
    %dma_wait3A_427 = arith.constant 4 : i32
    %dma_wait3A_428 = arith.constant 76 : i32
    %dma_wait3A_429 = arith.constant 4 : i32
    %dma_wait3A_430 = arith.constant 0 : i32
    %dma_wait3A_431 = arith.constant 0 : i32
    %dma_wait3A_432 = tpu.memref_slice %arg8[%dma_wait3A_427, %dma_wait3A_430, %dma_wait3A_431] : memref<8x125x16xf32, #tpu.memory_space<vmem>> -> memref<1x125x16xf32, #tpu.memory_space<vmem>>
    %dma_wait3A_433 = tpu.memref_squeeze %dma_wait3A_432 : memref<1x125x16xf32, #tpu.memory_space<vmem>> -> memref<125x16xf32, #tpu.memory_space<vmem>>
    %dma_wait3A_434 = arith.constant 0 : i32
    %dma_wait3A_435 = tpu.memref_slice %arg7[%dma_wait3A_428, %dma_wait3A_434] : memref<80x125xi32, #tpu.memory_space<vmem>> -> memref<1x125xi32, #tpu.memory_space<vmem>>
    %dma_wait3A_436 = tpu.memref_squeeze %dma_wait3A_435 : memref<1x125xi32, #tpu.memory_space<vmem>> -> memref<125xi32, #tpu.memory_space<vmem>>
    %dma_wait3A_437 = arith.constant 0 : i32
    %dma_wait3A_438 = arith.constant 0 : i32
    %dma_wait3A_439 = tpu.memref_slice %arg9[%dma_wait3A_437, %dma_wait3A_438] : memref<10000x16xf32, #tpu.memory_space<vmem_shared>> -> memref<10000x16xf32, #tpu.memory_space<vmem_shared>>
    %dma_wait3A_440 = tpu.memref_slice %arg11[%dma_wait3A_429] : memref<8x!tpu.dma_semaphore, #tpu.memory_space<semaphore_mem>> -> memref<1x!tpu.dma_semaphore, #tpu.memory_space<semaphore_mem>>
    %dma_wait3A_441 = tpu.memref_squeeze %dma_wait3A_440 : memref<1x!tpu.dma_semaphore, #tpu.memory_space<semaphore_mem>> -> memref<!tpu.dma_semaphore, #tpu.memory_space<semaphore_mem>>
    tpu.wait_indirect_dma semaphore(%dma_wait3A_441 : memref<!tpu.dma_semaphore, #tpu.memory_space<semaphore_mem>>) src(%dma_wait3A_433 : memref<125x16xf32, #tpu.memory_space<vmem>>) dst(%dma_wait3A_439 : memref<10000x16xf32, #tpu.memory_space<vmem_shared>>)
    %dma_wait3A_442 = arith.constant 5 : i32
    %dma_wait3A_443 = arith.constant 77 : i32
    %dma_wait3A_444 = arith.constant 5 : i32
    %dma_wait3A_445 = arith.constant 0 : i32
    %dma_wait3A_446 = arith.constant 0 : i32
    %dma_wait3A_447 = tpu.memref_slice %arg8[%dma_wait3A_442, %dma_wait3A_445, %dma_wait3A_446] : memref<8x125x16xf32, #tpu.memory_space<vmem>> -> memref<1x125x16xf32, #tpu.memory_space<vmem>>
    %dma_wait3A_448 = tpu.memref_squeeze %dma_wait3A_447 : memref<1x125x16xf32, #tpu.memory_space<vmem>> -> memref<125x16xf32, #tpu.memory_space<vmem>>
    %dma_wait3A_449 = arith.constant 0 : i32
    %dma_wait3A_450 = tpu.memref_slice %arg7[%dma_wait3A_443, %dma_wait3A_449] : memref<80x125xi32, #tpu.memory_space<vmem>> -> memref<1x125xi32, #tpu.memory_space<vmem>>
    %dma_wait3A_451 = tpu.memref_squeeze %dma_wait3A_450 : memref<1x125xi32, #tpu.memory_space<vmem>> -> memref<125xi32, #tpu.memory_space<vmem>>
    %dma_wait3A_452 = arith.constant 0 : i32
    %dma_wait3A_453 = arith.constant 0 : i32
    %dma_wait3A_454 = tpu.memref_slice %arg9[%dma_wait3A_452, %dma_wait3A_453] : memref<10000x16xf32, #tpu.memory_space<vmem_shared>> -> memref<10000x16xf32, #tpu.memory_space<vmem_shared>>
    %dma_wait3A_455 = tpu.memref_slice %arg11[%dma_wait3A_444] : memref<8x!tpu.dma_semaphore, #tpu.memory_space<semaphore_mem>> -> memref<1x!tpu.dma_semaphore, #tpu.memory_space<semaphore_mem>>
    %dma_wait3A_456 = tpu.memref_squeeze %dma_wait3A_455 : memref<1x!tpu.dma_semaphore, #tpu.memory_space<semaphore_mem>> -> memref<!tpu.dma_semaphore, #tpu.memory_space<semaphore_mem>>
    tpu.wait_indirect_dma semaphore(%dma_wait3A_456 : memref<!tpu.dma_semaphore, #tpu.memory_space<semaphore_mem>>) src(%dma_wait3A_448 : memref<125x16xf32, #tpu.memory_space<vmem>>) dst(%dma_wait3A_454 : memref<10000x16xf32, #tpu.memory_space<vmem_shared>>)
    %dma_wait3A_457 = arith.constant 6 : i32
    %dma_wait3A_458 = arith.constant 78 : i32
    %dma_wait3A_459 = arith.constant 6 : i32
    %dma_wait3A_460 = arith.constant 0 : i32
    %dma_wait3A_461 = arith.constant 0 : i32
    %dma_wait3A_462 = tpu.memref_slice %arg8[%dma_wait3A_457, %dma_wait3A_460, %dma_wait3A_461] : memref<8x125x16xf32, #tpu.memory_space<vmem>> -> memref<1x125x16xf32, #tpu.memory_space<vmem>>
    %dma_wait3A_463 = tpu.memref_squeeze %dma_wait3A_462 : memref<1x125x16xf32, #tpu.memory_space<vmem>> -> memref<125x16xf32, #tpu.memory_space<vmem>>
    %dma_wait3A_464 = arith.constant 0 : i32
    %dma_wait3A_465 = tpu.memref_slice %arg7[%dma_wait3A_458, %dma_wait3A_464] : memref<80x125xi32, #tpu.memory_space<vmem>> -> memref<1x125xi32, #tpu.memory_space<vmem>>
    %dma_wait3A_466 = tpu.memref_squeeze %dma_wait3A_465 : memref<1x125xi32, #tpu.memory_space<vmem>> -> memref<125xi32, #tpu.memory_space<vmem>>
    %dma_wait3A_467 = arith.constant 0 : i32
    %dma_wait3A_468 = arith.constant 0 : i32
    %dma_wait3A_469 = tpu.memref_slice %arg9[%dma_wait3A_467, %dma_wait3A_468] : memref<10000x16xf32, #tpu.memory_space<vmem_shared>> -> memref<10000x16xf32, #tpu.memory_space<vmem_shared>>
    %dma_wait3A_470 = tpu.memref_slice %arg11[%dma_wait3A_459] : memref<8x!tpu.dma_semaphore, #tpu.memory_space<semaphore_mem>> -> memref<1x!tpu.dma_semaphore, #tpu.memory_space<semaphore_mem>>
    %dma_wait3A_471 = tpu.memref_squeeze %dma_wait3A_470 : memref<1x!tpu.dma_semaphore, #tpu.memory_space<semaphore_mem>> -> memref<!tpu.dma_semaphore, #tpu.memory_space<semaphore_mem>>
    tpu.wait_indirect_dma semaphore(%dma_wait3A_471 : memref<!tpu.dma_semaphore, #tpu.memory_space<semaphore_mem>>) src(%dma_wait3A_463 : memref<125x16xf32, #tpu.memory_space<vmem>>) dst(%dma_wait3A_469 : memref<10000x16xf32, #tpu.memory_space<vmem_shared>>)
    %dma_wait3A_472 = arith.constant 7 : i32
    %dma_wait3A_473 = arith.constant 79 : i32
    %dma_wait3A_474 = arith.constant 7 : i32
    %dma_wait3A_475 = arith.constant 0 : i32
    %dma_wait3A_476 = arith.constant 0 : i32
    %dma_wait3A_477 = tpu.memref_slice %arg8[%dma_wait3A_472, %dma_wait3A_475, %dma_wait3A_476] : memref<8x125x16xf32, #tpu.memory_space<vmem>> -> memref<1x125x16xf32, #tpu.memory_space<vmem>>
    %dma_wait3A_478 = tpu.memref_squeeze %dma_wait3A_477 : memref<1x125x16xf32, #tpu.memory_space<vmem>> -> memref<125x16xf32, #tpu.memory_space<vmem>>
    %dma_wait3A_479 = arith.constant 0 : i32
    %dma_wait3A_480 = tpu.memref_slice %arg7[%dma_wait3A_473, %dma_wait3A_479] : memref<80x125xi32, #tpu.memory_space<vmem>> -> memref<1x125xi32, #tpu.memory_space<vmem>>
    %dma_wait3A_481 = tpu.memref_squeeze %dma_wait3A_480 : memref<1x125xi32, #tpu.memory_space<vmem>> -> memref<125xi32, #tpu.memory_space<vmem>>
    %dma_wait3A_482 = arith.constant 0 : i32
    %dma_wait3A_483 = arith.constant 0 : i32
    %dma_wait3A_484 = tpu.memref_slice %arg9[%dma_wait3A_482, %dma_wait3A_483] : memref<10000x16xf32, #tpu.memory_space<vmem_shared>> -> memref<10000x16xf32, #tpu.memory_space<vmem_shared>>
    %dma_wait3A_485 = tpu.memref_slice %arg11[%dma_wait3A_474] : memref<8x!tpu.dma_semaphore, #tpu.memory_space<semaphore_mem>> -> memref<1x!tpu.dma_semaphore, #tpu.memory_space<semaphore_mem>>
    %dma_wait3A_486 = tpu.memref_squeeze %dma_wait3A_485 : memref<1x!tpu.dma_semaphore, #tpu.memory_space<semaphore_mem>> -> memref<!tpu.dma_semaphore, #tpu.memory_space<semaphore_mem>>
    tpu.wait_indirect_dma semaphore(%dma_wait3A_486 : memref<!tpu.dma_semaphore, #tpu.memory_space<semaphore_mem>>) src(%dma_wait3A_478 : memref<125x16xf32, #tpu.memory_space<vmem>>) dst(%dma_wait3A_484 : memref<10000x16xf32, #tpu.memory_space<vmem_shared>>)
    %barrier3A_487 = arith.constant 0 : index
    tpu.barrier barrier_id(%barrier3A_487)
    %eq3A_488 = arith.constant 0 : i32
    %eq3A_489 = arith.cmpi eq, %arg1, %eq3A_488 : i32
    %convert_element_type3A_490 = arith.extui %eq3A_489 : i1 to i32
    %cond3A_491 = arith.constant 0 : i32
    %cond3A_492 = arith.cmpi ne, %convert_element_type3A_490, %cond3A_491 : i32
    scf.if %cond3A_492 {
      "tpu.region"() ({
        %run_scoped3A_493 = tpu.sem_alloc : memref<!tpu.dma_semaphore, #tpu.memory_space<semaphore_mem>>
        %dma_start3A_494 = arith.constant 0 : i32
        %dma_start3A_495 = arith.constant 0 : i32
        %dma_start3A_496 = tpu.memref_slice %arg5[%arg0, %dma_start3A_494, %dma_start3A_495] : memref<2x10000x16xf32, #tpu.memory_space<hbm>> -> memref<1x10000x16xf32, #tpu.memory_space<hbm>>
        %dma_start3A_497 = tpu.memref_squeeze %dma_start3A_496 : memref<1x10000x16xf32, #tpu.memory_space<hbm>> -> memref<10000x16xf32, #tpu.memory_space<hbm>>
        tpu.enqueue_dma source(%arg9 : memref<10000x16xf32, #tpu.memory_space<vmem_shared>>) target(%dma_start3A_497 : memref<10000x16xf32, #tpu.memory_space<hbm>>) target_semaphore(%run_scoped3A_493 : memref<!tpu.dma_semaphore, #tpu.memory_space<semaphore_mem>>)
        %dma_wait3A_498 = arith.constant 0 : i32
        %dma_wait3A_499 = arith.constant 0 : i32
        %dma_wait3A_500 = tpu.memref_slice %arg5[%arg0, %dma_wait3A_498, %dma_wait3A_499] : memref<2x10000x16xf32, #tpu.memory_space<hbm>> -> memref<1x10000x16xf32, #tpu.memory_space<hbm>>
        %dma_wait3A_501 = tpu.memref_squeeze %dma_wait3A_500 : memref<1x10000x16xf32, #tpu.memory_space<hbm>> -> memref<10000x16xf32, #tpu.memory_space<hbm>>
        tpu.wait_dma2 semaphore(%run_scoped3A_493 : memref<!tpu.dma_semaphore, #tpu.memory_space<semaphore_mem>>) src(%arg9 : memref<10000x16xf32, #tpu.memory_space<vmem_shared>>) dst(%dma_wait3A_501 : memref<10000x16xf32, #tpu.memory_space<hbm>>)
        tpu.yield
      }) : () -> ()
    } else {
    }
    return
  }
}

#map = affine_map<(d0, d1) -> (0, 0)>
#map1 = affine_map<(d0, d1) -> (0, 0, 0, 0)>
#map2 = affine_map<(d0, d1) -> (0, 0, 0)>
module attributes {stable_mosaic.version = 14 : i64} {
  func.func @body(%arg0: i32, %arg1: i32, %arg2: memref<10000x16xf32, #tpu.memory_space<hbm>>, %arg3: memref<2x32x80x125xi32, #tpu.memory_space<hbm>>, %arg4: memref<10000x16xf32, #tpu.memory_space<hbm>>, %arg5: memref<2x10000x16xf32, #tpu.memory_space<hbm>>, %arg6: memref<80x125xi32, #tpu.memory_space<vmem>>, %arg7: memref<80x125xi32, #tpu.memory_space<vmem>>, %arg8: memref<8x125x16xf32, #tpu.memory_space<vmem>>, %arg9: memref<10000x16xf32, #tpu.memory_space<vmem_shared>>, %arg10: memref<8x!tpu.dma_semaphore, #tpu.memory_space<semaphore_mem>>, %arg11: memref<8x!tpu.dma_semaphore, #tpu.memory_space<semaphore_mem>>) attributes {dimension_semantics = [#tpu.dimension_semantics<core_parallel>, #tpu.dimension_semantics<subcore_parallel>], iteration_bounds = array<i64: 2, 16>, scalar_prefetch = 0 : i64, scratch_operands = 6 : i64, tpu.core_type = #tpu.core_type<sc_vector_subcore>, window_params = [{transform_indices = #map}, {transform_indices = #map1}, {transform_indices = #map}, {transform_indices = #map2}]} {
    %mul3A = arith.constant 16 : i32
    %mul3A_0 = arith.muli %arg0, %mul3A : i32
    %add3A = arith.addi %mul3A_0, %arg1 : i32
    %eq3A = arith.constant 0 : i32
    %eq3A_1 = arith.cmpi eq, %arg1, %eq3A : i32
    %convert_element_type3A = arith.extui %eq3A_1 : i1 to i32
    %cond3A = arith.constant 0 : i32
    %cond3A_2 = arith.cmpi ne, %convert_element_type3A, %cond3A : i32
    scf.if %cond3A_2 {
      "tpu.region"() ({
        %run_scoped3A_493 = tpu.sem_alloc : memref<!tpu.dma_semaphore, #tpu.memory_space<semaphore_mem>>
        tpu.enqueue_dma source(%arg4 : memref<10000x16xf32, #tpu.memory_space<hbm>>) target(%arg9 : memref<10000x16xf32, #tpu.memory_space<vmem_shared>>) target_semaphore(%run_scoped3A_493 : memref<!tpu.dma_semaphore, #tpu.memory_space<semaphore_mem>>)
        tpu.wait_dma2 semaphore(%run_scoped3A_493 : memref<!tpu.dma_semaphore, #tpu.memory_space<semaphore_mem>>) src(%arg4 : memref<10000x16xf32, #tpu.memory_space<hbm>>) dst(%arg9 : memref<10000x16xf32, #tpu.memory_space<vmem_shared>>)
        tpu.yield
      }) : () -> ()
    } else {
    }
    %run_scoped3A = arith.constant 0 : i32
    "tpu.region"() ({
      %run_scoped3A_493 = tpu.sem_alloc : memref<!tpu.dma_semaphore, #tpu.memory_space<semaphore_mem>>
      %dma_start3A_494 = arith.constant 0 : i32
      %dma_start3A_495 = arith.constant 0 : i32
      %dma_start3A_496 = tpu.memref_slice %arg3[%run_scoped3A, %add3A, %dma_start3A_494, %dma_start3A_495] : memref<2x32x80x125xi32, #tpu.memory_space<hbm>> -> memref<1x1x80x125xi32, #tpu.memory_space<hbm>>
      %dma_start3A_497 = tpu.memref_squeeze %dma_start3A_496 : memref<1x1x80x125xi32, #tpu.memory_space<hbm>> -> memref<80x125xi32, #tpu.memory_space<hbm>>
      %dma_start3A_498 = arith.constant 0 : i32
      %dma_start3A_499 = arith.constant 0 : i32
      %dma_start3A_500 = tpu.memref_slice %arg3[%run_scoped3A, %add3A, %dma_start3A_498, %dma_start3A_499] : memref<2x32x80x125xi32, #tpu.memory_space<hbm>> -> memref<1x1x80x125xi32, #tpu.memory_space<hbm>>
      %dma_start3A_501 = tpu.memref_squeeze %dma_start3A_500 : memref<1x1x80x125xi32, #tpu.memory_space<hbm>> -> memref<80x125xi32, #tpu.memory_space<hbm>>
      tpu.enqueue_dma source(%dma_start3A_501 : memref<80x125xi32, #tpu.memory_space<hbm>>) target(%arg6 : memref<80x125xi32, #tpu.memory_space<vmem>>) target_semaphore(%run_scoped3A_493 : memref<!tpu.dma_semaphore, #tpu.memory_space<semaphore_mem>>)
      %dma_wait3A_502 = arith.constant 0 : i32
      %dma_wait3A_503 = arith.constant 0 : i32
      %dma_wait3A_504 = tpu.memref_slice %arg3[%run_scoped3A, %add3A, %dma_wait3A_502, %dma_wait3A_503] : memref<2x32x80x125xi32, #tpu.memory_space<hbm>> -> memref<1x1x80x125xi32, #tpu.memory_space<hbm>>
      %dma_wait3A_505 = tpu.memref_squeeze %dma_wait3A_504 : memref<1x1x80x125xi32, #tpu.memory_space<hbm>> -> memref<80x125xi32, #tpu.memory_space<hbm>>
      %dma_wait3A_506 = arith.constant 0 : i32
      %dma_wait3A_507 = arith.constant 0 : i32
      %dma_wait3A_508 = tpu.memref_slice %arg3[%run_scoped3A, %add3A, %dma_wait3A_506, %dma_wait3A_507] : memref<2x32x80x125xi32, #tpu.memory_space<hbm>> -> memref<1x1x80x125xi32, #tpu.memory_space<hbm>>
      %dma_wait3A_509 = tpu.memref_squeeze %dma_wait3A_508 : memref<1x1x80x125xi32, #tpu.memory_space<hbm>> -> memref<80x125xi32, #tpu.memory_space<hbm>>
      tpu.wait_dma2 semaphore(%run_scoped3A_493 : memref<!tpu.dma_semaphore, #tpu.memory_space<semaphore_mem>>) src(%dma_wait3A_509 : memref<80x125xi32, #tpu.memory_space<hbm>>) dst(%arg6 : memref<80x125xi32, #tpu.memory_space<vmem>>)
      tpu.yield
    }) : () -> ()
    %run_scoped3A_3 = arith.constant 1 : i32
    "tpu.region"() ({
      %run_scoped3A_493 = tpu.sem_alloc : memref<!tpu.dma_semaphore, #tpu.memory_space<semaphore_mem>>
      %dma_start3A_494 = arith.constant 0 : i32
      %dma_start3A_495 = arith.constant 0 : i32
      %dma_start3A_496 = tpu.memref_slice %arg3[%run_scoped3A_3, %add3A, %dma_start3A_494, %dma_start3A_495] : memref<2x32x80x125xi32, #tpu.memory_space<hbm>> -> memref<1x1x80x125xi32, #tpu.memory_space<hbm>>
      %dma_start3A_497 = tpu.memref_squeeze %dma_start3A_496 : memref<1x1x80x125xi32, #tpu.memory_space<hbm>> -> memref<80x125xi32, #tpu.memory_space<hbm>>
      %dma_start3A_498 = arith.constant 0 : i32
      %dma_start3A_499 = arith.constant 0 : i32
      %dma_start3A_500 = tpu.memref_slice %arg3[%run_scoped3A_3, %add3A, %dma_start3A_498, %dma_start3A_499] : memref<2x32x80x125xi32, #tpu.memory_space<hbm>> -> memref<1x1x80x125xi32, #tpu.memory_space<hbm>>
      %dma_start3A_501 = tpu.memref_squeeze %dma_start3A_500 : memref<1x1x80x125xi32, #tpu.memory_space<hbm>> -> memref<80x125xi32, #tpu.memory_space<hbm>>
      tpu.enqueue_dma source(%dma_start3A_501 : memref<80x125xi32, #tpu.memory_space<hbm>>) target(%arg7 : memref<80x125xi32, #tpu.memory_space<vmem>>) target_semaphore(%run_scoped3A_493 : memref<!tpu.dma_semaphore, #tpu.memory_space<semaphore_mem>>)
      %dma_wait3A_502 = arith.constant 0 : i32
      %dma_wait3A_503 = arith.constant 0 : i32
      %dma_wait3A_504 = tpu.memref_slice %arg3[%run_scoped3A_3, %add3A, %dma_wait3A_502, %dma_wait3A_503] : memref<2x32x80x125xi32, #tpu.memory_space<hbm>> -> memref<1x1x80x125xi32, #tpu.memory_space<hbm>>
      %dma_wait3A_505 = tpu.memref_squeeze %dma_wait3A_504 : memref<1x1x80x125xi32, #tpu.memory_space<hbm>> -> memref<80x125xi32, #tpu.memory_space<hbm>>
      %dma_wait3A_506 = arith.constant 0 : i32
      %dma_wait3A_507 = arith.constant 0 : i32
      %dma_wait3A_508 = tpu.memref_slice %arg3[%run_scoped3A_3, %add3A, %dma_wait3A_506, %dma_wait3A_507] : memref<2x32x80x125xi32, #tpu.memory_space<hbm>> -> memref<1x1x80x125xi32, #tpu.memory_space<hbm>>
      %dma_wait3A_509 = tpu.memref_squeeze %dma_wait3A_508 : memref<1x1x80x125xi32, #tpu.memory_space<hbm>> -> memref<80x125xi32, #tpu.memory_space<hbm>>
      tpu.wait_dma2 semaphore(%run_scoped3A_493 : memref<!tpu.dma_semaphore, #tpu.memory_space<semaphore_mem>>) src(%dma_wait3A_509 : memref<80x125xi32, #tpu.memory_space<hbm>>) dst(%arg7 : memref<80x125xi32, #tpu.memory_space<vmem>>)
      tpu.yield
    }) : () -> ()
    %barrier3A = arith.constant 0 : index
    tpu.barrier barrier_id(%barrier3A)
    %dma_start3A = arith.constant 0 : i32
    %dma_start3A_4 = arith.constant 0 : i32
    %dma_start3A_5 = arith.constant 0 : i32
    %dma_start3A_6 = arith.constant 0 : i32
    %dma_start3A_7 = arith.constant 0 : i32
    %dma_start3A_8 = tpu.memref_slice %arg8[%dma_start3A_4, %dma_start3A_6, %dma_start3A_7] : memref<8x125x16xf32, #tpu.memory_space<vmem>> -> memref<1x125x16xf32, #tpu.memory_space<vmem>>
    %dma_start3A_9 = tpu.memref_squeeze %dma_start3A_8 : memref<1x125x16xf32, #tpu.memory_space<vmem>> -> memref<125x16xf32, #tpu.memory_space<vmem>>
    %dma_start3A_10 = arith.constant 0 : i32
    %dma_start3A_11 = tpu.memref_slice %arg6[%dma_start3A, %dma_start3A_10] : memref<80x125xi32, #tpu.memory_space<vmem>> -> memref<1x125xi32, #tpu.memory_space<vmem>>
    %dma_start3A_12 = tpu.memref_squeeze %dma_start3A_11 : memref<1x125xi32, #tpu.memory_space<vmem>> -> memref<125xi32, #tpu.memory_space<vmem>>
    %dma_start3A_13 = arith.constant 0 : i32
    %dma_start3A_14 = arith.constant 0 : i32
    %dma_start3A_15 = tpu.memref_slice %arg2[%dma_start3A_13, %dma_start3A_14] : memref<10000x16xf32, #tpu.memory_space<hbm>> -> memref<10000x16xf32, #tpu.memory_space<hbm>>
    %dma_start3A_16 = tpu.memref_slice %arg10[%dma_start3A_5] : memref<8x!tpu.dma_semaphore, #tpu.memory_space<semaphore_mem>> -> memref<1x!tpu.dma_semaphore, #tpu.memory_space<semaphore_mem>>
    %dma_start3A_17 = tpu.memref_squeeze %dma_start3A_16 : memref<1x!tpu.dma_semaphore, #tpu.memory_space<semaphore_mem>> -> memref<!tpu.dma_semaphore, #tpu.memory_space<semaphore_mem>>
    tpu.enqueue_indirect_dma source(%dma_start3A_15 : memref<10000x16xf32, #tpu.memory_space<hbm>>) target(%dma_start3A_9 : memref<125x16xf32, #tpu.memory_space<vmem>>) offsets(%dma_start3A_12 : memref<125xi32, #tpu.memory_space<vmem>>) semaphore(%dma_start3A_17 : memref<!tpu.dma_semaphore, #tpu.memory_space<semaphore_mem>>)
    %dma_start3A_18 = arith.constant 1 : i32
    %dma_start3A_19 = arith.constant 1 : i32
    %dma_start3A_20 = arith.constant 1 : i32
    %dma_start3A_21 = arith.constant 0 : i32
    %dma_start3A_22 = arith.constant 0 : i32
    %dma_start3A_23 = tpu.memref_slice %arg8[%dma_start3A_19, %dma_start3A_21, %dma_start3A_22] : memref<8x125x16xf32, #tpu.memory_space<vmem>> -> memref<1x125x16xf32, #tpu.memory_space<vmem>>
    %dma_start3A_24 = tpu.memref_squeeze %dma_start3A_23 : memref<1x125x16xf32, #tpu.memory_space<vmem>> -> memref<125x16xf32, #tpu.memory_space<vmem>>
    %dma_start3A_25 = arith.constant 0 : i32
    %dma_start3A_26 = tpu.memref_slice %arg6[%dma_start3A_18, %dma_start3A_25] : memref<80x125xi32, #tpu.memory_space<vmem>> -> memref<1x125xi32, #tpu.memory_space<vmem>>
    %dma_start3A_27 = tpu.memref_squeeze %dma_start3A_26 : memref<1x125xi32, #tpu.memory_space<vmem>> -> memref<125xi32, #tpu.memory_space<vmem>>
    %dma_start3A_28 = arith.constant 0 : i32
    %dma_start3A_29 = arith.constant 0 : i32
    %dma_start3A_30 = tpu.memref_slice %arg2[%dma_start3A_28, %dma_start3A_29] : memref<10000x16xf32, #tpu.memory_space<hbm>> -> memref<10000x16xf32, #tpu.memory_space<hbm>>
    %dma_start3A_31 = tpu.memref_slice %arg10[%dma_start3A_20] : memref<8x!tpu.dma_semaphore, #tpu.memory_space<semaphore_mem>> -> memref<1x!tpu.dma_semaphore, #tpu.memory_space<semaphore_mem>>
    %dma_start3A_32 = tpu.memref_squeeze %dma_start3A_31 : memref<1x!tpu.dma_semaphore, #tpu.memory_space<semaphore_mem>> -> memref<!tpu.dma_semaphore, #tpu.memory_space<semaphore_mem>>
    tpu.enqueue_indirect_dma source(%dma_start3A_30 : memref<10000x16xf32, #tpu.memory_space<hbm>>) target(%dma_start3A_24 : memref<125x16xf32, #tpu.memory_space<vmem>>) offsets(%dma_start3A_27 : memref<125xi32, #tpu.memory_space<vmem>>) semaphore(%dma_start3A_32 : memref<!tpu.dma_semaphore, #tpu.memory_space<semaphore_mem>>)
    %dma_start3A_33 = arith.constant 2 : i32
    %dma_start3A_34 = arith.constant 2 : i32
    %dma_start3A_35 = arith.constant 2 : i32
    %dma_start3A_36 = arith.constant 0 : i32
    %dma_start3A_37 = arith.constant 0 : i32
    %dma_start3A_38 = tpu.memref_slice %arg8[%dma_start3A_34, %dma_start3A_36, %dma_start3A_37] : memref<8x125x16xf32, #tpu.memory_space<vmem>> -> memref<1x125x16xf32, #tpu.memory_space<vmem>>
    %dma_start3A_39 = tpu.memref_squeeze %dma_start3A_38 : memref<1x125x16xf32, #tpu.memory_space<vmem>> -> memref<125x16xf32, #tpu.memory_space<vmem>>
    %dma_start3A_40 = arith.constant 0 : i32
    %dma_start3A_41 = tpu.memref_slice %arg6[%dma_start3A_33, %dma_start3A_40] : memref<80x125xi32, #tpu.memory_space<vmem>> -> memref<1x125xi32, #tpu.memory_space<vmem>>
    %dma_start3A_42 = tpu.memref_squeeze %dma_start3A_41 : memref<1x125xi32, #tpu.memory_space<vmem>> -> memref<125xi32, #tpu.memory_space<vmem>>
    %dma_start3A_43 = arith.constant 0 : i32
    %dma_start3A_44 = arith.constant 0 : i32
    %dma_start3A_45 = tpu.memref_slice %arg2[%dma_start3A_43, %dma_start3A_44] : memref<10000x16xf32, #tpu.memory_space<hbm>> -> memref<10000x16xf32, #tpu.memory_space<hbm>>
    %dma_start3A_46 = tpu.memref_slice %arg10[%dma_start3A_35] : memref<8x!tpu.dma_semaphore, #tpu.memory_space<semaphore_mem>> -> memref<1x!tpu.dma_semaphore, #tpu.memory_space<semaphore_mem>>
    %dma_start3A_47 = tpu.memref_squeeze %dma_start3A_46 : memref<1x!tpu.dma_semaphore, #tpu.memory_space<semaphore_mem>> -> memref<!tpu.dma_semaphore, #tpu.memory_space<semaphore_mem>>
    tpu.enqueue_indirect_dma source(%dma_start3A_45 : memref<10000x16xf32, #tpu.memory_space<hbm>>) target(%dma_start3A_39 : memref<125x16xf32, #tpu.memory_space<vmem>>) offsets(%dma_start3A_42 : memref<125xi32, #tpu.memory_space<vmem>>) semaphore(%dma_start3A_47 : memref<!tpu.dma_semaphore, #tpu.memory_space<semaphore_mem>>)
    %dma_start3A_48 = arith.constant 3 : i32
    %dma_start3A_49 = arith.constant 3 : i32
    %dma_start3A_50 = arith.constant 3 : i32
    %dma_start3A_51 = arith.constant 0 : i32
    %dma_start3A_52 = arith.constant 0 : i32
    %dma_start3A_53 = tpu.memref_slice %arg8[%dma_start3A_49, %dma_start3A_51, %dma_start3A_52] : memref<8x125x16xf32, #tpu.memory_space<vmem>> -> memref<1x125x16xf32, #tpu.memory_space<vmem>>
    %dma_start3A_54 = tpu.memref_squeeze %dma_start3A_53 : memref<1x125x16xf32, #tpu.memory_space<vmem>> -> memref<125x16xf32, #tpu.memory_space<vmem>>
    %dma_start3A_55 = arith.constant 0 : i32
    %dma_start3A_56 = tpu.memref_slice %arg6[%dma_start3A_48, %dma_start3A_55] : memref<80x125xi32, #tpu.memory_space<vmem>> -> memref<1x125xi32, #tpu.memory_space<vmem>>
    %dma_start3A_57 = tpu.memref_squeeze %dma_start3A_56 : memref<1x125xi32, #tpu.memory_space<vmem>> -> memref<125xi32, #tpu.memory_space<vmem>>
    %dma_start3A_58 = arith.constant 0 : i32
    %dma_start3A_59 = arith.constant 0 : i32
    %dma_start3A_60 = tpu.memref_slice %arg2[%dma_start3A_58, %dma_start3A_59] : memref<10000x16xf32, #tpu.memory_space<hbm>> -> memref<10000x16xf32, #tpu.memory_space<hbm>>
    %dma_start3A_61 = tpu.memref_slice %arg10[%dma_start3A_50] : memref<8x!tpu.dma_semaphore, #tpu.memory_space<semaphore_mem>> -> memref<1x!tpu.dma_semaphore, #tpu.memory_space<semaphore_mem>>
    %dma_start3A_62 = tpu.memref_squeeze %dma_start3A_61 : memref<1x!tpu.dma_semaphore, #tpu.memory_space<semaphore_mem>> -> memref<!tpu.dma_semaphore, #tpu.memory_space<semaphore_mem>>
    tpu.enqueue_indirect_dma source(%dma_start3A_60 : memref<10000x16xf32, #tpu.memory_space<hbm>>) target(%dma_start3A_54 : memref<125x16xf32, #tpu.memory_space<vmem>>) offsets(%dma_start3A_57 : memref<125xi32, #tpu.memory_space<vmem>>) semaphore(%dma_start3A_62 : memref<!tpu.dma_semaphore, #tpu.memory_space<semaphore_mem>>)
    %dma_start3A_63 = arith.constant 4 : i32
    %dma_start3A_64 = arith.constant 4 : i32
    %dma_start3A_65 = arith.constant 4 : i32
    %dma_start3A_66 = arith.constant 0 : i32
    %dma_start3A_67 = arith.constant 0 : i32
    %dma_start3A_68 = tpu.memref_slice %arg8[%dma_start3A_64, %dma_start3A_66, %dma_start3A_67] : memref<8x125x16xf32, #tpu.memory_space<vmem>> -> memref<1x125x16xf32, #tpu.memory_space<vmem>>
    %dma_start3A_69 = tpu.memref_squeeze %dma_start3A_68 : memref<1x125x16xf32, #tpu.memory_space<vmem>> -> memref<125x16xf32, #tpu.memory_space<vmem>>
    %dma_start3A_70 = arith.constant 0 : i32
    %dma_start3A_71 = tpu.memref_slice %arg6[%dma_start3A_63, %dma_start3A_70] : memref<80x125xi32, #tpu.memory_space<vmem>> -> memref<1x125xi32, #tpu.memory_space<vmem>>
    %dma_start3A_72 = tpu.memref_squeeze %dma_start3A_71 : memref<1x125xi32, #tpu.memory_space<vmem>> -> memref<125xi32, #tpu.memory_space<vmem>>
    %dma_start3A_73 = arith.constant 0 : i32
    %dma_start3A_74 = arith.constant 0 : i32
    %dma_start3A_75 = tpu.memref_slice %arg2[%dma_start3A_73, %dma_start3A_74] : memref<10000x16xf32, #tpu.memory_space<hbm>> -> memref<10000x16xf32, #tpu.memory_space<hbm>>
    %dma_start3A_76 = tpu.memref_slice %arg10[%dma_start3A_65] : memref<8x!tpu.dma_semaphore, #tpu.memory_space<semaphore_mem>> -> memref<1x!tpu.dma_semaphore, #tpu.memory_space<semaphore_mem>>
    %dma_start3A_77 = tpu.memref_squeeze %dma_start3A_76 : memref<1x!tpu.dma_semaphore, #tpu.memory_space<semaphore_mem>> -> memref<!tpu.dma_semaphore, #tpu.memory_space<semaphore_mem>>
    tpu.enqueue_indirect_dma source(%dma_start3A_75 : memref<10000x16xf32, #tpu.memory_space<hbm>>) target(%dma_start3A_69 : memref<125x16xf32, #tpu.memory_space<vmem>>) offsets(%dma_start3A_72 : memref<125xi32, #tpu.memory_space<vmem>>) semaphore(%dma_start3A_77 : memref<!tpu.dma_semaphore, #tpu.memory_space<semaphore_mem>>)
    %dma_start3A_78 = arith.constant 5 : i32
    %dma_start3A_79 = arith.constant 5 : i32
    %dma_start3A_80 = arith.constant 5 : i32
    %dma_start3A_81 = arith.constant 0 : i32
    %dma_start3A_82 = arith.constant 0 : i32
    %dma_start3A_83 = tpu.memref_slice %arg8[%dma_start3A_79, %dma_start3A_81, %dma_start3A_82] : memref<8x125x16xf32, #tpu.memory_space<vmem>> -> memref<1x125x16xf32, #tpu.memory_space<vmem>>
    %dma_start3A_84 = tpu.memref_squeeze %dma_start3A_83 : memref<1x125x16xf32, #tpu.memory_space<vmem>> -> memref<125x16xf32, #tpu.memory_space<vmem>>
    %dma_start3A_85 = arith.constant 0 : i32
    %dma_start3A_86 = tpu.memref_slice %arg6[%dma_start3A_78, %dma_start3A_85] : memref<80x125xi32, #tpu.memory_space<vmem>> -> memref<1x125xi32, #tpu.memory_space<vmem>>
    %dma_start3A_87 = tpu.memref_squeeze %dma_start3A_86 : memref<1x125xi32, #tpu.memory_space<vmem>> -> memref<125xi32, #tpu.memory_space<vmem>>
    %dma_start3A_88 = arith.constant 0 : i32
    %dma_start3A_89 = arith.constant 0 : i32
    %dma_start3A_90 = tpu.memref_slice %arg2[%dma_start3A_88, %dma_start3A_89] : memref<10000x16xf32, #tpu.memory_space<hbm>> -> memref<10000x16xf32, #tpu.memory_space<hbm>>
    %dma_start3A_91 = tpu.memref_slice %arg10[%dma_start3A_80] : memref<8x!tpu.dma_semaphore, #tpu.memory_space<semaphore_mem>> -> memref<1x!tpu.dma_semaphore, #tpu.memory_space<semaphore_mem>>
    %dma_start3A_92 = tpu.memref_squeeze %dma_start3A_91 : memref<1x!tpu.dma_semaphore, #tpu.memory_space<semaphore_mem>> -> memref<!tpu.dma_semaphore, #tpu.memory_space<semaphore_mem>>
    tpu.enqueue_indirect_dma source(%dma_start3A_90 : memref<10000x16xf32, #tpu.memory_space<hbm>>) target(%dma_start3A_84 : memref<125x16xf32, #tpu.memory_space<vmem>>) offsets(%dma_start3A_87 : memref<125xi32, #tpu.memory_space<vmem>>) semaphore(%dma_start3A_92 : memref<!tpu.dma_semaphore, #tpu.memory_space<semaphore_mem>>)
    %dma_start3A_93 = arith.constant 6 : i32
    %dma_start3A_94 = arith.constant 6 : i32
    %dma_start3A_95 = arith.constant 6 : i32
    %dma_start3A_96 = arith.constant 0 : i32
    %dma_start3A_97 = arith.constant 0 : i32
    %dma_start3A_98 = tpu.memref_slice %arg8[%dma_start3A_94, %dma_start3A_96, %dma_start3A_97] : memref<8x125x16xf32, #tpu.memory_space<vmem>> -> memref<1x125x16xf32, #tpu.memory_space<vmem>>
    %dma_start3A_99 = tpu.memref_squeeze %dma_start3A_98 : memref<1x125x16xf32, #tpu.memory_space<vmem>> -> memref<125x16xf32, #tpu.memory_space<vmem>>
    %dma_start3A_100 = arith.constant 0 : i32
    %dma_start3A_101 = tpu.memref_slice %arg6[%dma_start3A_93, %dma_start3A_100] : memref<80x125xi32, #tpu.memory_space<vmem>> -> memref<1x125xi32, #tpu.memory_space<vmem>>
    %dma_start3A_102 = tpu.memref_squeeze %dma_start3A_101 : memref<1x125xi32, #tpu.memory_space<vmem>> -> memref<125xi32, #tpu.memory_space<vmem>>
    %dma_start3A_103 = arith.constant 0 : i32
    %dma_start3A_104 = arith.constant 0 : i32
    %dma_start3A_105 = tpu.memref_slice %arg2[%dma_start3A_103, %dma_start3A_104] : memref<10000x16xf32, #tpu.memory_space<hbm>> -> memref<10000x16xf32, #tpu.memory_space<hbm>>
    %dma_start3A_106 = tpu.memref_slice %arg10[%dma_start3A_95] : memref<8x!tpu.dma_semaphore, #tpu.memory_space<semaphore_mem>> -> memref<1x!tpu.dma_semaphore, #tpu.memory_space<semaphore_mem>>
    %dma_start3A_107 = tpu.memref_squeeze %dma_start3A_106 : memref<1x!tpu.dma_semaphore, #tpu.memory_space<semaphore_mem>> -> memref<!tpu.dma_semaphore, #tpu.memory_space<semaphore_mem>>
    tpu.enqueue_indirect_dma source(%dma_start3A_105 : memref<10000x16xf32, #tpu.memory_space<hbm>>) target(%dma_start3A_99 : memref<125x16xf32, #tpu.memory_space<vmem>>) offsets(%dma_start3A_102 : memref<125xi32, #tpu.memory_space<vmem>>) semaphore(%dma_start3A_107 : memref<!tpu.dma_semaphore, #tpu.memory_space<semaphore_mem>>)
    %dma_start3A_108 = arith.constant 7 : i32
    %dma_start3A_109 = arith.constant 7 : i32
    %dma_start3A_110 = arith.constant 7 : i32
    %dma_start3A_111 = arith.constant 0 : i32
    %dma_start3A_112 = arith.constant 0 : i32
    %dma_start3A_113 = tpu.memref_slice %arg8[%dma_start3A_109, %dma_start3A_111, %dma_start3A_112] : memref<8x125x16xf32, #tpu.memory_space<vmem>> -> memref<1x125x16xf32, #tpu.memory_space<vmem>>
    %dma_start3A_114 = tpu.memref_squeeze %dma_start3A_113 : memref<1x125x16xf32, #tpu.memory_space<vmem>> -> memref<125x16xf32, #tpu.memory_space<vmem>>
    %dma_start3A_115 = arith.constant 0 : i32
    %dma_start3A_116 = tpu.memref_slice %arg6[%dma_start3A_108, %dma_start3A_115] : memref<80x125xi32, #tpu.memory_space<vmem>> -> memref<1x125xi32, #tpu.memory_space<vmem>>
    %dma_start3A_117 = tpu.memref_squeeze %dma_start3A_116 : memref<1x125xi32, #tpu.memory_space<vmem>> -> memref<125xi32, #tpu.memory_space<vmem>>
    %dma_start3A_118 = arith.constant 0 : i32
    %dma_start3A_119 = arith.constant 0 : i32
    %dma_start3A_120 = tpu.memref_slice %arg2[%dma_start3A_118, %dma_start3A_119] : memref<10000x16xf32, #tpu.memory_space<hbm>> -> memref<10000x16xf32, #tpu.memory_space<hbm>>
    %dma_start3A_121 = tpu.memref_slice %arg10[%dma_start3A_110] : memref<8x!tpu.dma_semaphore, #tpu.memory_space<semaphore_mem>> -> memref<1x!tpu.dma_semaphore, #tpu.memory_space<semaphore_mem>>
    %dma_start3A_122 = tpu.memref_squeeze %dma_start3A_121 : memref<1x!tpu.dma_semaphore, #tpu.memory_space<semaphore_mem>> -> memref<!tpu.dma_semaphore, #tpu.memory_space<semaphore_mem>>
    tpu.enqueue_indirect_dma source(%dma_start3A_120 : memref<10000x16xf32, #tpu.memory_space<hbm>>) target(%dma_start3A_114 : memref<125x16xf32, #tpu.memory_space<vmem>>) offsets(%dma_start3A_117 : memref<125xi32, #tpu.memory_space<vmem>>) semaphore(%dma_start3A_122 : memref<!tpu.dma_semaphore, #tpu.memory_space<semaphore_mem>>)
    %scan3A = arith.constant 0 : i32
    %scan3A_123 = arith.constant 0 : i32
    %scan3A_124 = arith.constant 9 : i32
    %scan3A_125 = arith.addi %scan3A_123, %scan3A_124 : i32
    %scan3A_126 = arith.constant 1 : i32
    scf.for %scan3A_493 = %scan3A_123 to %scan3A_125 step %scan3A_126  : i32 {
      %mul3A_494 = arith.constant 8 : i32
      %mul3A_495 = arith.muli %scan3A_493, %mul3A_494 : i32
      %add3A_496 = arith.constant 0 : i32
      %add3A_497 = arith.addi %mul3A_495, %add3A_496 : i32
      %dma_wait3A_498 = arith.constant 0 : i32
      %dma_wait3A_499 = arith.constant 0 : i32
      %dma_wait3A_500 = arith.constant 0 : i32
      %dma_wait3A_501 = arith.constant 0 : i32
      %dma_wait3A_502 = tpu.memref_slice %arg8[%dma_wait3A_498, %dma_wait3A_500, %dma_wait3A_501] : memref<8x125x16xf32, #tpu.memory_space<vmem>> -> memref<1x125x16xf32, #tpu.memory_space<vmem>>
      %dma_wait3A_503 = tpu.memref_squeeze %dma_wait3A_502 : memref<1x125x16xf32, #tpu.memory_space<vmem>> -> memref<125x16xf32, #tpu.memory_space<vmem>>
      %dma_wait3A_504 = arith.constant 0 : i32
      %dma_wait3A_505 = tpu.memref_slice %arg6[%add3A_497, %dma_wait3A_504] : memref<80x125xi32, #tpu.memory_space<vmem>> -> memref<1x125xi32, #tpu.memory_space<vmem>>
      %dma_wait3A_506 = tpu.memref_squeeze %dma_wait3A_505 : memref<1x125xi32, #tpu.memory_space<vmem>> -> memref<125xi32, #tpu.memory_space<vmem>>
      %dma_wait3A_507 = arith.constant 0 : i32
      %dma_wait3A_508 = arith.constant 0 : i32
      %dma_wait3A_509 = tpu.memref_slice %arg2[%dma_wait3A_507, %dma_wait3A_508] : memref<10000x16xf32, #tpu.memory_space<hbm>> -> memref<10000x16xf32, #tpu.memory_space<hbm>>
      %dma_wait3A_510 = tpu.memref_slice %arg10[%dma_wait3A_499] : memref<8x!tpu.dma_semaphore, #tpu.memory_space<semaphore_mem>> -> memref<1x!tpu.dma_semaphore, #tpu.memory_space<semaphore_mem>>
      %dma_wait3A_511 = tpu.memref_squeeze %dma_wait3A_510 : memref<1x!tpu.dma_semaphore, #tpu.memory_space<semaphore_mem>> -> memref<!tpu.dma_semaphore, #tpu.memory_space<semaphore_mem>>
      tpu.wait_indirect_dma semaphore(%dma_wait3A_511 : memref<!tpu.dma_semaphore, #tpu.memory_space<semaphore_mem>>) src(%dma_wait3A_509 : memref<10000x16xf32, #tpu.memory_space<hbm>>) dst(%dma_wait3A_503 : memref<125x16xf32, #tpu.memory_space<vmem>>)
      %dma_start3A_512 = arith.constant 0 : i32
      %dma_start3A_513 = arith.constant 0 : i32
      %dma_start3A_514 = arith.constant 0 : i32
      %dma_start3A_515 = arith.constant 0 : i32
      %dma_start3A_516 = tpu.memref_slice %arg8[%dma_start3A_512, %dma_start3A_514, %dma_start3A_515] : memref<8x125x16xf32, #tpu.memory_space<vmem>> -> memref<1x125x16xf32, #tpu.memory_space<vmem>>
      %dma_start3A_517 = tpu.memref_squeeze %dma_start3A_516 : memref<1x125x16xf32, #tpu.memory_space<vmem>> -> memref<125x16xf32, #tpu.memory_space<vmem>>
      %dma_start3A_518 = arith.constant 0 : i32
      %dma_start3A_519 = tpu.memref_slice %arg7[%add3A_497, %dma_start3A_518] : memref<80x125xi32, #tpu.memory_space<vmem>> -> memref<1x125xi32, #tpu.memory_space<vmem>>
      %dma_start3A_520 = tpu.memref_squeeze %dma_start3A_519 : memref<1x125xi32, #tpu.memory_space<vmem>> -> memref<125xi32, #tpu.memory_space<vmem>>
      %dma_start3A_521 = arith.constant 0 : i32
      %dma_start3A_522 = arith.constant 0 : i32
      %dma_start3A_523 = tpu.memref_slice %arg9[%dma_start3A_521, %dma_start3A_522] : memref<10000x16xf32, #tpu.memory_space<vmem_shared>> -> memref<10000x16xf32, #tpu.memory_space<vmem_shared>>
      %dma_start3A_524 = tpu.memref_slice %arg11[%dma_start3A_513] : memref<8x!tpu.dma_semaphore, #tpu.memory_space<semaphore_mem>> -> memref<1x!tpu.dma_semaphore, #tpu.memory_space<semaphore_mem>>
      %dma_start3A_525 = tpu.memref_squeeze %dma_start3A_524 : memref<1x!tpu.dma_semaphore, #tpu.memory_space<semaphore_mem>> -> memref<!tpu.dma_semaphore, #tpu.memory_space<semaphore_mem>>
      tpu.enqueue_indirect_dma source(%dma_start3A_517 : memref<125x16xf32, #tpu.memory_space<vmem>>) target(%dma_start3A_523 : memref<10000x16xf32, #tpu.memory_space<vmem_shared>>) offsets(%dma_start3A_520 : memref<125xi32, #tpu.memory_space<vmem>>) semaphore(%dma_start3A_525 : memref<!tpu.dma_semaphore, #tpu.memory_space<semaphore_mem>>) {add = true}
      %mul3A_526 = arith.constant 8 : i32
      %mul3A_527 = arith.muli %scan3A_493, %mul3A_526 : i32
      %add3A_528 = arith.constant 1 : i32
      %add3A_529 = arith.addi %mul3A_527, %add3A_528 : i32
      %dma_wait3A_530 = arith.constant 1 : i32
      %dma_wait3A_531 = arith.constant 1 : i32
      %dma_wait3A_532 = arith.constant 0 : i32
      %dma_wait3A_533 = arith.constant 0 : i32
      %dma_wait3A_534 = tpu.memref_slice %arg8[%dma_wait3A_530, %dma_wait3A_532, %dma_wait3A_533] : memref<8x125x16xf32, #tpu.memory_space<vmem>> -> memref<1x125x16xf32, #tpu.memory_space<vmem>>
      %dma_wait3A_535 = tpu.memref_squeeze %dma_wait3A_534 : memref<1x125x16xf32, #tpu.memory_space<vmem>> -> memref<125x16xf32, #tpu.memory_space<vmem>>
      %dma_wait3A_536 = arith.constant 0 : i32
      %dma_wait3A_537 = tpu.memref_slice %arg6[%add3A_529, %dma_wait3A_536] : memref<80x125xi32, #tpu.memory_space<vmem>> -> memref<1x125xi32, #tpu.memory_space<vmem>>
      %dma_wait3A_538 = tpu.memref_squeeze %dma_wait3A_537 : memref<1x125xi32, #tpu.memory_space<vmem>> -> memref<125xi32, #tpu.memory_space<vmem>>
      %dma_wait3A_539 = arith.constant 0 : i32
      %dma_wait3A_540 = arith.constant 0 : i32
      %dma_wait3A_541 = tpu.memref_slice %arg2[%dma_wait3A_539, %dma_wait3A_540] : memref<10000x16xf32, #tpu.memory_space<hbm>> -> memref<10000x16xf32, #tpu.memory_space<hbm>>
      %dma_wait3A_542 = tpu.memref_slice %arg10[%dma_wait3A_531] : memref<8x!tpu.dma_semaphore, #tpu.memory_space<semaphore_mem>> -> memref<1x!tpu.dma_semaphore, #tpu.memory_space<semaphore_mem>>
      %dma_wait3A_543 = tpu.memref_squeeze %dma_wait3A_542 : memref<1x!tpu.dma_semaphore, #tpu.memory_space<semaphore_mem>> -> memref<!tpu.dma_semaphore, #tpu.memory_space<semaphore_mem>>
      tpu.wait_indirect_dma semaphore(%dma_wait3A_543 : memref<!tpu.dma_semaphore, #tpu.memory_space<semaphore_mem>>) src(%dma_wait3A_541 : memref<10000x16xf32, #tpu.memory_space<hbm>>) dst(%dma_wait3A_535 : memref<125x16xf32, #tpu.memory_space<vmem>>)
      %dma_start3A_544 = arith.constant 1 : i32
      %dma_start3A_545 = arith.constant 1 : i32
      %dma_start3A_546 = arith.constant 0 : i32
      %dma_start3A_547 = arith.constant 0 : i32
      %dma_start3A_548 = tpu.memref_slice %arg8[%dma_start3A_544, %dma_start3A_546, %dma_start3A_547] : memref<8x125x16xf32, #tpu.memory_space<vmem>> -> memref<1x125x16xf32, #tpu.memory_space<vmem>>
      %dma_start3A_549 = tpu.memref_squeeze %dma_start3A_548 : memref<1x125x16xf32, #tpu.memory_space<vmem>> -> memref<125x16xf32, #tpu.memory_space<vmem>>
      %dma_start3A_550 = arith.constant 0 : i32
      %dma_start3A_551 = tpu.memref_slice %arg7[%add3A_529, %dma_start3A_550] : memref<80x125xi32, #tpu.memory_space<vmem>> -> memref<1x125xi32, #tpu.memory_space<vmem>>
      %dma_start3A_552 = tpu.memref_squeeze %dma_start3A_551 : memref<1x125xi32, #tpu.memory_space<vmem>> -> memref<125xi32, #tpu.memory_space<vmem>>
      %dma_start3A_553 = arith.constant 0 : i32
      %dma_start3A_554 = arith.constant 0 : i32
      %dma_start3A_555 = tpu.memref_slice %arg9[%dma_start3A_553, %dma_start3A_554] : memref<10000x16xf32, #tpu.memory_space<vmem_shared>> -> memref<10000x16xf32, #tpu.memory_space<vmem_shared>>
      %dma_start3A_556 = tpu.memref_slice %arg11[%dma_start3A_545] : memref<8x!tpu.dma_semaphore, #tpu.memory_space<semaphore_mem>> -> memref<1x!tpu.dma_semaphore, #tpu.memory_space<semaphore_mem>>
      %dma_start3A_557 = tpu.memref_squeeze %dma_start3A_556 : memref<1x!tpu.dma_semaphore, #tpu.memory_space<semaphore_mem>> -> memref<!tpu.dma_semaphore, #tpu.memory_space<semaphore_mem>>
      tpu.enqueue_indirect_dma source(%dma_start3A_549 : memref<125x16xf32, #tpu.memory_space<vmem>>) target(%dma_start3A_555 : memref<10000x16xf32, #tpu.memory_space<vmem_shared>>) offsets(%dma_start3A_552 : memref<125xi32, #tpu.memory_space<vmem>>) semaphore(%dma_start3A_557 : memref<!tpu.dma_semaphore, #tpu.memory_space<semaphore_mem>>) {add = true}
      %mul3A_558 = arith.constant 8 : i32
      %mul3A_559 = arith.muli %scan3A_493, %mul3A_558 : i32
      %add3A_560 = arith.constant 2 : i32
      %add3A_561 = arith.addi %mul3A_559, %add3A_560 : i32
      %dma_wait3A_562 = arith.constant 2 : i32
      %dma_wait3A_563 = arith.constant 2 : i32
      %dma_wait3A_564 = arith.constant 0 : i32
      %dma_wait3A_565 = arith.constant 0 : i32
      %dma_wait3A_566 = tpu.memref_slice %arg8[%dma_wait3A_562, %dma_wait3A_564, %dma_wait3A_565] : memref<8x125x16xf32, #tpu.memory_space<vmem>> -> memref<1x125x16xf32, #tpu.memory_space<vmem>>
      %dma_wait3A_567 = tpu.memref_squeeze %dma_wait3A_566 : memref<1x125x16xf32, #tpu.memory_space<vmem>> -> memref<125x16xf32, #tpu.memory_space<vmem>>
      %dma_wait3A_568 = arith.constant 0 : i32
      %dma_wait3A_569 = tpu.memref_slice %arg6[%add3A_561, %dma_wait3A_568] : memref<80x125xi32, #tpu.memory_space<vmem>> -> memref<1x125xi32, #tpu.memory_space<vmem>>
      %dma_wait3A_570 = tpu.memref_squeeze %dma_wait3A_569 : memref<1x125xi32, #tpu.memory_space<vmem>> -> memref<125xi32, #tpu.memory_space<vmem>>
      %dma_wait3A_571 = arith.constant 0 : i32
      %dma_wait3A_572 = arith.constant 0 : i32
      %dma_wait3A_573 = tpu.memref_slice %arg2[%dma_wait3A_571, %dma_wait3A_572] : memref<10000x16xf32, #tpu.memory_space<hbm>> -> memref<10000x16xf32, #tpu.memory_space<hbm>>
      %dma_wait3A_574 = tpu.memref_slice %arg10[%dma_wait3A_563] : memref<8x!tpu.dma_semaphore, #tpu.memory_space<semaphore_mem>> -> memref<1x!tpu.dma_semaphore, #tpu.memory_space<semaphore_mem>>
      %dma_wait3A_575 = tpu.memref_squeeze %dma_wait3A_574 : memref<1x!tpu.dma_semaphore, #tpu.memory_space<semaphore_mem>> -> memref<!tpu.dma_semaphore, #tpu.memory_space<semaphore_mem>>
      tpu.wait_indirect_dma semaphore(%dma_wait3A_575 : memref<!tpu.dma_semaphore, #tpu.memory_space<semaphore_mem>>) src(%dma_wait3A_573 : memref<10000x16xf32, #tpu.memory_space<hbm>>) dst(%dma_wait3A_567 : memref<125x16xf32, #tpu.memory_space<vmem>>)
      %dma_start3A_576 = arith.constant 2 : i32
      %dma_start3A_577 = arith.constant 2 : i32
      %dma_start3A_578 = arith.constant 0 : i32
      %dma_start3A_579 = arith.constant 0 : i32
      %dma_start3A_580 = tpu.memref_slice %arg8[%dma_start3A_576, %dma_start3A_578, %dma_start3A_579] : memref<8x125x16xf32, #tpu.memory_space<vmem>> -> memref<1x125x16xf32, #tpu.memory_space<vmem>>
      %dma_start3A_581 = tpu.memref_squeeze %dma_start3A_580 : memref<1x125x16xf32, #tpu.memory_space<vmem>> -> memref<125x16xf32, #tpu.memory_space<vmem>>
      %dma_start3A_582 = arith.constant 0 : i32
      %dma_start3A_583 = tpu.memref_slice %arg7[%add3A_561, %dma_start3A_582] : memref<80x125xi32, #tpu.memory_space<vmem>> -> memref<1x125xi32, #tpu.memory_space<vmem>>
      %dma_start3A_584 = tpu.memref_squeeze %dma_start3A_583 : memref<1x125xi32, #tpu.memory_space<vmem>> -> memref<125xi32, #tpu.memory_space<vmem>>
      %dma_start3A_585 = arith.constant 0 : i32
      %dma_start3A_586 = arith.constant 0 : i32
      %dma_start3A_587 = tpu.memref_slice %arg9[%dma_start3A_585, %dma_start3A_586] : memref<10000x16xf32, #tpu.memory_space<vmem_shared>> -> memref<10000x16xf32, #tpu.memory_space<vmem_shared>>
      %dma_start3A_588 = tpu.memref_slice %arg11[%dma_start3A_577] : memref<8x!tpu.dma_semaphore, #tpu.memory_space<semaphore_mem>> -> memref<1x!tpu.dma_semaphore, #tpu.memory_space<semaphore_mem>>
      %dma_start3A_589 = tpu.memref_squeeze %dma_start3A_588 : memref<1x!tpu.dma_semaphore, #tpu.memory_space<semaphore_mem>> -> memref<!tpu.dma_semaphore, #tpu.memory_space<semaphore_mem>>
      tpu.enqueue_indirect_dma source(%dma_start3A_581 : memref<125x16xf32, #tpu.memory_space<vmem>>) target(%dma_start3A_587 : memref<10000x16xf32, #tpu.memory_space<vmem_shared>>) offsets(%dma_start3A_584 : memref<125xi32, #tpu.memory_space<vmem>>) semaphore(%dma_start3A_589 : memref<!tpu.dma_semaphore, #tpu.memory_space<semaphore_mem>>) {add = true}
      %mul3A_590 = arith.constant 8 : i32
      %mul3A_591 = arith.muli %scan3A_493, %mul3A_590 : i32
      %add3A_592 = arith.constant 3 : i32
      %add3A_593 = arith.addi %mul3A_591, %add3A_592 : i32
      %dma_wait3A_594 = arith.constant 3 : i32
      %dma_wait3A_595 = arith.constant 3 : i32
      %dma_wait3A_596 = arith.constant 0 : i32
      %dma_wait3A_597 = arith.constant 0 : i32
      %dma_wait3A_598 = tpu.memref_slice %arg8[%dma_wait3A_594, %dma_wait3A_596, %dma_wait3A_597] : memref<8x125x16xf32, #tpu.memory_space<vmem>> -> memref<1x125x16xf32, #tpu.memory_space<vmem>>
      %dma_wait3A_599 = tpu.memref_squeeze %dma_wait3A_598 : memref<1x125x16xf32, #tpu.memory_space<vmem>> -> memref<125x16xf32, #tpu.memory_space<vmem>>
      %dma_wait3A_600 = arith.constant 0 : i32
      %dma_wait3A_601 = tpu.memref_slice %arg6[%add3A_593, %dma_wait3A_600] : memref<80x125xi32, #tpu.memory_space<vmem>> -> memref<1x125xi32, #tpu.memory_space<vmem>>
      %dma_wait3A_602 = tpu.memref_squeeze %dma_wait3A_601 : memref<1x125xi32, #tpu.memory_space<vmem>> -> memref<125xi32, #tpu.memory_space<vmem>>
      %dma_wait3A_603 = arith.constant 0 : i32
      %dma_wait3A_604 = arith.constant 0 : i32
      %dma_wait3A_605 = tpu.memref_slice %arg2[%dma_wait3A_603, %dma_wait3A_604] : memref<10000x16xf32, #tpu.memory_space<hbm>> -> memref<10000x16xf32, #tpu.memory_space<hbm>>
      %dma_wait3A_606 = tpu.memref_slice %arg10[%dma_wait3A_595] : memref<8x!tpu.dma_semaphore, #tpu.memory_space<semaphore_mem>> -> memref<1x!tpu.dma_semaphore, #tpu.memory_space<semaphore_mem>>
      %dma_wait3A_607 = tpu.memref_squeeze %dma_wait3A_606 : memref<1x!tpu.dma_semaphore, #tpu.memory_space<semaphore_mem>> -> memref<!tpu.dma_semaphore, #tpu.memory_space<semaphore_mem>>
      tpu.wait_indirect_dma semaphore(%dma_wait3A_607 : memref<!tpu.dma_semaphore, #tpu.memory_space<semaphore_mem>>) src(%dma_wait3A_605 : memref<10000x16xf32, #tpu.memory_space<hbm>>) dst(%dma_wait3A_599 : memref<125x16xf32, #tpu.memory_space<vmem>>)
      %dma_start3A_608 = arith.constant 3 : i32
      %dma_start3A_609 = arith.constant 3 : i32
      %dma_start3A_610 = arith.constant 0 : i32
      %dma_start3A_611 = arith.constant 0 : i32
      %dma_start3A_612 = tpu.memref_slice %arg8[%dma_start3A_608, %dma_start3A_610, %dma_start3A_611] : memref<8x125x16xf32, #tpu.memory_space<vmem>> -> memref<1x125x16xf32, #tpu.memory_space<vmem>>
      %dma_start3A_613 = tpu.memref_squeeze %dma_start3A_612 : memref<1x125x16xf32, #tpu.memory_space<vmem>> -> memref<125x16xf32, #tpu.memory_space<vmem>>
      %dma_start3A_614 = arith.constant 0 : i32
      %dma_start3A_615 = tpu.memref_slice %arg7[%add3A_593, %dma_start3A_614] : memref<80x125xi32, #tpu.memory_space<vmem>> -> memref<1x125xi32, #tpu.memory_space<vmem>>
      %dma_start3A_616 = tpu.memref_squeeze %dma_start3A_615 : memref<1x125xi32, #tpu.memory_space<vmem>> -> memref<125xi32, #tpu.memory_space<vmem>>
      %dma_start3A_617 = arith.constant 0 : i32
      %dma_start3A_618 = arith.constant 0 : i32
      %dma_start3A_619 = tpu.memref_slice %arg9[%dma_start3A_617, %dma_start3A_618] : memref<10000x16xf32, #tpu.memory_space<vmem_shared>> -> memref<10000x16xf32, #tpu.memory_space<vmem_shared>>
      %dma_start3A_620 = tpu.memref_slice %arg11[%dma_start3A_609] : memref<8x!tpu.dma_semaphore, #tpu.memory_space<semaphore_mem>> -> memref<1x!tpu.dma_semaphore, #tpu.memory_space<semaphore_mem>>
      %dma_start3A_621 = tpu.memref_squeeze %dma_start3A_620 : memref<1x!tpu.dma_semaphore, #tpu.memory_space<semaphore_mem>> -> memref<!tpu.dma_semaphore, #tpu.memory_space<semaphore_mem>>
      tpu.enqueue_indirect_dma source(%dma_start3A_613 : memref<125x16xf32, #tpu.memory_space<vmem>>) target(%dma_start3A_619 : memref<10000x16xf32, #tpu.memory_space<vmem_shared>>) offsets(%dma_start3A_616 : memref<125xi32, #tpu.memory_space<vmem>>) semaphore(%dma_start3A_621 : memref<!tpu.dma_semaphore, #tpu.memory_space<semaphore_mem>>) {add = true}
      %mul3A_622 = arith.constant 8 : i32
      %mul3A_623 = arith.muli %scan3A_493, %mul3A_622 : i32
      %add3A_624 = arith.constant 4 : i32
      %add3A_625 = arith.addi %mul3A_623, %add3A_624 : i32
      %dma_wait3A_626 = arith.constant 4 : i32
      %dma_wait3A_627 = arith.constant 4 : i32
      %dma_wait3A_628 = arith.constant 0 : i32
      %dma_wait3A_629 = arith.constant 0 : i32
      %dma_wait3A_630 = tpu.memref_slice %arg8[%dma_wait3A_626, %dma_wait3A_628, %dma_wait3A_629] : memref<8x125x16xf32, #tpu.memory_space<vmem>> -> memref<1x125x16xf32, #tpu.memory_space<vmem>>
      %dma_wait3A_631 = tpu.memref_squeeze %dma_wait3A_630 : memref<1x125x16xf32, #tpu.memory_space<vmem>> -> memref<125x16xf32, #tpu.memory_space<vmem>>
      %dma_wait3A_632 = arith.constant 0 : i32
      %dma_wait3A_633 = tpu.memref_slice %arg6[%add3A_625, %dma_wait3A_632] : memref<80x125xi32, #tpu.memory_space<vmem>> -> memref<1x125xi32, #tpu.memory_space<vmem>>
      %dma_wait3A_634 = tpu.memref_squeeze %dma_wait3A_633 : memref<1x125xi32, #tpu.memory_space<vmem>> -> memref<125xi32, #tpu.memory_space<vmem>>
      %dma_wait3A_635 = arith.constant 0 : i32
      %dma_wait3A_636 = arith.constant 0 : i32
      %dma_wait3A_637 = tpu.memref_slice %arg2[%dma_wait3A_635, %dma_wait3A_636] : memref<10000x16xf32, #tpu.memory_space<hbm>> -> memref<10000x16xf32, #tpu.memory_space<hbm>>
      %dma_wait3A_638 = tpu.memref_slice %arg10[%dma_wait3A_627] : memref<8x!tpu.dma_semaphore, #tpu.memory_space<semaphore_mem>> -> memref<1x!tpu.dma_semaphore, #tpu.memory_space<semaphore_mem>>
      %dma_wait3A_639 = tpu.memref_squeeze %dma_wait3A_638 : memref<1x!tpu.dma_semaphore, #tpu.memory_space<semaphore_mem>> -> memref<!tpu.dma_semaphore, #tpu.memory_space<semaphore_mem>>
      tpu.wait_indirect_dma semaphore(%dma_wait3A_639 : memref<!tpu.dma_semaphore, #tpu.memory_space<semaphore_mem>>) src(%dma_wait3A_637 : memref<10000x16xf32, #tpu.memory_space<hbm>>) dst(%dma_wait3A_631 : memref<125x16xf32, #tpu.memory_space<vmem>>)
      %dma_start3A_640 = arith.constant 4 : i32
      %dma_start3A_641 = arith.constant 4 : i32
      %dma_start3A_642 = arith.constant 0 : i32
      %dma_start3A_643 = arith.constant 0 : i32
      %dma_start3A_644 = tpu.memref_slice %arg8[%dma_start3A_640, %dma_start3A_642, %dma_start3A_643] : memref<8x125x16xf32, #tpu.memory_space<vmem>> -> memref<1x125x16xf32, #tpu.memory_space<vmem>>
      %dma_start3A_645 = tpu.memref_squeeze %dma_start3A_644 : memref<1x125x16xf32, #tpu.memory_space<vmem>> -> memref<125x16xf32, #tpu.memory_space<vmem>>
      %dma_start3A_646 = arith.constant 0 : i32
      %dma_start3A_647 = tpu.memref_slice %arg7[%add3A_625, %dma_start3A_646] : memref<80x125xi32, #tpu.memory_space<vmem>> -> memref<1x125xi32, #tpu.memory_space<vmem>>
      %dma_start3A_648 = tpu.memref_squeeze %dma_start3A_647 : memref<1x125xi32, #tpu.memory_space<vmem>> -> memref<125xi32, #tpu.memory_space<vmem>>
      %dma_start3A_649 = arith.constant 0 : i32
      %dma_start3A_650 = arith.constant 0 : i32
      %dma_start3A_651 = tpu.memref_slice %arg9[%dma_start3A_649, %dma_start3A_650] : memref<10000x16xf32, #tpu.memory_space<vmem_shared>> -> memref<10000x16xf32, #tpu.memory_space<vmem_shared>>
      %dma_start3A_652 = tpu.memref_slice %arg11[%dma_start3A_641] : memref<8x!tpu.dma_semaphore, #tpu.memory_space<semaphore_mem>> -> memref<1x!tpu.dma_semaphore, #tpu.memory_space<semaphore_mem>>
      %dma_start3A_653 = tpu.memref_squeeze %dma_start3A_652 : memref<1x!tpu.dma_semaphore, #tpu.memory_space<semaphore_mem>> -> memref<!tpu.dma_semaphore, #tpu.memory_space<semaphore_mem>>
      tpu.enqueue_indirect_dma source(%dma_start3A_645 : memref<125x16xf32, #tpu.memory_space<vmem>>) target(%dma_start3A_651 : memref<10000x16xf32, #tpu.memory_space<vmem_shared>>) offsets(%dma_start3A_648 : memref<125xi32, #tpu.memory_space<vmem>>) semaphore(%dma_start3A_653 : memref<!tpu.dma_semaphore, #tpu.memory_space<semaphore_mem>>) {add = true}
      %mul3A_654 = arith.constant 8 : i32
      %mul3A_655 = arith.muli %scan3A_493, %mul3A_654 : i32
      %add3A_656 = arith.constant 5 : i32
      %add3A_657 = arith.addi %mul3A_655, %add3A_656 : i32
      %dma_wait3A_658 = arith.constant 5 : i32
      %dma_wait3A_659 = arith.constant 5 : i32
      %dma_wait3A_660 = arith.constant 0 : i32
      %dma_wait3A_661 = arith.constant 0 : i32
      %dma_wait3A_662 = tpu.memref_slice %arg8[%dma_wait3A_658, %dma_wait3A_660, %dma_wait3A_661] : memref<8x125x16xf32, #tpu.memory_space<vmem>> -> memref<1x125x16xf32, #tpu.memory_space<vmem>>
      %dma_wait3A_663 = tpu.memref_squeeze %dma_wait3A_662 : memref<1x125x16xf32, #tpu.memory_space<vmem>> -> memref<125x16xf32, #tpu.memory_space<vmem>>
      %dma_wait3A_664 = arith.constant 0 : i32
      %dma_wait3A_665 = tpu.memref_slice %arg6[%add3A_657, %dma_wait3A_664] : memref<80x125xi32, #tpu.memory_space<vmem>> -> memref<1x125xi32, #tpu.memory_space<vmem>>
      %dma_wait3A_666 = tpu.memref_squeeze %dma_wait3A_665 : memref<1x125xi32, #tpu.memory_space<vmem>> -> memref<125xi32, #tpu.memory_space<vmem>>
      %dma_wait3A_667 = arith.constant 0 : i32
      %dma_wait3A_668 = arith.constant 0 : i32
      %dma_wait3A_669 = tpu.memref_slice %arg2[%dma_wait3A_667, %dma_wait3A_668] : memref<10000x16xf32, #tpu.memory_space<hbm>> -> memref<10000x16xf32, #tpu.memory_space<hbm>>
      %dma_wait3A_670 = tpu.memref_slice %arg10[%dma_wait3A_659] : memref<8x!tpu.dma_semaphore, #tpu.memory_space<semaphore_mem>> -> memref<1x!tpu.dma_semaphore, #tpu.memory_space<semaphore_mem>>
      %dma_wait3A_671 = tpu.memref_squeeze %dma_wait3A_670 : memref<1x!tpu.dma_semaphore, #tpu.memory_space<semaphore_mem>> -> memref<!tpu.dma_semaphore, #tpu.memory_space<semaphore_mem>>
      tpu.wait_indirect_dma semaphore(%dma_wait3A_671 : memref<!tpu.dma_semaphore, #tpu.memory_space<semaphore_mem>>) src(%dma_wait3A_669 : memref<10000x16xf32, #tpu.memory_space<hbm>>) dst(%dma_wait3A_663 : memref<125x16xf32, #tpu.memory_space<vmem>>)
      %dma_start3A_672 = arith.constant 5 : i32
      %dma_start3A_673 = arith.constant 5 : i32
      %dma_start3A_674 = arith.constant 0 : i32
      %dma_start3A_675 = arith.constant 0 : i32
      %dma_start3A_676 = tpu.memref_slice %arg8[%dma_start3A_672, %dma_start3A_674, %dma_start3A_675] : memref<8x125x16xf32, #tpu.memory_space<vmem>> -> memref<1x125x16xf32, #tpu.memory_space<vmem>>
      %dma_start3A_677 = tpu.memref_squeeze %dma_start3A_676 : memref<1x125x16xf32, #tpu.memory_space<vmem>> -> memref<125x16xf32, #tpu.memory_space<vmem>>
      %dma_start3A_678 = arith.constant 0 : i32
      %dma_start3A_679 = tpu.memref_slice %arg7[%add3A_657, %dma_start3A_678] : memref<80x125xi32, #tpu.memory_space<vmem>> -> memref<1x125xi32, #tpu.memory_space<vmem>>
      %dma_start3A_680 = tpu.memref_squeeze %dma_start3A_679 : memref<1x125xi32, #tpu.memory_space<vmem>> -> memref<125xi32, #tpu.memory_space<vmem>>
      %dma_start3A_681 = arith.constant 0 : i32
      %dma_start3A_682 = arith.constant 0 : i32
      %dma_start3A_683 = tpu.memref_slice %arg9[%dma_start3A_681, %dma_start3A_682] : memref<10000x16xf32, #tpu.memory_space<vmem_shared>> -> memref<10000x16xf32, #tpu.memory_space<vmem_shared>>
      %dma_start3A_684 = tpu.memref_slice %arg11[%dma_start3A_673] : memref<8x!tpu.dma_semaphore, #tpu.memory_space<semaphore_mem>> -> memref<1x!tpu.dma_semaphore, #tpu.memory_space<semaphore_mem>>
      %dma_start3A_685 = tpu.memref_squeeze %dma_start3A_684 : memref<1x!tpu.dma_semaphore, #tpu.memory_space<semaphore_mem>> -> memref<!tpu.dma_semaphore, #tpu.memory_space<semaphore_mem>>
      tpu.enqueue_indirect_dma source(%dma_start3A_677 : memref<125x16xf32, #tpu.memory_space<vmem>>) target(%dma_start3A_683 : memref<10000x16xf32, #tpu.memory_space<vmem_shared>>) offsets(%dma_start3A_680 : memref<125xi32, #tpu.memory_space<vmem>>) semaphore(%dma_start3A_685 : memref<!tpu.dma_semaphore, #tpu.memory_space<semaphore_mem>>) {add = true}
      %mul3A_686 = arith.constant 8 : i32
      %mul3A_687 = arith.muli %scan3A_493, %mul3A_686 : i32
      %add3A_688 = arith.constant 6 : i32
      %add3A_689 = arith.addi %mul3A_687, %add3A_688 : i32
      %dma_wait3A_690 = arith.constant 6 : i32
      %dma_wait3A_691 = arith.constant 6 : i32
      %dma_wait3A_692 = arith.constant 0 : i32
      %dma_wait3A_693 = arith.constant 0 : i32
      %dma_wait3A_694 = tpu.memref_slice %arg8[%dma_wait3A_690, %dma_wait3A_692, %dma_wait3A_693] : memref<8x125x16xf32, #tpu.memory_space<vmem>> -> memref<1x125x16xf32, #tpu.memory_space<vmem>>
      %dma_wait3A_695 = tpu.memref_squeeze %dma_wait3A_694 : memref<1x125x16xf32, #tpu.memory_space<vmem>> -> memref<125x16xf32, #tpu.memory_space<vmem>>
      %dma_wait3A_696 = arith.constant 0 : i32
      %dma_wait3A_697 = tpu.memref_slice %arg6[%add3A_689, %dma_wait3A_696] : memref<80x125xi32, #tpu.memory_space<vmem>> -> memref<1x125xi32, #tpu.memory_space<vmem>>
      %dma_wait3A_698 = tpu.memref_squeeze %dma_wait3A_697 : memref<1x125xi32, #tpu.memory_space<vmem>> -> memref<125xi32, #tpu.memory_space<vmem>>
      %dma_wait3A_699 = arith.constant 0 : i32
      %dma_wait3A_700 = arith.constant 0 : i32
      %dma_wait3A_701 = tpu.memref_slice %arg2[%dma_wait3A_699, %dma_wait3A_700] : memref<10000x16xf32, #tpu.memory_space<hbm>> -> memref<10000x16xf32, #tpu.memory_space<hbm>>
      %dma_wait3A_702 = tpu.memref_slice %arg10[%dma_wait3A_691] : memref<8x!tpu.dma_semaphore, #tpu.memory_space<semaphore_mem>> -> memref<1x!tpu.dma_semaphore, #tpu.memory_space<semaphore_mem>>
      %dma_wait3A_703 = tpu.memref_squeeze %dma_wait3A_702 : memref<1x!tpu.dma_semaphore, #tpu.memory_space<semaphore_mem>> -> memref<!tpu.dma_semaphore, #tpu.memory_space<semaphore_mem>>
      tpu.wait_indirect_dma semaphore(%dma_wait3A_703 : memref<!tpu.dma_semaphore, #tpu.memory_space<semaphore_mem>>) src(%dma_wait3A_701 : memref<10000x16xf32, #tpu.memory_space<hbm>>) dst(%dma_wait3A_695 : memref<125x16xf32, #tpu.memory_space<vmem>>)
      %dma_start3A_704 = arith.constant 6 : i32
      %dma_start3A_705 = arith.constant 6 : i32
      %dma_start3A_706 = arith.constant 0 : i32
      %dma_start3A_707 = arith.constant 0 : i32
      %dma_start3A_708 = tpu.memref_slice %arg8[%dma_start3A_704, %dma_start3A_706, %dma_start3A_707] : memref<8x125x16xf32, #tpu.memory_space<vmem>> -> memref<1x125x16xf32, #tpu.memory_space<vmem>>
      %dma_start3A_709 = tpu.memref_squeeze %dma_start3A_708 : memref<1x125x16xf32, #tpu.memory_space<vmem>> -> memref<125x16xf32, #tpu.memory_space<vmem>>
      %dma_start3A_710 = arith.constant 0 : i32
      %dma_start3A_711 = tpu.memref_slice %arg7[%add3A_689, %dma_start3A_710] : memref<80x125xi32, #tpu.memory_space<vmem>> -> memref<1x125xi32, #tpu.memory_space<vmem>>
      %dma_start3A_712 = tpu.memref_squeeze %dma_start3A_711 : memref<1x125xi32, #tpu.memory_space<vmem>> -> memref<125xi32, #tpu.memory_space<vmem>>
      %dma_start3A_713 = arith.constant 0 : i32
      %dma_start3A_714 = arith.constant 0 : i32
      %dma_start3A_715 = tpu.memref_slice %arg9[%dma_start3A_713, %dma_start3A_714] : memref<10000x16xf32, #tpu.memory_space<vmem_shared>> -> memref<10000x16xf32, #tpu.memory_space<vmem_shared>>
      %dma_start3A_716 = tpu.memref_slice %arg11[%dma_start3A_705] : memref<8x!tpu.dma_semaphore, #tpu.memory_space<semaphore_mem>> -> memref<1x!tpu.dma_semaphore, #tpu.memory_space<semaphore_mem>>
      %dma_start3A_717 = tpu.memref_squeeze %dma_start3A_716 : memref<1x!tpu.dma_semaphore, #tpu.memory_space<semaphore_mem>> -> memref<!tpu.dma_semaphore, #tpu.memory_space<semaphore_mem>>
      tpu.enqueue_indirect_dma source(%dma_start3A_709 : memref<125x16xf32, #tpu.memory_space<vmem>>) target(%dma_start3A_715 : memref<10000x16xf32, #tpu.memory_space<vmem_shared>>) offsets(%dma_start3A_712 : memref<125xi32, #tpu.memory_space<vmem>>) semaphore(%dma_start3A_717 : memref<!tpu.dma_semaphore, #tpu.memory_space<semaphore_mem>>) {add = true}
      %mul3A_718 = arith.constant 8 : i32
      %mul3A_719 = arith.muli %scan3A_493, %mul3A_718 : i32
      %add3A_720 = arith.constant 7 : i32
      %add3A_721 = arith.addi %mul3A_719, %add3A_720 : i32
      %dma_wait3A_722 = arith.constant 7 : i32
      %dma_wait3A_723 = arith.constant 7 : i32
      %dma_wait3A_724 = arith.constant 0 : i32
      %dma_wait3A_725 = arith.constant 0 : i32
      %dma_wait3A_726 = tpu.memref_slice %arg8[%dma_wait3A_722, %dma_wait3A_724, %dma_wait3A_725] : memref<8x125x16xf32, #tpu.memory_space<vmem>> -> memref<1x125x16xf32, #tpu.memory_space<vmem>>
      %dma_wait3A_727 = tpu.memref_squeeze %dma_wait3A_726 : memref<1x125x16xf32, #tpu.memory_space<vmem>> -> memref<125x16xf32, #tpu.memory_space<vmem>>
      %dma_wait3A_728 = arith.constant 0 : i32
      %dma_wait3A_729 = tpu.memref_slice %arg6[%add3A_721, %dma_wait3A_728] : memref<80x125xi32, #tpu.memory_space<vmem>> -> memref<1x125xi32, #tpu.memory_space<vmem>>
      %dma_wait3A_730 = tpu.memref_squeeze %dma_wait3A_729 : memref<1x125xi32, #tpu.memory_space<vmem>> -> memref<125xi32, #tpu.memory_space<vmem>>
      %dma_wait3A_731 = arith.constant 0 : i32
      %dma_wait3A_732 = arith.constant 0 : i32
      %dma_wait3A_733 = tpu.memref_slice %arg2[%dma_wait3A_731, %dma_wait3A_732] : memref<10000x16xf32, #tpu.memory_space<hbm>> -> memref<10000x16xf32, #tpu.memory_space<hbm>>
      %dma_wait3A_734 = tpu.memref_slice %arg10[%dma_wait3A_723] : memref<8x!tpu.dma_semaphore, #tpu.memory_space<semaphore_mem>> -> memref<1x!tpu.dma_semaphore, #tpu.memory_space<semaphore_mem>>
      %dma_wait3A_735 = tpu.memref_squeeze %dma_wait3A_734 : memref<1x!tpu.dma_semaphore, #tpu.memory_space<semaphore_mem>> -> memref<!tpu.dma_semaphore, #tpu.memory_space<semaphore_mem>>
      tpu.wait_indirect_dma semaphore(%dma_wait3A_735 : memref<!tpu.dma_semaphore, #tpu.memory_space<semaphore_mem>>) src(%dma_wait3A_733 : memref<10000x16xf32, #tpu.memory_space<hbm>>) dst(%dma_wait3A_727 : memref<125x16xf32, #tpu.memory_space<vmem>>)
      %dma_start3A_736 = arith.constant 7 : i32
      %dma_start3A_737 = arith.constant 7 : i32
      %dma_start3A_738 = arith.constant 0 : i32
      %dma_start3A_739 = arith.constant 0 : i32
      %dma_start3A_740 = tpu.memref_slice %arg8[%dma_start3A_736, %dma_start3A_738, %dma_start3A_739] : memref<8x125x16xf32, #tpu.memory_space<vmem>> -> memref<1x125x16xf32, #tpu.memory_space<vmem>>
      %dma_start3A_741 = tpu.memref_squeeze %dma_start3A_740 : memref<1x125x16xf32, #tpu.memory_space<vmem>> -> memref<125x16xf32, #tpu.memory_space<vmem>>
      %dma_start3A_742 = arith.constant 0 : i32
      %dma_start3A_743 = tpu.memref_slice %arg7[%add3A_721, %dma_start3A_742] : memref<80x125xi32, #tpu.memory_space<vmem>> -> memref<1x125xi32, #tpu.memory_space<vmem>>
      %dma_start3A_744 = tpu.memref_squeeze %dma_start3A_743 : memref<1x125xi32, #tpu.memory_space<vmem>> -> memref<125xi32, #tpu.memory_space<vmem>>
      %dma_start3A_745 = arith.constant 0 : i32
      %dma_start3A_746 = arith.constant 0 : i32
      %dma_start3A_747 = tpu.memref_slice %arg9[%dma_start3A_745, %dma_start3A_746] : memref<10000x16xf32, #tpu.memory_space<vmem_shared>> -> memref<10000x16xf32, #tpu.memory_space<vmem_shared>>
      %dma_start3A_748 = tpu.memref_slice %arg11[%dma_start3A_737] : memref<8x!tpu.dma_semaphore, #tpu.memory_space<semaphore_mem>> -> memref<1x!tpu.dma_semaphore, #tpu.memory_space<semaphore_mem>>
      %dma_start3A_749 = tpu.memref_squeeze %dma_start3A_748 : memref<1x!tpu.dma_semaphore, #tpu.memory_space<semaphore_mem>> -> memref<!tpu.dma_semaphore, #tpu.memory_space<semaphore_mem>>
      tpu.enqueue_indirect_dma source(%dma_start3A_741 : memref<125x16xf32, #tpu.memory_space<vmem>>) target(%dma_start3A_747 : memref<10000x16xf32, #tpu.memory_space<vmem_shared>>) offsets(%dma_start3A_744 : memref<125xi32, #tpu.memory_space<vmem>>) semaphore(%dma_start3A_749 : memref<!tpu.dma_semaphore, #tpu.memory_space<semaphore_mem>>) {add = true}
      %mul3A_750 = arith.constant 8 : i32
      %mul3A_751 = arith.muli %scan3A_493, %mul3A_750 : i32
      %add3A_752 = arith.constant 0 : i32
      %add3A_753 = arith.addi %mul3A_751, %add3A_752 : i32
      %dma_wait3A_754 = arith.constant 0 : i32
      %dma_wait3A_755 = arith.constant 0 : i32
      %dma_wait3A_756 = arith.constant 0 : i32
      %dma_wait3A_757 = arith.constant 0 : i32
      %dma_wait3A_758 = tpu.memref_slice %arg8[%dma_wait3A_754, %dma_wait3A_756, %dma_wait3A_757] : memref<8x125x16xf32, #tpu.memory_space<vmem>> -> memref<1x125x16xf32, #tpu.memory_space<vmem>>
      %dma_wait3A_759 = tpu.memref_squeeze %dma_wait3A_758 : memref<1x125x16xf32, #tpu.memory_space<vmem>> -> memref<125x16xf32, #tpu.memory_space<vmem>>
      %dma_wait3A_760 = arith.constant 0 : i32
      %dma_wait3A_761 = tpu.memref_slice %arg7[%add3A_753, %dma_wait3A_760] : memref<80x125xi32, #tpu.memory_space<vmem>> -> memref<1x125xi32, #tpu.memory_space<vmem>>
      %dma_wait3A_762 = tpu.memref_squeeze %dma_wait3A_761 : memref<1x125xi32, #tpu.memory_space<vmem>> -> memref<125xi32, #tpu.memory_space<vmem>>
      %dma_wait3A_763 = arith.constant 0 : i32
      %dma_wait3A_764 = arith.constant 0 : i32
      %dma_wait3A_765 = tpu.memref_slice %arg9[%dma_wait3A_763, %dma_wait3A_764] : memref<10000x16xf32, #tpu.memory_space<vmem_shared>> -> memref<10000x16xf32, #tpu.memory_space<vmem_shared>>
      %dma_wait3A_766 = tpu.memref_slice %arg11[%dma_wait3A_755] : memref<8x!tpu.dma_semaphore, #tpu.memory_space<semaphore_mem>> -> memref<1x!tpu.dma_semaphore, #tpu.memory_space<semaphore_mem>>
      %dma_wait3A_767 = tpu.memref_squeeze %dma_wait3A_766 : memref<1x!tpu.dma_semaphore, #tpu.memory_space<semaphore_mem>> -> memref<!tpu.dma_semaphore, #tpu.memory_space<semaphore_mem>>
      tpu.wait_indirect_dma semaphore(%dma_wait3A_767 : memref<!tpu.dma_semaphore, #tpu.memory_space<semaphore_mem>>) src(%dma_wait3A_759 : memref<125x16xf32, #tpu.memory_space<vmem>>) dst(%dma_wait3A_765 : memref<10000x16xf32, #tpu.memory_space<vmem_shared>>)
      %add3A_768 = arith.constant 8 : i32
      %add3A_769 = arith.addi %add3A_753, %add3A_768 : i32
      %dma_start3A_770 = arith.constant 0 : i32
      %dma_start3A_771 = arith.constant 0 : i32
      %dma_start3A_772 = arith.constant 0 : i32
      %dma_start3A_773 = arith.constant 0 : i32
      %dma_start3A_774 = tpu.memref_slice %arg8[%dma_start3A_770, %dma_start3A_772, %dma_start3A_773] : memref<8x125x16xf32, #tpu.memory_space<vmem>> -> memref<1x125x16xf32, #tpu.memory_space<vmem>>
      %dma_start3A_775 = tpu.memref_squeeze %dma_start3A_774 : memref<1x125x16xf32, #tpu.memory_space<vmem>> -> memref<125x16xf32, #tpu.memory_space<vmem>>
      %dma_start3A_776 = arith.constant 0 : i32
      %dma_start3A_777 = tpu.memref_slice %arg6[%add3A_769, %dma_start3A_776] : memref<80x125xi32, #tpu.memory_space<vmem>> -> memref<1x125xi32, #tpu.memory_space<vmem>>
      %dma_start3A_778 = tpu.memref_squeeze %dma_start3A_777 : memref<1x125xi32, #tpu.memory_space<vmem>> -> memref<125xi32, #tpu.memory_space<vmem>>
      %dma_start3A_779 = arith.constant 0 : i32
      %dma_start3A_780 = arith.constant 0 : i32
      %dma_start3A_781 = tpu.memref_slice %arg2[%dma_start3A_779, %dma_start3A_780] : memref<10000x16xf32, #tpu.memory_space<hbm>> -> memref<10000x16xf32, #tpu.memory_space<hbm>>
      %dma_start3A_782 = tpu.memref_slice %arg10[%dma_start3A_771] : memref<8x!tpu.dma_semaphore, #tpu.memory_space<semaphore_mem>> -> memref<1x!tpu.dma_semaphore, #tpu.memory_space<semaphore_mem>>
      %dma_start3A_783 = tpu.memref_squeeze %dma_start3A_782 : memref<1x!tpu.dma_semaphore, #tpu.memory_space<semaphore_mem>> -> memref<!tpu.dma_semaphore, #tpu.memory_space<semaphore_mem>>
      tpu.enqueue_indirect_dma source(%dma_start3A_781 : memref<10000x16xf32, #tpu.memory_space<hbm>>) target(%dma_start3A_775 : memref<125x16xf32, #tpu.memory_space<vmem>>) offsets(%dma_start3A_778 : memref<125xi32, #tpu.memory_space<vmem>>) semaphore(%dma_start3A_783 : memref<!tpu.dma_semaphore, #tpu.memory_space<semaphore_mem>>)
      %mul3A_784 = arith.constant 8 : i32
      %mul3A_785 = arith.muli %scan3A_493, %mul3A_784 : i32
      %add3A_786 = arith.constant 1 : i32
      %add3A_787 = arith.addi %mul3A_785, %add3A_786 : i32
      %dma_wait3A_788 = arith.constant 1 : i32
      %dma_wait3A_789 = arith.constant 1 : i32
      %dma_wait3A_790 = arith.constant 0 : i32
      %dma_wait3A_791 = arith.constant 0 : i32
      %dma_wait3A_792 = tpu.memref_slice %arg8[%dma_wait3A_788, %dma_wait3A_790, %dma_wait3A_791] : memref<8x125x16xf32, #tpu.memory_space<vmem>> -> memref<1x125x16xf32, #tpu.memory_space<vmem>>
      %dma_wait3A_793 = tpu.memref_squeeze %dma_wait3A_792 : memref<1x125x16xf32, #tpu.memory_space<vmem>> -> memref<125x16xf32, #tpu.memory_space<vmem>>
      %dma_wait3A_794 = arith.constant 0 : i32
      %dma_wait3A_795 = tpu.memref_slice %arg7[%add3A_787, %dma_wait3A_794] : memref<80x125xi32, #tpu.memory_space<vmem>> -> memref<1x125xi32, #tpu.memory_space<vmem>>
      %dma_wait3A_796 = tpu.memref_squeeze %dma_wait3A_795 : memref<1x125xi32, #tpu.memory_space<vmem>> -> memref<125xi32, #tpu.memory_space<vmem>>
      %dma_wait3A_797 = arith.constant 0 : i32
      %dma_wait3A_798 = arith.constant 0 : i32
      %dma_wait3A_799 = tpu.memref_slice %arg9[%dma_wait3A_797, %dma_wait3A_798] : memref<10000x16xf32, #tpu.memory_space<vmem_shared>> -> memref<10000x16xf32, #tpu.memory_space<vmem_shared>>
      %dma_wait3A_800 = tpu.memref_slice %arg11[%dma_wait3A_789] : memref<8x!tpu.dma_semaphore, #tpu.memory_space<semaphore_mem>> -> memref<1x!tpu.dma_semaphore, #tpu.memory_space<semaphore_mem>>
      %dma_wait3A_801 = tpu.memref_squeeze %dma_wait3A_800 : memref<1x!tpu.dma_semaphore, #tpu.memory_space<semaphore_mem>> -> memref<!tpu.dma_semaphore, #tpu.memory_space<semaphore_mem>>
      tpu.wait_indirect_dma semaphore(%dma_wait3A_801 : memref<!tpu.dma_semaphore, #tpu.memory_space<semaphore_mem>>) src(%dma_wait3A_793 : memref<125x16xf32, #tpu.memory_space<vmem>>) dst(%dma_wait3A_799 : memref<10000x16xf32, #tpu.memory_space<vmem_shared>>)
      %add3A_802 = arith.constant 8 : i32
      %add3A_803 = arith.addi %add3A_787, %add3A_802 : i32
      %dma_start3A_804 = arith.constant 1 : i32
      %dma_start3A_805 = arith.constant 1 : i32
      %dma_start3A_806 = arith.constant 0 : i32
      %dma_start3A_807 = arith.constant 0 : i32
      %dma_start3A_808 = tpu.memref_slice %arg8[%dma_start3A_804, %dma_start3A_806, %dma_start3A_807] : memref<8x125x16xf32, #tpu.memory_space<vmem>> -> memref<1x125x16xf32, #tpu.memory_space<vmem>>
      %dma_start3A_809 = tpu.memref_squeeze %dma_start3A_808 : memref<1x125x16xf32, #tpu.memory_space<vmem>> -> memref<125x16xf32, #tpu.memory_space<vmem>>
      %dma_start3A_810 = arith.constant 0 : i32
      %dma_start3A_811 = tpu.memref_slice %arg6[%add3A_803, %dma_start3A_810] : memref<80x125xi32, #tpu.memory_space<vmem>> -> memref<1x125xi32, #tpu.memory_space<vmem>>
      %dma_start3A_812 = tpu.memref_squeeze %dma_start3A_811 : memref<1x125xi32, #tpu.memory_space<vmem>> -> memref<125xi32, #tpu.memory_space<vmem>>
      %dma_start3A_813 = arith.constant 0 : i32
      %dma_start3A_814 = arith.constant 0 : i32
      %dma_start3A_815 = tpu.memref_slice %arg2[%dma_start3A_813, %dma_start3A_814] : memref<10000x16xf32, #tpu.memory_space<hbm>> -> memref<10000x16xf32, #tpu.memory_space<hbm>>
      %dma_start3A_816 = tpu.memref_slice %arg10[%dma_start3A_805] : memref<8x!tpu.dma_semaphore, #tpu.memory_space<semaphore_mem>> -> memref<1x!tpu.dma_semaphore, #tpu.memory_space<semaphore_mem>>
      %dma_start3A_817 = tpu.memref_squeeze %dma_start3A_816 : memref<1x!tpu.dma_semaphore, #tpu.memory_space<semaphore_mem>> -> memref<!tpu.dma_semaphore, #tpu.memory_space<semaphore_mem>>
      tpu.enqueue_indirect_dma source(%dma_start3A_815 : memref<10000x16xf32, #tpu.memory_space<hbm>>) target(%dma_start3A_809 : memref<125x16xf32, #tpu.memory_space<vmem>>) offsets(%dma_start3A_812 : memref<125xi32, #tpu.memory_space<vmem>>) semaphore(%dma_start3A_817 : memref<!tpu.dma_semaphore, #tpu.memory_space<semaphore_mem>>)
      %mul3A_818 = arith.constant 8 : i32
      %mul3A_819 = arith.muli %scan3A_493, %mul3A_818 : i32
      %add3A_820 = arith.constant 2 : i32
      %add3A_821 = arith.addi %mul3A_819, %add3A_820 : i32
      %dma_wait3A_822 = arith.constant 2 : i32
      %dma_wait3A_823 = arith.constant 2 : i32
      %dma_wait3A_824 = arith.constant 0 : i32
      %dma_wait3A_825 = arith.constant 0 : i32
      %dma_wait3A_826 = tpu.memref_slice %arg8[%dma_wait3A_822, %dma_wait3A_824, %dma_wait3A_825] : memref<8x125x16xf32, #tpu.memory_space<vmem>> -> memref<1x125x16xf32, #tpu.memory_space<vmem>>
      %dma_wait3A_827 = tpu.memref_squeeze %dma_wait3A_826 : memref<1x125x16xf32, #tpu.memory_space<vmem>> -> memref<125x16xf32, #tpu.memory_space<vmem>>
      %dma_wait3A_828 = arith.constant 0 : i32
      %dma_wait3A_829 = tpu.memref_slice %arg7[%add3A_821, %dma_wait3A_828] : memref<80x125xi32, #tpu.memory_space<vmem>> -> memref<1x125xi32, #tpu.memory_space<vmem>>
      %dma_wait3A_830 = tpu.memref_squeeze %dma_wait3A_829 : memref<1x125xi32, #tpu.memory_space<vmem>> -> memref<125xi32, #tpu.memory_space<vmem>>
      %dma_wait3A_831 = arith.constant 0 : i32
      %dma_wait3A_832 = arith.constant 0 : i32
      %dma_wait3A_833 = tpu.memref_slice %arg9[%dma_wait3A_831, %dma_wait3A_832] : memref<10000x16xf32, #tpu.memory_space<vmem_shared>> -> memref<10000x16xf32, #tpu.memory_space<vmem_shared>>
      %dma_wait3A_834 = tpu.memref_slice %arg11[%dma_wait3A_823] : memref<8x!tpu.dma_semaphore, #tpu.memory_space<semaphore_mem>> -> memref<1x!tpu.dma_semaphore, #tpu.memory_space<semaphore_mem>>
      %dma_wait3A_835 = tpu.memref_squeeze %dma_wait3A_834 : memref<1x!tpu.dma_semaphore, #tpu.memory_space<semaphore_mem>> -> memref<!tpu.dma_semaphore, #tpu.memory_space<semaphore_mem>>
      tpu.wait_indirect_dma semaphore(%dma_wait3A_835 : memref<!tpu.dma_semaphore, #tpu.memory_space<semaphore_mem>>) src(%dma_wait3A_827 : memref<125x16xf32, #tpu.memory_space<vmem>>) dst(%dma_wait3A_833 : memref<10000x16xf32, #tpu.memory_space<vmem_shared>>)
      %add3A_836 = arith.constant 8 : i32
      %add3A_837 = arith.addi %add3A_821, %add3A_836 : i32
      %dma_start3A_838 = arith.constant 2 : i32
      %dma_start3A_839 = arith.constant 2 : i32
      %dma_start3A_840 = arith.constant 0 : i32
      %dma_start3A_841 = arith.constant 0 : i32
      %dma_start3A_842 = tpu.memref_slice %arg8[%dma_start3A_838, %dma_start3A_840, %dma_start3A_841] : memref<8x125x16xf32, #tpu.memory_space<vmem>> -> memref<1x125x16xf32, #tpu.memory_space<vmem>>
      %dma_start3A_843 = tpu.memref_squeeze %dma_start3A_842 : memref<1x125x16xf32, #tpu.memory_space<vmem>> -> memref<125x16xf32, #tpu.memory_space<vmem>>
      %dma_start3A_844 = arith.constant 0 : i32
      %dma_start3A_845 = tpu.memref_slice %arg6[%add3A_837, %dma_start3A_844] : memref<80x125xi32, #tpu.memory_space<vmem>> -> memref<1x125xi32, #tpu.memory_space<vmem>>
      %dma_start3A_846 = tpu.memref_squeeze %dma_start3A_845 : memref<1x125xi32, #tpu.memory_space<vmem>> -> memref<125xi32, #tpu.memory_space<vmem>>
      %dma_start3A_847 = arith.constant 0 : i32
      %dma_start3A_848 = arith.constant 0 : i32
      %dma_start3A_849 = tpu.memref_slice %arg2[%dma_start3A_847, %dma_start3A_848] : memref<10000x16xf32, #tpu.memory_space<hbm>> -> memref<10000x16xf32, #tpu.memory_space<hbm>>
      %dma_start3A_850 = tpu.memref_slice %arg10[%dma_start3A_839] : memref<8x!tpu.dma_semaphore, #tpu.memory_space<semaphore_mem>> -> memref<1x!tpu.dma_semaphore, #tpu.memory_space<semaphore_mem>>
      %dma_start3A_851 = tpu.memref_squeeze %dma_start3A_850 : memref<1x!tpu.dma_semaphore, #tpu.memory_space<semaphore_mem>> -> memref<!tpu.dma_semaphore, #tpu.memory_space<semaphore_mem>>
      tpu.enqueue_indirect_dma source(%dma_start3A_849 : memref<10000x16xf32, #tpu.memory_space<hbm>>) target(%dma_start3A_843 : memref<125x16xf32, #tpu.memory_space<vmem>>) offsets(%dma_start3A_846 : memref<125xi32, #tpu.memory_space<vmem>>) semaphore(%dma_start3A_851 : memref<!tpu.dma_semaphore, #tpu.memory_space<semaphore_mem>>)
      %mul3A_852 = arith.constant 8 : i32
      %mul3A_853 = arith.muli %scan3A_493, %mul3A_852 : i32
      %add3A_854 = arith.constant 3 : i32
      %add3A_855 = arith.addi %mul3A_853, %add3A_854 : i32
      %dma_wait3A_856 = arith.constant 3 : i32
      %dma_wait3A_857 = arith.constant 3 : i32
      %dma_wait3A_858 = arith.constant 0 : i32
      %dma_wait3A_859 = arith.constant 0 : i32
      %dma_wait3A_860 = tpu.memref_slice %arg8[%dma_wait3A_856, %dma_wait3A_858, %dma_wait3A_859] : memref<8x125x16xf32, #tpu.memory_space<vmem>> -> memref<1x125x16xf32, #tpu.memory_space<vmem>>
      %dma_wait3A_861 = tpu.memref_squeeze %dma_wait3A_860 : memref<1x125x16xf32, #tpu.memory_space<vmem>> -> memref<125x16xf32, #tpu.memory_space<vmem>>
      %dma_wait3A_862 = arith.constant 0 : i32
      %dma_wait3A_863 = tpu.memref_slice %arg7[%add3A_855, %dma_wait3A_862] : memref<80x125xi32, #tpu.memory_space<vmem>> -> memref<1x125xi32, #tpu.memory_space<vmem>>
      %dma_wait3A_864 = tpu.memref_squeeze %dma_wait3A_863 : memref<1x125xi32, #tpu.memory_space<vmem>> -> memref<125xi32, #tpu.memory_space<vmem>>
      %dma_wait3A_865 = arith.constant 0 : i32
      %dma_wait3A_866 = arith.constant 0 : i32
      %dma_wait3A_867 = tpu.memref_slice %arg9[%dma_wait3A_865, %dma_wait3A_866] : memref<10000x16xf32, #tpu.memory_space<vmem_shared>> -> memref<10000x16xf32, #tpu.memory_space<vmem_shared>>
      %dma_wait3A_868 = tpu.memref_slice %arg11[%dma_wait3A_857] : memref<8x!tpu.dma_semaphore, #tpu.memory_space<semaphore_mem>> -> memref<1x!tpu.dma_semaphore, #tpu.memory_space<semaphore_mem>>
      %dma_wait3A_869 = tpu.memref_squeeze %dma_wait3A_868 : memref<1x!tpu.dma_semaphore, #tpu.memory_space<semaphore_mem>> -> memref<!tpu.dma_semaphore, #tpu.memory_space<semaphore_mem>>
      tpu.wait_indirect_dma semaphore(%dma_wait3A_869 : memref<!tpu.dma_semaphore, #tpu.memory_space<semaphore_mem>>) src(%dma_wait3A_861 : memref<125x16xf32, #tpu.memory_space<vmem>>) dst(%dma_wait3A_867 : memref<10000x16xf32, #tpu.memory_space<vmem_shared>>)
      %add3A_870 = arith.constant 8 : i32
      %add3A_871 = arith.addi %add3A_855, %add3A_870 : i32
      %dma_start3A_872 = arith.constant 3 : i32
      %dma_start3A_873 = arith.constant 3 : i32
      %dma_start3A_874 = arith.constant 0 : i32
      %dma_start3A_875 = arith.constant 0 : i32
      %dma_start3A_876 = tpu.memref_slice %arg8[%dma_start3A_872, %dma_start3A_874, %dma_start3A_875] : memref<8x125x16xf32, #tpu.memory_space<vmem>> -> memref<1x125x16xf32, #tpu.memory_space<vmem>>
      %dma_start3A_877 = tpu.memref_squeeze %dma_start3A_876 : memref<1x125x16xf32, #tpu.memory_space<vmem>> -> memref<125x16xf32, #tpu.memory_space<vmem>>
      %dma_start3A_878 = arith.constant 0 : i32
      %dma_start3A_879 = tpu.memref_slice %arg6[%add3A_871, %dma_start3A_878] : memref<80x125xi32, #tpu.memory_space<vmem>> -> memref<1x125xi32, #tpu.memory_space<vmem>>
      %dma_start3A_880 = tpu.memref_squeeze %dma_start3A_879 : memref<1x125xi32, #tpu.memory_space<vmem>> -> memref<125xi32, #tpu.memory_space<vmem>>
      %dma_start3A_881 = arith.constant 0 : i32
      %dma_start3A_882 = arith.constant 0 : i32
      %dma_start3A_883 = tpu.memref_slice %arg2[%dma_start3A_881, %dma_start3A_882] : memref<10000x16xf32, #tpu.memory_space<hbm>> -> memref<10000x16xf32, #tpu.memory_space<hbm>>
      %dma_start3A_884 = tpu.memref_slice %arg10[%dma_start3A_873] : memref<8x!tpu.dma_semaphore, #tpu.memory_space<semaphore_mem>> -> memref<1x!tpu.dma_semaphore, #tpu.memory_space<semaphore_mem>>
      %dma_start3A_885 = tpu.memref_squeeze %dma_start3A_884 : memref<1x!tpu.dma_semaphore, #tpu.memory_space<semaphore_mem>> -> memref<!tpu.dma_semaphore, #tpu.memory_space<semaphore_mem>>
      tpu.enqueue_indirect_dma source(%dma_start3A_883 : memref<10000x16xf32, #tpu.memory_space<hbm>>) target(%dma_start3A_877 : memref<125x16xf32, #tpu.memory_space<vmem>>) offsets(%dma_start3A_880 : memref<125xi32, #tpu.memory_space<vmem>>) semaphore(%dma_start3A_885 : memref<!tpu.dma_semaphore, #tpu.memory_space<semaphore_mem>>)
      %mul3A_886 = arith.constant 8 : i32
      %mul3A_887 = arith.muli %scan3A_493, %mul3A_886 : i32
      %add3A_888 = arith.constant 4 : i32
      %add3A_889 = arith.addi %mul3A_887, %add3A_888 : i32
      %dma_wait3A_890 = arith.constant 4 : i32
      %dma_wait3A_891 = arith.constant 4 : i32
      %dma_wait3A_892 = arith.constant 0 : i32
      %dma_wait3A_893 = arith.constant 0 : i32
      %dma_wait3A_894 = tpu.memref_slice %arg8[%dma_wait3A_890, %dma_wait3A_892, %dma_wait3A_893] : memref<8x125x16xf32, #tpu.memory_space<vmem>> -> memref<1x125x16xf32, #tpu.memory_space<vmem>>
      %dma_wait3A_895 = tpu.memref_squeeze %dma_wait3A_894 : memref<1x125x16xf32, #tpu.memory_space<vmem>> -> memref<125x16xf32, #tpu.memory_space<vmem>>
      %dma_wait3A_896 = arith.constant 0 : i32
      %dma_wait3A_897 = tpu.memref_slice %arg7[%add3A_889, %dma_wait3A_896] : memref<80x125xi32, #tpu.memory_space<vmem>> -> memref<1x125xi32, #tpu.memory_space<vmem>>
      %dma_wait3A_898 = tpu.memref_squeeze %dma_wait3A_897 : memref<1x125xi32, #tpu.memory_space<vmem>> -> memref<125xi32, #tpu.memory_space<vmem>>
      %dma_wait3A_899 = arith.constant 0 : i32
      %dma_wait3A_900 = arith.constant 0 : i32
      %dma_wait3A_901 = tpu.memref_slice %arg9[%dma_wait3A_899, %dma_wait3A_900] : memref<10000x16xf32, #tpu.memory_space<vmem_shared>> -> memref<10000x16xf32, #tpu.memory_space<vmem_shared>>
      %dma_wait3A_902 = tpu.memref_slice %arg11[%dma_wait3A_891] : memref<8x!tpu.dma_semaphore, #tpu.memory_space<semaphore_mem>> -> memref<1x!tpu.dma_semaphore, #tpu.memory_space<semaphore_mem>>
      %dma_wait3A_903 = tpu.memref_squeeze %dma_wait3A_902 : memref<1x!tpu.dma_semaphore, #tpu.memory_space<semaphore_mem>> -> memref<!tpu.dma_semaphore, #tpu.memory_space<semaphore_mem>>
      tpu.wait_indirect_dma semaphore(%dma_wait3A_903 : memref<!tpu.dma_semaphore, #tpu.memory_space<semaphore_mem>>) src(%dma_wait3A_895 : memref<125x16xf32, #tpu.memory_space<vmem>>) dst(%dma_wait3A_901 : memref<10000x16xf32, #tpu.memory_space<vmem_shared>>)
      %add3A_904 = arith.constant 8 : i32
      %add3A_905 = arith.addi %add3A_889, %add3A_904 : i32
      %dma_start3A_906 = arith.constant 4 : i32
      %dma_start3A_907 = arith.constant 4 : i32
      %dma_start3A_908 = arith.constant 0 : i32
      %dma_start3A_909 = arith.constant 0 : i32
      %dma_start3A_910 = tpu.memref_slice %arg8[%dma_start3A_906, %dma_start3A_908, %dma_start3A_909] : memref<8x125x16xf32, #tpu.memory_space<vmem>> -> memref<1x125x16xf32, #tpu.memory_space<vmem>>
      %dma_start3A_911 = tpu.memref_squeeze %dma_start3A_910 : memref<1x125x16xf32, #tpu.memory_space<vmem>> -> memref<125x16xf32, #tpu.memory_space<vmem>>
      %dma_start3A_912 = arith.constant 0 : i32
      %dma_start3A_913 = tpu.memref_slice %arg6[%add3A_905, %dma_start3A_912] : memref<80x125xi32, #tpu.memory_space<vmem>> -> memref<1x125xi32, #tpu.memory_space<vmem>>
      %dma_start3A_914 = tpu.memref_squeeze %dma_start3A_913 : memref<1x125xi32, #tpu.memory_space<vmem>> -> memref<125xi32, #tpu.memory_space<vmem>>
      %dma_start3A_915 = arith.constant 0 : i32
      %dma_start3A_916 = arith.constant 0 : i32
      %dma_start3A_917 = tpu.memref_slice %arg2[%dma_start3A_915, %dma_start3A_916] : memref<10000x16xf32, #tpu.memory_space<hbm>> -> memref<10000x16xf32, #tpu.memory_space<hbm>>
      %dma_start3A_918 = tpu.memref_slice %arg10[%dma_start3A_907] : memref<8x!tpu.dma_semaphore, #tpu.memory_space<semaphore_mem>> -> memref<1x!tpu.dma_semaphore, #tpu.memory_space<semaphore_mem>>
      %dma_start3A_919 = tpu.memref_squeeze %dma_start3A_918 : memref<1x!tpu.dma_semaphore, #tpu.memory_space<semaphore_mem>> -> memref<!tpu.dma_semaphore, #tpu.memory_space<semaphore_mem>>
      tpu.enqueue_indirect_dma source(%dma_start3A_917 : memref<10000x16xf32, #tpu.memory_space<hbm>>) target(%dma_start3A_911 : memref<125x16xf32, #tpu.memory_space<vmem>>) offsets(%dma_start3A_914 : memref<125xi32, #tpu.memory_space<vmem>>) semaphore(%dma_start3A_919 : memref<!tpu.dma_semaphore, #tpu.memory_space<semaphore_mem>>)
      %mul3A_920 = arith.constant 8 : i32
      %mul3A_921 = arith.muli %scan3A_493, %mul3A_920 : i32
      %add3A_922 = arith.constant 5 : i32
      %add3A_923 = arith.addi %mul3A_921, %add3A_922 : i32
      %dma_wait3A_924 = arith.constant 5 : i32
      %dma_wait3A_925 = arith.constant 5 : i32
      %dma_wait3A_926 = arith.constant 0 : i32
      %dma_wait3A_927 = arith.constant 0 : i32
      %dma_wait3A_928 = tpu.memref_slice %arg8[%dma_wait3A_924, %dma_wait3A_926, %dma_wait3A_927] : memref<8x125x16xf32, #tpu.memory_space<vmem>> -> memref<1x125x16xf32, #tpu.memory_space<vmem>>
      %dma_wait3A_929 = tpu.memref_squeeze %dma_wait3A_928 : memref<1x125x16xf32, #tpu.memory_space<vmem>> -> memref<125x16xf32, #tpu.memory_space<vmem>>
      %dma_wait3A_930 = arith.constant 0 : i32
      %dma_wait3A_931 = tpu.memref_slice %arg7[%add3A_923, %dma_wait3A_930] : memref<80x125xi32, #tpu.memory_space<vmem>> -> memref<1x125xi32, #tpu.memory_space<vmem>>
      %dma_wait3A_932 = tpu.memref_squeeze %dma_wait3A_931 : memref<1x125xi32, #tpu.memory_space<vmem>> -> memref<125xi32, #tpu.memory_space<vmem>>
      %dma_wait3A_933 = arith.constant 0 : i32
      %dma_wait3A_934 = arith.constant 0 : i32
      %dma_wait3A_935 = tpu.memref_slice %arg9[%dma_wait3A_933, %dma_wait3A_934] : memref<10000x16xf32, #tpu.memory_space<vmem_shared>> -> memref<10000x16xf32, #tpu.memory_space<vmem_shared>>
      %dma_wait3A_936 = tpu.memref_slice %arg11[%dma_wait3A_925] : memref<8x!tpu.dma_semaphore, #tpu.memory_space<semaphore_mem>> -> memref<1x!tpu.dma_semaphore, #tpu.memory_space<semaphore_mem>>
      %dma_wait3A_937 = tpu.memref_squeeze %dma_wait3A_936 : memref<1x!tpu.dma_semaphore, #tpu.memory_space<semaphore_mem>> -> memref<!tpu.dma_semaphore, #tpu.memory_space<semaphore_mem>>
      tpu.wait_indirect_dma semaphore(%dma_wait3A_937 : memref<!tpu.dma_semaphore, #tpu.memory_space<semaphore_mem>>) src(%dma_wait3A_929 : memref<125x16xf32, #tpu.memory_space<vmem>>) dst(%dma_wait3A_935 : memref<10000x16xf32, #tpu.memory_space<vmem_shared>>)
      %add3A_938 = arith.constant 8 : i32
      %add3A_939 = arith.addi %add3A_923, %add3A_938 : i32
      %dma_start3A_940 = arith.constant 5 : i32
      %dma_start3A_941 = arith.constant 5 : i32
      %dma_start3A_942 = arith.constant 0 : i32
      %dma_start3A_943 = arith.constant 0 : i32
      %dma_start3A_944 = tpu.memref_slice %arg8[%dma_start3A_940, %dma_start3A_942, %dma_start3A_943] : memref<8x125x16xf32, #tpu.memory_space<vmem>> -> memref<1x125x16xf32, #tpu.memory_space<vmem>>
      %dma_start3A_945 = tpu.memref_squeeze %dma_start3A_944 : memref<1x125x16xf32, #tpu.memory_space<vmem>> -> memref<125x16xf32, #tpu.memory_space<vmem>>
      %dma_start3A_946 = arith.constant 0 : i32
      %dma_start3A_947 = tpu.memref_slice %arg6[%add3A_939, %dma_start3A_946] : memref<80x125xi32, #tpu.memory_space<vmem>> -> memref<1x125xi32, #tpu.memory_space<vmem>>
      %dma_start3A_948 = tpu.memref_squeeze %dma_start3A_947 : memref<1x125xi32, #tpu.memory_space<vmem>> -> memref<125xi32, #tpu.memory_space<vmem>>
      %dma_start3A_949 = arith.constant 0 : i32
      %dma_start3A_950 = arith.constant 0 : i32
      %dma_start3A_951 = tpu.memref_slice %arg2[%dma_start3A_949, %dma_start3A_950] : memref<10000x16xf32, #tpu.memory_space<hbm>> -> memref<10000x16xf32, #tpu.memory_space<hbm>>
      %dma_start3A_952 = tpu.memref_slice %arg10[%dma_start3A_941] : memref<8x!tpu.dma_semaphore, #tpu.memory_space<semaphore_mem>> -> memref<1x!tpu.dma_semaphore, #tpu.memory_space<semaphore_mem>>
      %dma_start3A_953 = tpu.memref_squeeze %dma_start3A_952 : memref<1x!tpu.dma_semaphore, #tpu.memory_space<semaphore_mem>> -> memref<!tpu.dma_semaphore, #tpu.memory_space<semaphore_mem>>
      tpu.enqueue_indirect_dma source(%dma_start3A_951 : memref<10000x16xf32, #tpu.memory_space<hbm>>) target(%dma_start3A_945 : memref<125x16xf32, #tpu.memory_space<vmem>>) offsets(%dma_start3A_948 : memref<125xi32, #tpu.memory_space<vmem>>) semaphore(%dma_start3A_953 : memref<!tpu.dma_semaphore, #tpu.memory_space<semaphore_mem>>)
      %mul3A_954 = arith.constant 8 : i32
      %mul3A_955 = arith.muli %scan3A_493, %mul3A_954 : i32
      %add3A_956 = arith.constant 6 : i32
      %add3A_957 = arith.addi %mul3A_955, %add3A_956 : i32
      %dma_wait3A_958 = arith.constant 6 : i32
      %dma_wait3A_959 = arith.constant 6 : i32
      %dma_wait3A_960 = arith.constant 0 : i32
      %dma_wait3A_961 = arith.constant 0 : i32
      %dma_wait3A_962 = tpu.memref_slice %arg8[%dma_wait3A_958, %dma_wait3A_960, %dma_wait3A_961] : memref<8x125x16xf32, #tpu.memory_space<vmem>> -> memref<1x125x16xf32, #tpu.memory_space<vmem>>
      %dma_wait3A_963 = tpu.memref_squeeze %dma_wait3A_962 : memref<1x125x16xf32, #tpu.memory_space<vmem>> -> memref<125x16xf32, #tpu.memory_space<vmem>>
      %dma_wait3A_964 = arith.constant 0 : i32
      %dma_wait3A_965 = tpu.memref_slice %arg7[%add3A_957, %dma_wait3A_964] : memref<80x125xi32, #tpu.memory_space<vmem>> -> memref<1x125xi32, #tpu.memory_space<vmem>>
      %dma_wait3A_966 = tpu.memref_squeeze %dma_wait3A_965 : memref<1x125xi32, #tpu.memory_space<vmem>> -> memref<125xi32, #tpu.memory_space<vmem>>
      %dma_wait3A_967 = arith.constant 0 : i32
      %dma_wait3A_968 = arith.constant 0 : i32
      %dma_wait3A_969 = tpu.memref_slice %arg9[%dma_wait3A_967, %dma_wait3A_968] : memref<10000x16xf32, #tpu.memory_space<vmem_shared>> -> memref<10000x16xf32, #tpu.memory_space<vmem_shared>>
      %dma_wait3A_970 = tpu.memref_slice %arg11[%dma_wait3A_959] : memref<8x!tpu.dma_semaphore, #tpu.memory_space<semaphore_mem>> -> memref<1x!tpu.dma_semaphore, #tpu.memory_space<semaphore_mem>>
      %dma_wait3A_971 = tpu.memref_squeeze %dma_wait3A_970 : memref<1x!tpu.dma_semaphore, #tpu.memory_space<semaphore_mem>> -> memref<!tpu.dma_semaphore, #tpu.memory_space<semaphore_mem>>
      tpu.wait_indirect_dma semaphore(%dma_wait3A_971 : memref<!tpu.dma_semaphore, #tpu.memory_space<semaphore_mem>>) src(%dma_wait3A_963 : memref<125x16xf32, #tpu.memory_space<vmem>>) dst(%dma_wait3A_969 : memref<10000x16xf32, #tpu.memory_space<vmem_shared>>)
      %add3A_972 = arith.constant 8 : i32
      %add3A_973 = arith.addi %add3A_957, %add3A_972 : i32
      %dma_start3A_974 = arith.constant 6 : i32
      %dma_start3A_975 = arith.constant 6 : i32
      %dma_start3A_976 = arith.constant 0 : i32
      %dma_start3A_977 = arith.constant 0 : i32
      %dma_start3A_978 = tpu.memref_slice %arg8[%dma_start3A_974, %dma_start3A_976, %dma_start3A_977] : memref<8x125x16xf32, #tpu.memory_space<vmem>> -> memref<1x125x16xf32, #tpu.memory_space<vmem>>
      %dma_start3A_979 = tpu.memref_squeeze %dma_start3A_978 : memref<1x125x16xf32, #tpu.memory_space<vmem>> -> memref<125x16xf32, #tpu.memory_space<vmem>>
      %dma_start3A_980 = arith.constant 0 : i32
      %dma_start3A_981 = tpu.memref_slice %arg6[%add3A_973, %dma_start3A_980] : memref<80x125xi32, #tpu.memory_space<vmem>> -> memref<1x125xi32, #tpu.memory_space<vmem>>
      %dma_start3A_982 = tpu.memref_squeeze %dma_start3A_981 : memref<1x125xi32, #tpu.memory_space<vmem>> -> memref<125xi32, #tpu.memory_space<vmem>>
      %dma_start3A_983 = arith.constant 0 : i32
      %dma_start3A_984 = arith.constant 0 : i32
      %dma_start3A_985 = tpu.memref_slice %arg2[%dma_start3A_983, %dma_start3A_984] : memref<10000x16xf32, #tpu.memory_space<hbm>> -> memref<10000x16xf32, #tpu.memory_space<hbm>>
      %dma_start3A_986 = tpu.memref_slice %arg10[%dma_start3A_975] : memref<8x!tpu.dma_semaphore, #tpu.memory_space<semaphore_mem>> -> memref<1x!tpu.dma_semaphore, #tpu.memory_space<semaphore_mem>>
      %dma_start3A_987 = tpu.memref_squeeze %dma_start3A_986 : memref<1x!tpu.dma_semaphore, #tpu.memory_space<semaphore_mem>> -> memref<!tpu.dma_semaphore, #tpu.memory_space<semaphore_mem>>
      tpu.enqueue_indirect_dma source(%dma_start3A_985 : memref<10000x16xf32, #tpu.memory_space<hbm>>) target(%dma_start3A_979 : memref<125x16xf32, #tpu.memory_space<vmem>>) offsets(%dma_start3A_982 : memref<125xi32, #tpu.memory_space<vmem>>) semaphore(%dma_start3A_987 : memref<!tpu.dma_semaphore, #tpu.memory_space<semaphore_mem>>)
      %mul3A_988 = arith.constant 8 : i32
      %mul3A_989 = arith.muli %scan3A_493, %mul3A_988 : i32
      %add3A_990 = arith.constant 7 : i32
      %add3A_991 = arith.addi %mul3A_989, %add3A_990 : i32
      %dma_wait3A_992 = arith.constant 7 : i32
      %dma_wait3A_993 = arith.constant 7 : i32
      %dma_wait3A_994 = arith.constant 0 : i32
      %dma_wait3A_995 = arith.constant 0 : i32
      %dma_wait3A_996 = tpu.memref_slice %arg8[%dma_wait3A_992, %dma_wait3A_994, %dma_wait3A_995] : memref<8x125x16xf32, #tpu.memory_space<vmem>> -> memref<1x125x16xf32, #tpu.memory_space<vmem>>
      %dma_wait3A_997 = tpu.memref_squeeze %dma_wait3A_996 : memref<1x125x16xf32, #tpu.memory_space<vmem>> -> memref<125x16xf32, #tpu.memory_space<vmem>>
      %dma_wait3A_998 = arith.constant 0 : i32
      %dma_wait3A_999 = tpu.memref_slice %arg7[%add3A_991, %dma_wait3A_998] : memref<80x125xi32, #tpu.memory_space<vmem>> -> memref<1x125xi32, #tpu.memory_space<vmem>>
      %dma_wait3A_1000 = tpu.memref_squeeze %dma_wait3A_999 : memref<1x125xi32, #tpu.memory_space<vmem>> -> memref<125xi32, #tpu.memory_space<vmem>>
      %dma_wait3A_1001 = arith.constant 0 : i32
      %dma_wait3A_1002 = arith.constant 0 : i32
      %dma_wait3A_1003 = tpu.memref_slice %arg9[%dma_wait3A_1001, %dma_wait3A_1002] : memref<10000x16xf32, #tpu.memory_space<vmem_shared>> -> memref<10000x16xf32, #tpu.memory_space<vmem_shared>>
      %dma_wait3A_1004 = tpu.memref_slice %arg11[%dma_wait3A_993] : memref<8x!tpu.dma_semaphore, #tpu.memory_space<semaphore_mem>> -> memref<1x!tpu.dma_semaphore, #tpu.memory_space<semaphore_mem>>
      %dma_wait3A_1005 = tpu.memref_squeeze %dma_wait3A_1004 : memref<1x!tpu.dma_semaphore, #tpu.memory_space<semaphore_mem>> -> memref<!tpu.dma_semaphore, #tpu.memory_space<semaphore_mem>>
      tpu.wait_indirect_dma semaphore(%dma_wait3A_1005 : memref<!tpu.dma_semaphore, #tpu.memory_space<semaphore_mem>>) src(%dma_wait3A_997 : memref<125x16xf32, #tpu.memory_space<vmem>>) dst(%dma_wait3A_1003 : memref<10000x16xf32, #tpu.memory_space<vmem_shared>>)
      %add3A_1006 = arith.constant 8 : i32
      %add3A_1007 = arith.addi %add3A_991, %add3A_1006 : i32
      %dma_start3A_1008 = arith.constant 7 : i32
      %dma_start3A_1009 = arith.constant 7 : i32
      %dma_start3A_1010 = arith.constant 0 : i32
      %dma_start3A_1011 = arith.constant 0 : i32
      %dma_start3A_1012 = tpu.memref_slice %arg8[%dma_start3A_1008, %dma_start3A_1010, %dma_start3A_1011] : memref<8x125x16xf32, #tpu.memory_space<vmem>> -> memref<1x125x16xf32, #tpu.memory_space<vmem>>
      %dma_start3A_1013 = tpu.memref_squeeze %dma_start3A_1012 : memref<1x125x16xf32, #tpu.memory_space<vmem>> -> memref<125x16xf32, #tpu.memory_space<vmem>>
      %dma_start3A_1014 = arith.constant 0 : i32
      %dma_start3A_1015 = tpu.memref_slice %arg6[%add3A_1007, %dma_start3A_1014] : memref<80x125xi32, #tpu.memory_space<vmem>> -> memref<1x125xi32, #tpu.memory_space<vmem>>
      %dma_start3A_1016 = tpu.memref_squeeze %dma_start3A_1015 : memref<1x125xi32, #tpu.memory_space<vmem>> -> memref<125xi32, #tpu.memory_space<vmem>>
      %dma_start3A_1017 = arith.constant 0 : i32
      %dma_start3A_1018 = arith.constant 0 : i32
      %dma_start3A_1019 = tpu.memref_slice %arg2[%dma_start3A_1017, %dma_start3A_1018] : memref<10000x16xf32, #tpu.memory_space<hbm>> -> memref<10000x16xf32, #tpu.memory_space<hbm>>
      %dma_start3A_1020 = tpu.memref_slice %arg10[%dma_start3A_1009] : memref<8x!tpu.dma_semaphore, #tpu.memory_space<semaphore_mem>> -> memref<1x!tpu.dma_semaphore, #tpu.memory_space<semaphore_mem>>
      %dma_start3A_1021 = tpu.memref_squeeze %dma_start3A_1020 : memref<1x!tpu.dma_semaphore, #tpu.memory_space<semaphore_mem>> -> memref<!tpu.dma_semaphore, #tpu.memory_space<semaphore_mem>>
      tpu.enqueue_indirect_dma source(%dma_start3A_1019 : memref<10000x16xf32, #tpu.memory_space<hbm>>) target(%dma_start3A_1013 : memref<125x16xf32, #tpu.memory_space<vmem>>) offsets(%dma_start3A_1016 : memref<125xi32, #tpu.memory_space<vmem>>) semaphore(%dma_start3A_1021 : memref<!tpu.dma_semaphore, #tpu.memory_space<semaphore_mem>>)
    }
    %scan3A_127 = arith.constant 9 : i32
    %dma_wait3A = arith.constant 72 : i32
    %dma_wait3A_128 = arith.constant 0 : i32
    %dma_wait3A_129 = arith.constant 0 : i32
    %dma_wait3A_130 = arith.constant 0 : i32
    %dma_wait3A_131 = arith.constant 0 : i32
    %dma_wait3A_132 = tpu.memref_slice %arg8[%dma_wait3A_128, %dma_wait3A_130, %dma_wait3A_131] : memref<8x125x16xf32, #tpu.memory_space<vmem>> -> memref<1x125x16xf32, #tpu.memory_space<vmem>>
    %dma_wait3A_133 = tpu.memref_squeeze %dma_wait3A_132 : memref<1x125x16xf32, #tpu.memory_space<vmem>> -> memref<125x16xf32, #tpu.memory_space<vmem>>
    %dma_wait3A_134 = arith.constant 0 : i32
    %dma_wait3A_135 = tpu.memref_slice %arg6[%dma_wait3A, %dma_wait3A_134] : memref<80x125xi32, #tpu.memory_space<vmem>> -> memref<1x125xi32, #tpu.memory_space<vmem>>
    %dma_wait3A_136 = tpu.memref_squeeze %dma_wait3A_135 : memref<1x125xi32, #tpu.memory_space<vmem>> -> memref<125xi32, #tpu.memory_space<vmem>>
    %dma_wait3A_137 = arith.constant 0 : i32
    %dma_wait3A_138 = arith.constant 0 : i32
    %dma_wait3A_139 = tpu.memref_slice %arg2[%dma_wait3A_137, %dma_wait3A_138] : memref<10000x16xf32, #tpu.memory_space<hbm>> -> memref<10000x16xf32, #tpu.memory_space<hbm>>
    %dma_wait3A_140 = tpu.memref_slice %arg10[%dma_wait3A_129] : memref<8x!tpu.dma_semaphore, #tpu.memory_space<semaphore_mem>> -> memref<1x!tpu.dma_semaphore, #tpu.memory_space<semaphore_mem>>
    %dma_wait3A_141 = tpu.memref_squeeze %dma_wait3A_140 : memref<1x!tpu.dma_semaphore, #tpu.memory_space<semaphore_mem>> -> memref<!tpu.dma_semaphore, #tpu.memory_space<semaphore_mem>>
    tpu.wait_indirect_dma semaphore(%dma_wait3A_141 : memref<!tpu.dma_semaphore, #tpu.memory_space<semaphore_mem>>) src(%dma_wait3A_139 : memref<10000x16xf32, #tpu.memory_space<hbm>>) dst(%dma_wait3A_133 : memref<125x16xf32, #tpu.memory_space<vmem>>)
    %dma_start3A_142 = arith.constant 0 : i32
    %dma_start3A_143 = arith.constant 72 : i32
    %dma_start3A_144 = arith.constant 0 : i32
    %dma_start3A_145 = arith.constant 0 : i32
    %dma_start3A_146 = arith.constant 0 : i32
    %dma_start3A_147 = tpu.memref_slice %arg8[%dma_start3A_142, %dma_start3A_145, %dma_start3A_146] : memref<8x125x16xf32, #tpu.memory_space<vmem>> -> memref<1x125x16xf32, #tpu.memory_space<vmem>>
    %dma_start3A_148 = tpu.memref_squeeze %dma_start3A_147 : memref<1x125x16xf32, #tpu.memory_space<vmem>> -> memref<125x16xf32, #tpu.memory_space<vmem>>
    %dma_start3A_149 = arith.constant 0 : i32
    %dma_start3A_150 = tpu.memref_slice %arg7[%dma_start3A_143, %dma_start3A_149] : memref<80x125xi32, #tpu.memory_space<vmem>> -> memref<1x125xi32, #tpu.memory_space<vmem>>
    %dma_start3A_151 = tpu.memref_squeeze %dma_start3A_150 : memref<1x125xi32, #tpu.memory_space<vmem>> -> memref<125xi32, #tpu.memory_space<vmem>>
    %dma_start3A_152 = arith.constant 0 : i32
    %dma_start3A_153 = arith.constant 0 : i32
    %dma_start3A_154 = tpu.memref_slice %arg9[%dma_start3A_152, %dma_start3A_153] : memref<10000x16xf32, #tpu.memory_space<vmem_shared>> -> memref<10000x16xf32, #tpu.memory_space<vmem_shared>>
    %dma_start3A_155 = tpu.memref_slice %arg11[%dma_start3A_144] : memref<8x!tpu.dma_semaphore, #tpu.memory_space<semaphore_mem>> -> memref<1x!tpu.dma_semaphore, #tpu.memory_space<semaphore_mem>>
    %dma_start3A_156 = tpu.memref_squeeze %dma_start3A_155 : memref<1x!tpu.dma_semaphore, #tpu.memory_space<semaphore_mem>> -> memref<!tpu.dma_semaphore, #tpu.memory_space<semaphore_mem>>
    tpu.enqueue_indirect_dma source(%dma_start3A_148 : memref<125x16xf32, #tpu.memory_space<vmem>>) target(%dma_start3A_154 : memref<10000x16xf32, #tpu.memory_space<vmem_shared>>) offsets(%dma_start3A_151 : memref<125xi32, #tpu.memory_space<vmem>>) semaphore(%dma_start3A_156 : memref<!tpu.dma_semaphore, #tpu.memory_space<semaphore_mem>>) {add = true}
    %dma_wait3A_157 = arith.constant 73 : i32
    %dma_wait3A_158 = arith.constant 1 : i32
    %dma_wait3A_159 = arith.constant 1 : i32
    %dma_wait3A_160 = arith.constant 0 : i32
    %dma_wait3A_161 = arith.constant 0 : i32
    %dma_wait3A_162 = tpu.memref_slice %arg8[%dma_wait3A_158, %dma_wait3A_160, %dma_wait3A_161] : memref<8x125x16xf32, #tpu.memory_space<vmem>> -> memref<1x125x16xf32, #tpu.memory_space<vmem>>
    %dma_wait3A_163 = tpu.memref_squeeze %dma_wait3A_162 : memref<1x125x16xf32, #tpu.memory_space<vmem>> -> memref<125x16xf32, #tpu.memory_space<vmem>>
    %dma_wait3A_164 = arith.constant 0 : i32
    %dma_wait3A_165 = tpu.memref_slice %arg6[%dma_wait3A_157, %dma_wait3A_164] : memref<80x125xi32, #tpu.memory_space<vmem>> -> memref<1x125xi32, #tpu.memory_space<vmem>>
    %dma_wait3A_166 = tpu.memref_squeeze %dma_wait3A_165 : memref<1x125xi32, #tpu.memory_space<vmem>> -> memref<125xi32, #tpu.memory_space<vmem>>
    %dma_wait3A_167 = arith.constant 0 : i32
    %dma_wait3A_168 = arith.constant 0 : i32
    %dma_wait3A_169 = tpu.memref_slice %arg2[%dma_wait3A_167, %dma_wait3A_168] : memref<10000x16xf32, #tpu.memory_space<hbm>> -> memref<10000x16xf32, #tpu.memory_space<hbm>>
    %dma_wait3A_170 = tpu.memref_slice %arg10[%dma_wait3A_159] : memref<8x!tpu.dma_semaphore, #tpu.memory_space<semaphore_mem>> -> memref<1x!tpu.dma_semaphore, #tpu.memory_space<semaphore_mem>>
    %dma_wait3A_171 = tpu.memref_squeeze %dma_wait3A_170 : memref<1x!tpu.dma_semaphore, #tpu.memory_space<semaphore_mem>> -> memref<!tpu.dma_semaphore, #tpu.memory_space<semaphore_mem>>
    tpu.wait_indirect_dma semaphore(%dma_wait3A_171 : memref<!tpu.dma_semaphore, #tpu.memory_space<semaphore_mem>>) src(%dma_wait3A_169 : memref<10000x16xf32, #tpu.memory_space<hbm>>) dst(%dma_wait3A_163 : memref<125x16xf32, #tpu.memory_space<vmem>>)
    %dma_start3A_172 = arith.constant 1 : i32
    %dma_start3A_173 = arith.constant 73 : i32
    %dma_start3A_174 = arith.constant 1 : i32
    %dma_start3A_175 = arith.constant 0 : i32
    %dma_start3A_176 = arith.constant 0 : i32
    %dma_start3A_177 = tpu.memref_slice %arg8[%dma_start3A_172, %dma_start3A_175, %dma_start3A_176] : memref<8x125x16xf32, #tpu.memory_space<vmem>> -> memref<1x125x16xf32, #tpu.memory_space<vmem>>
    %dma_start3A_178 = tpu.memref_squeeze %dma_start3A_177 : memref<1x125x16xf32, #tpu.memory_space<vmem>> -> memref<125x16xf32, #tpu.memory_space<vmem>>
    %dma_start3A_179 = arith.constant 0 : i32
    %dma_start3A_180 = tpu.memref_slice %arg7[%dma_start3A_173, %dma_start3A_179] : memref<80x125xi32, #tpu.memory_space<vmem>> -> memref<1x125xi32, #tpu.memory_space<vmem>>
    %dma_start3A_181 = tpu.memref_squeeze %dma_start3A_180 : memref<1x125xi32, #tpu.memory_space<vmem>> -> memref<125xi32, #tpu.memory_space<vmem>>
    %dma_start3A_182 = arith.constant 0 : i32
    %dma_start3A_183 = arith.constant 0 : i32
    %dma_start3A_184 = tpu.memref_slice %arg9[%dma_start3A_182, %dma_start3A_183] : memref<10000x16xf32, #tpu.memory_space<vmem_shared>> -> memref<10000x16xf32, #tpu.memory_space<vmem_shared>>
    %dma_start3A_185 = tpu.memref_slice %arg11[%dma_start3A_174] : memref<8x!tpu.dma_semaphore, #tpu.memory_space<semaphore_mem>> -> memref<1x!tpu.dma_semaphore, #tpu.memory_space<semaphore_mem>>
    %dma_start3A_186 = tpu.memref_squeeze %dma_start3A_185 : memref<1x!tpu.dma_semaphore, #tpu.memory_space<semaphore_mem>> -> memref<!tpu.dma_semaphore, #tpu.memory_space<semaphore_mem>>
    tpu.enqueue_indirect_dma source(%dma_start3A_178 : memref<125x16xf32, #tpu.memory_space<vmem>>) target(%dma_start3A_184 : memref<10000x16xf32, #tpu.memory_space<vmem_shared>>) offsets(%dma_start3A_181 : memref<125xi32, #tpu.memory_space<vmem>>) semaphore(%dma_start3A_186 : memref<!tpu.dma_semaphore, #tpu.memory_space<semaphore_mem>>) {add = true}
    %dma_wait3A_187 = arith.constant 74 : i32
    %dma_wait3A_188 = arith.constant 2 : i32
    %dma_wait3A_189 = arith.constant 2 : i32
    %dma_wait3A_190 = arith.constant 0 : i32
    %dma_wait3A_191 = arith.constant 0 : i32
    %dma_wait3A_192 = tpu.memref_slice %arg8[%dma_wait3A_188, %dma_wait3A_190, %dma_wait3A_191] : memref<8x125x16xf32, #tpu.memory_space<vmem>> -> memref<1x125x16xf32, #tpu.memory_space<vmem>>
    %dma_wait3A_193 = tpu.memref_squeeze %dma_wait3A_192 : memref<1x125x16xf32, #tpu.memory_space<vmem>> -> memref<125x16xf32, #tpu.memory_space<vmem>>
    %dma_wait3A_194 = arith.constant 0 : i32
    %dma_wait3A_195 = tpu.memref_slice %arg6[%dma_wait3A_187, %dma_wait3A_194] : memref<80x125xi32, #tpu.memory_space<vmem>> -> memref<1x125xi32, #tpu.memory_space<vmem>>
    %dma_wait3A_196 = tpu.memref_squeeze %dma_wait3A_195 : memref<1x125xi32, #tpu.memory_space<vmem>> -> memref<125xi32, #tpu.memory_space<vmem>>
    %dma_wait3A_197 = arith.constant 0 : i32
    %dma_wait3A_198 = arith.constant 0 : i32
    %dma_wait3A_199 = tpu.memref_slice %arg2[%dma_wait3A_197, %dma_wait3A_198] : memref<10000x16xf32, #tpu.memory_space<hbm>> -> memref<10000x16xf32, #tpu.memory_space<hbm>>
    %dma_wait3A_200 = tpu.memref_slice %arg10[%dma_wait3A_189] : memref<8x!tpu.dma_semaphore, #tpu.memory_space<semaphore_mem>> -> memref<1x!tpu.dma_semaphore, #tpu.memory_space<semaphore_mem>>
    %dma_wait3A_201 = tpu.memref_squeeze %dma_wait3A_200 : memref<1x!tpu.dma_semaphore, #tpu.memory_space<semaphore_mem>> -> memref<!tpu.dma_semaphore, #tpu.memory_space<semaphore_mem>>
    tpu.wait_indirect_dma semaphore(%dma_wait3A_201 : memref<!tpu.dma_semaphore, #tpu.memory_space<semaphore_mem>>) src(%dma_wait3A_199 : memref<10000x16xf32, #tpu.memory_space<hbm>>) dst(%dma_wait3A_193 : memref<125x16xf32, #tpu.memory_space<vmem>>)
    %dma_start3A_202 = arith.constant 2 : i32
    %dma_start3A_203 = arith.constant 74 : i32
    %dma_start3A_204 = arith.constant 2 : i32
    %dma_start3A_205 = arith.constant 0 : i32
    %dma_start3A_206 = arith.constant 0 : i32
    %dma_start3A_207 = tpu.memref_slice %arg8[%dma_start3A_202, %dma_start3A_205, %dma_start3A_206] : memref<8x125x16xf32, #tpu.memory_space<vmem>> -> memref<1x125x16xf32, #tpu.memory_space<vmem>>
    %dma_start3A_208 = tpu.memref_squeeze %dma_start3A_207 : memref<1x125x16xf32, #tpu.memory_space<vmem>> -> memref<125x16xf32, #tpu.memory_space<vmem>>
    %dma_start3A_209 = arith.constant 0 : i32
    %dma_start3A_210 = tpu.memref_slice %arg7[%dma_start3A_203, %dma_start3A_209] : memref<80x125xi32, #tpu.memory_space<vmem>> -> memref<1x125xi32, #tpu.memory_space<vmem>>
    %dma_start3A_211 = tpu.memref_squeeze %dma_start3A_210 : memref<1x125xi32, #tpu.memory_space<vmem>> -> memref<125xi32, #tpu.memory_space<vmem>>
    %dma_start3A_212 = arith.constant 0 : i32
    %dma_start3A_213 = arith.constant 0 : i32
    %dma_start3A_214 = tpu.memref_slice %arg9[%dma_start3A_212, %dma_start3A_213] : memref<10000x16xf32, #tpu.memory_space<vmem_shared>> -> memref<10000x16xf32, #tpu.memory_space<vmem_shared>>
    %dma_start3A_215 = tpu.memref_slice %arg11[%dma_start3A_204] : memref<8x!tpu.dma_semaphore, #tpu.memory_space<semaphore_mem>> -> memref<1x!tpu.dma_semaphore, #tpu.memory_space<semaphore_mem>>
    %dma_start3A_216 = tpu.memref_squeeze %dma_start3A_215 : memref<1x!tpu.dma_semaphore, #tpu.memory_space<semaphore_mem>> -> memref<!tpu.dma_semaphore, #tpu.memory_space<semaphore_mem>>
    tpu.enqueue_indirect_dma source(%dma_start3A_208 : memref<125x16xf32, #tpu.memory_space<vmem>>) target(%dma_start3A_214 : memref<10000x16xf32, #tpu.memory_space<vmem_shared>>) offsets(%dma_start3A_211 : memref<125xi32, #tpu.memory_space<vmem>>) semaphore(%dma_start3A_216 : memref<!tpu.dma_semaphore, #tpu.memory_space<semaphore_mem>>) {add = true}
    %dma_wait3A_217 = arith.constant 75 : i32
    %dma_wait3A_218 = arith.constant 3 : i32
    %dma_wait3A_219 = arith.constant 3 : i32
    %dma_wait3A_220 = arith.constant 0 : i32
    %dma_wait3A_221 = arith.constant 0 : i32
    %dma_wait3A_222 = tpu.memref_slice %arg8[%dma_wait3A_218, %dma_wait3A_220, %dma_wait3A_221] : memref<8x125x16xf32, #tpu.memory_space<vmem>> -> memref<1x125x16xf32, #tpu.memory_space<vmem>>
    %dma_wait3A_223 = tpu.memref_squeeze %dma_wait3A_222 : memref<1x125x16xf32, #tpu.memory_space<vmem>> -> memref<125x16xf32, #tpu.memory_space<vmem>>
    %dma_wait3A_224 = arith.constant 0 : i32
    %dma_wait3A_225 = tpu.memref_slice %arg6[%dma_wait3A_217, %dma_wait3A_224] : memref<80x125xi32, #tpu.memory_space<vmem>> -> memref<1x125xi32, #tpu.memory_space<vmem>>
    %dma_wait3A_226 = tpu.memref_squeeze %dma_wait3A_225 : memref<1x125xi32, #tpu.memory_space<vmem>> -> memref<125xi32, #tpu.memory_space<vmem>>
    %dma_wait3A_227 = arith.constant 0 : i32
    %dma_wait3A_228 = arith.constant 0 : i32
    %dma_wait3A_229 = tpu.memref_slice %arg2[%dma_wait3A_227, %dma_wait3A_228] : memref<10000x16xf32, #tpu.memory_space<hbm>> -> memref<10000x16xf32, #tpu.memory_space<hbm>>
    %dma_wait3A_230 = tpu.memref_slice %arg10[%dma_wait3A_219] : memref<8x!tpu.dma_semaphore, #tpu.memory_space<semaphore_mem>> -> memref<1x!tpu.dma_semaphore, #tpu.memory_space<semaphore_mem>>
    %dma_wait3A_231 = tpu.memref_squeeze %dma_wait3A_230 : memref<1x!tpu.dma_semaphore, #tpu.memory_space<semaphore_mem>> -> memref<!tpu.dma_semaphore, #tpu.memory_space<semaphore_mem>>
    tpu.wait_indirect_dma semaphore(%dma_wait3A_231 : memref<!tpu.dma_semaphore, #tpu.memory_space<semaphore_mem>>) src(%dma_wait3A_229 : memref<10000x16xf32, #tpu.memory_space<hbm>>) dst(%dma_wait3A_223 : memref<125x16xf32, #tpu.memory_space<vmem>>)
    %dma_start3A_232 = arith.constant 3 : i32
    %dma_start3A_233 = arith.constant 75 : i32
    %dma_start3A_234 = arith.constant 3 : i32
    %dma_start3A_235 = arith.constant 0 : i32
    %dma_start3A_236 = arith.constant 0 : i32
    %dma_start3A_237 = tpu.memref_slice %arg8[%dma_start3A_232, %dma_start3A_235, %dma_start3A_236] : memref<8x125x16xf32, #tpu.memory_space<vmem>> -> memref<1x125x16xf32, #tpu.memory_space<vmem>>
    %dma_start3A_238 = tpu.memref_squeeze %dma_start3A_237 : memref<1x125x16xf32, #tpu.memory_space<vmem>> -> memref<125x16xf32, #tpu.memory_space<vmem>>
    %dma_start3A_239 = arith.constant 0 : i32
    %dma_start3A_240 = tpu.memref_slice %arg7[%dma_start3A_233, %dma_start3A_239] : memref<80x125xi32, #tpu.memory_space<vmem>> -> memref<1x125xi32, #tpu.memory_space<vmem>>
    %dma_start3A_241 = tpu.memref_squeeze %dma_start3A_240 : memref<1x125xi32, #tpu.memory_space<vmem>> -> memref<125xi32, #tpu.memory_space<vmem>>
    %dma_start3A_242 = arith.constant 0 : i32
    %dma_start3A_243 = arith.constant 0 : i32
    %dma_start3A_244 = tpu.memref_slice %arg9[%dma_start3A_242, %dma_start3A_243] : memref<10000x16xf32, #tpu.memory_space<vmem_shared>> -> memref<10000x16xf32, #tpu.memory_space<vmem_shared>>
    %dma_start3A_245 = tpu.memref_slice %arg11[%dma_start3A_234] : memref<8x!tpu.dma_semaphore, #tpu.memory_space<semaphore_mem>> -> memref<1x!tpu.dma_semaphore, #tpu.memory_space<semaphore_mem>>
    %dma_start3A_246 = tpu.memref_squeeze %dma_start3A_245 : memref<1x!tpu.dma_semaphore, #tpu.memory_space<semaphore_mem>> -> memref<!tpu.dma_semaphore, #tpu.memory_space<semaphore_mem>>
    tpu.enqueue_indirect_dma source(%dma_start3A_238 : memref<125x16xf32, #tpu.memory_space<vmem>>) target(%dma_start3A_244 : memref<10000x16xf32, #tpu.memory_space<vmem_shared>>) offsets(%dma_start3A_241 : memref<125xi32, #tpu.memory_space<vmem>>) semaphore(%dma_start3A_246 : memref<!tpu.dma_semaphore, #tpu.memory_space<semaphore_mem>>) {add = true}
    %dma_wait3A_247 = arith.constant 76 : i32
    %dma_wait3A_248 = arith.constant 4 : i32
    %dma_wait3A_249 = arith.constant 4 : i32
    %dma_wait3A_250 = arith.constant 0 : i32
    %dma_wait3A_251 = arith.constant 0 : i32
    %dma_wait3A_252 = tpu.memref_slice %arg8[%dma_wait3A_248, %dma_wait3A_250, %dma_wait3A_251] : memref<8x125x16xf32, #tpu.memory_space<vmem>> -> memref<1x125x16xf32, #tpu.memory_space<vmem>>
    %dma_wait3A_253 = tpu.memref_squeeze %dma_wait3A_252 : memref<1x125x16xf32, #tpu.memory_space<vmem>> -> memref<125x16xf32, #tpu.memory_space<vmem>>
    %dma_wait3A_254 = arith.constant 0 : i32
    %dma_wait3A_255 = tpu.memref_slice %arg6[%dma_wait3A_247, %dma_wait3A_254] : memref<80x125xi32, #tpu.memory_space<vmem>> -> memref<1x125xi32, #tpu.memory_space<vmem>>
    %dma_wait3A_256 = tpu.memref_squeeze %dma_wait3A_255 : memref<1x125xi32, #tpu.memory_space<vmem>> -> memref<125xi32, #tpu.memory_space<vmem>>
    %dma_wait3A_257 = arith.constant 0 : i32
    %dma_wait3A_258 = arith.constant 0 : i32
    %dma_wait3A_259 = tpu.memref_slice %arg2[%dma_wait3A_257, %dma_wait3A_258] : memref<10000x16xf32, #tpu.memory_space<hbm>> -> memref<10000x16xf32, #tpu.memory_space<hbm>>
    %dma_wait3A_260 = tpu.memref_slice %arg10[%dma_wait3A_249] : memref<8x!tpu.dma_semaphore, #tpu.memory_space<semaphore_mem>> -> memref<1x!tpu.dma_semaphore, #tpu.memory_space<semaphore_mem>>
    %dma_wait3A_261 = tpu.memref_squeeze %dma_wait3A_260 : memref<1x!tpu.dma_semaphore, #tpu.memory_space<semaphore_mem>> -> memref<!tpu.dma_semaphore, #tpu.memory_space<semaphore_mem>>
    tpu.wait_indirect_dma semaphore(%dma_wait3A_261 : memref<!tpu.dma_semaphore, #tpu.memory_space<semaphore_mem>>) src(%dma_wait3A_259 : memref<10000x16xf32, #tpu.memory_space<hbm>>) dst(%dma_wait3A_253 : memref<125x16xf32, #tpu.memory_space<vmem>>)
    %dma_start3A_262 = arith.constant 4 : i32
    %dma_start3A_263 = arith.constant 76 : i32
    %dma_start3A_264 = arith.constant 4 : i32
    %dma_start3A_265 = arith.constant 0 : i32
    %dma_start3A_266 = arith.constant 0 : i32
    %dma_start3A_267 = tpu.memref_slice %arg8[%dma_start3A_262, %dma_start3A_265, %dma_start3A_266] : memref<8x125x16xf32, #tpu.memory_space<vmem>> -> memref<1x125x16xf32, #tpu.memory_space<vmem>>
    %dma_start3A_268 = tpu.memref_squeeze %dma_start3A_267 : memref<1x125x16xf32, #tpu.memory_space<vmem>> -> memref<125x16xf32, #tpu.memory_space<vmem>>
    %dma_start3A_269 = arith.constant 0 : i32
    %dma_start3A_270 = tpu.memref_slice %arg7[%dma_start3A_263, %dma_start3A_269] : memref<80x125xi32, #tpu.memory_space<vmem>> -> memref<1x125xi32, #tpu.memory_space<vmem>>
    %dma_start3A_271 = tpu.memref_squeeze %dma_start3A_270 : memref<1x125xi32, #tpu.memory_space<vmem>> -> memref<125xi32, #tpu.memory_space<vmem>>
    %dma_start3A_272 = arith.constant 0 : i32
    %dma_start3A_273 = arith.constant 0 : i32
    %dma_start3A_274 = tpu.memref_slice %arg9[%dma_start3A_272, %dma_start3A_273] : memref<10000x16xf32, #tpu.memory_space<vmem_shared>> -> memref<10000x16xf32, #tpu.memory_space<vmem_shared>>
    %dma_start3A_275 = tpu.memref_slice %arg11[%dma_start3A_264] : memref<8x!tpu.dma_semaphore, #tpu.memory_space<semaphore_mem>> -> memref<1x!tpu.dma_semaphore, #tpu.memory_space<semaphore_mem>>
    %dma_start3A_276 = tpu.memref_squeeze %dma_start3A_275 : memref<1x!tpu.dma_semaphore, #tpu.memory_space<semaphore_mem>> -> memref<!tpu.dma_semaphore, #tpu.memory_space<semaphore_mem>>
    tpu.enqueue_indirect_dma source(%dma_start3A_268 : memref<125x16xf32, #tpu.memory_space<vmem>>) target(%dma_start3A_274 : memref<10000x16xf32, #tpu.memory_space<vmem_shared>>) offsets(%dma_start3A_271 : memref<125xi32, #tpu.memory_space<vmem>>) semaphore(%dma_start3A_276 : memref<!tpu.dma_semaphore, #tpu.memory_space<semaphore_mem>>) {add = true}
    %dma_wait3A_277 = arith.constant 77 : i32
    %dma_wait3A_278 = arith.constant 5 : i32
    %dma_wait3A_279 = arith.constant 5 : i32
    %dma_wait3A_280 = arith.constant 0 : i32
    %dma_wait3A_281 = arith.constant 0 : i32
    %dma_wait3A_282 = tpu.memref_slice %arg8[%dma_wait3A_278, %dma_wait3A_280, %dma_wait3A_281] : memref<8x125x16xf32, #tpu.memory_space<vmem>> -> memref<1x125x16xf32, #tpu.memory_space<vmem>>
    %dma_wait3A_283 = tpu.memref_squeeze %dma_wait3A_282 : memref<1x125x16xf32, #tpu.memory_space<vmem>> -> memref<125x16xf32, #tpu.memory_space<vmem>>
    %dma_wait3A_284 = arith.constant 0 : i32
    %dma_wait3A_285 = tpu.memref_slice %arg6[%dma_wait3A_277, %dma_wait3A_284] : memref<80x125xi32, #tpu.memory_space<vmem>> -> memref<1x125xi32, #tpu.memory_space<vmem>>
    %dma_wait3A_286 = tpu.memref_squeeze %dma_wait3A_285 : memref<1x125xi32, #tpu.memory_space<vmem>> -> memref<125xi32, #tpu.memory_space<vmem>>
    %dma_wait3A_287 = arith.constant 0 : i32
    %dma_wait3A_288 = arith.constant 0 : i32
    %dma_wait3A_289 = tpu.memref_slice %arg2[%dma_wait3A_287, %dma_wait3A_288] : memref<10000x16xf32, #tpu.memory_space<hbm>> -> memref<10000x16xf32, #tpu.memory_space<hbm>>
    %dma_wait3A_290 = tpu.memref_slice %arg10[%dma_wait3A_279] : memref<8x!tpu.dma_semaphore, #tpu.memory_space<semaphore_mem>> -> memref<1x!tpu.dma_semaphore, #tpu.memory_space<semaphore_mem>>
    %dma_wait3A_291 = tpu.memref_squeeze %dma_wait3A_290 : memref<1x!tpu.dma_semaphore, #tpu.memory_space<semaphore_mem>> -> memref<!tpu.dma_semaphore, #tpu.memory_space<semaphore_mem>>
    tpu.wait_indirect_dma semaphore(%dma_wait3A_291 : memref<!tpu.dma_semaphore, #tpu.memory_space<semaphore_mem>>) src(%dma_wait3A_289 : memref<10000x16xf32, #tpu.memory_space<hbm>>) dst(%dma_wait3A_283 : memref<125x16xf32, #tpu.memory_space<vmem>>)
    %dma_start3A_292 = arith.constant 5 : i32
    %dma_start3A_293 = arith.constant 77 : i32
    %dma_start3A_294 = arith.constant 5 : i32
    %dma_start3A_295 = arith.constant 0 : i32
    %dma_start3A_296 = arith.constant 0 : i32
    %dma_start3A_297 = tpu.memref_slice %arg8[%dma_start3A_292, %dma_start3A_295, %dma_start3A_296] : memref<8x125x16xf32, #tpu.memory_space<vmem>> -> memref<1x125x16xf32, #tpu.memory_space<vmem>>
    %dma_start3A_298 = tpu.memref_squeeze %dma_start3A_297 : memref<1x125x16xf32, #tpu.memory_space<vmem>> -> memref<125x16xf32, #tpu.memory_space<vmem>>
    %dma_start3A_299 = arith.constant 0 : i32
    %dma_start3A_300 = tpu.memref_slice %arg7[%dma_start3A_293, %dma_start3A_299] : memref<80x125xi32, #tpu.memory_space<vmem>> -> memref<1x125xi32, #tpu.memory_space<vmem>>
    %dma_start3A_301 = tpu.memref_squeeze %dma_start3A_300 : memref<1x125xi32, #tpu.memory_space<vmem>> -> memref<125xi32, #tpu.memory_space<vmem>>
    %dma_start3A_302 = arith.constant 0 : i32
    %dma_start3A_303 = arith.constant 0 : i32
    %dma_start3A_304 = tpu.memref_slice %arg9[%dma_start3A_302, %dma_start3A_303] : memref<10000x16xf32, #tpu.memory_space<vmem_shared>> -> memref<10000x16xf32, #tpu.memory_space<vmem_shared>>
    %dma_start3A_305 = tpu.memref_slice %arg11[%dma_start3A_294] : memref<8x!tpu.dma_semaphore, #tpu.memory_space<semaphore_mem>> -> memref<1x!tpu.dma_semaphore, #tpu.memory_space<semaphore_mem>>
    %dma_start3A_306 = tpu.memref_squeeze %dma_start3A_305 : memref<1x!tpu.dma_semaphore, #tpu.memory_space<semaphore_mem>> -> memref<!tpu.dma_semaphore, #tpu.memory_space<semaphore_mem>>
    tpu.enqueue_indirect_dma source(%dma_start3A_298 : memref<125x16xf32, #tpu.memory_space<vmem>>) target(%dma_start3A_304 : memref<10000x16xf32, #tpu.memory_space<vmem_shared>>) offsets(%dma_start3A_301 : memref<125xi32, #tpu.memory_space<vmem>>) semaphore(%dma_start3A_306 : memref<!tpu.dma_semaphore, #tpu.memory_space<semaphore_mem>>) {add = true}
    %dma_wait3A_307 = arith.constant 78 : i32
    %dma_wait3A_308 = arith.constant 6 : i32
    %dma_wait3A_309 = arith.constant 6 : i32
    %dma_wait3A_310 = arith.constant 0 : i32
    %dma_wait3A_311 = arith.constant 0 : i32
    %dma_wait3A_312 = tpu.memref_slice %arg8[%dma_wait3A_308, %dma_wait3A_310, %dma_wait3A_311] : memref<8x125x16xf32, #tpu.memory_space<vmem>> -> memref<1x125x16xf32, #tpu.memory_space<vmem>>
    %dma_wait3A_313 = tpu.memref_squeeze %dma_wait3A_312 : memref<1x125x16xf32, #tpu.memory_space<vmem>> -> memref<125x16xf32, #tpu.memory_space<vmem>>
    %dma_wait3A_314 = arith.constant 0 : i32
    %dma_wait3A_315 = tpu.memref_slice %arg6[%dma_wait3A_307, %dma_wait3A_314] : memref<80x125xi32, #tpu.memory_space<vmem>> -> memref<1x125xi32, #tpu.memory_space<vmem>>
    %dma_wait3A_316 = tpu.memref_squeeze %dma_wait3A_315 : memref<1x125xi32, #tpu.memory_space<vmem>> -> memref<125xi32, #tpu.memory_space<vmem>>
    %dma_wait3A_317 = arith.constant 0 : i32
    %dma_wait3A_318 = arith.constant 0 : i32
    %dma_wait3A_319 = tpu.memref_slice %arg2[%dma_wait3A_317, %dma_wait3A_318] : memref<10000x16xf32, #tpu.memory_space<hbm>> -> memref<10000x16xf32, #tpu.memory_space<hbm>>
    %dma_wait3A_320 = tpu.memref_slice %arg10[%dma_wait3A_309] : memref<8x!tpu.dma_semaphore, #tpu.memory_space<semaphore_mem>> -> memref<1x!tpu.dma_semaphore, #tpu.memory_space<semaphore_mem>>
    %dma_wait3A_321 = tpu.memref_squeeze %dma_wait3A_320 : memref<1x!tpu.dma_semaphore, #tpu.memory_space<semaphore_mem>> -> memref<!tpu.dma_semaphore, #tpu.memory_space<semaphore_mem>>
    tpu.wait_indirect_dma semaphore(%dma_wait3A_321 : memref<!tpu.dma_semaphore, #tpu.memory_space<semaphore_mem>>) src(%dma_wait3A_319 : memref<10000x16xf32, #tpu.memory_space<hbm>>) dst(%dma_wait3A_313 : memref<125x16xf32, #tpu.memory_space<vmem>>)
    %dma_start3A_322 = arith.constant 6 : i32
    %dma_start3A_323 = arith.constant 78 : i32
    %dma_start3A_324 = arith.constant 6 : i32
    %dma_start3A_325 = arith.constant 0 : i32
    %dma_start3A_326 = arith.constant 0 : i32
    %dma_start3A_327 = tpu.memref_slice %arg8[%dma_start3A_322, %dma_start3A_325, %dma_start3A_326] : memref<8x125x16xf32, #tpu.memory_space<vmem>> -> memref<1x125x16xf32, #tpu.memory_space<vmem>>
    %dma_start3A_328 = tpu.memref_squeeze %dma_start3A_327 : memref<1x125x16xf32, #tpu.memory_space<vmem>> -> memref<125x16xf32, #tpu.memory_space<vmem>>
    %dma_start3A_329 = arith.constant 0 : i32
    %dma_start3A_330 = tpu.memref_slice %arg7[%dma_start3A_323, %dma_start3A_329] : memref<80x125xi32, #tpu.memory_space<vmem>> -> memref<1x125xi32, #tpu.memory_space<vmem>>
    %dma_start3A_331 = tpu.memref_squeeze %dma_start3A_330 : memref<1x125xi32, #tpu.memory_space<vmem>> -> memref<125xi32, #tpu.memory_space<vmem>>
    %dma_start3A_332 = arith.constant 0 : i32
    %dma_start3A_333 = arith.constant 0 : i32
    %dma_start3A_334 = tpu.memref_slice %arg9[%dma_start3A_332, %dma_start3A_333] : memref<10000x16xf32, #tpu.memory_space<vmem_shared>> -> memref<10000x16xf32, #tpu.memory_space<vmem_shared>>
    %dma_start3A_335 = tpu.memref_slice %arg11[%dma_start3A_324] : memref<8x!tpu.dma_semaphore, #tpu.memory_space<semaphore_mem>> -> memref<1x!tpu.dma_semaphore, #tpu.memory_space<semaphore_mem>>
    %dma_start3A_336 = tpu.memref_squeeze %dma_start3A_335 : memref<1x!tpu.dma_semaphore, #tpu.memory_space<semaphore_mem>> -> memref<!tpu.dma_semaphore, #tpu.memory_space<semaphore_mem>>
    tpu.enqueue_indirect_dma source(%dma_start3A_328 : memref<125x16xf32, #tpu.memory_space<vmem>>) target(%dma_start3A_334 : memref<10000x16xf32, #tpu.memory_space<vmem_shared>>) offsets(%dma_start3A_331 : memref<125xi32, #tpu.memory_space<vmem>>) semaphore(%dma_start3A_336 : memref<!tpu.dma_semaphore, #tpu.memory_space<semaphore_mem>>) {add = true}
    %dma_wait3A_337 = arith.constant 79 : i32
    %dma_wait3A_338 = arith.constant 7 : i32
    %dma_wait3A_339 = arith.constant 7 : i32
    %dma_wait3A_340 = arith.constant 0 : i32
    %dma_wait3A_341 = arith.constant 0 : i32
    %dma_wait3A_342 = tpu.memref_slice %arg8[%dma_wait3A_338, %dma_wait3A_340, %dma_wait3A_341] : memref<8x125x16xf32, #tpu.memory_space<vmem>> -> memref<1x125x16xf32, #tpu.memory_space<vmem>>
    %dma_wait3A_343 = tpu.memref_squeeze %dma_wait3A_342 : memref<1x125x16xf32, #tpu.memory_space<vmem>> -> memref<125x16xf32, #tpu.memory_space<vmem>>
    %dma_wait3A_344 = arith.constant 0 : i32
    %dma_wait3A_345 = tpu.memref_slice %arg6[%dma_wait3A_337, %dma_wait3A_344] : memref<80x125xi32, #tpu.memory_space<vmem>> -> memref<1x125xi32, #tpu.memory_space<vmem>>
    %dma_wait3A_346 = tpu.memref_squeeze %dma_wait3A_345 : memref<1x125xi32, #tpu.memory_space<vmem>> -> memref<125xi32, #tpu.memory_space<vmem>>
    %dma_wait3A_347 = arith.constant 0 : i32
    %dma_wait3A_348 = arith.constant 0 : i32
    %dma_wait3A_349 = tpu.memref_slice %arg2[%dma_wait3A_347, %dma_wait3A_348] : memref<10000x16xf32, #tpu.memory_space<hbm>> -> memref<10000x16xf32, #tpu.memory_space<hbm>>
    %dma_wait3A_350 = tpu.memref_slice %arg10[%dma_wait3A_339] : memref<8x!tpu.dma_semaphore, #tpu.memory_space<semaphore_mem>> -> memref<1x!tpu.dma_semaphore, #tpu.memory_space<semaphore_mem>>
    %dma_wait3A_351 = tpu.memref_squeeze %dma_wait3A_350 : memref<1x!tpu.dma_semaphore, #tpu.memory_space<semaphore_mem>> -> memref<!tpu.dma_semaphore, #tpu.memory_space<semaphore_mem>>
    tpu.wait_indirect_dma semaphore(%dma_wait3A_351 : memref<!tpu.dma_semaphore, #tpu.memory_space<semaphore_mem>>) src(%dma_wait3A_349 : memref<10000x16xf32, #tpu.memory_space<hbm>>) dst(%dma_wait3A_343 : memref<125x16xf32, #tpu.memory_space<vmem>>)
    %dma_start3A_352 = arith.constant 7 : i32
    %dma_start3A_353 = arith.constant 79 : i32
    %dma_start3A_354 = arith.constant 7 : i32
    %dma_start3A_355 = arith.constant 0 : i32
    %dma_start3A_356 = arith.constant 0 : i32
    %dma_start3A_357 = tpu.memref_slice %arg8[%dma_start3A_352, %dma_start3A_355, %dma_start3A_356] : memref<8x125x16xf32, #tpu.memory_space<vmem>> -> memref<1x125x16xf32, #tpu.memory_space<vmem>>
    %dma_start3A_358 = tpu.memref_squeeze %dma_start3A_357 : memref<1x125x16xf32, #tpu.memory_space<vmem>> -> memref<125x16xf32, #tpu.memory_space<vmem>>
    %dma_start3A_359 = arith.constant 0 : i32
    %dma_start3A_360 = tpu.memref_slice %arg7[%dma_start3A_353, %dma_start3A_359] : memref<80x125xi32, #tpu.memory_space<vmem>> -> memref<1x125xi32, #tpu.memory_space<vmem>>
    %dma_start3A_361 = tpu.memref_squeeze %dma_start3A_360 : memref<1x125xi32, #tpu.memory_space<vmem>> -> memref<125xi32, #tpu.memory_space<vmem>>
    %dma_start3A_362 = arith.constant 0 : i32
    %dma_start3A_363 = arith.constant 0 : i32
    %dma_start3A_364 = tpu.memref_slice %arg9[%dma_start3A_362, %dma_start3A_363] : memref<10000x16xf32, #tpu.memory_space<vmem_shared>> -> memref<10000x16xf32, #tpu.memory_space<vmem_shared>>
    %dma_start3A_365 = tpu.memref_slice %arg11[%dma_start3A_354] : memref<8x!tpu.dma_semaphore, #tpu.memory_space<semaphore_mem>> -> memref<1x!tpu.dma_semaphore, #tpu.memory_space<semaphore_mem>>
    %dma_start3A_366 = tpu.memref_squeeze %dma_start3A_365 : memref<1x!tpu.dma_semaphore, #tpu.memory_space<semaphore_mem>> -> memref<!tpu.dma_semaphore, #tpu.memory_space<semaphore_mem>>
    tpu.enqueue_indirect_dma source(%dma_start3A_358 : memref<125x16xf32, #tpu.memory_space<vmem>>) target(%dma_start3A_364 : memref<10000x16xf32, #tpu.memory_space<vmem_shared>>) offsets(%dma_start3A_361 : memref<125xi32, #tpu.memory_space<vmem>>) semaphore(%dma_start3A_366 : memref<!tpu.dma_semaphore, #tpu.memory_space<semaphore_mem>>) {add = true}
    %dma_wait3A_367 = arith.constant 0 : i32
    %dma_wait3A_368 = arith.constant 72 : i32
    %dma_wait3A_369 = arith.constant 0 : i32
    %dma_wait3A_370 = arith.constant 0 : i32
    %dma_wait3A_371 = arith.constant 0 : i32
    %dma_wait3A_372 = tpu.memref_slice %arg8[%dma_wait3A_367, %dma_wait3A_370, %dma_wait3A_371] : memref<8x125x16xf32, #tpu.memory_space<vmem>> -> memref<1x125x16xf32, #tpu.memory_space<vmem>>
    %dma_wait3A_373 = tpu.memref_squeeze %dma_wait3A_372 : memref<1x125x16xf32, #tpu.memory_space<vmem>> -> memref<125x16xf32, #tpu.memory_space<vmem>>
    %dma_wait3A_374 = arith.constant 0 : i32
    %dma_wait3A_375 = tpu.memref_slice %arg7[%dma_wait3A_368, %dma_wait3A_374] : memref<80x125xi32, #tpu.memory_space<vmem>> -> memref<1x125xi32, #tpu.memory_space<vmem>>
    %dma_wait3A_376 = tpu.memref_squeeze %dma_wait3A_375 : memref<1x125xi32, #tpu.memory_space<vmem>> -> memref<125xi32, #tpu.memory_space<vmem>>
    %dma_wait3A_377 = arith.constant 0 : i32
    %dma_wait3A_378 = arith.constant 0 : i32
    %dma_wait3A_379 = tpu.memref_slice %arg9[%dma_wait3A_377, %dma_wait3A_378] : memref<10000x16xf32, #tpu.memory_space<vmem_shared>> -> memref<10000x16xf32, #tpu.memory_space<vmem_shared>>
    %dma_wait3A_380 = tpu.memref_slice %arg11[%dma_wait3A_369] : memref<8x!tpu.dma_semaphore, #tpu.memory_space<semaphore_mem>> -> memref<1x!tpu.dma_semaphore, #tpu.memory_space<semaphore_mem>>
    %dma_wait3A_381 = tpu.memref_squeeze %dma_wait3A_380 : memref<1x!tpu.dma_semaphore, #tpu.memory_space<semaphore_mem>> -> memref<!tpu.dma_semaphore, #tpu.memory_space<semaphore_mem>>
    tpu.wait_indirect_dma semaphore(%dma_wait3A_381 : memref<!tpu.dma_semaphore, #tpu.memory_space<semaphore_mem>>) src(%dma_wait3A_373 : memref<125x16xf32, #tpu.memory_space<vmem>>) dst(%dma_wait3A_379 : memref<10000x16xf32, #tpu.memory_space<vmem_shared>>)
    %dma_wait3A_382 = arith.constant 1 : i32
    %dma_wait3A_383 = arith.constant 73 : i32
    %dma_wait3A_384 = arith.constant 1 : i32
    %dma_wait3A_385 = arith.constant 0 : i32
    %dma_wait3A_386 = arith.constant 0 : i32
    %dma_wait3A_387 = tpu.memref_slice %arg8[%dma_wait3A_382, %dma_wait3A_385, %dma_wait3A_386] : memref<8x125x16xf32, #tpu.memory_space<vmem>> -> memref<1x125x16xf32, #tpu.memory_space<vmem>>
    %dma_wait3A_388 = tpu.memref_squeeze %dma_wait3A_387 : memref<1x125x16xf32, #tpu.memory_space<vmem>> -> memref<125x16xf32, #tpu.memory_space<vmem>>
    %dma_wait3A_389 = arith.constant 0 : i32
    %dma_wait3A_390 = tpu.memref_slice %arg7[%dma_wait3A_383, %dma_wait3A_389] : memref<80x125xi32, #tpu.memory_space<vmem>> -> memref<1x125xi32, #tpu.memory_space<vmem>>
    %dma_wait3A_391 = tpu.memref_squeeze %dma_wait3A_390 : memref<1x125xi32, #tpu.memory_space<vmem>> -> memref<125xi32, #tpu.memory_space<vmem>>
    %dma_wait3A_392 = arith.constant 0 : i32
    %dma_wait3A_393 = arith.constant 0 : i32
    %dma_wait3A_394 = tpu.memref_slice %arg9[%dma_wait3A_392, %dma_wait3A_393] : memref<10000x16xf32, #tpu.memory_space<vmem_shared>> -> memref<10000x16xf32, #tpu.memory_space<vmem_shared>>
    %dma_wait3A_395 = tpu.memref_slice %arg11[%dma_wait3A_384] : memref<8x!tpu.dma_semaphore, #tpu.memory_space<semaphore_mem>> -> memref<1x!tpu.dma_semaphore, #tpu.memory_space<semaphore_mem>>
    %dma_wait3A_396 = tpu.memref_squeeze %dma_wait3A_395 : memref<1x!tpu.dma_semaphore, #tpu.memory_space<semaphore_mem>> -> memref<!tpu.dma_semaphore, #tpu.memory_space<semaphore_mem>>
    tpu.wait_indirect_dma semaphore(%dma_wait3A_396 : memref<!tpu.dma_semaphore, #tpu.memory_space<semaphore_mem>>) src(%dma_wait3A_388 : memref<125x16xf32, #tpu.memory_space<vmem>>) dst(%dma_wait3A_394 : memref<10000x16xf32, #tpu.memory_space<vmem_shared>>)
    %dma_wait3A_397 = arith.constant 2 : i32
    %dma_wait3A_398 = arith.constant 74 : i32
    %dma_wait3A_399 = arith.constant 2 : i32
    %dma_wait3A_400 = arith.constant 0 : i32
    %dma_wait3A_401 = arith.constant 0 : i32
    %dma_wait3A_402 = tpu.memref_slice %arg8[%dma_wait3A_397, %dma_wait3A_400, %dma_wait3A_401] : memref<8x125x16xf32, #tpu.memory_space<vmem>> -> memref<1x125x16xf32, #tpu.memory_space<vmem>>
    %dma_wait3A_403 = tpu.memref_squeeze %dma_wait3A_402 : memref<1x125x16xf32, #tpu.memory_space<vmem>> -> memref<125x16xf32, #tpu.memory_space<vmem>>
    %dma_wait3A_404 = arith.constant 0 : i32
    %dma_wait3A_405 = tpu.memref_slice %arg7[%dma_wait3A_398, %dma_wait3A_404] : memref<80x125xi32, #tpu.memory_space<vmem>> -> memref<1x125xi32, #tpu.memory_space<vmem>>
    %dma_wait3A_406 = tpu.memref_squeeze %dma_wait3A_405 : memref<1x125xi32, #tpu.memory_space<vmem>> -> memref<125xi32, #tpu.memory_space<vmem>>
    %dma_wait3A_407 = arith.constant 0 : i32
    %dma_wait3A_408 = arith.constant 0 : i32
    %dma_wait3A_409 = tpu.memref_slice %arg9[%dma_wait3A_407, %dma_wait3A_408] : memref<10000x16xf32, #tpu.memory_space<vmem_shared>> -> memref<10000x16xf32, #tpu.memory_space<vmem_shared>>
    %dma_wait3A_410 = tpu.memref_slice %arg11[%dma_wait3A_399] : memref<8x!tpu.dma_semaphore, #tpu.memory_space<semaphore_mem>> -> memref<1x!tpu.dma_semaphore, #tpu.memory_space<semaphore_mem>>
    %dma_wait3A_411 = tpu.memref_squeeze %dma_wait3A_410 : memref<1x!tpu.dma_semaphore, #tpu.memory_space<semaphore_mem>> -> memref<!tpu.dma_semaphore, #tpu.memory_space<semaphore_mem>>
    tpu.wait_indirect_dma semaphore(%dma_wait3A_411 : memref<!tpu.dma_semaphore, #tpu.memory_space<semaphore_mem>>) src(%dma_wait3A_403 : memref<125x16xf32, #tpu.memory_space<vmem>>) dst(%dma_wait3A_409 : memref<10000x16xf32, #tpu.memory_space<vmem_shared>>)
    %dma_wait3A_412 = arith.constant 3 : i32
    %dma_wait3A_413 = arith.constant 75 : i32
    %dma_wait3A_414 = arith.constant 3 : i32
    %dma_wait3A_415 = arith.constant 0 : i32
    %dma_wait3A_416 = arith.constant 0 : i32
    %dma_wait3A_417 = tpu.memref_slice %arg8[%dma_wait3A_412, %dma_wait3A_415, %dma_wait3A_416] : memref<8x125x16xf32, #tpu.memory_space<vmem>> -> memref<1x125x16xf32, #tpu.memory_space<vmem>>
    %dma_wait3A_418 = tpu.memref_squeeze %dma_wait3A_417 : memref<1x125x16xf32, #tpu.memory_space<vmem>> -> memref<125x16xf32, #tpu.memory_space<vmem>>
    %dma_wait3A_419 = arith.constant 0 : i32
    %dma_wait3A_420 = tpu.memref_slice %arg7[%dma_wait3A_413, %dma_wait3A_419] : memref<80x125xi32, #tpu.memory_space<vmem>> -> memref<1x125xi32, #tpu.memory_space<vmem>>
    %dma_wait3A_421 = tpu.memref_squeeze %dma_wait3A_420 : memref<1x125xi32, #tpu.memory_space<vmem>> -> memref<125xi32, #tpu.memory_space<vmem>>
    %dma_wait3A_422 = arith.constant 0 : i32
    %dma_wait3A_423 = arith.constant 0 : i32
    %dma_wait3A_424 = tpu.memref_slice %arg9[%dma_wait3A_422, %dma_wait3A_423] : memref<10000x16xf32, #tpu.memory_space<vmem_shared>> -> memref<10000x16xf32, #tpu.memory_space<vmem_shared>>
    %dma_wait3A_425 = tpu.memref_slice %arg11[%dma_wait3A_414] : memref<8x!tpu.dma_semaphore, #tpu.memory_space<semaphore_mem>> -> memref<1x!tpu.dma_semaphore, #tpu.memory_space<semaphore_mem>>
    %dma_wait3A_426 = tpu.memref_squeeze %dma_wait3A_425 : memref<1x!tpu.dma_semaphore, #tpu.memory_space<semaphore_mem>> -> memref<!tpu.dma_semaphore, #tpu.memory_space<semaphore_mem>>
    tpu.wait_indirect_dma semaphore(%dma_wait3A_426 : memref<!tpu.dma_semaphore, #tpu.memory_space<semaphore_mem>>) src(%dma_wait3A_418 : memref<125x16xf32, #tpu.memory_space<vmem>>) dst(%dma_wait3A_424 : memref<10000x16xf32, #tpu.memory_space<vmem_shared>>)
    %dma_wait3A_427 = arith.constant 4 : i32
    %dma_wait3A_428 = arith.constant 76 : i32
    %dma_wait3A_429 = arith.constant 4 : i32
    %dma_wait3A_430 = arith.constant 0 : i32
    %dma_wait3A_431 = arith.constant 0 : i32
    %dma_wait3A_432 = tpu.memref_slice %arg8[%dma_wait3A_427, %dma_wait3A_430, %dma_wait3A_431] : memref<8x125x16xf32, #tpu.memory_space<vmem>> -> memref<1x125x16xf32, #tpu.memory_space<vmem>>
    %dma_wait3A_433 = tpu.memref_squeeze %dma_wait3A_432 : memref<1x125x16xf32, #tpu.memory_space<vmem>> -> memref<125x16xf32, #tpu.memory_space<vmem>>
    %dma_wait3A_434 = arith.constant 0 : i32
    %dma_wait3A_435 = tpu.memref_slice %arg7[%dma_wait3A_428, %dma_wait3A_434] : memref<80x125xi32, #tpu.memory_space<vmem>> -> memref<1x125xi32, #tpu.memory_space<vmem>>
    %dma_wait3A_436 = tpu.memref_squeeze %dma_wait3A_435 : memref<1x125xi32, #tpu.memory_space<vmem>> -> memref<125xi32, #tpu.memory_space<vmem>>
    %dma_wait3A_437 = arith.constant 0 : i32
    %dma_wait3A_438 = arith.constant 0 : i32
    %dma_wait3A_439 = tpu.memref_slice %arg9[%dma_wait3A_437, %dma_wait3A_438] : memref<10000x16xf32, #tpu.memory_space<vmem_shared>> -> memref<10000x16xf32, #tpu.memory_space<vmem_shared>>
    %dma_wait3A_440 = tpu.memref_slice %arg11[%dma_wait3A_429] : memref<8x!tpu.dma_semaphore, #tpu.memory_space<semaphore_mem>> -> memref<1x!tpu.dma_semaphore, #tpu.memory_space<semaphore_mem>>
    %dma_wait3A_441 = tpu.memref_squeeze %dma_wait3A_440 : memref<1x!tpu.dma_semaphore, #tpu.memory_space<semaphore_mem>> -> memref<!tpu.dma_semaphore, #tpu.memory_space<semaphore_mem>>
    tpu.wait_indirect_dma semaphore(%dma_wait3A_441 : memref<!tpu.dma_semaphore, #tpu.memory_space<semaphore_mem>>) src(%dma_wait3A_433 : memref<125x16xf32, #tpu.memory_space<vmem>>) dst(%dma_wait3A_439 : memref<10000x16xf32, #tpu.memory_space<vmem_shared>>)
    %dma_wait3A_442 = arith.constant 5 : i32
    %dma_wait3A_443 = arith.constant 77 : i32
    %dma_wait3A_444 = arith.constant 5 : i32
    %dma_wait3A_445 = arith.constant 0 : i32
    %dma_wait3A_446 = arith.constant 0 : i32
    %dma_wait3A_447 = tpu.memref_slice %arg8[%dma_wait3A_442, %dma_wait3A_445, %dma_wait3A_446] : memref<8x125x16xf32, #tpu.memory_space<vmem>> -> memref<1x125x16xf32, #tpu.memory_space<vmem>>
    %dma_wait3A_448 = tpu.memref_squeeze %dma_wait3A_447 : memref<1x125x16xf32, #tpu.memory_space<vmem>> -> memref<125x16xf32, #tpu.memory_space<vmem>>
    %dma_wait3A_449 = arith.constant 0 : i32
    %dma_wait3A_450 = tpu.memref_slice %arg7[%dma_wait3A_443, %dma_wait3A_449] : memref<80x125xi32, #tpu.memory_space<vmem>> -> memref<1x125xi32, #tpu.memory_space<vmem>>
    %dma_wait3A_451 = tpu.memref_squeeze %dma_wait3A_450 : memref<1x125xi32, #tpu.memory_space<vmem>> -> memref<125xi32, #tpu.memory_space<vmem>>
    %dma_wait3A_452 = arith.constant 0 : i32
    %dma_wait3A_453 = arith.constant 0 : i32
    %dma_wait3A_454 = tpu.memref_slice %arg9[%dma_wait3A_452, %dma_wait3A_453] : memref<10000x16xf32, #tpu.memory_space<vmem_shared>> -> memref<10000x16xf32, #tpu.memory_space<vmem_shared>>
    %dma_wait3A_455 = tpu.memref_slice %arg11[%dma_wait3A_444] : memref<8x!tpu.dma_semaphore, #tpu.memory_space<semaphore_mem>> -> memref<1x!tpu.dma_semaphore, #tpu.memory_space<semaphore_mem>>
    %dma_wait3A_456 = tpu.memref_squeeze %dma_wait3A_455 : memref<1x!tpu.dma_semaphore, #tpu.memory_space<semaphore_mem>> -> memref<!tpu.dma_semaphore, #tpu.memory_space<semaphore_mem>>
    tpu.wait_indirect_dma semaphore(%dma_wait3A_456 : memref<!tpu.dma_semaphore, #tpu.memory_space<semaphore_mem>>) src(%dma_wait3A_448 : memref<125x16xf32, #tpu.memory_space<vmem>>) dst(%dma_wait3A_454 : memref<10000x16xf32, #tpu.memory_space<vmem_shared>>)
    %dma_wait3A_457 = arith.constant 6 : i32
    %dma_wait3A_458 = arith.constant 78 : i32
    %dma_wait3A_459 = arith.constant 6 : i32
    %dma_wait3A_460 = arith.constant 0 : i32
    %dma_wait3A_461 = arith.constant 0 : i32
    %dma_wait3A_462 = tpu.memref_slice %arg8[%dma_wait3A_457, %dma_wait3A_460, %dma_wait3A_461] : memref<8x125x16xf32, #tpu.memory_space<vmem>> -> memref<1x125x16xf32, #tpu.memory_space<vmem>>
    %dma_wait3A_463 = tpu.memref_squeeze %dma_wait3A_462 : memref<1x125x16xf32, #tpu.memory_space<vmem>> -> memref<125x16xf32, #tpu.memory_space<vmem>>
    %dma_wait3A_464 = arith.constant 0 : i32
    %dma_wait3A_465 = tpu.memref_slice %arg7[%dma_wait3A_458, %dma_wait3A_464] : memref<80x125xi32, #tpu.memory_space<vmem>> -> memref<1x125xi32, #tpu.memory_space<vmem>>
    %dma_wait3A_466 = tpu.memref_squeeze %dma_wait3A_465 : memref<1x125xi32, #tpu.memory_space<vmem>> -> memref<125xi32, #tpu.memory_space<vmem>>
    %dma_wait3A_467 = arith.constant 0 : i32
    %dma_wait3A_468 = arith.constant 0 : i32
    %dma_wait3A_469 = tpu.memref_slice %arg9[%dma_wait3A_467, %dma_wait3A_468] : memref<10000x16xf32, #tpu.memory_space<vmem_shared>> -> memref<10000x16xf32, #tpu.memory_space<vmem_shared>>
    %dma_wait3A_470 = tpu.memref_slice %arg11[%dma_wait3A_459] : memref<8x!tpu.dma_semaphore, #tpu.memory_space<semaphore_mem>> -> memref<1x!tpu.dma_semaphore, #tpu.memory_space<semaphore_mem>>
    %dma_wait3A_471 = tpu.memref_squeeze %dma_wait3A_470 : memref<1x!tpu.dma_semaphore, #tpu.memory_space<semaphore_mem>> -> memref<!tpu.dma_semaphore, #tpu.memory_space<semaphore_mem>>
    tpu.wait_indirect_dma semaphore(%dma_wait3A_471 : memref<!tpu.dma_semaphore, #tpu.memory_space<semaphore_mem>>) src(%dma_wait3A_463 : memref<125x16xf32, #tpu.memory_space<vmem>>) dst(%dma_wait3A_469 : memref<10000x16xf32, #tpu.memory_space<vmem_shared>>)
    %dma_wait3A_472 = arith.constant 7 : i32
    %dma_wait3A_473 = arith.constant 79 : i32
    %dma_wait3A_474 = arith.constant 7 : i32
    %dma_wait3A_475 = arith.constant 0 : i32
    %dma_wait3A_476 = arith.constant 0 : i32
    %dma_wait3A_477 = tpu.memref_slice %arg8[%dma_wait3A_472, %dma_wait3A_475, %dma_wait3A_476] : memref<8x125x16xf32, #tpu.memory_space<vmem>> -> memref<1x125x16xf32, #tpu.memory_space<vmem>>
    %dma_wait3A_478 = tpu.memref_squeeze %dma_wait3A_477 : memref<1x125x16xf32, #tpu.memory_space<vmem>> -> memref<125x16xf32, #tpu.memory_space<vmem>>
    %dma_wait3A_479 = arith.constant 0 : i32
    %dma_wait3A_480 = tpu.memref_slice %arg7[%dma_wait3A_473, %dma_wait3A_479] : memref<80x125xi32, #tpu.memory_space<vmem>> -> memref<1x125xi32, #tpu.memory_space<vmem>>
    %dma_wait3A_481 = tpu.memref_squeeze %dma_wait3A_480 : memref<1x125xi32, #tpu.memory_space<vmem>> -> memref<125xi32, #tpu.memory_space<vmem>>
    %dma_wait3A_482 = arith.constant 0 : i32
    %dma_wait3A_483 = arith.constant 0 : i32
    %dma_wait3A_484 = tpu.memref_slice %arg9[%dma_wait3A_482, %dma_wait3A_483] : memref<10000x16xf32, #tpu.memory_space<vmem_shared>> -> memref<10000x16xf32, #tpu.memory_space<vmem_shared>>
    %dma_wait3A_485 = tpu.memref_slice %arg11[%dma_wait3A_474] : memref<8x!tpu.dma_semaphore, #tpu.memory_space<semaphore_mem>> -> memref<1x!tpu.dma_semaphore, #tpu.memory_space<semaphore_mem>>
    %dma_wait3A_486 = tpu.memref_squeeze %dma_wait3A_485 : memref<1x!tpu.dma_semaphore, #tpu.memory_space<semaphore_mem>> -> memref<!tpu.dma_semaphore, #tpu.memory_space<semaphore_mem>>
    tpu.wait_indirect_dma semaphore(%dma_wait3A_486 : memref<!tpu.dma_semaphore, #tpu.memory_space<semaphore_mem>>) src(%dma_wait3A_478 : memref<125x16xf32, #tpu.memory_space<vmem>>) dst(%dma_wait3A_484 : memref<10000x16xf32, #tpu.memory_space<vmem_shared>>)
    %barrier3A_487 = arith.constant 0 : index
    tpu.barrier barrier_id(%barrier3A_487)
    %eq3A_488 = arith.constant 0 : i32
    %eq3A_489 = arith.cmpi eq, %arg1, %eq3A_488 : i32
    %convert_element_type3A_490 = arith.extui %eq3A_489 : i1 to i32
    %cond3A_491 = arith.constant 0 : i32
    %cond3A_492 = arith.cmpi ne, %convert_element_type3A_490, %cond3A_491 : i32
    scf.if %cond3A_492 {
      "tpu.region"() ({
        %run_scoped3A_493 = tpu.sem_alloc : memref<!tpu.dma_semaphore, #tpu.memory_space<semaphore_mem>>
        %dma_start3A_494 = arith.constant 0 : i32
        %dma_start3A_495 = arith.constant 0 : i32
        %dma_start3A_496 = tpu.memref_slice %arg5[%arg0, %dma_start3A_494, %dma_start3A_495] : memref<2x10000x16xf32, #tpu.memory_space<hbm>> -> memref<1x10000x16xf32, #tpu.memory_space<hbm>>
        %dma_start3A_497 = tpu.memref_squeeze %dma_start3A_496 : memref<1x10000x16xf32, #tpu.memory_space<hbm>> -> memref<10000x16xf32, #tpu.memory_space<hbm>>
        tpu.enqueue_dma source(%arg9 : memref<10000x16xf32, #tpu.memory_space<vmem_shared>>) target(%dma_start3A_497 : memref<10000x16xf32, #tpu.memory_space<hbm>>) target_semaphore(%run_scoped3A_493 : memref<!tpu.dma_semaphore, #tpu.memory_space<semaphore_mem>>)
        %dma_wait3A_498 = arith.constant 0 : i32
        %dma_wait3A_499 = arith.constant 0 : i32
        %dma_wait3A_500 = tpu.memref_slice %arg5[%arg0, %dma_wait3A_498, %dma_wait3A_499] : memref<2x10000x16xf32, #tpu.memory_space<hbm>> -> memref<1x10000x16xf32, #tpu.memory_space<hbm>>
        %dma_wait3A_501 = tpu.memref_squeeze %dma_wait3A_500 : memref<1x10000x16xf32, #tpu.memory_space<hbm>> -> memref<10000x16xf32, #tpu.memory_space<hbm>>
        tpu.wait_dma2 semaphore(%run_scoped3A_493 : memref<!tpu.dma_semaphore, #tpu.memory_space<semaphore_mem>>) src(%arg9 : memref<10000x16xf32, #tpu.memory_space<vmem_shared>>) dst(%dma_wait3A_501 : memref<10000x16xf32, #tpu.memory_space<hbm>>)
        tpu.yield
      }) : () -> ()
    } else {
    }
    return
  }
}

module attributes {stable_mosaic.version = 14 : i64} {
  func.func @_tc_a_body(%arg0: memref<1250x1024xf32, #tpu.memory_space<vmem>>, %arg1: memref<1024x128xf32, #tpu.memory_space<vmem>>, %arg2: memref<1250x128xf32, #tpu.memory_space<vmem>>) attributes {dimension_semantics = [], scalar_prefetch = 0 : i64, scratch_operands = 0 : i64, tpu.core_type = #tpu.core_type<tc>} {
    %get3A = arith.constant 0 : index
    %get3A_0 = arith.constant 0 : index
    %get3A_1 = vector.load %arg0[%get3A, %get3A_0] : memref<1250x1024xf32, #tpu.memory_space<vmem>>, vector<1250x1024xf32>
    %get3A_2 = arith.constant 0 : index
    %get3A_3 = arith.constant 0 : index
    %get3A_4 = vector.load %arg1[%get3A_2, %get3A_3] : memref<1024x128xf32, #tpu.memory_space<vmem>>, vector<1024x128xf32>
    %dot_general3A = arith.constant dense<0.000000e+00> : vector<1250x128xf32>
    %dot_general3A_5 = tpu.matmul %get3A_1, %get3A_4, %dot_general3A {dimension_numbers = #tpu.dot_dimension_numbers<[1], [0], [0], [1], [0, 0, 1, 1], [], []>, transpose_lhs_hint = false} : vector<1250x1024xf32>, vector<1024x128xf32>, vector<1250x128xf32> -> vector<1250x128xf32>
    %swap3A = arith.constant 0 : index
    %swap3A_6 = arith.constant 0 : index
    %swap3A_7 = vector.load %arg2[%swap3A, %swap3A_6] : memref<1250x128xf32, #tpu.memory_space<vmem>>, vector<1250x128xf32>
    tpu.vector_store %arg2[%swap3A, %swap3A_6], %dot_general3A_5 {strides = array<i32>} : memref<1250x128xf32, #tpu.memory_space<vmem>>, vector<1250x128xf32>,
    return
  }
}

module attributes {stable_mosaic.version = 14 : i64} {
  func.func @_tc_b_body(%arg0: memref<2x1250x128xf32, #tpu.memory_space<vmem>>, %arg1: memref<1250x128xf32, #tpu.memory_space<vmem>>, %arg2: memref<1250x128xf32, #tpu.memory_space<vmem>>, %arg3: memref<128xf32, #tpu.memory_space<vmem>>, %arg4: memref<1250x128xf32, #tpu.memory_space<vmem>>) attributes {dimension_semantics = [], scalar_prefetch = 0 : i64, scratch_operands = 0 : i64, tpu.core_type = #tpu.core_type<tc>} {
    %get3A = arith.constant 0 : index
    %get3A_0 = arith.constant 0 : index
    %get3A_1 = vector.load %arg2[%get3A, %get3A_0] : memref<1250x128xf32, #tpu.memory_space<vmem>>, vector<1250x128xf32>
    %get3A_2 = arith.constant 0 : index
    %get3A_3 = arith.constant 0 : index
    %get3A_4 = arith.constant 0 : index
    %get3A_5 = vector.load %arg0[%get3A_2, %get3A_3, %get3A_4] : memref<2x1250x128xf32, #tpu.memory_space<vmem>>, vector<1x1250x128xf32>
    %get3A_6 = vector.shape_cast %get3A_5 : vector<1x1250x128xf32> to vector<1250x128xf32>
    %get3A_7 = arith.constant 1 : index
    %get3A_8 = arith.constant 0 : index
    %get3A_9 = arith.constant 0 : index
    %get3A_10 = vector.load %arg0[%get3A_7, %get3A_8, %get3A_9] : memref<2x1250x128xf32, #tpu.memory_space<vmem>>, vector<1x1250x128xf32>
    %get3A_11 = vector.shape_cast %get3A_10 : vector<1x1250x128xf32> to vector<1250x128xf32>
    %add3A = arith.addf %get3A_6, %get3A_11 : vector<1250x128xf32>
    %get3A_12 = arith.constant 0 : index
    %get3A_13 = arith.constant 0 : index
    %get3A_14 = vector.load %arg1[%get3A_12, %get3A_13] : memref<1250x128xf32, #tpu.memory_space<vmem>>, vector<1250x128xf32>
    %add3A_15 = arith.addf %add3A, %get3A_14 : vector<1250x128xf32>
    %mul3A = arith.mulf %add3A_15, %get3A_1 : vector<1250x128xf32>
    %get3A_16 = arith.constant 0 : index
    %get3A_17 = vector.load %arg3[%get3A_16] : memref<128xf32, #tpu.memory_space<vmem>>, vector<128xf32>
    %broadcast_in_dim3A = vector.shape_cast %get3A_17 : vector<128xf32> to vector<1x128xf32>
    %add3A_18 = vector.broadcast %broadcast_in_dim3A : vector<1x128xf32> to vector<1250x128xf32>
    %add3A_19 = arith.addf %mul3A, %add3A_18 : vector<1250x128xf32>
    %max3A = arith.constant 0.000000e+00 : f32
    %max3A_20 = vector.broadcast %max3A : f32 to vector<1250x128xf32>
    %max3A_21 = arith.maximumf %add3A_19, %max3A_20 : vector<1250x128xf32>
    %mul3A_22 = arith.mulf %max3A_21, %get3A_1 : vector<1250x128xf32>
    %swap3A = arith.constant 0 : index
    %swap3A_23 = arith.constant 0 : index
    %swap3A_24 = vector.load %arg4[%swap3A, %swap3A_23] : memref<1250x128xf32, #tpu.memory_space<vmem>>, vector<1250x128xf32>
    tpu.vector_store %arg4[%swap3A, %swap3A_23], %mul3A_22 {strides = array<i32>} : memref<1250x128xf32, #tpu.memory_space<vmem>>, vector<1250x128xf32>,
    return
  }
}

module attributes {stable_mosaic.version = 14 : i64} {
  func.func @_tc_c_body(%arg0: memref<2x1250x128xf32, #tpu.memory_space<vmem>>, %arg1: memref<1250x128xf32, #tpu.memory_space<vmem>>, %arg2: memref<1250x128xf32, #tpu.memory_space<vmem>>, %arg3: memref<8x128x40xf32, #tpu.memory_space<vmem>>, %arg4: memref<40xf32, #tpu.memory_space<vmem>>, %arg5: memref<1250x8x40xf32, #tpu.memory_space<vmem>>) attributes {dimension_semantics = [], scalar_prefetch = 0 : i64, scratch_operands = 0 : i64, tpu.core_type = #tpu.core_type<tc>} {
    %get3A = arith.constant 0 : index
    %get3A_0 = arith.constant 0 : index
    %get3A_1 = arith.constant 0 : index
    %get3A_2 = vector.load %arg0[%get3A, %get3A_0, %get3A_1] : memref<2x1250x128xf32, #tpu.memory_space<vmem>>, vector<1x1250x128xf32>
    %get3A_3 = vector.shape_cast %get3A_2 : vector<1x1250x128xf32> to vector<1250x128xf32>
    %get3A_4 = arith.constant 1 : index
    %get3A_5 = arith.constant 0 : index
    %get3A_6 = arith.constant 0 : index
    %get3A_7 = vector.load %arg0[%get3A_4, %get3A_5, %get3A_6] : memref<2x1250x128xf32, #tpu.memory_space<vmem>>, vector<1x1250x128xf32>
    %get3A_8 = vector.shape_cast %get3A_7 : vector<1x1250x128xf32> to vector<1250x128xf32>
    %add3A = arith.addf %get3A_3, %get3A_8 : vector<1250x128xf32>
    %get3A_9 = arith.constant 0 : index
    %get3A_10 = arith.constant 0 : index
    %get3A_11 = vector.load %arg1[%get3A_9, %get3A_10] : memref<1250x128xf32, #tpu.memory_space<vmem>>, vector<1250x128xf32>
    %add3A_12 = arith.addf %add3A, %get3A_11 : vector<1250x128xf32>
    %get3A_13 = arith.constant 0 : index
    %get3A_14 = arith.constant 0 : index
    %get3A_15 = vector.load %arg2[%get3A_13, %get3A_14] : memref<1250x128xf32, #tpu.memory_space<vmem>>, vector<1250x128xf32>
    %mul3A = arith.mulf %add3A_12, %get3A_15 : vector<1250x128xf32>
    %get3A_16 = arith.constant 0 : index
    %get3A_17 = arith.constant 0 : index
    %get3A_18 = arith.constant 0 : index
    %get3A_19 = vector.load %arg3[%get3A_16, %get3A_17, %get3A_18] : memref<8x128x40xf32, #tpu.memory_space<vmem>>, vector<1x128x40xf32>
    %get3A_20 = vector.shape_cast %get3A_19 : vector<1x128x40xf32> to vector<128x40xf32>
    %dot_general3A = arith.constant dense<0.000000e+00> : vector<1250x40xf32>
    %dot_general3A_21 = tpu.matmul %mul3A, %get3A_20, %dot_general3A {dimension_numbers = #tpu.dot_dimension_numbers<[1], [0], [0], [1], [0, 0, 1, 1], [], []>, transpose_lhs_hint = false} : vector<1250x128xf32>, vector<128x40xf32>, vector<1250x40xf32> -> vector<1250x40xf32>
    %get3A_22 = arith.constant 0 : index
    %get3A_23 = vector.load %arg4[%get3A_22] : memref<40xf32, #tpu.memory_space<vmem>>, vector<40xf32>
    %broadcast_in_dim3A = vector.shape_cast %get3A_23 : vector<40xf32> to vector<1x40xf32>
    %add3A_24 = vector.broadcast %broadcast_in_dim3A : vector<1x40xf32> to vector<1250x40xf32>
    %add3A_25 = arith.addf %dot_general3A_21, %add3A_24 : vector<1250x40xf32>
    %reduce_max3A = arith.constant dense<0xFF800000> : vector<1250xf32>
    %reduce_max3A_26 = vector.multi_reduction <maximumf>, %add3A_25, %reduce_max3A [1] : vector<1250x40xf32> to vector<1250xf32>
    %broadcast_in_dim3A_27 = vector.shape_cast %reduce_max3A_26 : vector<1250xf32> to vector<1250x1xf32>
    %sub3A = vector.broadcast %broadcast_in_dim3A_27 : vector<1250x1xf32> to vector<1250x40xf32>
    %sub3A_28 = arith.subf %add3A_25, %sub3A : vector<1250x40xf32>
    %exp3A = math.exp %sub3A_28 : vector<1250x40xf32>
    %sub3A_29 = vector.broadcast %broadcast_in_dim3A_27 : vector<1250x1xf32> to vector<1250x40xf32>
    %sub3A_30 = arith.subf %add3A_25, %sub3A_29 : vector<1250x40xf32>
    %reduce_sum3A = arith.constant dense<0.000000e+00> : vector<1250xf32>
    %reduce_sum3A_31 = vector.multi_reduction <add>, %exp3A, %reduce_sum3A [1] : vector<1250x40xf32> to vector<1250xf32>
    %broadcast_in_dim3A_32 = vector.shape_cast %reduce_sum3A_31 : vector<1250xf32> to vector<1250x1xf32>
    %log3A = math.log %broadcast_in_dim3A_32 : vector<1250x1xf32>
    %sub3A_33 = vector.broadcast %log3A : vector<1250x1xf32> to vector<1250x40xf32>
    %sub3A_34 = arith.subf %sub3A_30, %sub3A_33 : vector<1250x40xf32>
    %swap3A = arith.constant 0 : index
    %swap3A_35 = arith.constant 0 : index
    %swap3A_36 = arith.constant 0 : index
    %swap3A_37 = vector.load %arg5[%swap3A, %swap3A_35, %swap3A_36] : memref<1250x8x40xf32, #tpu.memory_space<vmem>>, vector<1250x1x40xf32>
    %swap3A_38 = vector.shape_cast %swap3A_37 : vector<1250x1x40xf32> to vector<1250x40xf32>
    %swap3A_39 = vector.shape_cast %sub3A_34 : vector<1250x40xf32> to vector<1250x1x40xf32>
    tpu.vector_store %arg5[%swap3A, %swap3A_35, %swap3A_36], %swap3A_39 {strides = array<i32>} : memref<1250x8x40xf32, #tpu.memory_space<vmem>>, vector<1250x1x40xf32>,
    %get3A_40 = arith.constant 1 : index
    %get3A_41 = arith.constant 0 : index
    %get3A_42 = arith.constant 0 : index
    %get3A_43 = vector.load %arg3[%get3A_40, %get3A_41, %get3A_42] : memref<8x128x40xf32, #tpu.memory_space<vmem>>, vector<1x128x40xf32>
    %get3A_44 = vector.shape_cast %get3A_43 : vector<1x128x40xf32> to vector<128x40xf32>
    %dot_general3A_45 = arith.constant dense<0.000000e+00> : vector<1250x40xf32>
    %dot_general3A_46 = tpu.matmul %mul3A, %get3A_44, %dot_general3A_45 {dimension_numbers = #tpu.dot_dimension_numbers<[1], [0], [0], [1], [0, 0, 1, 1], [], []>, transpose_lhs_hint = false} : vector<1250x128xf32>, vector<128x40xf32>, vector<1250x40xf32> -> vector<1250x40xf32>
    %get3A_47 = arith.constant 0 : index
    %get3A_48 = vector.load %arg4[%get3A_47] : memref<40xf32, #tpu.memory_space<vmem>>, vector<40xf32>
    %broadcast_in_dim3A_49 = vector.shape_cast %get3A_48 : vector<40xf32> to vector<1x40xf32>
    %add3A_50 = vector.broadcast %broadcast_in_dim3A_49 : vector<1x40xf32> to vector<1250x40xf32>
    %add3A_51 = arith.addf %dot_general3A_46, %add3A_50 : vector<1250x40xf32>
    %reduce_max3A_52 = arith.constant dense<0xFF800000> : vector<1250xf32>
    %reduce_max3A_53 = vector.multi_reduction <maximumf>, %add3A_51, %reduce_max3A_52 [1] : vector<1250x40xf32> to vector<1250xf32>
    %broadcast_in_dim3A_54 = vector.shape_cast %reduce_max3A_53 : vector<1250xf32> to vector<1250x1xf32>
    %sub3A_55 = vector.broadcast %broadcast_in_dim3A_54 : vector<1250x1xf32> to vector<1250x40xf32>
    %sub3A_56 = arith.subf %add3A_51, %sub3A_55 : vector<1250x40xf32>
    %exp3A_57 = math.exp %sub3A_56 : vector<1250x40xf32>
    %sub3A_58 = vector.broadcast %broadcast_in_dim3A_54 : vector<1250x1xf32> to vector<1250x40xf32>
    %sub3A_59 = arith.subf %add3A_51, %sub3A_58 : vector<1250x40xf32>
    %reduce_sum3A_60 = arith.constant dense<0.000000e+00> : vector<1250xf32>
    %reduce_sum3A_61 = vector.multi_reduction <add>, %exp3A_57, %reduce_sum3A_60 [1] : vector<1250x40xf32> to vector<1250xf32>
    %broadcast_in_dim3A_62 = vector.shape_cast %reduce_sum3A_61 : vector<1250xf32> to vector<1250x1xf32>
    %log3A_63 = math.log %broadcast_in_dim3A_62 : vector<1250x1xf32>
    %sub3A_64 = vector.broadcast %log3A_63 : vector<1250x1xf32> to vector<1250x40xf32>
    %sub3A_65 = arith.subf %sub3A_59, %sub3A_64 : vector<1250x40xf32>
    %swap3A_66 = arith.constant 0 : index
    %swap3A_67 = arith.constant 1 : index
    %swap3A_68 = arith.constant 0 : index
    %swap3A_69 = vector.load %arg5[%swap3A_66, %swap3A_67, %swap3A_68] : memref<1250x8x40xf32, #tpu.memory_space<vmem>>, vector<1250x1x40xf32>
    %swap3A_70 = vector.shape_cast %swap3A_69 : vector<1250x1x40xf32> to vector<1250x40xf32>
    %swap3A_71 = vector.shape_cast %sub3A_65 : vector<1250x40xf32> to vector<1250x1x40xf32>
    tpu.vector_store %arg5[%swap3A_66, %swap3A_67, %swap3A_68], %swap3A_71 {strides = array<i32>} : memref<1250x8x40xf32, #tpu.memory_space<vmem>>, vector<1250x1x40xf32>,
    %get3A_72 = arith.constant 2 : index
    %get3A_73 = arith.constant 0 : index
    %get3A_74 = arith.constant 0 : index
    %get3A_75 = vector.load %arg3[%get3A_72, %get3A_73, %get3A_74] : memref<8x128x40xf32, #tpu.memory_space<vmem>>, vector<1x128x40xf32>
    %get3A_76 = vector.shape_cast %get3A_75 : vector<1x128x40xf32> to vector<128x40xf32>
    %dot_general3A_77 = arith.constant dense<0.000000e+00> : vector<1250x40xf32>
    %dot_general3A_78 = tpu.matmul %mul3A, %get3A_76, %dot_general3A_77 {dimension_numbers = #tpu.dot_dimension_numbers<[1], [0], [0], [1], [0, 0, 1, 1], [], []>, transpose_lhs_hint = false} : vector<1250x128xf32>, vector<128x40xf32>, vector<1250x40xf32> -> vector<1250x40xf32>
    %get3A_79 = arith.constant 0 : index
    %get3A_80 = vector.load %arg4[%get3A_79] : memref<40xf32, #tpu.memory_space<vmem>>, vector<40xf32>
    %broadcast_in_dim3A_81 = vector.shape_cast %get3A_80 : vector<40xf32> to vector<1x40xf32>
    %add3A_82 = vector.broadcast %broadcast_in_dim3A_81 : vector<1x40xf32> to vector<1250x40xf32>
    %add3A_83 = arith.addf %dot_general3A_78, %add3A_82 : vector<1250x40xf32>
    %reduce_max3A_84 = arith.constant dense<0xFF800000> : vector<1250xf32>
    %reduce_max3A_85 = vector.multi_reduction <maximumf>, %add3A_83, %reduce_max3A_84 [1] : vector<1250x40xf32> to vector<1250xf32>
    %broadcast_in_dim3A_86 = vector.shape_cast %reduce_max3A_85 : vector<1250xf32> to vector<1250x1xf32>
    %sub3A_87 = vector.broadcast %broadcast_in_dim3A_86 : vector<1250x1xf32> to vector<1250x40xf32>
    %sub3A_88 = arith.subf %add3A_83, %sub3A_87 : vector<1250x40xf32>
    %exp3A_89 = math.exp %sub3A_88 : vector<1250x40xf32>
    %sub3A_90 = vector.broadcast %broadcast_in_dim3A_86 : vector<1250x1xf32> to vector<1250x40xf32>
    %sub3A_91 = arith.subf %add3A_83, %sub3A_90 : vector<1250x40xf32>
    %reduce_sum3A_92 = arith.constant dense<0.000000e+00> : vector<1250xf32>
    %reduce_sum3A_93 = vector.multi_reduction <add>, %exp3A_89, %reduce_sum3A_92 [1] : vector<1250x40xf32> to vector<1250xf32>
    %broadcast_in_dim3A_94 = vector.shape_cast %reduce_sum3A_93 : vector<1250xf32> to vector<1250x1xf32>
    %log3A_95 = math.log %broadcast_in_dim3A_94 : vector<1250x1xf32>
    %sub3A_96 = vector.broadcast %log3A_95 : vector<1250x1xf32> to vector<1250x40xf32>
    %sub3A_97 = arith.subf %sub3A_91, %sub3A_96 : vector<1250x40xf32>
    %swap3A_98 = arith.constant 0 : index
    %swap3A_99 = arith.constant 2 : index
    %swap3A_100 = arith.constant 0 : index
    %swap3A_101 = vector.load %arg5[%swap3A_98, %swap3A_99, %swap3A_100] : memref<1250x8x40xf32, #tpu.memory_space<vmem>>, vector<1250x1x40xf32>
    %swap3A_102 = vector.shape_cast %swap3A_101 : vector<1250x1x40xf32> to vector<1250x40xf32>
    %swap3A_103 = vector.shape_cast %sub3A_97 : vector<1250x40xf32> to vector<1250x1x40xf32>
    tpu.vector_store %arg5[%swap3A_98, %swap3A_99, %swap3A_100], %swap3A_103 {strides = array<i32>} : memref<1250x8x40xf32, #tpu.memory_space<vmem>>, vector<1250x1x40xf32>,
    %get3A_104 = arith.constant 3 : index
    %get3A_105 = arith.constant 0 : index
    %get3A_106 = arith.constant 0 : index
    %get3A_107 = vector.load %arg3[%get3A_104, %get3A_105, %get3A_106] : memref<8x128x40xf32, #tpu.memory_space<vmem>>, vector<1x128x40xf32>
    %get3A_108 = vector.shape_cast %get3A_107 : vector<1x128x40xf32> to vector<128x40xf32>
    %dot_general3A_109 = arith.constant dense<0.000000e+00> : vector<1250x40xf32>
    %dot_general3A_110 = tpu.matmul %mul3A, %get3A_108, %dot_general3A_109 {dimension_numbers = #tpu.dot_dimension_numbers<[1], [0], [0], [1], [0, 0, 1, 1], [], []>, transpose_lhs_hint = false} : vector<1250x128xf32>, vector<128x40xf32>, vector<1250x40xf32> -> vector<1250x40xf32>
    %get3A_111 = arith.constant 0 : index
    %get3A_112 = vector.load %arg4[%get3A_111] : memref<40xf32, #tpu.memory_space<vmem>>, vector<40xf32>
    %broadcast_in_dim3A_113 = vector.shape_cast %get3A_112 : vector<40xf32> to vector<1x40xf32>
    %add3A_114 = vector.broadcast %broadcast_in_dim3A_113 : vector<1x40xf32> to vector<1250x40xf32>
    %add3A_115 = arith.addf %dot_general3A_110, %add3A_114 : vector<1250x40xf32>
    %reduce_max3A_116 = arith.constant dense<0xFF800000> : vector<1250xf32>
    %reduce_max3A_117 = vector.multi_reduction <maximumf>, %add3A_115, %reduce_max3A_116 [1] : vector<1250x40xf32> to vector<1250xf32>
    %broadcast_in_dim3A_118 = vector.shape_cast %reduce_max3A_117 : vector<1250xf32> to vector<1250x1xf32>
    %sub3A_119 = vector.broadcast %broadcast_in_dim3A_118 : vector<1250x1xf32> to vector<1250x40xf32>
    %sub3A_120 = arith.subf %add3A_115, %sub3A_119 : vector<1250x40xf32>
    %exp3A_121 = math.exp %sub3A_120 : vector<1250x40xf32>
    %sub3A_122 = vector.broadcast %broadcast_in_dim3A_118 : vector<1250x1xf32> to vector<1250x40xf32>
    %sub3A_123 = arith.subf %add3A_115, %sub3A_122 : vector<1250x40xf32>
    %reduce_sum3A_124 = arith.constant dense<0.000000e+00> : vector<1250xf32>
    %reduce_sum3A_125 = vector.multi_reduction <add>, %exp3A_121, %reduce_sum3A_124 [1] : vector<1250x40xf32> to vector<1250xf32>
    %broadcast_in_dim3A_126 = vector.shape_cast %reduce_sum3A_125 : vector<1250xf32> to vector<1250x1xf32>
    %log3A_127 = math.log %broadcast_in_dim3A_126 : vector<1250x1xf32>
    %sub3A_128 = vector.broadcast %log3A_127 : vector<1250x1xf32> to vector<1250x40xf32>
    %sub3A_129 = arith.subf %sub3A_123, %sub3A_128 : vector<1250x40xf32>
    %swap3A_130 = arith.constant 0 : index
    %swap3A_131 = arith.constant 3 : index
    %swap3A_132 = arith.constant 0 : index
    %swap3A_133 = vector.load %arg5[%swap3A_130, %swap3A_131, %swap3A_132] : memref<1250x8x40xf32, #tpu.memory_space<vmem>>, vector<1250x1x40xf32>
    %swap3A_134 = vector.shape_cast %swap3A_133 : vector<1250x1x40xf32> to vector<1250x40xf32>
    %swap3A_135 = vector.shape_cast %sub3A_129 : vector<1250x40xf32> to vector<1250x1x40xf32>
    tpu.vector_store %arg5[%swap3A_130, %swap3A_131, %swap3A_132], %swap3A_135 {strides = array<i32>} : memref<1250x8x40xf32, #tpu.memory_space<vmem>>, vector<1250x1x40xf32>,
    %get3A_136 = arith.constant 4 : index
    %get3A_137 = arith.constant 0 : index
    %get3A_138 = arith.constant 0 : index
    %get3A_139 = vector.load %arg3[%get3A_136, %get3A_137, %get3A_138] : memref<8x128x40xf32, #tpu.memory_space<vmem>>, vector<1x128x40xf32>
    %get3A_140 = vector.shape_cast %get3A_139 : vector<1x128x40xf32> to vector<128x40xf32>
    %dot_general3A_141 = arith.constant dense<0.000000e+00> : vector<1250x40xf32>
    %dot_general3A_142 = tpu.matmul %mul3A, %get3A_140, %dot_general3A_141 {dimension_numbers = #tpu.dot_dimension_numbers<[1], [0], [0], [1], [0, 0, 1, 1], [], []>, transpose_lhs_hint = false} : vector<1250x128xf32>, vector<128x40xf32>, vector<1250x40xf32> -> vector<1250x40xf32>
    %get3A_143 = arith.constant 0 : index
    %get3A_144 = vector.load %arg4[%get3A_143] : memref<40xf32, #tpu.memory_space<vmem>>, vector<40xf32>
    %broadcast_in_dim3A_145 = vector.shape_cast %get3A_144 : vector<40xf32> to vector<1x40xf32>
    %add3A_146 = vector.broadcast %broadcast_in_dim3A_145 : vector<1x40xf32> to vector<1250x40xf32>
    %add3A_147 = arith.addf %dot_general3A_142, %add3A_146 : vector<1250x40xf32>
    %reduce_max3A_148 = arith.constant dense<0xFF800000> : vector<1250xf32>
    %reduce_max3A_149 = vector.multi_reduction <maximumf>, %add3A_147, %reduce_max3A_148 [1] : vector<1250x40xf32> to vector<1250xf32>
    %broadcast_in_dim3A_150 = vector.shape_cast %reduce_max3A_149 : vector<1250xf32> to vector<1250x1xf32>
    %sub3A_151 = vector.broadcast %broadcast_in_dim3A_150 : vector<1250x1xf32> to vector<1250x40xf32>
    %sub3A_152 = arith.subf %add3A_147, %sub3A_151 : vector<1250x40xf32>
    %exp3A_153 = math.exp %sub3A_152 : vector<1250x40xf32>
    %sub3A_154 = vector.broadcast %broadcast_in_dim3A_150 : vector<1250x1xf32> to vector<1250x40xf32>
    %sub3A_155 = arith.subf %add3A_147, %sub3A_154 : vector<1250x40xf32>
    %reduce_sum3A_156 = arith.constant dense<0.000000e+00> : vector<1250xf32>
    %reduce_sum3A_157 = vector.multi_reduction <add>, %exp3A_153, %reduce_sum3A_156 [1] : vector<1250x40xf32> to vector<1250xf32>
    %broadcast_in_dim3A_158 = vector.shape_cast %reduce_sum3A_157 : vector<1250xf32> to vector<1250x1xf32>
    %log3A_159 = math.log %broadcast_in_dim3A_158 : vector<1250x1xf32>
    %sub3A_160 = vector.broadcast %log3A_159 : vector<1250x1xf32> to vector<1250x40xf32>
    %sub3A_161 = arith.subf %sub3A_155, %sub3A_160 : vector<1250x40xf32>
    %swap3A_162 = arith.constant 0 : index
    %swap3A_163 = arith.constant 4 : index
    %swap3A_164 = arith.constant 0 : index
    %swap3A_165 = vector.load %arg5[%swap3A_162, %swap3A_163, %swap3A_164] : memref<1250x8x40xf32, #tpu.memory_space<vmem>>, vector<1250x1x40xf32>
    %swap3A_166 = vector.shape_cast %swap3A_165 : vector<1250x1x40xf32> to vector<1250x40xf32>
    %swap3A_167 = vector.shape_cast %sub3A_161 : vector<1250x40xf32> to vector<1250x1x40xf32>
    tpu.vector_store %arg5[%swap3A_162, %swap3A_163, %swap3A_164], %swap3A_167 {strides = array<i32>} : memref<1250x8x40xf32, #tpu.memory_space<vmem>>, vector<1250x1x40xf32>,
    %get3A_168 = arith.constant 5 : index
    %get3A_169 = arith.constant 0 : index
    %get3A_170 = arith.constant 0 : index
    %get3A_171 = vector.load %arg3[%get3A_168, %get3A_169, %get3A_170] : memref<8x128x40xf32, #tpu.memory_space<vmem>>, vector<1x128x40xf32>
    %get3A_172 = vector.shape_cast %get3A_171 : vector<1x128x40xf32> to vector<128x40xf32>
    %dot_general3A_173 = arith.constant dense<0.000000e+00> : vector<1250x40xf32>
    %dot_general3A_174 = tpu.matmul %mul3A, %get3A_172, %dot_general3A_173 {dimension_numbers = #tpu.dot_dimension_numbers<[1], [0], [0], [1], [0, 0, 1, 1], [], []>, transpose_lhs_hint = false} : vector<1250x128xf32>, vector<128x40xf32>, vector<1250x40xf32> -> vector<1250x40xf32>
    %get3A_175 = arith.constant 0 : index
    %get3A_176 = vector.load %arg4[%get3A_175] : memref<40xf32, #tpu.memory_space<vmem>>, vector<40xf32>
    %broadcast_in_dim3A_177 = vector.shape_cast %get3A_176 : vector<40xf32> to vector<1x40xf32>
    %add3A_178 = vector.broadcast %broadcast_in_dim3A_177 : vector<1x40xf32> to vector<1250x40xf32>
    %add3A_179 = arith.addf %dot_general3A_174, %add3A_178 : vector<1250x40xf32>
    %reduce_max3A_180 = arith.constant dense<0xFF800000> : vector<1250xf32>
    %reduce_max3A_181 = vector.multi_reduction <maximumf>, %add3A_179, %reduce_max3A_180 [1] : vector<1250x40xf32> to vector<1250xf32>
    %broadcast_in_dim3A_182 = vector.shape_cast %reduce_max3A_181 : vector<1250xf32> to vector<1250x1xf32>
    %sub3A_183 = vector.broadcast %broadcast_in_dim3A_182 : vector<1250x1xf32> to vector<1250x40xf32>
    %sub3A_184 = arith.subf %add3A_179, %sub3A_183 : vector<1250x40xf32>
    %exp3A_185 = math.exp %sub3A_184 : vector<1250x40xf32>
    %sub3A_186 = vector.broadcast %broadcast_in_dim3A_182 : vector<1250x1xf32> to vector<1250x40xf32>
    %sub3A_187 = arith.subf %add3A_179, %sub3A_186 : vector<1250x40xf32>
    %reduce_sum3A_188 = arith.constant dense<0.000000e+00> : vector<1250xf32>
    %reduce_sum3A_189 = vector.multi_reduction <add>, %exp3A_185, %reduce_sum3A_188 [1] : vector<1250x40xf32> to vector<1250xf32>
    %broadcast_in_dim3A_190 = vector.shape_cast %reduce_sum3A_189 : vector<1250xf32> to vector<1250x1xf32>
    %log3A_191 = math.log %broadcast_in_dim3A_190 : vector<1250x1xf32>
    %sub3A_192 = vector.broadcast %log3A_191 : vector<1250x1xf32> to vector<1250x40xf32>
    %sub3A_193 = arith.subf %sub3A_187, %sub3A_192 : vector<1250x40xf32>
    %swap3A_194 = arith.constant 0 : index
    %swap3A_195 = arith.constant 5 : index
    %swap3A_196 = arith.constant 0 : index
    %swap3A_197 = vector.load %arg5[%swap3A_194, %swap3A_195, %swap3A_196] : memref<1250x8x40xf32, #tpu.memory_space<vmem>>, vector<1250x1x40xf32>
    %swap3A_198 = vector.shape_cast %swap3A_197 : vector<1250x1x40xf32> to vector<1250x40xf32>
    %swap3A_199 = vector.shape_cast %sub3A_193 : vector<1250x40xf32> to vector<1250x1x40xf32>
    tpu.vector_store %arg5[%swap3A_194, %swap3A_195, %swap3A_196], %swap3A_199 {strides = array<i32>} : memref<1250x8x40xf32, #tpu.memory_space<vmem>>, vector<1250x1x40xf32>,
    %get3A_200 = arith.constant 6 : index
    %get3A_201 = arith.constant 0 : index
    %get3A_202 = arith.constant 0 : index
    %get3A_203 = vector.load %arg3[%get3A_200, %get3A_201, %get3A_202] : memref<8x128x40xf32, #tpu.memory_space<vmem>>, vector<1x128x40xf32>
    %get3A_204 = vector.shape_cast %get3A_203 : vector<1x128x40xf32> to vector<128x40xf32>
    %dot_general3A_205 = arith.constant dense<0.000000e+00> : vector<1250x40xf32>
    %dot_general3A_206 = tpu.matmul %mul3A, %get3A_204, %dot_general3A_205 {dimension_numbers = #tpu.dot_dimension_numbers<[1], [0], [0], [1], [0, 0, 1, 1], [], []>, transpose_lhs_hint = false} : vector<1250x128xf32>, vector<128x40xf32>, vector<1250x40xf32> -> vector<1250x40xf32>
    %get3A_207 = arith.constant 0 : index
    %get3A_208 = vector.load %arg4[%get3A_207] : memref<40xf32, #tpu.memory_space<vmem>>, vector<40xf32>
    %broadcast_in_dim3A_209 = vector.shape_cast %get3A_208 : vector<40xf32> to vector<1x40xf32>
    %add3A_210 = vector.broadcast %broadcast_in_dim3A_209 : vector<1x40xf32> to vector<1250x40xf32>
    %add3A_211 = arith.addf %dot_general3A_206, %add3A_210 : vector<1250x40xf32>
    %reduce_max3A_212 = arith.constant dense<0xFF800000> : vector<1250xf32>
    %reduce_max3A_213 = vector.multi_reduction <maximumf>, %add3A_211, %reduce_max3A_212 [1] : vector<1250x40xf32> to vector<1250xf32>
    %broadcast_in_dim3A_214 = vector.shape_cast %reduce_max3A_213 : vector<1250xf32> to vector<1250x1xf32>
    %sub3A_215 = vector.broadcast %broadcast_in_dim3A_214 : vector<1250x1xf32> to vector<1250x40xf32>
    %sub3A_216 = arith.subf %add3A_211, %sub3A_215 : vector<1250x40xf32>
    %exp3A_217 = math.exp %sub3A_216 : vector<1250x40xf32>
    %sub3A_218 = vector.broadcast %broadcast_in_dim3A_214 : vector<1250x1xf32> to vector<1250x40xf32>
    %sub3A_219 = arith.subf %add3A_211, %sub3A_218 : vector<1250x40xf32>
    %reduce_sum3A_220 = arith.constant dense<0.000000e+00> : vector<1250xf32>
    %reduce_sum3A_221 = vector.multi_reduction <add>, %exp3A_217, %reduce_sum3A_220 [1] : vector<1250x40xf32> to vector<1250xf32>
    %broadcast_in_dim3A_222 = vector.shape_cast %reduce_sum3A_221 : vector<1250xf32> to vector<1250x1xf32>
    %log3A_223 = math.log %broadcast_in_dim3A_222 : vector<1250x1xf32>
    %sub3A_224 = vector.broadcast %log3A_223 : vector<1250x1xf32> to vector<1250x40xf32>
    %sub3A_225 = arith.subf %sub3A_219, %sub3A_224 : vector<1250x40xf32>
    %swap3A_226 = arith.constant 0 : index
    %swap3A_227 = arith.constant 6 : index
    %swap3A_228 = arith.constant 0 : index
    %swap3A_229 = vector.load %arg5[%swap3A_226, %swap3A_227, %swap3A_228] : memref<1250x8x40xf32, #tpu.memory_space<vmem>>, vector<1250x1x40xf32>
    %swap3A_230 = vector.shape_cast %swap3A_229 : vector<1250x1x40xf32> to vector<1250x40xf32>
    %swap3A_231 = vector.shape_cast %sub3A_225 : vector<1250x40xf32> to vector<1250x1x40xf32>
    tpu.vector_store %arg5[%swap3A_226, %swap3A_227, %swap3A_228], %swap3A_231 {strides = array<i32>} : memref<1250x8x40xf32, #tpu.memory_space<vmem>>, vector<1250x1x40xf32>,
    %get3A_232 = arith.constant 7 : index
    %get3A_233 = arith.constant 0 : index
    %get3A_234 = arith.constant 0 : index
    %get3A_235 = vector.load %arg3[%get3A_232, %get3A_233, %get3A_234] : memref<8x128x40xf32, #tpu.memory_space<vmem>>, vector<1x128x40xf32>
    %get3A_236 = vector.shape_cast %get3A_235 : vector<1x128x40xf32> to vector<128x40xf32>
    %dot_general3A_237 = arith.constant dense<0.000000e+00> : vector<1250x40xf32>
    %dot_general3A_238 = tpu.matmul %mul3A, %get3A_236, %dot_general3A_237 {dimension_numbers = #tpu.dot_dimension_numbers<[1], [0], [0], [1], [0, 0, 1, 1], [], []>, transpose_lhs_hint = false} : vector<1250x128xf32>, vector<128x40xf32>, vector<1250x40xf32> -> vector<1250x40xf32>
    %get3A_239 = arith.constant 0 : index
    %get3A_240 = vector.load %arg4[%get3A_239] : memref<40xf32, #tpu.memory_space<vmem>>, vector<40xf32>
    %broadcast_in_dim3A_241 = vector.shape_cast %get3A_240 : vector<40xf32> to vector<1x40xf32>
    %add3A_242 = vector.broadcast %broadcast_in_dim3A_241 : vector<1x40xf32> to vector<1250x40xf32>
    %add3A_243 = arith.addf %dot_general3A_238, %add3A_242 : vector<1250x40xf32>
    %reduce_max3A_244 = arith.constant dense<0xFF800000> : vector<1250xf32>
    %reduce_max3A_245 = vector.multi_reduction <maximumf>, %add3A_243, %reduce_max3A_244 [1] : vector<1250x40xf32> to vector<1250xf32>
    %broadcast_in_dim3A_246 = vector.shape_cast %reduce_max3A_245 : vector<1250xf32> to vector<1250x1xf32>
    %sub3A_247 = vector.broadcast %broadcast_in_dim3A_246 : vector<1250x1xf32> to vector<1250x40xf32>
    %sub3A_248 = arith.subf %add3A_243, %sub3A_247 : vector<1250x40xf32>
    %exp3A_249 = math.exp %sub3A_248 : vector<1250x40xf32>
    %sub3A_250 = vector.broadcast %broadcast_in_dim3A_246 : vector<1250x1xf32> to vector<1250x40xf32>
    %sub3A_251 = arith.subf %add3A_243, %sub3A_250 : vector<1250x40xf32>
    %reduce_sum3A_252 = arith.constant dense<0.000000e+00> : vector<1250xf32>
    %reduce_sum3A_253 = vector.multi_reduction <add>, %exp3A_249, %reduce_sum3A_252 [1] : vector<1250x40xf32> to vector<1250xf32>
    %broadcast_in_dim3A_254 = vector.shape_cast %reduce_sum3A_253 : vector<1250xf32> to vector<1250x1xf32>
    %log3A_255 = math.log %broadcast_in_dim3A_254 : vector<1250x1xf32>
    %sub3A_256 = vector.broadcast %log3A_255 : vector<1250x1xf32> to vector<1250x40xf32>
    %sub3A_257 = arith.subf %sub3A_251, %sub3A_256 : vector<1250x40xf32>
    %swap3A_258 = arith.constant 0 : index
    %swap3A_259 = arith.constant 7 : index
    %swap3A_260 = arith.constant 0 : index
    %swap3A_261 = vector.load %arg5[%swap3A_258, %swap3A_259, %swap3A_260] : memref<1250x8x40xf32, #tpu.memory_space<vmem>>, vector<1250x1x40xf32>
    %swap3A_262 = vector.shape_cast %swap3A_261 : vector<1250x1x40xf32> to vector<1250x40xf32>
    %swap3A_263 = vector.shape_cast %sub3A_257 : vector<1250x40xf32> to vector<1250x1x40xf32>
    tpu.vector_store %arg5[%swap3A_258, %swap3A_259, %swap3A_260], %swap3A_263 {strides = array<i32>} : memref<1250x8x40xf32, #tpu.memory_space<vmem>>, vector<1250x1x40xf32>,
    return
  }
}

</mosaic_0001>

<sc_bundles>
// kernel: kernel.11.cloned.1.call-start
scs
__scs_entry_jumppad:
0x0: {  	(pc) =	sbr.rel $0x88, $3  }
0x1: {  	(tag) =	ssettag $0x0;
	lr =	simm.s32 $0x1  }
0x2: {  	[smem:$0x3F9B] =	sst lr;
	_ =	strace $0xD0000000  }
0x3: {  	_ = 	snop  }
0x4: {  	_ = 	snop  }
0x5: {  	_ = 	snop  }
0x6: {  	_ = 	snop  }
0x7: {  	_ = 	snop  }
__scs_overlays_trampoline_lowered:
0x8: {  	[smem:$0x3FAA] =	sst s0  }
0x9: {  	[smem:$0x3FAB] =	sst s1  }
0xa: {  	[smem:$0x3FAC] =	sst s2  }
0xb: {  	[smem:$0x3FAD] =	sst s3  }
0xc: {  	[smem:$0x3FAE] =	sst s4  }
0xd: {  	[smem:$0x3FAF] =	sst s5  }
0xe: {  	[smem:$0x3FB0] =	sst s6  }
0xf: {  	[smem:$0x3FB1] =	sst s7  }
0x10: {  	[smem:$0x3FB2] =	sst s8  }
0x11: {  	[smem:$0x3FB3] =	sst s9;
	s0 =	simm.s32 @!p0 $0x0  }
0x12: {  	s1 =	sld [smem:$0x3F99];
	s0 =	simm.s32 @p0 $0x1  }
0x13: {  	[smem:$0x3FB4] =	sst s0;
	s0 =	simm.s32 @!p1 $0x0  }
0x14: {  	s2 =	sld [smem:$0x3F98];
	s0 =	simm.s32 @p1 $0x1  }
0x15: {  	[smem:$0x3FB5] =	sst s0;
	s0 =	simm.s32 @!p2 $0x0  }
0x16: {  	s3 =	sld [smem:$0x3FDB];
	s0 =	simm.s32 @p2 $0x1  }
0x17: {  	s4 =	simm.s32 $0x1BF5;
	[smem:$0x3FB7] =	sst s0  }
0x18: {  	s0 =	sld [smem:$0x3F9A];
	_ =	swait.ge [sflag:s4], $0x0  }
0x19: {  	s7 =	sld [smem:$0x3F9B]  }
0x1a: {  	s8 =	sadd.s32 $0xFFFFE003, lr  }
0x1b: {  	s9 =	sadd.s32 $0xFFFFFEF7, lr;
	s5 =	simm.s32 $0xFFFFFFFF;
	p2 =	slt.u32 s8, $0xFFFFF086  }
0x1c: {  	p1 =	slt.u32 s9, $0xF7A;
	s5 =	simm.s32 @!p2 $0x0  }
0x1d: {  	s5 =	simm.s32 @p1 $0x1;
	p0 =	seq.s32 s7, s2  }
0x1e: {  	s7 =	smul.u32 @!p0 $0xF7A, s2;
	p2 =	seq.s32 @!p0 s5, $0x0  }
0x1f: {  	s9 =	smul.u32 $0xF7A, s1;
	s8 =	simm.s32 @!p0 $0x1BF5;
	p2 =	por !p2, p0  }
0x20: {  	[sflag:s8] =	ssyncset.s32 @!p0 $0xFFFFF086;
	s6 =	sadd.s32 @!p0 s3, s7;
	s7 =	simm.s32 @!p0 $0x108  }
0x21: {  	s3 =	sadd.s32 s3, s9;
	s6 =	sadd.s32 @!p0 $0x88, s6;
	s7 =	simm.s32 @p2 $0x1082  }
0x22: {  	[simem:s7], [sflag:s8] =	dma.local @!p0 [hbm:s6], $0xF7A  }
0x23: {  	s9 =	sor.u32 $0xD0000000, s2;
	s6 =	simm.s32 $0x108;
	_ =	swait.ge @!p0 [sflag:s8], $0x0  }
0x24: {  	s3 =	sadd.s32 $0x88, s3;
	s6 =	simm.s32 @!p1 $0x1082;
	[sflag:s4] =	ssyncset.s32 $0xFFFFF086  }
0x25: {  	[simem:s6], [sflag:s4] =	dma.local [hbm:s3], $0xF7A  }
0x26: {  	[smem:$0x3F9B] =	sst s1;
	(tag) =	ssettag s2;
	_ =	strace s9  }
0x27: {  	s1 =	sld [smem:$0x3FAB]  }
0x28: {  	s2 =	sld [smem:$0x3FAC]  }
0x29: {  	s4 =	sld [smem:$0x3FAE]  }
0x2a: {  	p0 =	seq.s32 s5, $0x0;
	s5 =	sld [smem:$0x3FAF]  }
0x2b: {  	s6 =	sld [smem:$0x3FB0]  }
0x2c: {  	s7 =	sld [smem:$0x3FB1]  }
0x2d: {  	s3 =	simm.s32 $0x108;
	s8 =	sld [smem:$0x3FB2]  }
0x2e: {  	s3 =	simm.s32 @!p0 $0x1082;
	s9 =	sld [smem:$0x3FB3]  }
0x2f: {  	lr =	sadd.s32 s0, s3;
	s0 =	sld [smem:$0x3FAA]  }
0x30: {  	s3 =	sld [smem:$0x3FAD]  }
0x31: {  	[smem:$0x3FB6] =	sst s10  }
0x32: {  	s10 =	sld [smem:$0x3FB4];
	_ =	sdelay $0x3  }
0x33: {  	p0 =	seq.s32 s10, $0x1;
	s10 =	sld [smem:$0x3FB6];
	_ =	sdelay $0x3  }
0x34: {  	[smem:$0x3FB6] =	sst s10  }
0x35: {  	s10 =	sld [smem:$0x3FB5];
	_ =	sdelay $0x3  }
0x36: {  	p1 =	seq.s32 s10, $0x1;
	s10 =	sld [smem:$0x3FB6];
	_ =	sdelay $0x3  }
0x37: {  	[smem:$0x3FB6] =	sst s10  }
0x38: {  	s10 =	sld [smem:$0x3FB7]  }
0x39: {  	_ = 	snop;
	(pc) =	sbr.ind lr, $3  }
0x3a: {  	_ = 	snop  }
0x3b: {  	_ = 	snop  }
0x3c: {  	p2 =	seq.s32 s10, $0x1;
	s10 =	sld [smem:$0x3FB6]  }
0x3d: {  	_ =	shalt  }
0x3e: {  	_ =	shalt  }
0x3f: {  	_ =	shalt  }
0x40: {  	_ =	shalt  }
0x41: {  	_ =	shalt  }
0x42: {  	_ =	shalt  }
0x43: {  	_ =	shalt  }
0x44: {  	_ =	shalt  }
0x45: {  	_ =	shalt  }
0x46: {  	_ =	shalt  }
0x47: {  	_ =	shalt  }
0x48: {  	_ =	shalt  }
0x49: {  	_ =	shalt  }
0x4a: {  	_ =	shalt  }
0x4b: {  	_ =	shalt  }
0x4c: {  	_ =	shalt  }
0x4d: {  	_ =	shalt  }
0x4e: {  	_ =	shalt  }
0x4f: {  	_ =	shalt  }
0x50: {  	_ =	shalt  }
0x51: {  	_ =	shalt  }
0x52: {  	_ =	shalt  }
0x53: {  	_ =	shalt  }
0x54: {  	_ =	shalt  }
0x55: {  	_ =	shalt  }
0x56: {  	_ =	shalt  }
0x57: {  	_ =	shalt  }
0x58: {  	_ =	shalt  }
0x59: {  	_ =	shalt  }
0x5a: {  	_ =	shalt  }
0x5b: {  	_ =	shalt  }
0x5c: {  	_ =	shalt  }
0x5d: {  	_ =	shalt  }
0x5e: {  	_ =	shalt  }
0x5f: {  	_ =	shalt  }
0x60: {  	_ =	shalt  }
0x61: {  	_ =	shalt  }
0x62: {  	_ =	shalt  }
0x63: {  	_ =	shalt  }
0x64: {  	_ =	shalt  }
0x65: {  	_ =	shalt  }
0x66: {  	_ =	shalt  }
0x67: {  	_ =	shalt  }
0x68: {  	_ =	shalt  }
0x69: {  	_ =	shalt  }
0x6a: {  	_ =	shalt  }
0x6b: {  	_ =	shalt  }
0x6c: {  	_ =	shalt  }
0x6d: {  	_ =	shalt  }
0x6e: {  	_ =	shalt  }
0x6f: {  	_ =	shalt  }
0x70: {  	_ =	shalt  }
0x71: {  	_ =	shalt  }
0x72: {  	_ =	shalt  }
0x73: {  	_ =	shalt  }
0x74: {  	_ =	shalt  }
0x75: {  	_ =	shalt  }
0x76: {  	_ =	shalt  }
0x77: {  	_ =	shalt  }
0x78: {  	_ =	shalt  }
0x79: {  	_ =	shalt  }
0x7a: {  	_ =	shalt  }
0x7b: {  	_ =	shalt  }
0x7c: {  	_ =	shalt  }
0x7d: {  	_ =	shalt  }
0x7e: {  	_ =	shalt  }
0x7f: {  	_ =	shalt  }
0x80: {  	_ =	shalt  }
0x81: {  	_ =	shalt  }
0x82: {  	_ =	shalt  }
0x83: {  	_ =	shalt  }
0x84: {  	_ =	shalt  }
0x85: {  	_ =	shalt  }
0x86: {  	_ =	shalt  }
0x87: {  	_ =	shalt  }
.Lfunc_end0:
.L_simem_size_0:
called_computation.1_lowered:
.L_overlay_start_0:
0x88: {  	s2 =	sld [smem:$0x3FD9]  }
0x89: {  	s3 =	sld [smem:$0x3FFE];
	_ =	sdelay $0x1  }
0x8a: {  	s1 =	srdreg.scid  }
0x8b: {  	s0 =	sand.u32 $0x1, s1  }
0x8c: {  	s17 =	sshll.u32 s0, $0xA;
	s2 =	sadd.s32 s3, s2  }
0x8d: {  	s2 =	sadd.s32 s2, s17  }
0x8e: {  	[smem:$0x3FC2] =	sst s2  }
0x8f: {  	_ = 	snop  }
0x90: {  	s2 =	sld [smem:$0x3FD0];
	(tm) =	ssettm $0x1  }
0x91: {  	s18 =	sld [smem:$0x3FFB];
	_ =	sdelay $0x3  }
0x92: {  	_ =	strace s18  }
0x93: {  	s3 =	sld [smem:$0x3FFC];
	_ =	sdelay $0x3  }
0x94: {  	_ =	strace s3  }
0x95: {  	s3 =	sld [smem:$0x3FFD];
	_ =	sdelay $0x3  }
0x96: {  	_ =	strace s3  }
0x97: {  	_ =	strace $0x8FFFFFFF  }
0x98: {  	s19 =	sld [smem:$0x3FDB];
	_ =	sdelay $0x1  }
0x99: {  	s4 =	simm.s32 $_scs_section_size  }
0x9a: {  	s5 =	simm.s32 $_size__tile_overlayer_lowered;
	s6 =	simm.s32 $_tile_overlayer_lowered  }
0x9b: {  	s22 =	simm.s32 $0x1BFF;
	s21 =	sshll.u32 s6, $0x1;
	s3 =	sadd.s32 s4, s19  }
0x9c: {  	s7 =	simm.s32 $0x0;
	s20 =	sshll.u32 s5, $0x1;
	s5 =	sadd.s32 s21, s3  }
0x9d: {  	[timem:s7], [sflag:s22] =	dma.local [hbm:s5], s20  }
0x9e: {  	_ =	swait.ge [sflag:s22], s20  }
0x9f: {  	s4 =	ssub.s32 $0x0, s20;
	[sflag:s22] =	ssyncset.done $0x0  }
0xa0: {  	[sflag:s22] =	ssyncadd.s32 s4;
	_ =	sdelay $0x1  }
0xa1: {  	s23 =	simm.s32 $0x1B8B  }
0xa2: {  	_ =	swait.ge [sflag:s23], $0x1  }
0xa3: {  	[sflag:s23] =	ssyncset.done $0x0  }
0xa4: {  	s25 =	simm.s32 $0x1B8E;
	s24 =	sld [smem:$0x3FFE];
	[sflag:s23] =	ssyncadd.s32 $0xFFFFFFFF  }
0xa5: {  	s26 =	simm.s32 $execute0_lowered;
	[smem:$0x3FD2] =	sst s25  }
0xa6: {  	s5 =	sshll.u32 s26, $0x1;
	_ =	strace $0x80000049;
	[dreg:$0x1] =	wrdreg $0xFFFFFFFF  }
0xa7: {  	s28 =	simm.s32 $_size_execute0_lowered;
	s3 =	sadd.s32 s3, s5;
	[dreg:$0x0] =	wrdreg $0x0  }
0xa8: {  	s5 =	sshll.u32 s28, $0x1;
	[dreg:$0x2] =	wrdreg s3  }
0xa9: {  	[dreg:$0x3] =	wrdreg s5  }
0xaa: {  	[dreg:$0x4] =	wrdreg $0xC0  }
0xab: {  	_ =	task [dreg:s7], $0x5FFFF  }
0xac: {  	[dreg:$0x1] =	wrdreg $0xFFFFFFFF  }
0xad: {  	[dreg:$0x0] =	wrdreg $0x60  }
0xae: {  	[dreg:$0x2] =	wrdreg s24  }
0xaf: {  	[dreg:$0x3] =	wrdreg s2  }
0xb0: {  	[dreg:$0x4] =	wrdreg $0x8E800  }
0xb1: {  	[dreg:$0x5] =	wrdreg $0x9  }
0xb2: {  	_ =	task.clear_ibuf [dreg:s7], $0x6FFFF;
	_ =	strace $0x90000049  }
0xb3: {  	s29 =	simm.s32 $0x9;
	_ =	strace $0x8000004B  }
0xb4: {  	_ =	swait.ge [sflag:s29], $0x1  }
0xb5: {  	[sflag:s29] =	ssyncadd.s32 $0xFFFFFFFF  }
0xb6: {  	_ =	strace $0x9000004B  }
0xb7: {  	_ =	sfence  }
0xb8: {  	s30 =	sld [smem:$0x0];
	_ =	sdelay $0x2  }
0xb9: {  	s31 =	sshll.u32 s1, $0xD;
	s1 =	sshrl.u32 s1, $0x2  }
0xba: {  	s3 =	sand.u32 $0x4000, s31;
	s1 =	sadd.s32 s1, s30  }
0xbb: {  	s0 =	sor.u32 s3, s0;
	s1 =	sshll.u32 s1, $0x11  }
0xbc: {  	s0 =	sor.u32 s1, s0  }
0xbd: {  	s0 =	sadd.s32 $0x8F2B, s0  }
0xbe: {  	[sflag:s0] =	ssyncadd.remote.s32 $0x1  }
0xbf: {  	_ =	sfence.sel $0xFFFF  }
0xc0: {  	[dreg:$0x0] =	wrdreg $0xFFFFFFFF;
	(pc) =	sbr.abs _section_cstart, $3  }
0xc1: {  	[dreg:$0x1] =	wrdreg $0xFFFFFFFF  }
0xc2: {  	_ =	task.clear_ibuf [dreg:s7], $0x2FFFF;
	_ =	strace $0x9FFFFFFF  }
0xc3: {  	(tm) =	ssettm $0x7FFFFFFF  }
tec
execute0_lowered:
.L_overlay_start_1:
0x0: {  	(tag) =	ssettag $0x1  }
0x1: {  	s0 =	rddreg [dreg:$0x0];
	s1 =	srdreg.scid  }
0x2: {  	s2 =	rddreg [dreg:$0x1];
	s5 =	stileid.u32  }
0x3: {  	s6 =	simm.s32 $0x0;
	s12 =	simm.s32 $0x7D;
	s13 =	simm.s32 $0x5000  }
0x4: {  	s15 =	simm.s32 $0x57D0;
	s17 =	simm.s32 $0x5FA0;
	s19 =	simm.s32 $0x6770  }
0x5: {  	s21 =	simm.s32 $0x6F40;
	s23 =	simm.s32 $0x7710;
	s28 =	simm.s32 $0x86B0  }
0x6: {  	s29 =	simm.s32 $0x1;
	s30 =	simm.s32 $0x2;
	s31 =	simm.s32 $0x3  }
0x7: {  	s11 =	simm.s32 $0x5;
	s14 =	simm.s32 $0x6;
	s16 =	simm.s32 $0x7  }
0x8: {  	s18 =	simm.s32 $0x8;
	s4 =	sand.u32 $0x1, s1;
	s1 =	rddreg [dreg:$0x2]  }
0x9: {  	s20 =	simm.s32 $0x9;
	s22 =	simm.s32 $0xA;
	[smem:$0x7FF] =	sst s6  }
0xa: {  	p0 =	sne.s32 s5, $0x0;
	s3 =	sshll.u32 s4, $0x4;
	_ =	strace $0x8000004A  }
0xb: {  	s7 =	ssub.s32 $0x2, s4;
	s4 =	smul.u32 $0x4E20, s4;
	s3 =	sor.u32 s5, s3  }
0xc: {  	s10 =	sshrl.u32 @!p0 s1, $0x3;
	s8 =	sshrl.u32 s7, $0x1;
	s24 =	smul.u32 $0x2800, s3  }
0xd: {  	s5 =	simm.s32 $0xE;
	[dreg:$0x9] =	wrdreg s10;
	s3 =	sadd.s32 $0x15E00, s0  }
0xe: {  	s25 =	ssub.s32 s7, s8;
	s2 =	sadd.s32 s2, s4;
	s6 =	sshrl.u32 s24, $0x3  }
0xf: {  	[dreg:$0x7] =	wrdreg s2;
	s6 =	sadd.s32 s6, s0;
	s0 =	sadd.s32 $0x1AE00, s0  }
0x10: {  	s4 =	simm.s32 $0xD;
	[dreg:$0x4] =	wrdreg s0;
	s26 =	sadd.s32 $0x1E00, s6  }
0x11: {  	s7 =	simm.s32 $0x10;
	s6 =	sadd.s32 $0xBE00, s6;
	[dreg:$0x5] =	wrdreg s26  }
0x12: {  	s8 =	simm.s32 $0x0;
	s0 =	smax.u32 s25, $0x1;
	[dreg:$0x6] =	wrdreg s6  }
0x13: {  	s24 =	simm.s32 $0xB;
	s25 =	simm.s32 $0x7EE0;
	[dreg:$0x8] =	wrdreg s0  }
0x14: {  	s0 =	simm.s32 $0x4;
	s26 =	simm.s32 $0xC;
	s6 =	simm.s32 $0xF  }
.LBB2_1:
0x15: {  	[dreg:$0xa] =	wrdreg s8  }
0x16: {  	s2 =	simm.s32 @!p0 $0x1C11;
	s9 =	rddreg [dreg:$0x4]  }
0x17: {  	[spmem:s10], [sflag:s2] =	dma.local @!p0 [hbm:s9], $0x4E20  }
0x18: {  	s2 =	simm.s32 @!p0 $0x11  }
0x19: {  	_ =	swait.ge @!p0 [sflag:s2], $0x4E20  }
0x1a: {  	s10 =	simm.s32 $0x11;
	[sflag:s2] =	ssyncset.done @!p0 $0x0  }
0x1b: {  	s8 =	rddreg [dreg:$0x5];
	[sflag:s2] =	ssyncadd.s32 @!p0 $0xFFFFB1E0;
	s2 =	simm.s32 $0x0  }
0x1c: {  	[tilespmem:s2], [sflag:$0x11] =	stream.linear.gather [hbm4b:s8+s2], $0x2800, $0x38;
	[tilespmem:$0xB590] =	vst v63  }
0x1d: {  	_ =	swait.ge [sflag:s10], $0x2800  }
0x1e: {  	[sflag:s10] =	ssyncset.done $0x0  }
0x1f: {  	s8 =	simm.s32 $0x2800;
	s9 =	rddreg [dreg:$0x6];
	[sflag:s10] =	ssyncadd.s32 $0xFFFFD800  }
0x20: {  	[tilespmem:s8], [sflag:$0x11] =	stream.linear.gather [hbm4b:s9+s2], $0x2800, $0x38;
	[tilespmem:$0xB590] =	vst v63  }
0x21: {  	_ =	swait.ge [sflag:s10], $0x2800  }
0x22: {  	[sflag:s10] =	ssyncset.done $0x0  }
0x23: {  	[sflag:s10] =	ssyncadd.s32 $0xFFFFD800  }
0x24: {  	[bflag:$0x0] =	sbarrier.arrive $0xFFFF  }
0x25: {  	[tilespmem:s13], [sflag:$0x1] =	stream.indirect.gather [hbm4b:s3+s12], $0x10, s2, s12, $0xb8;
	[tilespmem:$0xB590] =	vst v63  }
0x26: {  	s10 =	simm.s32 $0x80  }
0x27: {  	[tilespmem:s15], [sflag:$0x2] =	stream.indirect.gather [hbm4b:s3+s12], $0x10, s10, s12, $0xb8;
	[tilespmem:$0xB590] =	vst v63  }
0x28: {  	s8 =	simm.s32 $0x100  }
0x29: {  	[tilespmem:s17], [sflag:$0x3] =	stream.indirect.gather [hbm4b:s3+s12], $0x10, s8, s12, $0xb8;
	[tilespmem:$0xB590] =	vst v63  }
0x2a: {  	s9 =	simm.s32 $0x180  }
0x2b: {  	[tilespmem:s19], [sflag:$0x4] =	stream.indirect.gather [hbm4b:s3+s12], $0x10, s9, s12, $0xb8;
	[tilespmem:$0xB590] =	vst v63  }
0x2c: {  	s10 =	simm.s32 $0x200  }
0x2d: {  	[tilespmem:s21], [sflag:$0x5] =	stream.indirect.gather [hbm4b:s3+s12], $0x10, s10, s12, $0xb8;
	[tilespmem:$0xB590] =	vst v63  }
0x2e: {  	s8 =	simm.s32 $0x280  }
0x2f: {  	[tilespmem:s23], [sflag:$0x6] =	stream.indirect.gather [hbm4b:s3+s12], $0x10, s8, s12, $0xb8;
	[tilespmem:$0xB590] =	vst v63  }
0x30: {  	s9 =	simm.s32 $0x300  }
0x31: {  	[tilespmem:s25], [sflag:$0x7] =	stream.indirect.gather [hbm4b:s3+s12], $0x10, s9, s12, $0xb8;
	[tilespmem:$0xB590] =	vst v63  }
0x32: {  	s10 =	simm.s32 $0x380  }
0x33: {  	[tilespmem:s28], [sflag:$0x8] =	stream.indirect.gather [hbm4b:s3+s12], $0x10, s10, s12, $0xb8;
	[tilespmem:$0xB590] =	vst v63  }
0x34: {  	_ =	swait.ge [sflag:s29], $0x7D0  }
0x35: {  	[sflag:s29] =	ssyncset.done $0x0  }
0x36: {  	s8 =	simm.s32 $0x2800;
	[sflag:s29] =	ssyncadd.s32 $0xFFFFF830  }
0x37: {  	[spmem:s1] =	stream.indirect.scatter.add.f32 [tilespmem:s13], [sflag:$0x9], $0x10, s8, s12, $0xb8;
	[tilespmem:$0xB590] =	vst v63  }
0x38: {  	_ =	swait.ge [sflag:s30], $0x7D0  }
0x39: {  	[sflag:s30] =	ssyncset.done $0x0  }
0x3a: {  	s9 =	simm.s32 $0x2880;
	[sflag:s30] =	ssyncadd.s32 $0xFFFFF830  }
0x3b: {  	[spmem:s1] =	stream.indirect.scatter.add.f32 [tilespmem:s15], [sflag:$0xA], $0x10, s9, s12, $0xb8;
	[tilespmem:$0xB590] =	vst v63  }
0x3c: {  	_ =	swait.ge [sflag:s31], $0x7D0  }
0x3d: {  	[sflag:s31] =	ssyncset.done $0x0  }
0x3e: {  	s10 =	simm.s32 $0x2900;
	[sflag:s31] =	ssyncadd.s32 $0xFFFFF830  }
0x3f: {  	[spmem:s1] =	stream.indirect.scatter.add.f32 [tilespmem:s17], [sflag:$0xB], $0x10, s10, s12, $0xb8;
	[tilespmem:$0xB590] =	vst v63  }
0x40: {  	_ =	swait.ge [sflag:s0], $0x7D0  }
0x41: {  	[sflag:s0] =	ssyncset.done $0x0  }
0x42: {  	s8 =	simm.s32 $0x2980;
	[sflag:s0] =	ssyncadd.s32 $0xFFFFF830  }
0x43: {  	[spmem:s1] =	stream.indirect.scatter.add.f32 [tilespmem:s19], [sflag:$0xC], $0x10, s8, s12, $0xb8;
	[tilespmem:$0xB590] =	vst v63  }
0x44: {  	_ =	swait.ge [sflag:s11], $0x7D0  }
0x45: {  	[sflag:s11] =	ssyncset.done $0x0  }
0x46: {  	s9 =	simm.s32 $0x2A00;
	[sflag:s11] =	ssyncadd.s32 $0xFFFFF830  }
0x47: {  	[spmem:s1] =	stream.indirect.scatter.add.f32 [tilespmem:s21], [sflag:$0xD], $0x10, s9, s12, $0xb8;
	[tilespmem:$0xB590] =	vst v63  }
0x48: {  	_ =	swait.ge [sflag:s14], $0x7D0  }
0x49: {  	[sflag:s14] =	ssyncset.done $0x0  }
0x4a: {  	s10 =	simm.s32 $0x2A80;
	[sflag:s14] =	ssyncadd.s32 $0xFFFFF830  }
0x4b: {  	[spmem:s1] =	stream.indirect.scatter.add.f32 [tilespmem:s23], [sflag:$0xE], $0x10, s10, s12, $0xb8;
	[tilespmem:$0xB590] =	vst v63  }
0x4c: {  	_ =	swait.ge [sflag:s16], $0x7D0  }
0x4d: {  	[sflag:s16] =	ssyncset.done $0x0  }
0x4e: {  	s8 =	simm.s32 $0x2B00;
	[sflag:s16] =	ssyncadd.s32 $0xFFFFF830  }
0x4f: {  	[spmem:s1] =	stream.indirect.scatter.add.f32 [tilespmem:s25], [sflag:$0xF], $0x10, s8, s12, $0xb8;
	[tilespmem:$0xB590] =	vst v63  }
0x50: {  	_ =	swait.ge [sflag:s18], $0x7D0  }
0x51: {  	[sflag:s18] =	ssyncset.done $0x0  }
0x52: {  	s9 =	simm.s32 $0x2B80;
	[sflag:s18] =	ssyncadd.s32 $0xFFFFF830  }
0x53: {  	[spmem:s1] =	stream.indirect.scatter.add.f32 [tilespmem:s28], [sflag:$0x10], $0x10, s9, s12, $0xb8;
	[tilespmem:$0xB590] =	vst v63  }
0x54: {  	_ =	swait.ge [sflag:s20], $0x7D0  }
0x55: {  	[sflag:s20] =	ssyncset.done $0x0  }
0x56: {  	s10 =	simm.s32 $0x400;
	[sflag:s20] =	ssyncadd.s32 $0xFFFFF830  }
0x57: {  	[tilespmem:s13], [sflag:$0x1] =	stream.indirect.gather [hbm4b:s3+s12], $0x10, s10, s12, $0xb8;
	[tilespmem:$0xB590] =	vst v63  }
0x58: {  	_ =	swait.ge [sflag:s22], $0x7D0  }
0x59: {  	[sflag:s22] =	ssyncset.done $0x0  }
0x5a: {  	s8 =	simm.s32 $0x480;
	[sflag:s22] =	ssyncadd.s32 $0xFFFFF830  }
0x5b: {  	[tilespmem:s15], [sflag:$0x2] =	stream.indirect.gather [hbm4b:s3+s12], $0x10, s8, s12, $0xb8;
	[tilespmem:$0xB590] =	vst v63  }
0x5c: {  	_ =	swait.ge [sflag:s24], $0x7D0  }
0x5d: {  	[sflag:s24] =	ssyncset.done $0x0  }
0x5e: {  	s9 =	simm.s32 $0x500;
	[sflag:s24] =	ssyncadd.s32 $0xFFFFF830  }
0x5f: {  	[tilespmem:s17], [sflag:$0x3] =	stream.indirect.gather [hbm4b:s3+s12], $0x10, s9, s12, $0xb8;
	[tilespmem:$0xB590] =	vst v63  }
0x60: {  	_ =	swait.ge [sflag:s26], $0x7D0  }
0x61: {  	[sflag:s26] =	ssyncset.done $0x0  }
0x62: {  	s10 =	simm.s32 $0x580;
	[sflag:s26] =	ssyncadd.s32 $0xFFFFF830  }
0x63: {  	[tilespmem:s19], [sflag:$0x4] =	stream.indirect.gather [hbm4b:s3+s12], $0x10, s10, s12, $0xb8;
	[tilespmem:$0xB590] =	vst v63  }
0x64: {  	_ =	swait.ge [sflag:s4], $0x7D0  }
0x65: {  	[sflag:s4] =	ssyncset.done $0x0  }
0x66: {  	s8 =	simm.s32 $0x600;
	[sflag:s4] =	ssyncadd.s32 $0xFFFFF830  }
0x67: {  	[tilespmem:s21], [sflag:$0x5] =	stream.indirect.gather [hbm4b:s3+s12], $0x10, s8, s12, $0xb8;
	[tilespmem:$0xB590] =	vst v63  }
0x68: {  	_ =	swait.ge [sflag:s5], $0x7D0  }
0x69: {  	[sflag:s5] =	ssyncset.done $0x0  }
0x6a: {  	s9 =	simm.s32 $0x680;
	[sflag:s5] =	ssyncadd.s32 $0xFFFFF830  }
0x6b: {  	[tilespmem:s23], [sflag:$0x6] =	stream.indirect.gather [hbm4b:s3+s12], $0x10, s9, s12, $0xb8;
	[tilespmem:$0xB590] =	vst v63  }
0x6c: {  	_ =	swait.ge [sflag:s6], $0x7D0  }
0x6d: {  	[sflag:s6] =	ssyncset.done $0x0  }
0x6e: {  	s10 =	simm.s32 $0x700;
	[sflag:s6] =	ssyncadd.s32 $0xFFFFF830  }
0x6f: {  	[tilespmem:s25], [sflag:$0x7] =	stream.indirect.gather [hbm4b:s3+s12], $0x10, s10, s12, $0xb8;
	[tilespmem:$0xB590] =	vst v63  }
0x70: {  	_ =	swait.ge [sflag:s7], $0x7D0  }
0x71: {  	[sflag:s7] =	ssyncset.done $0x0  }
0x72: {  	s2 =	simm.s32 $0x1000;
	s9 =	simm.s32 $0x780;
	[sflag:s7] =	ssyncadd.s32 $0xFFFFF830  }
.LBB2_2:
0x73: {  	[tilespmem:s28], [sflag:$0x8] =	stream.indirect.gather [hbm4b:s3+s12], $0x10, s9, s12, $0xb8;
	[tilespmem:$0xB590] =	vst v63  }
0x74: {  	s9 =	smov.u32 s2  }
0x75: {  	p1 =	sne.s32 s2, $0x8000;
	s2 =	sadd.s32 $0x1000, s2;
	_ =	swait.ge [sflag:s29], $0x7D0  }
0x76: {  	s9 =	sshra.s32 s9, $0x2;
	[sflag:s29] =	ssyncset.done $0x0  }
0x77: {  	s10 =	sadd.s32 $0x2800, s9;
	[sflag:s29] =	ssyncadd.s32 $0xFFFFF830  }
0x78: {  	[spmem:s1] =	stream.indirect.scatter.add.f32 [tilespmem:s13], [sflag:$0x9], $0x10, s10, s12, $0xb8;
	[tilespmem:$0xB590] =	vst v63  }
0x79: {  	_ =	swait.ge [sflag:s30], $0x7D0  }
0x7a: {  	[sflag:s30] =	ssyncset.done $0x0  }
0x7b: {  	s10 =	sadd.s32 $0x2880, s9;
	[sflag:s30] =	ssyncadd.s32 $0xFFFFF830  }
0x7c: {  	[spmem:s1] =	stream.indirect.scatter.add.f32 [tilespmem:s15], [sflag:$0xA], $0x10, s10, s12, $0xb8;
	[tilespmem:$0xB590] =	vst v63  }
0x7d: {  	_ =	swait.ge [sflag:s31], $0x7D0  }
0x7e: {  	[sflag:s31] =	ssyncset.done $0x0  }
0x7f: {  	s10 =	sadd.s32 $0x2900, s9;
	[sflag:s31] =	ssyncadd.s32 $0xFFFFF830  }
0x80: {  	[spmem:s1] =	stream.indirect.scatter.add.f32 [tilespmem:s17], [sflag:$0xB], $0x10, s10, s12, $0xb8;
	[tilespmem:$0xB590] =	vst v63  }
0x81: {  	_ =	swait.ge [sflag:s0], $0x7D0  }
0x82: {  	[sflag:s0] =	ssyncset.done $0x0  }
0x83: {  	s10 =	sadd.s32 $0x2980, s9;
	[sflag:s0] =	ssyncadd.s32 $0xFFFFF830  }
0x84: {  	[spmem:s1] =	stream.indirect.scatter.add.f32 [tilespmem:s19], [sflag:$0xC], $0x10, s10, s12, $0xb8;
	[tilespmem:$0xB590] =	vst v63  }
0x85: {  	_ =	swait.ge [sflag:s11], $0x7D0  }
0x86: {  	[sflag:s11] =	ssyncset.done $0x0  }
0x87: {  	s10 =	sadd.s32 $0x2A00, s9;
	[sflag:s11] =	ssyncadd.s32 $0xFFFFF830  }
0x88: {  	[spmem:s1] =	stream.indirect.scatter.add.f32 [tilespmem:s21], [sflag:$0xD], $0x10, s10, s12, $0xb8;
	[tilespmem:$0xB590] =	vst v63  }
0x89: {  	_ =	swait.ge [sflag:s14], $0x7D0  }
0x8a: {  	[sflag:s14] =	ssyncset.done $0x0  }
0x8b: {  	s10 =	sadd.s32 $0x2A80, s9;
	[sflag:s14] =	ssyncadd.s32 $0xFFFFF830  }
0x8c: {  	[spmem:s1] =	stream.indirect.scatter.add.f32 [tilespmem:s23], [sflag:$0xE], $0x10, s10, s12, $0xb8;
	[tilespmem:$0xB590] =	vst v63  }
0x8d: {  	_ =	swait.ge [sflag:s16], $0x7D0  }
0x8e: {  	[sflag:s16] =	ssyncset.done $0x0  }
0x8f: {  	s10 =	sadd.s32 $0x2B00, s9;
	[sflag:s16] =	ssyncadd.s32 $0xFFFFF830  }
0x90: {  	[spmem:s1] =	stream.indirect.scatter.add.f32 [tilespmem:s25], [sflag:$0xF], $0x10, s10, s12, $0xb8;
	[tilespmem:$0xB590] =	vst v63  }
0x91: {  	_ =	swait.ge [sflag:s18], $0x7D0  }
0x92: {  	[sflag:s18] =	ssyncset.done $0x0  }
0x93: {  	s10 =	sadd.s32 $0x2B80, s9;
	[sflag:s18] =	ssyncadd.s32 $0xFFFFF830  }
0x94: {  	[spmem:s1] =	stream.indirect.scatter.add.f32 [tilespmem:s28], [sflag:$0x10], $0x10, s10, s12, $0xb8;
	[tilespmem:$0xB590] =	vst v63  }
0x95: {  	_ =	swait.ge [sflag:s20], $0x7D0  }
0x96: {  	[sflag:s20] =	ssyncset.done $0x0  }
0x97: {  	s10 =	sadd.s32 $0x400, s9;
	[sflag:s20] =	ssyncadd.s32 $0xFFFFF830  }
0x98: {  	[tilespmem:s13], [sflag:$0x1] =	stream.indirect.gather [hbm4b:s3+s12], $0x10, s10, s12, $0xb8;
	[tilespmem:$0xB590] =	vst v63  }
0x99: {  	_ =	swait.ge [sflag:s22], $0x7D0  }
0x9a: {  	[sflag:s22] =	ssyncset.done $0x0  }
0x9b: {  	s10 =	sadd.s32 $0x480, s9;
	[sflag:s22] =	ssyncadd.s32 $0xFFFFF830  }
0x9c: {  	[tilespmem:s15], [sflag:$0x2] =	stream.indirect.gather [hbm4b:s3+s12], $0x10, s10, s12, $0xb8;
	[tilespmem:$0xB590] =	vst v63  }
0x9d: {  	_ =	swait.ge [sflag:s24], $0x7D0  }
0x9e: {  	[sflag:s24] =	ssyncset.done $0x0  }
0x9f: {  	s10 =	sadd.s32 $0x500, s9;
	[sflag:s24] =	ssyncadd.s32 $0xFFFFF830  }
0xa0: {  	[tilespmem:s17], [sflag:$0x3] =	stream.indirect.gather [hbm4b:s3+s12], $0x10, s10, s12, $0xb8;
	[tilespmem:$0xB590] =	vst v63  }
0xa1: {  	_ =	swait.ge [sflag:s26], $0x7D0  }
0xa2: {  	[sflag:s26] =	ssyncset.done $0x0  }
0xa3: {  	s10 =	sadd.s32 $0x580, s9;
	[sflag:s26] =	ssyncadd.s32 $0xFFFFF830  }
0xa4: {  	[tilespmem:s19], [sflag:$0x4] =	stream.indirect.gather [hbm4b:s3+s12], $0x10, s10, s12, $0xb8;
	[tilespmem:$0xB590] =	vst v63  }
0xa5: {  	_ =	swait.ge [sflag:s4], $0x7D0  }
0xa6: {  	[sflag:s4] =	ssyncset.done $0x0  }
0xa7: {  	s10 =	sadd.s32 $0x600, s9;
	[sflag:s4] =	ssyncadd.s32 $0xFFFFF830  }
0xa8: {  	[tilespmem:s21], [sflag:$0x5] =	stream.indirect.gather [hbm4b:s3+s12], $0x10, s10, s12, $0xb8;
	[tilespmem:$0xB590] =	vst v63  }
0xa9: {  	_ =	swait.ge [sflag:s5], $0x7D0  }
0xaa: {  	[sflag:s5] =	ssyncset.done $0x0  }
0xab: {  	s10 =	sadd.s32 $0x680, s9;
	[sflag:s5] =	ssyncadd.s32 $0xFFFFF830  }
0xac: {  	[tilespmem:s23], [sflag:$0x6] =	stream.indirect.gather [hbm4b:s3+s12], $0x10, s10, s12, $0xb8;
	[tilespmem:$0xB590] =	vst v63  }
0xad: {  	_ =	swait.ge [sflag:s6], $0x7D0  }
0xae: {  	[sflag:s6] =	ssyncset.done $0x0  }
.Ltmp0:
0xaf: {  	s10 =	sadd.s32 $0x700, s9;
	[sflag:s6] =	ssyncadd.s32 $0xFFFFF830;
	(pc) =	sbr.rel @p1 .LBB2_2-.Ltmp0, $4  }
0xb0: {  	[tilespmem:s25], [sflag:$0x7] =	stream.indirect.gather [hbm4b:s3+s12], $0x10, s10, s12, $0xb8;
	[tilespmem:$0xB590] =	vst v63  }
0xb1: {  	_ =	swait.ge [sflag:s7], $0x7D0  }
0xb2: {  	[sflag:s7] =	ssyncset.done $0x0  }
0xb3: {  	s9 =	sadd.s32 $0x780, s9;
	[sflag:s7] =	ssyncadd.s32 $0xFFFFF830  }
0xb4: {  	[tilespmem:s28], [sflag:$0x8] =	stream.indirect.gather [hbm4b:s3+s12], $0x10, s9, s12, $0xb8;
	[tilespmem:$0xB590] =	vst v63  }
0xb5: {  	_ =	swait.ge [sflag:s29], $0x7D0  }
0xb6: {  	[sflag:s29] =	ssyncset.done $0x0  }
0xb7: {  	s2 =	simm.s32 $0x4C00;
	[sflag:s29] =	ssyncadd.s32 $0xFFFFF830  }
0xb8: {  	[spmem:s1] =	stream.indirect.scatter.add.f32 [tilespmem:s13], [sflag:$0x9], $0x10, s2, s12, $0xb8;
	[tilespmem:$0xB590] =	vst v63  }
0xb9: {  	_ =	swait.ge [sflag:s30], $0x7D0  }
0xba: {  	[sflag:s30] =	ssyncset.done $0x0  }
0xbb: {  	s10 =	simm.s32 $0x4C80;
	[sflag:s30] =	ssyncadd.s32 $0xFFFFF830  }
0xbc: {  	[spmem:s1] =	stream.indirect.scatter.add.f32 [tilespmem:s15], [sflag:$0xA], $0x10, s10, s12, $0xb8;
	[tilespmem:$0xB590] =	vst v63  }
0xbd: {  	_ =	swait.ge [sflag:s31], $0x7D0  }
0xbe: {  	[sflag:s31] =	ssyncset.done $0x0  }
0xbf: {  	s8 =	simm.s32 $0x4D00;
	[sflag:s31] =	ssyncadd.s32 $0xFFFFF830  }
0xc0: {  	[spmem:s1] =	stream.indirect.scatter.add.f32 [tilespmem:s17], [sflag:$0xB], $0x10, s8, s12, $0xb8;
	[tilespmem:$0xB590] =	vst v63  }
0xc1: {  	_ =	swait.ge [sflag:s0], $0x7D0  }
0xc2: {  	[sflag:s0] =	ssyncset.done $0x0  }
0xc3: {  	s9 =	simm.s32 $0x4D80;
	[sflag:s0] =	ssyncadd.s32 $0xFFFFF830  }
0xc4: {  	[spmem:s1] =	stream.indirect.scatter.add.f32 [tilespmem:s19], [sflag:$0xC], $0x10, s9, s12, $0xb8;
	[tilespmem:$0xB590] =	vst v63  }
0xc5: {  	_ =	swait.ge [sflag:s11], $0x7D0  }
0xc6: {  	[sflag:s11] =	ssyncset.done $0x0  }
0xc7: {  	s10 =	simm.s32 $0x4E00;
	[sflag:s11] =	ssyncadd.s32 $0xFFFFF830  }
0xc8: {  	[spmem:s1] =	stream.indirect.scatter.add.f32 [tilespmem:s21], [sflag:$0xD], $0x10, s10, s12, $0xb8;
	[tilespmem:$0xB590] =	vst v63  }
0xc9: {  	_ =	swait.ge [sflag:s14], $0x7D0  }
0xca: {  	[sflag:s14] =	ssyncset.done $0x0  }
0xcb: {  	s8 =	simm.s32 $0x4E80;
	[sflag:s14] =	ssyncadd.s32 $0xFFFFF830  }
0xcc: {  	[spmem:s1] =	stream.indirect.scatter.add.f32 [tilespmem:s23], [sflag:$0xE], $0x10, s8, s12, $0xb8;
	[tilespmem:$0xB590] =	vst v63  }
0xcd: {  	_ =	swait.ge [sflag:s16], $0x7D0  }
0xce: {  	[sflag:s16] =	ssyncset.done $0x0  }
0xcf: {  	s9 =	simm.s32 $0x4F00;
	[sflag:s16] =	ssyncadd.s32 $0xFFFFF830  }
0xd0: {  	[spmem:s1] =	stream.indirect.scatter.add.f32 [tilespmem:s25], [sflag:$0xF], $0x10, s9, s12, $0xb8;
	[tilespmem:$0xB590] =	vst v63  }
0xd1: {  	_ =	swait.ge [sflag:s18], $0x7D0  }
0xd2: {  	[sflag:s18] =	ssyncset.done $0x0  }
0xd3: {  	s10 =	simm.s32 $0x4F80;
	[sflag:s18] =	ssyncadd.s32 $0xFFFFF830  }
0xd4: {  	[spmem:s1] =	stream.indirect.scatter.add.f32 [tilespmem:s28], [sflag:$0x10], $0x10, s10, s12, $0xb8;
	[tilespmem:$0xB590] =	vst v63  }
0xd5: {  	_ =	swait.ge [sflag:s20], $0x7D0  }
0xd6: {  	[sflag:s20] =	ssyncset.done $0x0  }
0xd7: {  	[sflag:s20] =	ssyncadd.s32 $0xFFFFF830  }
0xd8: {  	_ =	swait.ge [sflag:s22], $0x7D0  }
0xd9: {  	[sflag:s22] =	ssyncset.done $0x0  }
0xda: {  	[sflag:s22] =	ssyncadd.s32 $0xFFFFF830  }
0xdb: {  	_ =	swait.ge [sflag:s24], $0x7D0  }
0xdc: {  	[sflag:s24] =	ssyncset.done $0x0  }
0xdd: {  	[sflag:s24] =	ssyncadd.s32 $0xFFFFF830  }
0xde: {  	_ =	swait.ge [sflag:s26], $0x7D0  }
0xdf: {  	[sflag:s26] =	ssyncset.done $0x0  }
0xe0: {  	[sflag:s26] =	ssyncadd.s32 $0xFFFFF830  }
0xe1: {  	_ =	swait.ge [sflag:s4], $0x7D0  }
0xe2: {  	[sflag:s4] =	ssyncset.done $0x0  }
0xe3: {  	[sflag:s4] =	ssyncadd.s32 $0xFFFFF830  }
0xe4: {  	_ =	swait.ge [sflag:s5], $0x7D0  }
0xe5: {  	[sflag:s5] =	ssyncset.done $0x0  }
0xe6: {  	[sflag:s5] =	ssyncadd.s32 $0xFFFFF830  }
0xe7: {  	_ =	swait.ge [sflag:s6], $0x7D0  }
0xe8: {  	[sflag:s6] =	ssyncset.done $0x0  }
0xe9: {  	[sflag:s6] =	ssyncadd.s32 $0xFFFFF830  }
0xea: {  	_ =	swait.ge [sflag:s7], $0x7D0  }
0xeb: {  	[sflag:s7] =	ssyncset.done $0x0  }
0xec: {  	[sflag:s7] =	ssyncadd.s32 $0xFFFFF830  }
0xed: {  	[bflag:$0x0] =	sbarrier.arrive $0xFFFF  }
0xee: {  	s9 =	rddreg [dreg:$0x7]  }
0xef: {  	s2 =	simm.s32 @!p0 $0x1C11;
	s10 =	rddreg [dreg:$0x9]  }
0xf0: {  	[hbm:s9], [sflag:s2] =	dma.local @!p0 [spmem:s10], $0x4E20  }
0xf1: {  	s2 =	simm.s32 @!p0 $0x11  }
0xf2: {  	_ =	swait.ge @!p0 [sflag:s2], $0x4E20  }
0xf3: {  	s8 =	rddreg [dreg:$0xa]  }
0xf4: {  	s9 =	rddreg [dreg:$0x8];
	s8 =	sadd.s32 $0x1, s8  }
0xf5: {  	p1 =	sne.s32 s8, s9  }
.Ltmp1:
0xf6: {  	_ = 	snop;
	(pc) =	sbr.rel @p1 .LBB2_1-.Ltmp1, $3  }
0xf7: {  	_ =	sdelay $0x1  }
0xf8: {  	[sflag:s2] =	ssyncset.done @!p0 $0x0  }
0xf9: {  	[sflag:s2] =	ssyncadd.s32 @!p0 $0xFFFFB1E0  }
0xfa: {  	_ =	sfence.sel $0x180000  }
0xfb: {  	[bflag:$0x0] =	sbarrier.arrive $0xFFFF  }
0xfc: {  	_ =	strace $0x9000004A  }
0xfd: {  	[bflag:$0x2] =	sbarrier.arrive $0xFFFF  }
0xfe: {  	s0 =	rddreg [dreg:$0x3]  }
0xff: {  	s0 =	sadd.s32 @!p0 $0x100000, s0  }
0x100: {  	[sflag:s0] =	ssyncadd.tile.s32 @!p0 $0x1;
	_ =	shalt  }
.Lfunc_end2:
_tile_overlayer_lowered:
.L_overlay_start_2:
0x101: {  	(tag) =	ssettag $0x2  }
0x102: {  	s0 =	rddreg [dreg:$0x0];
	s2 =	stileid.u32  }
0x103: {  	s1 =	rddreg [dreg:$0x1];
	p0 =	sne.s32 s2, $0x0  }
0x104: {  	s3 =	rddreg [dreg:$0x2];
	[bflag:$0x3] =	sbarrier.arrive $0xFFFF;
	s2 =	simm.s32 @!p0 $0x1C11  }
0x105: {  	[timem:s3], [sflag:s2] =	dma.local @!p0 [hbm:s0], s1  }
0x106: {  	s0 =	simm.s32 @!p0 $0x11  }
0x107: {  	_ =	swait.ge @!p0 [sflag:s0], s1  }
0x108: {  	s1 =	ssub.s32 @!p0 $0x0, s1;
	[sflag:s0] =	ssyncset.done @!p0 $0x0  }
0x109: {  	[sflag:s0] =	ssyncadd.s32 @!p0 s1  }
0x10a: {  	[bflag:$0x3] =	sbarrier.arrive $0xFFFF  }
0x10b: {  	_ =	shalt  }

// kernel: kernel.14.cloned.1.call-start
scs
__scs_entry_jumppad:
0x0: {  	(pc) =	sbr.rel $0x88, $3  }
0x1: {  	(tag) =	ssettag $0x0;
	lr =	simm.s32 $0x1  }
0x2: {  	[smem:$0x3F9B] =	sst lr;
	_ =	strace $0xD0000000  }
0x3: {  	_ = 	snop  }
0x4: {  	_ = 	snop  }
0x5: {  	_ = 	snop  }
0x6: {  	_ = 	snop  }
0x7: {  	_ = 	snop  }
__scs_overlays_trampoline_lowered:
0x8: {  	[smem:$0x3FAA] =	sst s0  }
0x9: {  	[smem:$0x3FAB] =	sst s1  }
0xa: {  	[smem:$0x3FAC] =	sst s2  }
0xb: {  	[smem:$0x3FAD] =	sst s3  }
0xc: {  	[smem:$0x3FAE] =	sst s4  }
0xd: {  	[smem:$0x3FAF] =	sst s5  }
0xe: {  	[smem:$0x3FB0] =	sst s6  }
0xf: {  	[smem:$0x3FB1] =	sst s7  }
0x10: {  	[smem:$0x3FB2] =	sst s8  }
0x11: {  	[smem:$0x3FB3] =	sst s9;
	s0 =	simm.s32 @!p0 $0x0  }
0x12: {  	s1 =	sld [smem:$0x3F99];
	s0 =	simm.s32 @p0 $0x1  }
0x13: {  	[smem:$0x3FB4] =	sst s0;
	s0 =	simm.s32 @!p1 $0x0  }
0x14: {  	s2 =	sld [smem:$0x3F98];
	s0 =	simm.s32 @p1 $0x1  }
0x15: {  	[smem:$0x3FB5] =	sst s0;
	s0 =	simm.s32 @!p2 $0x0  }
0x16: {  	s3 =	sld [smem:$0x3FDB];
	s0 =	simm.s32 @p2 $0x1  }
0x17: {  	s4 =	simm.s32 $0x1BF5;
	[smem:$0x3FB7] =	sst s0  }
0x18: {  	s0 =	sld [smem:$0x3F9A];
	_ =	swait.ge [sflag:s4], $0x0  }
0x19: {  	s7 =	sld [smem:$0x3F9B]  }
0x1a: {  	s8 =	sadd.s32 $0xFFFFE003, lr  }
0x1b: {  	s9 =	sadd.s32 $0xFFFFFEF7, lr;
	s5 =	simm.s32 $0xFFFFFFFF;
	p2 =	slt.u32 s8, $0xFFFFF086  }
0x1c: {  	p1 =	slt.u32 s9, $0xF7A;
	s5 =	simm.s32 @!p2 $0x0  }
0x1d: {  	s5 =	simm.s32 @p1 $0x1;
	p0 =	seq.s32 s7, s2  }
0x1e: {  	s7 =	smul.u32 @!p0 $0xF7A, s2;
	p2 =	seq.s32 @!p0 s5, $0x0  }
0x1f: {  	s9 =	smul.u32 $0xF7A, s1;
	s8 =	simm.s32 @!p0 $0x1BF5;
	p2 =	por !p2, p0  }
0x20: {  	[sflag:s8] =	ssyncset.s32 @!p0 $0xFFFFF086;
	s6 =	sadd.s32 @!p0 s3, s7;
	s7 =	simm.s32 @!p0 $0x108  }
0x21: {  	s3 =	sadd.s32 s3, s9;
	s6 =	sadd.s32 @!p0 $0x88, s6;
	s7 =	simm.s32 @p2 $0x1082  }
0x22: {  	[simem:s7], [sflag:s8] =	dma.local @!p0 [hbm:s6], $0xF7A  }
0x23: {  	s9 =	sor.u32 $0xD0000000, s2;
	s6 =	simm.s32 $0x108;
	_ =	swait.ge @!p0 [sflag:s8], $0x0  }
0x24: {  	s3 =	sadd.s32 $0x88, s3;
	s6 =	simm.s32 @!p1 $0x1082;
	[sflag:s4] =	ssyncset.s32 $0xFFFFF086  }
0x25: {  	[simem:s6], [sflag:s4] =	dma.local [hbm:s3], $0xF7A  }
0x26: {  	[smem:$0x3F9B] =	sst s1;
	(tag) =	ssettag s2;
	_ =	strace s9  }
0x27: {  	s1 =	sld [smem:$0x3FAB]  }
0x28: {  	s2 =	sld [smem:$0x3FAC]  }
0x29: {  	s4 =	sld [smem:$0x3FAE]  }
0x2a: {  	p0 =	seq.s32 s5, $0x0;
	s5 =	sld [smem:$0x3FAF]  }
0x2b: {  	s6 =	sld [smem:$0x3FB0]  }
0x2c: {  	s7 =	sld [smem:$0x3FB1]  }
0x2d: {  	s3 =	simm.s32 $0x108;
	s8 =	sld [smem:$0x3FB2]  }
0x2e: {  	s3 =	simm.s32 @!p0 $0x1082;
	s9 =	sld [smem:$0x3FB3]  }
0x2f: {  	lr =	sadd.s32 s0, s3;
	s0 =	sld [smem:$0x3FAA]  }
0x30: {  	s3 =	sld [smem:$0x3FAD]  }
0x31: {  	[smem:$0x3FB6] =	sst s10  }
0x32: {  	s10 =	sld [smem:$0x3FB4];
	_ =	sdelay $0x3  }
0x33: {  	p0 =	seq.s32 s10, $0x1;
	s10 =	sld [smem:$0x3FB6];
	_ =	sdelay $0x3  }
0x34: {  	[smem:$0x3FB6] =	sst s10  }
0x35: {  	s10 =	sld [smem:$0x3FB5];
	_ =	sdelay $0x3  }
0x36: {  	p1 =	seq.s32 s10, $0x1;
	s10 =	sld [smem:$0x3FB6];
	_ =	sdelay $0x3  }
0x37: {  	[smem:$0x3FB6] =	sst s10  }
0x38: {  	s10 =	sld [smem:$0x3FB7]  }
0x39: {  	_ = 	snop;
	(pc) =	sbr.ind lr, $3  }
0x3a: {  	_ = 	snop  }
0x3b: {  	_ = 	snop  }
0x3c: {  	p2 =	seq.s32 s10, $0x1;
	s10 =	sld [smem:$0x3FB6]  }
0x3d: {  	_ =	shalt  }
0x3e: {  	_ =	shalt  }
0x3f: {  	_ =	shalt  }
0x40: {  	_ =	shalt  }
0x41: {  	_ =	shalt  }
0x42: {  	_ =	shalt  }
0x43: {  	_ =	shalt  }
0x44: {  	_ =	shalt  }
0x45: {  	_ =	shalt  }
0x46: {  	_ =	shalt  }
0x47: {  	_ =	shalt  }
0x48: {  	_ =	shalt  }
0x49: {  	_ =	shalt  }
0x4a: {  	_ =	shalt  }
0x4b: {  	_ =	shalt  }
0x4c: {  	_ =	shalt  }
0x4d: {  	_ =	shalt  }
0x4e: {  	_ =	shalt  }
0x4f: {  	_ =	shalt  }
0x50: {  	_ =	shalt  }
0x51: {  	_ =	shalt  }
0x52: {  	_ =	shalt  }
0x53: {  	_ =	shalt  }
0x54: {  	_ =	shalt  }
0x55: {  	_ =	shalt  }
0x56: {  	_ =	shalt  }
0x57: {  	_ =	shalt  }
0x58: {  	_ =	shalt  }
0x59: {  	_ =	shalt  }
0x5a: {  	_ =	shalt  }
0x5b: {  	_ =	shalt  }
0x5c: {  	_ =	shalt  }
0x5d: {  	_ =	shalt  }
0x5e: {  	_ =	shalt  }
0x5f: {  	_ =	shalt  }
0x60: {  	_ =	shalt  }
0x61: {  	_ =	shalt  }
0x62: {  	_ =	shalt  }
0x63: {  	_ =	shalt  }
0x64: {  	_ =	shalt  }
0x65: {  	_ =	shalt  }
0x66: {  	_ =	shalt  }
0x67: {  	_ =	shalt  }
0x68: {  	_ =	shalt  }
0x69: {  	_ =	shalt  }
0x6a: {  	_ =	shalt  }
0x6b: {  	_ =	shalt  }
0x6c: {  	_ =	shalt  }
0x6d: {  	_ =	shalt  }
0x6e: {  	_ =	shalt  }
0x6f: {  	_ =	shalt  }
0x70: {  	_ =	shalt  }
0x71: {  	_ =	shalt  }
0x72: {  	_ =	shalt  }
0x73: {  	_ =	shalt  }
0x74: {  	_ =	shalt  }
0x75: {  	_ =	shalt  }
0x76: {  	_ =	shalt  }
0x77: {  	_ =	shalt  }
0x78: {  	_ =	shalt  }
0x79: {  	_ =	shalt  }
0x7a: {  	_ =	shalt  }
0x7b: {  	_ =	shalt  }
0x7c: {  	_ =	shalt  }
0x7d: {  	_ =	shalt  }
0x7e: {  	_ =	shalt  }
0x7f: {  	_ =	shalt  }
0x80: {  	_ =	shalt  }
0x81: {  	_ =	shalt  }
0x82: {  	_ =	shalt  }
0x83: {  	_ =	shalt  }
0x84: {  	_ =	shalt  }
0x85: {  	_ =	shalt  }
0x86: {  	_ =	shalt  }
0x87: {  	_ =	shalt  }
.Lfunc_end0:
.L_simem_size_0:
called_computation.2_lowered:
.L_overlay_start_0:
0x88: {  	s2 =	sld [smem:$0x3FD9]  }
0x89: {  	s3 =	sld [smem:$0x3FFE];
	_ =	sdelay $0x1  }
0x8a: {  	s1 =	srdreg.scid  }
0x8b: {  	s0 =	sand.u32 $0x1, s1  }
0x8c: {  	s17 =	sshll.u32 s0, $0xA;
	s2 =	sadd.s32 s3, s2  }
0x8d: {  	s2 =	sadd.s32 s2, s17  }
0x8e: {  	[smem:$0x3FC2] =	sst s2  }
0x8f: {  	_ = 	snop  }
0x90: {  	s2 =	sld [smem:$0x3FD0];
	(tm) =	ssettm $0x1  }
0x91: {  	s18 =	sld [smem:$0x3FFB];
	_ =	sdelay $0x3  }
0x92: {  	_ =	strace s18  }
0x93: {  	s3 =	sld [smem:$0x3FFC];
	_ =	sdelay $0x3  }
0x94: {  	_ =	strace s3  }
0x95: {  	s3 =	sld [smem:$0x3FFD];
	_ =	sdelay $0x3  }
0x96: {  	_ =	strace s3  }
0x97: {  	_ =	strace $0x8FFFFFFF  }
0x98: {  	s19 =	sld [smem:$0x3FDB];
	_ =	sdelay $0x1  }
0x99: {  	s4 =	simm.s32 $_scs_section_size  }
0x9a: {  	s5 =	simm.s32 $_size__tile_overlayer_lowered;
	s6 =	simm.s32 $_tile_overlayer_lowered  }
0x9b: {  	s22 =	simm.s32 $0x1BFF;
	s21 =	sshll.u32 s6, $0x1;
	s3 =	sadd.s32 s4, s19  }
0x9c: {  	s7 =	simm.s32 $0x0;
	s20 =	sshll.u32 s5, $0x1;
	s5 =	sadd.s32 s21, s3  }
0x9d: {  	[timem:s7], [sflag:s22] =	dma.local [hbm:s5], s20  }
0x9e: {  	_ =	swait.ge [sflag:s22], s20  }
0x9f: {  	s4 =	ssub.s32 $0x0, s20;
	[sflag:s22] =	ssyncset.done $0x0  }
0xa0: {  	[sflag:s22] =	ssyncadd.s32 s4;
	_ =	sdelay $0x1  }
0xa1: {  	s23 =	simm.s32 $0x1B8B  }
0xa2: {  	_ =	swait.ge [sflag:s23], $0x1  }
0xa3: {  	[sflag:s23] =	ssyncset.done $0x0  }
0xa4: {  	s25 =	simm.s32 $0x1B8E;
	s24 =	sld [smem:$0x3FFE];
	[sflag:s23] =	ssyncadd.s32 $0xFFFFFFFF  }
0xa5: {  	s26 =	simm.s32 $execute0_lowered;
	[smem:$0x3FD2] =	sst s25  }
0xa6: {  	s5 =	sshll.u32 s26, $0x1;
	_ =	strace $0x8000004C;
	[dreg:$0x1] =	wrdreg $0xFFFFFFFF  }
0xa7: {  	s28 =	simm.s32 $_size_execute0_lowered;
	s3 =	sadd.s32 s3, s5;
	[dreg:$0x0] =	wrdreg $0x0  }
0xa8: {  	s5 =	sshll.u32 s28, $0x1;
	[dreg:$0x2] =	wrdreg s3  }
0xa9: {  	[dreg:$0x3] =	wrdreg s5  }
0xaa: {  	[dreg:$0x4] =	wrdreg $0xC0  }
0xab: {  	_ =	task [dreg:s7], $0x5FFFF  }
0xac: {  	[dreg:$0x1] =	wrdreg $0xFFFFFFFF  }
0xad: {  	[dreg:$0x0] =	wrdreg $0x60  }
0xae: {  	[dreg:$0x2] =	wrdreg s24  }
0xaf: {  	[dreg:$0x3] =	wrdreg s2  }
0xb0: {  	[dreg:$0x4] =	wrdreg $0x8E800  }
0xb1: {  	[dreg:$0x5] =	wrdreg $0x9  }
0xb2: {  	_ =	task.clear_ibuf [dreg:s7], $0x6FFFF;
	_ =	strace $0x9000004C  }
0xb3: {  	s29 =	simm.s32 $0x9;
	_ =	strace $0x8000004E  }
0xb4: {  	_ =	swait.ge [sflag:s29], $0x1  }
0xb5: {  	[sflag:s29] =	ssyncadd.s32 $0xFFFFFFFF  }
0xb6: {  	_ =	strace $0x9000004E  }
0xb7: {  	_ =	sfence  }
0xb8: {  	s30 =	sld [smem:$0x0];
	_ =	sdelay $0x2  }
0xb9: {  	s31 =	sshll.u32 s1, $0xD;
	s1 =	sshrl.u32 s1, $0x2  }
0xba: {  	s3 =	sand.u32 $0x4000, s31;
	s1 =	sadd.s32 s1, s30  }
0xbb: {  	s0 =	sor.u32 s3, s0;
	s1 =	sshll.u32 s1, $0x11  }
0xbc: {  	s0 =	sor.u32 s1, s0  }
0xbd: {  	s0 =	sadd.s32 $0x8F2B, s0  }
0xbe: {  	[sflag:s0] =	ssyncadd.remote.s32 $0x1  }
0xbf: {  	_ =	sfence.sel $0xFFFF  }
0xc0: {  	[dreg:$0x0] =	wrdreg $0xFFFFFFFF;
	(pc) =	sbr.abs _section_cstart, $3  }
0xc1: {  	[dreg:$0x1] =	wrdreg $0xFFFFFFFF  }
0xc2: {  	_ =	task.clear_ibuf [dreg:s7], $0x2FFFF;
	_ =	strace $0x9FFFFFFF  }
0xc3: {  	(tm) =	ssettm $0x7FFFFFFF  }
tec
execute0_lowered:
.L_overlay_start_1:
0x0: {  	(tag) =	ssettag $0x1  }
0x1: {  	s0 =	rddreg [dreg:$0x0];
	s1 =	srdreg.scid  }
0x2: {  	s2 =	rddreg [dreg:$0x1];
	s5 =	stileid.u32  }
0x3: {  	s6 =	simm.s32 $0x0;
	s12 =	simm.s32 $0x7D;
	s13 =	simm.s32 $0x5000  }
0x4: {  	s15 =	simm.s32 $0x57D0;
	s17 =	simm.s32 $0x5FA0;
	s19 =	simm.s32 $0x6770  }
0x5: {  	s21 =	simm.s32 $0x6F40;
	s23 =	simm.s32 $0x7710;
	s28 =	simm.s32 $0x86B0  }
0x6: {  	s29 =	simm.s32 $0x1;
	s30 =	simm.s32 $0x2;
	s31 =	simm.s32 $0x3  }
0x7: {  	s11 =	simm.s32 $0x5;
	s14 =	simm.s32 $0x6;
	s16 =	simm.s32 $0x7  }
0x8: {  	s18 =	simm.s32 $0x8;
	s4 =	sand.u32 $0x1, s1;
	s1 =	rddreg [dreg:$0x2]  }
0x9: {  	s20 =	simm.s32 $0x9;
	s22 =	simm.s32 $0xA;
	[smem:$0x7FF] =	sst s6  }
0xa: {  	p0 =	sne.s32 s5, $0x0;
	s3 =	sshll.u32 s4, $0x4;
	_ =	strace $0x8000004D  }
0xb: {  	s7 =	ssub.s32 $0x2, s4;
	s4 =	smul.u32 $0x4E20, s4;
	s3 =	sor.u32 s5, s3  }
0xc: {  	s10 =	sshrl.u32 @!p0 s1, $0x3;
	s8 =	sshrl.u32 s7, $0x1;
	s24 =	smul.u32 $0x2800, s3  }
0xd: {  	s5 =	simm.s32 $0xE;
	[dreg:$0x9] =	wrdreg s10;
	s3 =	sadd.s32 $0x15E00, s0  }
0xe: {  	s25 =	ssub.s32 s7, s8;
	s2 =	sadd.s32 s2, s4;
	s6 =	sshrl.u32 s24, $0x3  }
0xf: {  	[dreg:$0x7] =	wrdreg s2;
	s6 =	sadd.s32 s6, s0;
	s0 =	sadd.s32 $0x1AE00, s0  }
0x10: {  	s4 =	simm.s32 $0xD;
	[dreg:$0x4] =	wrdreg s0;
	s26 =	sadd.s32 $0x1E00, s6  }
0x11: {  	s7 =	simm.s32 $0x10;
	s6 =	sadd.s32 $0xBE00, s6;
	[dreg:$0x5] =	wrdreg s26  }
0x12: {  	s8 =	simm.s32 $0x0;
	s0 =	smax.u32 s25, $0x1;
	[dreg:$0x6] =	wrdreg s6  }
0x13: {  	s24 =	simm.s32 $0xB;
	s25 =	simm.s32 $0x7EE0;
	[dreg:$0x8] =	wrdreg s0  }
0x14: {  	s0 =	simm.s32 $0x4;
	s26 =	simm.s32 $0xC;
	s6 =	simm.s32 $0xF  }
.LBB2_1:
0x15: {  	[dreg:$0xa] =	wrdreg s8  }
0x16: {  	s2 =	simm.s32 @!p0 $0x1C11;
	s9 =	rddreg [dreg:$0x4]  }
0x17: {  	[spmem:s10], [sflag:s2] =	dma.local @!p0 [hbm:s9], $0x4E20  }
0x18: {  	s2 =	simm.s32 @!p0 $0x11  }
0x19: {  	_ =	swait.ge @!p0 [sflag:s2], $0x4E20  }
0x1a: {  	s10 =	simm.s32 $0x11;
	[sflag:s2] =	ssyncset.done @!p0 $0x0  }
0x1b: {  	s8 =	rddreg [dreg:$0x5];
	[sflag:s2] =	ssyncadd.s32 @!p0 $0xFFFFB1E0;
	s2 =	simm.s32 $0x0  }
0x1c: {  	[tilespmem:s2], [sflag:$0x11] =	stream.linear.gather [hbm4b:s8+s2], $0x2800, $0x38;
	[tilespmem:$0xB590] =	vst v63  }
0x1d: {  	_ =	swait.ge [sflag:s10], $0x2800  }
0x1e: {  	[sflag:s10] =	ssyncset.done $0x0  }
0x1f: {  	s8 =	simm.s32 $0x2800;
	s9 =	rddreg [dreg:$0x6];
	[sflag:s10] =	ssyncadd.s32 $0xFFFFD800  }
0x20: {  	[tilespmem:s8], [sflag:$0x11] =	stream.linear.gather [hbm4b:s9+s2], $0x2800, $0x38;
	[tilespmem:$0xB590] =	vst v63  }
0x21: {  	_ =	swait.ge [sflag:s10], $0x2800  }
0x22: {  	[sflag:s10] =	ssyncset.done $0x0  }
0x23: {  	[sflag:s10] =	ssyncadd.s32 $0xFFFFD800  }
0x24: {  	[bflag:$0x0] =	sbarrier.arrive $0xFFFF  }
0x25: {  	[tilespmem:s13], [sflag:$0x1] =	stream.indirect.gather [hbm4b:s3+s12], $0x10, s2, s12, $0xb8;
	[tilespmem:$0xB590] =	vst v63  }
0x26: {  	s10 =	simm.s32 $0x80  }
0x27: {  	[tilespmem:s15], [sflag:$0x2] =	stream.indirect.gather [hbm4b:s3+s12], $0x10, s10, s12, $0xb8;
	[tilespmem:$0xB590] =	vst v63  }
0x28: {  	s8 =	simm.s32 $0x100  }
0x29: {  	[tilespmem:s17], [sflag:$0x3] =	stream.indirect.gather [hbm4b:s3+s12], $0x10, s8, s12, $0xb8;
	[tilespmem:$0xB590] =	vst v63  }
0x2a: {  	s9 =	simm.s32 $0x180  }
0x2b: {  	[tilespmem:s19], [sflag:$0x4] =	stream.indirect.gather [hbm4b:s3+s12], $0x10, s9, s12, $0xb8;
	[tilespmem:$0xB590] =	vst v63  }
0x2c: {  	s10 =	simm.s32 $0x200  }
0x2d: {  	[tilespmem:s21], [sflag:$0x5] =	stream.indirect.gather [hbm4b:s3+s12], $0x10, s10, s12, $0xb8;
	[tilespmem:$0xB590] =	vst v63  }
0x2e: {  	s8 =	simm.s32 $0x280  }
0x2f: {  	[tilespmem:s23], [sflag:$0x6] =	stream.indirect.gather [hbm4b:s3+s12], $0x10, s8, s12, $0xb8;
	[tilespmem:$0xB590] =	vst v63  }
0x30: {  	s9 =	simm.s32 $0x300  }
0x31: {  	[tilespmem:s25], [sflag:$0x7] =	stream.indirect.gather [hbm4b:s3+s12], $0x10, s9, s12, $0xb8;
	[tilespmem:$0xB590] =	vst v63  }
0x32: {  	s10 =	simm.s32 $0x380  }
0x33: {  	[tilespmem:s28], [sflag:$0x8] =	stream.indirect.gather [hbm4b:s3+s12], $0x10, s10, s12, $0xb8;
	[tilespmem:$0xB590] =	vst v63  }
0x34: {  	_ =	swait.ge [sflag:s29], $0x7D0  }
0x35: {  	[sflag:s29] =	ssyncset.done $0x0  }
0x36: {  	s8 =	simm.s32 $0x2800;
	[sflag:s29] =	ssyncadd.s32 $0xFFFFF830  }
0x37: {  	[spmem:s1] =	stream.indirect.scatter.add.f32 [tilespmem:s13], [sflag:$0x9], $0x10, s8, s12, $0xb8;
	[tilespmem:$0xB590] =	vst v63  }
0x38: {  	_ =	swait.ge [sflag:s30], $0x7D0  }
0x39: {  	[sflag:s30] =	ssyncset.done $0x0  }
0x3a: {  	s9 =	simm.s32 $0x2880;
	[sflag:s30] =	ssyncadd.s32 $0xFFFFF830  }
0x3b: {  	[spmem:s1] =	stream.indirect.scatter.add.f32 [tilespmem:s15], [sflag:$0xA], $0x10, s9, s12, $0xb8;
	[tilespmem:$0xB590] =	vst v63  }
0x3c: {  	_ =	swait.ge [sflag:s31], $0x7D0  }
0x3d: {  	[sflag:s31] =	ssyncset.done $0x0  }
0x3e: {  	s10 =	simm.s32 $0x2900;
	[sflag:s31] =	ssyncadd.s32 $0xFFFFF830  }
0x3f: {  	[spmem:s1] =	stream.indirect.scatter.add.f32 [tilespmem:s17], [sflag:$0xB], $0x10, s10, s12, $0xb8;
	[tilespmem:$0xB590] =	vst v63  }
0x40: {  	_ =	swait.ge [sflag:s0], $0x7D0  }
0x41: {  	[sflag:s0] =	ssyncset.done $0x0  }
0x42: {  	s8 =	simm.s32 $0x2980;
	[sflag:s0] =	ssyncadd.s32 $0xFFFFF830  }
0x43: {  	[spmem:s1] =	stream.indirect.scatter.add.f32 [tilespmem:s19], [sflag:$0xC], $0x10, s8, s12, $0xb8;
	[tilespmem:$0xB590] =	vst v63  }
0x44: {  	_ =	swait.ge [sflag:s11], $0x7D0  }
0x45: {  	[sflag:s11] =	ssyncset.done $0x0  }
0x46: {  	s9 =	simm.s32 $0x2A00;
	[sflag:s11] =	ssyncadd.s32 $0xFFFFF830  }
0x47: {  	[spmem:s1] =	stream.indirect.scatter.add.f32 [tilespmem:s21], [sflag:$0xD], $0x10, s9, s12, $0xb8;
	[tilespmem:$0xB590] =	vst v63  }
0x48: {  	_ =	swait.ge [sflag:s14], $0x7D0  }
0x49: {  	[sflag:s14] =	ssyncset.done $0x0  }
0x4a: {  	s10 =	simm.s32 $0x2A80;
	[sflag:s14] =	ssyncadd.s32 $0xFFFFF830  }
0x4b: {  	[spmem:s1] =	stream.indirect.scatter.add.f32 [tilespmem:s23], [sflag:$0xE], $0x10, s10, s12, $0xb8;
	[tilespmem:$0xB590] =	vst v63  }
0x4c: {  	_ =	swait.ge [sflag:s16], $0x7D0  }
0x4d: {  	[sflag:s16] =	ssyncset.done $0x0  }
0x4e: {  	s8 =	simm.s32 $0x2B00;
	[sflag:s16] =	ssyncadd.s32 $0xFFFFF830  }
0x4f: {  	[spmem:s1] =	stream.indirect.scatter.add.f32 [tilespmem:s25], [sflag:$0xF], $0x10, s8, s12, $0xb8;
	[tilespmem:$0xB590] =	vst v63  }
0x50: {  	_ =	swait.ge [sflag:s18], $0x7D0  }
0x51: {  	[sflag:s18] =	ssyncset.done $0x0  }
0x52: {  	s9 =	simm.s32 $0x2B80;
	[sflag:s18] =	ssyncadd.s32 $0xFFFFF830  }
0x53: {  	[spmem:s1] =	stream.indirect.scatter.add.f32 [tilespmem:s28], [sflag:$0x10], $0x10, s9, s12, $0xb8;
	[tilespmem:$0xB590] =	vst v63  }
0x54: {  	_ =	swait.ge [sflag:s20], $0x7D0  }
0x55: {  	[sflag:s20] =	ssyncset.done $0x0  }
0x56: {  	s10 =	simm.s32 $0x400;
	[sflag:s20] =	ssyncadd.s32 $0xFFFFF830  }
0x57: {  	[tilespmem:s13], [sflag:$0x1] =	stream.indirect.gather [hbm4b:s3+s12], $0x10, s10, s12, $0xb8;
	[tilespmem:$0xB590] =	vst v63  }
0x58: {  	_ =	swait.ge [sflag:s22], $0x7D0  }
0x59: {  	[sflag:s22] =	ssyncset.done $0x0  }
0x5a: {  	s8 =	simm.s32 $0x480;
	[sflag:s22] =	ssyncadd.s32 $0xFFFFF830  }
0x5b: {  	[tilespmem:s15], [sflag:$0x2] =	stream.indirect.gather [hbm4b:s3+s12], $0x10, s8, s12, $0xb8;
	[tilespmem:$0xB590] =	vst v63  }
0x5c: {  	_ =	swait.ge [sflag:s24], $0x7D0  }
0x5d: {  	[sflag:s24] =	ssyncset.done $0x0  }
0x5e: {  	s9 =	simm.s32 $0x500;
	[sflag:s24] =	ssyncadd.s32 $0xFFFFF830  }
0x5f: {  	[tilespmem:s17], [sflag:$0x3] =	stream.indirect.gather [hbm4b:s3+s12], $0x10, s9, s12, $0xb8;
	[tilespmem:$0xB590] =	vst v63  }
0x60: {  	_ =	swait.ge [sflag:s26], $0x7D0  }
0x61: {  	[sflag:s26] =	ssyncset.done $0x0  }
0x62: {  	s10 =	simm.s32 $0x580;
	[sflag:s26] =	ssyncadd.s32 $0xFFFFF830  }
0x63: {  	[tilespmem:s19], [sflag:$0x4] =	stream.indirect.gather [hbm4b:s3+s12], $0x10, s10, s12, $0xb8;
	[tilespmem:$0xB590] =	vst v63  }
0x64: {  	_ =	swait.ge [sflag:s4], $0x7D0  }
0x65: {  	[sflag:s4] =	ssyncset.done $0x0  }
0x66: {  	s8 =	simm.s32 $0x600;
	[sflag:s4] =	ssyncadd.s32 $0xFFFFF830  }
0x67: {  	[tilespmem:s21], [sflag:$0x5] =	stream.indirect.gather [hbm4b:s3+s12], $0x10, s8, s12, $0xb8;
	[tilespmem:$0xB590] =	vst v63  }
0x68: {  	_ =	swait.ge [sflag:s5], $0x7D0  }
0x69: {  	[sflag:s5] =	ssyncset.done $0x0  }
0x6a: {  	s9 =	simm.s32 $0x680;
	[sflag:s5] =	ssyncadd.s32 $0xFFFFF830  }
0x6b: {  	[tilespmem:s23], [sflag:$0x6] =	stream.indirect.gather [hbm4b:s3+s12], $0x10, s9, s12, $0xb8;
	[tilespmem:$0xB590] =	vst v63  }
0x6c: {  	_ =	swait.ge [sflag:s6], $0x7D0  }
0x6d: {  	[sflag:s6] =	ssyncset.done $0x0  }
0x6e: {  	s10 =	simm.s32 $0x700;
	[sflag:s6] =	ssyncadd.s32 $0xFFFFF830  }
0x6f: {  	[tilespmem:s25], [sflag:$0x7] =	stream.indirect.gather [hbm4b:s3+s12], $0x10, s10, s12, $0xb8;
	[tilespmem:$0xB590] =	vst v63  }
0x70: {  	_ =	swait.ge [sflag:s7], $0x7D0  }
0x71: {  	[sflag:s7] =	ssyncset.done $0x0  }
0x72: {  	s2 =	simm.s32 $0x1000;
	s9 =	simm.s32 $0x780;
	[sflag:s7] =	ssyncadd.s32 $0xFFFFF830  }
.LBB2_2:
0x73: {  	[tilespmem:s28], [sflag:$0x8] =	stream.indirect.gather [hbm4b:s3+s12], $0x10, s9, s12, $0xb8;
	[tilespmem:$0xB590] =	vst v63  }
0x74: {  	s9 =	smov.u32 s2  }
0x75: {  	p1 =	sne.s32 s2, $0x8000;
	s2 =	sadd.s32 $0x1000, s2;
	_ =	swait.ge [sflag:s29], $0x7D0  }
0x76: {  	s9 =	sshra.s32 s9, $0x2;
	[sflag:s29] =	ssyncset.done $0x0  }
0x77: {  	s10 =	sadd.s32 $0x2800, s9;
	[sflag:s29] =	ssyncadd.s32 $0xFFFFF830  }
0x78: {  	[spmem:s1] =	stream.indirect.scatter.add.f32 [tilespmem:s13], [sflag:$0x9], $0x10, s10, s12, $0xb8;
	[tilespmem:$0xB590] =	vst v63  }
0x79: {  	_ =	swait.ge [sflag:s30], $0x7D0  }
0x7a: {  	[sflag:s30] =	ssyncset.done $0x0  }
0x7b: {  	s10 =	sadd.s32 $0x2880, s9;
	[sflag:s30] =	ssyncadd.s32 $0xFFFFF830  }
0x7c: {  	[spmem:s1] =	stream.indirect.scatter.add.f32 [tilespmem:s15], [sflag:$0xA], $0x10, s10, s12, $0xb8;
	[tilespmem:$0xB590] =	vst v63  }
0x7d: {  	_ =	swait.ge [sflag:s31], $0x7D0  }
0x7e: {  	[sflag:s31] =	ssyncset.done $0x0  }
0x7f: {  	s10 =	sadd.s32 $0x2900, s9;
	[sflag:s31] =	ssyncadd.s32 $0xFFFFF830  }
0x80: {  	[spmem:s1] =	stream.indirect.scatter.add.f32 [tilespmem:s17], [sflag:$0xB], $0x10, s10, s12, $0xb8;
	[tilespmem:$0xB590] =	vst v63  }
0x81: {  	_ =	swait.ge [sflag:s0], $0x7D0  }
0x82: {  	[sflag:s0] =	ssyncset.done $0x0  }
0x83: {  	s10 =	sadd.s32 $0x2980, s9;
	[sflag:s0] =	ssyncadd.s32 $0xFFFFF830  }
0x84: {  	[spmem:s1] =	stream.indirect.scatter.add.f32 [tilespmem:s19], [sflag:$0xC], $0x10, s10, s12, $0xb8;
	[tilespmem:$0xB590] =	vst v63  }
0x85: {  	_ =	swait.ge [sflag:s11], $0x7D0  }
0x86: {  	[sflag:s11] =	ssyncset.done $0x0  }
0x87: {  	s10 =	sadd.s32 $0x2A00, s9;
	[sflag:s11] =	ssyncadd.s32 $0xFFFFF830  }
0x88: {  	[spmem:s1] =	stream.indirect.scatter.add.f32 [tilespmem:s21], [sflag:$0xD], $0x10, s10, s12, $0xb8;
	[tilespmem:$0xB590] =	vst v63  }
0x89: {  	_ =	swait.ge [sflag:s14], $0x7D0  }
0x8a: {  	[sflag:s14] =	ssyncset.done $0x0  }
0x8b: {  	s10 =	sadd.s32 $0x2A80, s9;
	[sflag:s14] =	ssyncadd.s32 $0xFFFFF830  }
0x8c: {  	[spmem:s1] =	stream.indirect.scatter.add.f32 [tilespmem:s23], [sflag:$0xE], $0x10, s10, s12, $0xb8;
	[tilespmem:$0xB590] =	vst v63  }
0x8d: {  	_ =	swait.ge [sflag:s16], $0x7D0  }
0x8e: {  	[sflag:s16] =	ssyncset.done $0x0  }
0x8f: {  	s10 =	sadd.s32 $0x2B00, s9;
	[sflag:s16] =	ssyncadd.s32 $0xFFFFF830  }
0x90: {  	[spmem:s1] =	stream.indirect.scatter.add.f32 [tilespmem:s25], [sflag:$0xF], $0x10, s10, s12, $0xb8;
	[tilespmem:$0xB590] =	vst v63  }
0x91: {  	_ =	swait.ge [sflag:s18], $0x7D0  }
0x92: {  	[sflag:s18] =	ssyncset.done $0x0  }
0x93: {  	s10 =	sadd.s32 $0x2B80, s9;
	[sflag:s18] =	ssyncadd.s32 $0xFFFFF830  }
0x94: {  	[spmem:s1] =	stream.indirect.scatter.add.f32 [tilespmem:s28], [sflag:$0x10], $0x10, s10, s12, $0xb8;
	[tilespmem:$0xB590] =	vst v63  }
0x95: {  	_ =	swait.ge [sflag:s20], $0x7D0  }
0x96: {  	[sflag:s20] =	ssyncset.done $0x0  }
0x97: {  	s10 =	sadd.s32 $0x400, s9;
	[sflag:s20] =	ssyncadd.s32 $0xFFFFF830  }
0x98: {  	[tilespmem:s13], [sflag:$0x1] =	stream.indirect.gather [hbm4b:s3+s12], $0x10, s10, s12, $0xb8;
	[tilespmem:$0xB590] =	vst v63  }
0x99: {  	_ =	swait.ge [sflag:s22], $0x7D0  }
0x9a: {  	[sflag:s22] =	ssyncset.done $0x0  }
0x9b: {  	s10 =	sadd.s32 $0x480, s9;
	[sflag:s22] =	ssyncadd.s32 $0xFFFFF830  }
0x9c: {  	[tilespmem:s15], [sflag:$0x2] =	stream.indirect.gather [hbm4b:s3+s12], $0x10, s10, s12, $0xb8;
	[tilespmem:$0xB590] =	vst v63  }
0x9d: {  	_ =	swait.ge [sflag:s24], $0x7D0  }
0x9e: {  	[sflag:s24] =	ssyncset.done $0x0  }
0x9f: {  	s10 =	sadd.s32 $0x500, s9;
	[sflag:s24] =	ssyncadd.s32 $0xFFFFF830  }
0xa0: {  	[tilespmem:s17], [sflag:$0x3] =	stream.indirect.gather [hbm4b:s3+s12], $0x10, s10, s12, $0xb8;
	[tilespmem:$0xB590] =	vst v63  }
0xa1: {  	_ =	swait.ge [sflag:s26], $0x7D0  }
0xa2: {  	[sflag:s26] =	ssyncset.done $0x0  }
0xa3: {  	s10 =	sadd.s32 $0x580, s9;
	[sflag:s26] =	ssyncadd.s32 $0xFFFFF830  }
0xa4: {  	[tilespmem:s19], [sflag:$0x4] =	stream.indirect.gather [hbm4b:s3+s12], $0x10, s10, s12, $0xb8;
	[tilespmem:$0xB590] =	vst v63  }
0xa5: {  	_ =	swait.ge [sflag:s4], $0x7D0  }
0xa6: {  	[sflag:s4] =	ssyncset.done $0x0  }
0xa7: {  	s10 =	sadd.s32 $0x600, s9;
	[sflag:s4] =	ssyncadd.s32 $0xFFFFF830  }
0xa8: {  	[tilespmem:s21], [sflag:$0x5] =	stream.indirect.gather [hbm4b:s3+s12], $0x10, s10, s12, $0xb8;
	[tilespmem:$0xB590] =	vst v63  }
0xa9: {  	_ =	swait.ge [sflag:s5], $0x7D0  }
0xaa: {  	[sflag:s5] =	ssyncset.done $0x0  }
0xab: {  	s10 =	sadd.s32 $0x680, s9;
	[sflag:s5] =	ssyncadd.s32 $0xFFFFF830  }
0xac: {  	[tilespmem:s23], [sflag:$0x6] =	stream.indirect.gather [hbm4b:s3+s12], $0x10, s10, s12, $0xb8;
	[tilespmem:$0xB590] =	vst v63  }
0xad: {  	_ =	swait.ge [sflag:s6], $0x7D0  }
0xae: {  	[sflag:s6] =	ssyncset.done $0x0  }
.Ltmp0:
0xaf: {  	s10 =	sadd.s32 $0x700, s9;
	[sflag:s6] =	ssyncadd.s32 $0xFFFFF830;
	(pc) =	sbr.rel @p1 .LBB2_2-.Ltmp0, $4  }
0xb0: {  	[tilespmem:s25], [sflag:$0x7] =	stream.indirect.gather [hbm4b:s3+s12], $0x10, s10, s12, $0xb8;
	[tilespmem:$0xB590] =	vst v63  }
0xb1: {  	_ =	swait.ge [sflag:s7], $0x7D0  }
0xb2: {  	[sflag:s7] =	ssyncset.done $0x0  }
0xb3: {  	s9 =	sadd.s32 $0x780, s9;
	[sflag:s7] =	ssyncadd.s32 $0xFFFFF830  }
0xb4: {  	[tilespmem:s28], [sflag:$0x8] =	stream.indirect.gather [hbm4b:s3+s12], $0x10, s9, s12, $0xb8;
	[tilespmem:$0xB590] =	vst v63  }
0xb5: {  	_ =	swait.ge [sflag:s29], $0x7D0  }
0xb6: {  	[sflag:s29] =	ssyncset.done $0x0  }
0xb7: {  	s2 =	simm.s32 $0x4C00;
	[sflag:s29] =	ssyncadd.s32 $0xFFFFF830  }
0xb8: {  	[spmem:s1] =	stream.indirect.scatter.add.f32 [tilespmem:s13], [sflag:$0x9], $0x10, s2, s12, $0xb8;
	[tilespmem:$0xB590] =	vst v63  }
0xb9: {  	_ =	swait.ge [sflag:s30], $0x7D0  }
0xba: {  	[sflag:s30] =	ssyncset.done $0x0  }
0xbb: {  	s10 =	simm.s32 $0x4C80;
	[sflag:s30] =	ssyncadd.s32 $0xFFFFF830  }
0xbc: {  	[spmem:s1] =	stream.indirect.scatter.add.f32 [tilespmem:s15], [sflag:$0xA], $0x10, s10, s12, $0xb8;
	[tilespmem:$0xB590] =	vst v63  }
0xbd: {  	_ =	swait.ge [sflag:s31], $0x7D0  }
0xbe: {  	[sflag:s31] =	ssyncset.done $0x0  }
0xbf: {  	s8 =	simm.s32 $0x4D00;
	[sflag:s31] =	ssyncadd.s32 $0xFFFFF830  }
0xc0: {  	[spmem:s1] =	stream.indirect.scatter.add.f32 [tilespmem:s17], [sflag:$0xB], $0x10, s8, s12, $0xb8;
	[tilespmem:$0xB590] =	vst v63  }
0xc1: {  	_ =	swait.ge [sflag:s0], $0x7D0  }
0xc2: {  	[sflag:s0] =	ssyncset.done $0x0  }
0xc3: {  	s9 =	simm.s32 $0x4D80;
	[sflag:s0] =	ssyncadd.s32 $0xFFFFF830  }
0xc4: {  	[spmem:s1] =	stream.indirect.scatter.add.f32 [tilespmem:s19], [sflag:$0xC], $0x10, s9, s12, $0xb8;
	[tilespmem:$0xB590] =	vst v63  }
0xc5: {  	_ =	swait.ge [sflag:s11], $0x7D0  }
0xc6: {  	[sflag:s11] =	ssyncset.done $0x0  }
0xc7: {  	s10 =	simm.s32 $0x4E00;
	[sflag:s11] =	ssyncadd.s32 $0xFFFFF830  }
0xc8: {  	[spmem:s1] =	stream.indirect.scatter.add.f32 [tilespmem:s21], [sflag:$0xD], $0x10, s10, s12, $0xb8;
	[tilespmem:$0xB590] =	vst v63  }
0xc9: {  	_ =	swait.ge [sflag:s14], $0x7D0  }
0xca: {  	[sflag:s14] =	ssyncset.done $0x0  }
0xcb: {  	s8 =	simm.s32 $0x4E80;
	[sflag:s14] =	ssyncadd.s32 $0xFFFFF830  }
0xcc: {  	[spmem:s1] =	stream.indirect.scatter.add.f32 [tilespmem:s23], [sflag:$0xE], $0x10, s8, s12, $0xb8;
	[tilespmem:$0xB590] =	vst v63  }
0xcd: {  	_ =	swait.ge [sflag:s16], $0x7D0  }
0xce: {  	[sflag:s16] =	ssyncset.done $0x0  }
0xcf: {  	s9 =	simm.s32 $0x4F00;
	[sflag:s16] =	ssyncadd.s32 $0xFFFFF830  }
0xd0: {  	[spmem:s1] =	stream.indirect.scatter.add.f32 [tilespmem:s25], [sflag:$0xF], $0x10, s9, s12, $0xb8;
	[tilespmem:$0xB590] =	vst v63  }
0xd1: {  	_ =	swait.ge [sflag:s18], $0x7D0  }
0xd2: {  	[sflag:s18] =	ssyncset.done $0x0  }
0xd3: {  	s10 =	simm.s32 $0x4F80;
	[sflag:s18] =	ssyncadd.s32 $0xFFFFF830  }
0xd4: {  	[spmem:s1] =	stream.indirect.scatter.add.f32 [tilespmem:s28], [sflag:$0x10], $0x10, s10, s12, $0xb8;
	[tilespmem:$0xB590] =	vst v63  }
0xd5: {  	_ =	swait.ge [sflag:s20], $0x7D0  }
0xd6: {  	[sflag:s20] =	ssyncset.done $0x0  }
0xd7: {  	[sflag:s20] =	ssyncadd.s32 $0xFFFFF830  }
0xd8: {  	_ =	swait.ge [sflag:s22], $0x7D0  }
0xd9: {  	[sflag:s22] =	ssyncset.done $0x0  }
0xda: {  	[sflag:s22] =	ssyncadd.s32 $0xFFFFF830  }
0xdb: {  	_ =	swait.ge [sflag:s24], $0x7D0  }
0xdc: {  	[sflag:s24] =	ssyncset.done $0x0  }
0xdd: {  	[sflag:s24] =	ssyncadd.s32 $0xFFFFF830  }
0xde: {  	_ =	swait.ge [sflag:s26], $0x7D0  }
0xdf: {  	[sflag:s26] =	ssyncset.done $0x0  }
0xe0: {  	[sflag:s26] =	ssyncadd.s32 $0xFFFFF830  }
0xe1: {  	_ =	swait.ge [sflag:s4], $0x7D0  }
0xe2: {  	[sflag:s4] =	ssyncset.done $0x0  }
0xe3: {  	[sflag:s4] =	ssyncadd.s32 $0xFFFFF830  }
0xe4: {  	_ =	swait.ge [sflag:s5], $0x7D0  }
0xe5: {  	[sflag:s5] =	ssyncset.done $0x0  }
0xe6: {  	[sflag:s5] =	ssyncadd.s32 $0xFFFFF830  }
0xe7: {  	_ =	swait.ge [sflag:s6], $0x7D0  }
0xe8: {  	[sflag:s6] =	ssyncset.done $0x0  }
0xe9: {  	[sflag:s6] =	ssyncadd.s32 $0xFFFFF830  }
0xea: {  	_ =	swait.ge [sflag:s7], $0x7D0  }
0xeb: {  	[sflag:s7] =	ssyncset.done $0x0  }
0xec: {  	[sflag:s7] =	ssyncadd.s32 $0xFFFFF830  }
0xed: {  	[bflag:$0x0] =	sbarrier.arrive $0xFFFF  }
0xee: {  	s9 =	rddreg [dreg:$0x7]  }
0xef: {  	s2 =	simm.s32 @!p0 $0x1C11;
	s10 =	rddreg [dreg:$0x9]  }
0xf0: {  	[hbm:s9], [sflag:s2] =	dma.local @!p0 [spmem:s10], $0x4E20  }
0xf1: {  	s2 =	simm.s32 @!p0 $0x11  }
0xf2: {  	_ =	swait.ge @!p0 [sflag:s2], $0x4E20  }
0xf3: {  	s8 =	rddreg [dreg:$0xa]  }
0xf4: {  	s9 =	rddreg [dreg:$0x8];
	s8 =	sadd.s32 $0x1, s8  }
0xf5: {  	p1 =	sne.s32 s8, s9  }
.Ltmp1:
0xf6: {  	_ = 	snop;
	(pc) =	sbr.rel @p1 .LBB2_1-.Ltmp1, $3  }
0xf7: {  	_ =	sdelay $0x1  }
0xf8: {  	[sflag:s2] =	ssyncset.done @!p0 $0x0  }
0xf9: {  	[sflag:s2] =	ssyncadd.s32 @!p0 $0xFFFFB1E0  }
0xfa: {  	_ =	sfence.sel $0x180000  }
0xfb: {  	[bflag:$0x0] =	sbarrier.arrive $0xFFFF  }
0xfc: {  	_ =	strace $0x9000004D  }
0xfd: {  	[bflag:$0x2] =	sbarrier.arrive $0xFFFF  }
0xfe: {  	s0 =	rddreg [dreg:$0x3]  }
0xff: {  	s0 =	sadd.s32 @!p0 $0x100000, s0  }
0x100: {  	[sflag:s0] =	ssyncadd.tile.s32 @!p0 $0x1;
	_ =	shalt  }
.Lfunc_end2:
_tile_overlayer_lowered:
.L_overlay_start_2:
0x101: {  	(tag) =	ssettag $0x2  }
0x102: {  	s0 =	rddreg [dreg:$0x0];
	s2 =	stileid.u32  }
0x103: {  	s1 =	rddreg [dreg:$0x1];
	p0 =	sne.s32 s2, $0x0  }
0x104: {  	s3 =	rddreg [dreg:$0x2];
	[bflag:$0x3] =	sbarrier.arrive $0xFFFF;
	s2 =	simm.s32 @!p0 $0x1C11  }
0x105: {  	[timem:s3], [sflag:s2] =	dma.local @!p0 [hbm:s0], s1  }
0x106: {  	s0 =	simm.s32 @!p0 $0x11  }
0x107: {  	_ =	swait.ge @!p0 [sflag:s0], s1  }
0x108: {  	s1 =	ssub.s32 @!p0 $0x0, s1;
	[sflag:s0] =	ssyncset.done @!p0 $0x0  }
0x109: {  	[sflag:s0] =	ssyncadd.s32 @!p0 s1  }
0x10a: {  	[bflag:$0x3] =	sbarrier.arrive $0xFFFF  }
0x10b: {  	_ =	shalt  }

// kernel: kernel.8.cloned.1.call-start
scs
__scs_entry_jumppad:
0x0: {  	(pc) =	sbr.rel $0x88, $3  }
0x1: {  	(tag) =	ssettag $0x0;
	lr =	simm.s32 $0x1  }
0x2: {  	[smem:$0x3F9B] =	sst lr;
	_ =	strace $0xD0000000  }
0x3: {  	_ = 	snop  }
0x4: {  	_ = 	snop  }
0x5: {  	_ = 	snop  }
0x6: {  	_ = 	snop  }
0x7: {  	_ = 	snop  }
__scs_overlays_trampoline_lowered:
0x8: {  	[smem:$0x3FAA] =	sst s0  }
0x9: {  	[smem:$0x3FAB] =	sst s1  }
0xa: {  	[smem:$0x3FAC] =	sst s2  }
0xb: {  	[smem:$0x3FAD] =	sst s3  }
0xc: {  	[smem:$0x3FAE] =	sst s4  }
0xd: {  	[smem:$0x3FAF] =	sst s5  }
0xe: {  	[smem:$0x3FB0] =	sst s6  }
0xf: {  	[smem:$0x3FB1] =	sst s7  }
0x10: {  	[smem:$0x3FB2] =	sst s8  }
0x11: {  	[smem:$0x3FB3] =	sst s9;
	s0 =	simm.s32 @!p0 $0x0  }
0x12: {  	s1 =	sld [smem:$0x3F99];
	s0 =	simm.s32 @p0 $0x1  }
0x13: {  	[smem:$0x3FB4] =	sst s0;
	s0 =	simm.s32 @!p1 $0x0  }
0x14: {  	s2 =	sld [smem:$0x3F98];
	s0 =	simm.s32 @p1 $0x1  }
0x15: {  	[smem:$0x3FB5] =	sst s0;
	s0 =	simm.s32 @!p2 $0x0  }
0x16: {  	s3 =	sld [smem:$0x3FDB];
	s0 =	simm.s32 @p2 $0x1  }
0x17: {  	s4 =	simm.s32 $0x1BF5;
	[smem:$0x3FB7] =	sst s0  }
0x18: {  	s0 =	sld [smem:$0x3F9A];
	_ =	swait.ge [sflag:s4], $0x0  }
0x19: {  	s7 =	sld [smem:$0x3F9B]  }
0x1a: {  	s8 =	sadd.s32 $0xFFFFE003, lr  }
0x1b: {  	s9 =	sadd.s32 $0xFFFFFEF7, lr;
	s5 =	simm.s32 $0xFFFFFFFF;
	p2 =	slt.u32 s8, $0xFFFFF086  }
0x1c: {  	p1 =	slt.u32 s9, $0xF7A;
	s5 =	simm.s32 @!p2 $0x0  }
0x1d: {  	s5 =	simm.s32 @p1 $0x1;
	p0 =	seq.s32 s7, s2  }
0x1e: {  	s7 =	smul.u32 @!p0 $0xF7A, s2;
	p2 =	seq.s32 @!p0 s5, $0x0  }
0x1f: {  	s9 =	smul.u32 $0xF7A, s1;
	s8 =	simm.s32 @!p0 $0x1BF5;
	p2 =	por !p2, p0  }
0x20: {  	[sflag:s8] =	ssyncset.s32 @!p0 $0xFFFFF086;
	s6 =	sadd.s32 @!p0 s3, s7;
	s7 =	simm.s32 @!p0 $0x108  }
0x21: {  	s3 =	sadd.s32 s3, s9;
	s6 =	sadd.s32 @!p0 $0x88, s6;
	s7 =	simm.s32 @p2 $0x1082  }
0x22: {  	[simem:s7], [sflag:s8] =	dma.local @!p0 [hbm:s6], $0xF7A  }
0x23: {  	s9 =	sor.u32 $0xD0000000, s2;
	s6 =	simm.s32 $0x108;
	_ =	swait.ge @!p0 [sflag:s8], $0x0  }
0x24: {  	s3 =	sadd.s32 $0x88, s3;
	s6 =	simm.s32 @!p1 $0x1082;
	[sflag:s4] =	ssyncset.s32 $0xFFFFF086  }
0x25: {  	[simem:s6], [sflag:s4] =	dma.local [hbm:s3], $0xF7A  }
0x26: {  	[smem:$0x3F9B] =	sst s1;
	(tag) =	ssettag s2;
	_ =	strace s9  }
0x27: {  	s1 =	sld [smem:$0x3FAB]  }
0x28: {  	s2 =	sld [smem:$0x3FAC]  }
0x29: {  	s4 =	sld [smem:$0x3FAE]  }
0x2a: {  	p0 =	seq.s32 s5, $0x0;
	s5 =	sld [smem:$0x3FAF]  }
0x2b: {  	s6 =	sld [smem:$0x3FB0]  }
0x2c: {  	s7 =	sld [smem:$0x3FB1]  }
0x2d: {  	s3 =	simm.s32 $0x108;
	s8 =	sld [smem:$0x3FB2]  }
0x2e: {  	s3 =	simm.s32 @!p0 $0x1082;
	s9 =	sld [smem:$0x3FB3]  }
0x2f: {  	lr =	sadd.s32 s0, s3;
	s0 =	sld [smem:$0x3FAA]  }
0x30: {  	s3 =	sld [smem:$0x3FAD]  }
0x31: {  	[smem:$0x3FB6] =	sst s10  }
0x32: {  	s10 =	sld [smem:$0x3FB4];
	_ =	sdelay $0x3  }
0x33: {  	p0 =	seq.s32 s10, $0x1;
	s10 =	sld [smem:$0x3FB6];
	_ =	sdelay $0x3  }
0x34: {  	[smem:$0x3FB6] =	sst s10  }
0x35: {  	s10 =	sld [smem:$0x3FB5];
	_ =	sdelay $0x3  }
0x36: {  	p1 =	seq.s32 s10, $0x1;
	s10 =	sld [smem:$0x3FB6];
	_ =	sdelay $0x3  }
0x37: {  	[smem:$0x3FB6] =	sst s10  }
0x38: {  	s10 =	sld [smem:$0x3FB7]  }
0x39: {  	_ = 	snop;
	(pc) =	sbr.ind lr, $3  }
0x3a: {  	_ = 	snop  }
0x3b: {  	_ = 	snop  }
0x3c: {  	p2 =	seq.s32 s10, $0x1;
	s10 =	sld [smem:$0x3FB6]  }
0x3d: {  	_ =	shalt  }
0x3e: {  	_ =	shalt  }
0x3f: {  	_ =	shalt  }
0x40: {  	_ =	shalt  }
0x41: {  	_ =	shalt  }
0x42: {  	_ =	shalt  }
0x43: {  	_ =	shalt  }
0x44: {  	_ =	shalt  }
0x45: {  	_ =	shalt  }
0x46: {  	_ =	shalt  }
0x47: {  	_ =	shalt  }
0x48: {  	_ =	shalt  }
0x49: {  	_ =	shalt  }
0x4a: {  	_ =	shalt  }
0x4b: {  	_ =	shalt  }
0x4c: {  	_ =	shalt  }
0x4d: {  	_ =	shalt  }
0x4e: {  	_ =	shalt  }
0x4f: {  	_ =	shalt  }
0x50: {  	_ =	shalt  }
0x51: {  	_ =	shalt  }
0x52: {  	_ =	shalt  }
0x53: {  	_ =	shalt  }
0x54: {  	_ =	shalt  }
0x55: {  	_ =	shalt  }
0x56: {  	_ =	shalt  }
0x57: {  	_ =	shalt  }
0x58: {  	_ =	shalt  }
0x59: {  	_ =	shalt  }
0x5a: {  	_ =	shalt  }
0x5b: {  	_ =	shalt  }
0x5c: {  	_ =	shalt  }
0x5d: {  	_ =	shalt  }
0x5e: {  	_ =	shalt  }
0x5f: {  	_ =	shalt  }
0x60: {  	_ =	shalt  }
0x61: {  	_ =	shalt  }
0x62: {  	_ =	shalt  }
0x63: {  	_ =	shalt  }
0x64: {  	_ =	shalt  }
0x65: {  	_ =	shalt  }
0x66: {  	_ =	shalt  }
0x67: {  	_ =	shalt  }
0x68: {  	_ =	shalt  }
0x69: {  	_ =	shalt  }
0x6a: {  	_ =	shalt  }
0x6b: {  	_ =	shalt  }
0x6c: {  	_ =	shalt  }
0x6d: {  	_ =	shalt  }
0x6e: {  	_ =	shalt  }
0x6f: {  	_ =	shalt  }
0x70: {  	_ =	shalt  }
0x71: {  	_ =	shalt  }
0x72: {  	_ =	shalt  }
0x73: {  	_ =	shalt  }
0x74: {  	_ =	shalt  }
0x75: {  	_ =	shalt  }
0x76: {  	_ =	shalt  }
0x77: {  	_ =	shalt  }
0x78: {  	_ =	shalt  }
0x79: {  	_ =	shalt  }
0x7a: {  	_ =	shalt  }
0x7b: {  	_ =	shalt  }
0x7c: {  	_ =	shalt  }
0x7d: {  	_ =	shalt  }
0x7e: {  	_ =	shalt  }
0x7f: {  	_ =	shalt  }
0x80: {  	_ =	shalt  }
0x81: {  	_ =	shalt  }
0x82: {  	_ =	shalt  }
0x83: {  	_ =	shalt  }
0x84: {  	_ =	shalt  }
0x85: {  	_ =	shalt  }
0x86: {  	_ =	shalt  }
0x87: {  	_ =	shalt  }
.Lfunc_end0:
.L_simem_size_0:
called_computation_lowered:
.L_overlay_start_0:
0x88: {  	s2 =	sld [smem:$0x3FD9]  }
0x89: {  	s3 =	sld [smem:$0x3FFE];
	_ =	sdelay $0x1  }
0x8a: {  	s1 =	srdreg.scid  }
0x8b: {  	s0 =	sand.u32 $0x1, s1  }
0x8c: {  	s17 =	sshll.u32 s0, $0xA;
	s2 =	sadd.s32 s3, s2  }
0x8d: {  	s2 =	sadd.s32 s2, s17  }
0x8e: {  	[smem:$0x3FC2] =	sst s2  }
0x8f: {  	_ = 	snop  }
0x90: {  	s2 =	sld [smem:$0x3FD0];
	(tm) =	ssettm $0x1  }
0x91: {  	s18 =	sld [smem:$0x3FFB];
	_ =	sdelay $0x3  }
0x92: {  	_ =	strace s18  }
0x93: {  	s3 =	sld [smem:$0x3FFC];
	_ =	sdelay $0x3  }
0x94: {  	_ =	strace s3  }
0x95: {  	s3 =	sld [smem:$0x3FFD];
	_ =	sdelay $0x3  }
0x96: {  	_ =	strace s3  }
0x97: {  	_ =	strace $0x8FFFFFFF  }
0x98: {  	s19 =	sld [smem:$0x3FDB];
	_ =	sdelay $0x1  }
0x99: {  	s4 =	simm.s32 $_scs_section_size  }
0x9a: {  	s5 =	simm.s32 $_size__tile_overlayer_lowered;
	s6 =	simm.s32 $_tile_overlayer_lowered  }
0x9b: {  	s22 =	simm.s32 $0x1BFF;
	s21 =	sshll.u32 s6, $0x1;
	s3 =	sadd.s32 s4, s19  }
0x9c: {  	s7 =	simm.s32 $0x0;
	s20 =	sshll.u32 s5, $0x1;
	s5 =	sadd.s32 s21, s3  }
0x9d: {  	[timem:s7], [sflag:s22] =	dma.local [hbm:s5], s20  }
0x9e: {  	_ =	swait.ge [sflag:s22], s20  }
0x9f: {  	s4 =	ssub.s32 $0x0, s20;
	[sflag:s22] =	ssyncset.done $0x0  }
0xa0: {  	[sflag:s22] =	ssyncadd.s32 s4;
	_ =	sdelay $0x1  }
0xa1: {  	s23 =	simm.s32 $0x1B8B  }
0xa2: {  	_ =	swait.ge [sflag:s23], $0x1  }
0xa3: {  	[sflag:s23] =	ssyncset.done $0x0  }
0xa4: {  	s25 =	simm.s32 $0x1B8E;
	s24 =	sld [smem:$0x3FFE];
	[sflag:s23] =	ssyncadd.s32 $0xFFFFFFFF  }
0xa5: {  	s26 =	simm.s32 $execute0_lowered;
	[smem:$0x3FD2] =	sst s25  }
0xa6: {  	s5 =	sshll.u32 s26, $0x1;
	_ =	strace $0x80000046;
	[dreg:$0x1] =	wrdreg $0xFFFFFFFF  }
0xa7: {  	s28 =	simm.s32 $_size_execute0_lowered;
	s3 =	sadd.s32 s3, s5;
	[dreg:$0x0] =	wrdreg $0x0  }
0xa8: {  	s5 =	sshll.u32 s28, $0x1;
	[dreg:$0x2] =	wrdreg s3  }
0xa9: {  	[dreg:$0x3] =	wrdreg s5  }
0xaa: {  	[dreg:$0x4] =	wrdreg $0xC0  }
0xab: {  	_ =	task [dreg:s7], $0x5FFFF  }
0xac: {  	[dreg:$0x1] =	wrdreg $0xFFFFFFFF  }
0xad: {  	[dreg:$0x0] =	wrdreg $0x60  }
0xae: {  	[dreg:$0x2] =	wrdreg s24  }
0xaf: {  	[dreg:$0x3] =	wrdreg s2  }
0xb0: {  	[dreg:$0x4] =	wrdreg $0x28800  }
0xb1: {  	[dreg:$0x5] =	wrdreg $0x9  }
0xb2: {  	_ =	task.clear_ibuf [dreg:s7], $0x6FFFF;
	_ =	strace $0x90000046  }
0xb3: {  	s29 =	simm.s32 $0x9;
	_ =	strace $0x80000048  }
0xb4: {  	_ =	swait.ge [sflag:s29], $0x1  }
0xb5: {  	[sflag:s29] =	ssyncadd.s32 $0xFFFFFFFF  }
0xb6: {  	_ =	strace $0x90000048  }
0xb7: {  	_ =	sfence  }
0xb8: {  	s30 =	sld [smem:$0x0];
	_ =	sdelay $0x2  }
0xb9: {  	s31 =	sshll.u32 s1, $0xD;
	s1 =	sshrl.u32 s1, $0x2  }
0xba: {  	s3 =	sand.u32 $0x4000, s31;
	s1 =	sadd.s32 s1, s30  }
0xbb: {  	s0 =	sor.u32 s3, s0;
	s1 =	sshll.u32 s1, $0x11  }
0xbc: {  	s0 =	sor.u32 s1, s0  }
0xbd: {  	s0 =	sadd.s32 $0x8F2B, s0  }
0xbe: {  	[sflag:s0] =	ssyncadd.remote.s32 $0x1  }
0xbf: {  	_ =	sfence.sel $0xFFFF  }
0xc0: {  	[dreg:$0x0] =	wrdreg $0xFFFFFFFF;
	(pc) =	sbr.abs _section_cstart, $3  }
0xc1: {  	[dreg:$0x1] =	wrdreg $0xFFFFFFFF  }
0xc2: {  	_ =	task.clear_ibuf [dreg:s7], $0x2FFFF;
	_ =	strace $0x9FFFFFFF  }
0xc3: {  	(tm) =	ssettm $0x7FFFFFFF  }
tec
execute0_lowered:
.L_overlay_start_1:
0x0: {  	(tag) =	ssettag $0x1  }
0x1: {  	s3 =	rddreg [dreg:$0x0]  }
0x2: {  	s0 =	srdreg.scid;
	s5 =	rddreg [dreg:$0x1]  }
0x3: {  	s7 =	stileid.u32;
	s1 =	rddreg [dreg:$0x2];
	s2 =	simm.s32 $0x0  }
0x4: {  	s11 =	simm.s32 $0x1;
	s12 =	simm.s32 $0x0;
	s4 =	sand.u32 $0x1, s0  }
0x5: {  	[smem:$0x7FF] =	sst s2;
	p0 =	sne.s32 s7, $0x0;
	s0 =	sshll.u32 s4, $0x4  }
0x6: {  	s8 =	ssub.s32 $0x2, s4;
	s10 =	smul.u32 $0x4E2, s4;
	s6 =	sor.u32 s7, s0  }
0x7: {  	s0 =	rddreg [dreg:$0x3];
	s9 =	sshrl.u32 s8, $0x1;
	s6 =	smul.u32 $0x2800, s6  }
0x8: {  	_ =	strace $0x80000047;
	s7 =	sshrl.u32 @!p0 s1, $0x3;
	s8 =	ssub.s32 s8, s9  }
0x9: {  	s5 =	sadd.s32 s5, s10;
	s9 =	simm.s32 $0x7D;
	s6 =	sshrl.u32 s6, $0x3  }
0xa: {  	s10 =	simm.s32 $0x2800;
	s6 =	sadd.s32 s3, s6;
	s3 =	sadd.s32 $0x15E00, s3  }
0xb: {  	v0 =	vimm.f32 $1.000000000e+00;
	s4 =	sadd.s32 $0xBE00, s6;
	s6 =	smax.u32 s8, $0x1;
	s8 =	simm.s32 $0x2  }
.LBB2_1:
0xc: {  	s13 =	simm.s32 @!p0 $0x1C02  }
0xd: {  	[spmem:s7], [sflag:s13] =	dma.local @!p0 [hbm:s3], $0x4E2  }
0xe: {  	s13 =	simm.s32 @!p0 $0x2  }
0xf: {  	_ =	swait.ge @!p0 [sflag:s13], $0x4E2  }
0x10: {  	[sflag:s13] =	ssyncset.done @!p0 $0x0  }
0x11: {  	[sflag:s13] =	ssyncadd.s32 @!p0 $0xFFFFFB1E  }
0x12: {  	[tilespmem:s2], [sflag:$0x2] =	stream.linear.gather [hbm4b:s4+s2], $0x2800, $0x38;
	[tilespmem:$0x2AF8] =	vst v63  }
0x13: {  	_ =	swait.ge [sflag:s8], $0x2800  }
0x14: {  	[sflag:s8] =	ssyncset.done $0x0  }
0x15: {  	[sflag:s8] =	ssyncadd.s32 $0xFFFFD800  }
0x16: {  	[tilespmem:$0x2800] =	vst v0  }
0x17: {  	[tilespmem:$0x2810] =	vst v0  }
0x18: {  	[tilespmem:$0x2820] =	vst v0  }
0x19: {  	[tilespmem:$0x2830] =	vst v0  }
0x1a: {  	[tilespmem:$0x2840] =	vst v0  }
0x1b: {  	[tilespmem:$0x2850] =	vst v0  }
0x1c: {  	[tilespmem:$0x2860] =	vst v0  }
0x1d: {  	[tilespmem:$0x2870] =	vst v0  }
0x1e: {  	s21 =	simm.s32 $0x0;
	[bflag:$0x0] =	sbarrier.arrive $0xFFFF  }
0x1f: {  	[spmem:s1] =	stream.indirect.scatter.add.f32 [tilespmem:s10], [sflag:$0x1], $0x1, s21, s9, $0xb8;
	[tilespmem:$0x2AF8] =	vst v63  }
0x20: {  	s22 =	simm.s32 $0x80  }
0x21: {  	[spmem:s1] =	stream.indirect.scatter.add.f32 [tilespmem:s10], [sflag:$0x1], $0x1, s22, s9, $0xb8;
	[tilespmem:$0x2AF8] =	vst v63  }
0x22: {  	s23 =	simm.s32 $0x100  }
0x23: {  	[spmem:s1] =	stream.indirect.scatter.add.f32 [tilespmem:s10], [sflag:$0x1], $0x1, s23, s9, $0xb8;
	[tilespmem:$0x2AF8] =	vst v63  }
0x24: {  	s24 =	simm.s32 $0x180  }
0x25: {  	[spmem:s1] =	stream.indirect.scatter.add.f32 [tilespmem:s10], [sflag:$0x1], $0x1, s24, s9, $0xb8;
	[tilespmem:$0x2AF8] =	vst v63  }
0x26: {  	s25 =	simm.s32 $0x200  }
0x27: {  	[spmem:s1] =	stream.indirect.scatter.add.f32 [tilespmem:s10], [sflag:$0x1], $0x1, s25, s9, $0xb8;
	[tilespmem:$0x2AF8] =	vst v63  }
0x28: {  	s26 =	simm.s32 $0x280  }
0x29: {  	[spmem:s1] =	stream.indirect.scatter.add.f32 [tilespmem:s10], [sflag:$0x1], $0x1, s26, s9, $0xb8;
	[tilespmem:$0x2AF8] =	vst v63  }
0x2a: {  	s28 =	simm.s32 $0x300  }
0x2b: {  	[spmem:s1] =	stream.indirect.scatter.add.f32 [tilespmem:s10], [sflag:$0x1], $0x1, s28, s9, $0xb8;
	[tilespmem:$0x2AF8] =	vst v63  }
0x2c: {  	s29 =	simm.s32 $0x380  }
0x2d: {  	[spmem:s1] =	stream.indirect.scatter.add.f32 [tilespmem:s10], [sflag:$0x1], $0x1, s29, s9, $0xb8;
	[tilespmem:$0x2AF8] =	vst v63  }
0x2e: {  	s30 =	simm.s32 $0x400  }
0x2f: {  	[spmem:s1] =	stream.indirect.scatter.add.f32 [tilespmem:s10], [sflag:$0x1], $0x1, s30, s9, $0xb8;
	[tilespmem:$0x2AF8] =	vst v63  }
0x30: {  	s31 =	simm.s32 $0x480  }
0x31: {  	[spmem:s1] =	stream.indirect.scatter.add.f32 [tilespmem:s10], [sflag:$0x1], $0x1, s31, s9, $0xb8;
	[tilespmem:$0x2AF8] =	vst v63  }
0x32: {  	_ =	swait.ge [sflag:s11], $0x7D  }
0x33: {  	[sflag:s11] =	ssyncset.done $0x0  }
0x34: {  	[sflag:s11] =	ssyncadd.s32 $0xFFFFFF83  }
0x35: {  	_ =	swait.ge [sflag:s11], $0x7D  }
0x36: {  	[sflag:s11] =	ssyncset.done $0x0  }
0x37: {  	[sflag:s11] =	ssyncadd.s32 $0xFFFFFF83  }
0x38: {  	_ =	swait.ge [sflag:s11], $0x7D  }
0x39: {  	[sflag:s11] =	ssyncset.done $0x0  }
0x3a: {  	[sflag:s11] =	ssyncadd.s32 $0xFFFFFF83  }
0x3b: {  	_ =	swait.ge [sflag:s11], $0x7D  }
0x3c: {  	[sflag:s11] =	ssyncset.done $0x0  }
0x3d: {  	[sflag:s11] =	ssyncadd.s32 $0xFFFFFF83  }
0x3e: {  	_ =	swait.ge [sflag:s11], $0x7D  }
0x3f: {  	[sflag:s11] =	ssyncset.done $0x0  }
0x40: {  	[sflag:s11] =	ssyncadd.s32 $0xFFFFFF83  }
0x41: {  	_ =	swait.ge [sflag:s11], $0x7D  }
0x42: {  	[sflag:s11] =	ssyncset.done $0x0  }
0x43: {  	[sflag:s11] =	ssyncadd.s32 $0xFFFFFF83  }
0x44: {  	_ =	swait.ge [sflag:s11], $0x7D  }
0x45: {  	[sflag:s11] =	ssyncset.done $0x0  }
0x46: {  	[sflag:s11] =	ssyncadd.s32 $0xFFFFFF83  }
0x47: {  	_ =	swait.ge [sflag:s11], $0x7D  }
0x48: {  	[sflag:s11] =	ssyncset.done $0x0  }
0x49: {  	[sflag:s11] =	ssyncadd.s32 $0xFFFFFF83  }
0x4a: {  	_ =	swait.ge [sflag:s11], $0x7D  }
0x4b: {  	[sflag:s11] =	ssyncset.done $0x0  }
0x4c: {  	[sflag:s11] =	ssyncadd.s32 $0xFFFFFF83  }
0x4d: {  	_ =	swait.ge [sflag:s11], $0x7D  }
0x4e: {  	s15 =	simm.s32 $0x2800;
	s13 =	simm.s32 $0x1400;
	[sflag:s11] =	ssyncset.done $0x0  }
.LBB2_2:
0x4f: {  	s16 =	sshra.s32 s13, $0x2  }
0x50: {  	[sflag:s11] =	ssyncadd.s32 $0xFFFFFF83;
	s13 =	smov.u32 s15;
	s14 =	sadd.s32 $0x1400, s15  }
0x51: {  	[spmem:s1] =	stream.indirect.scatter.add.f32 [tilespmem:s10], [sflag:$0x1], $0x1, s16, s9, $0xb8;
	[tilespmem:$0x2AF8] =	vst v63  }
0x52: {  	p1 =	sne.s32 s15, $0x8C00;
	s15 =	sadd.s32 $0x80, s16  }
0x53: {  	[spmem:s1] =	stream.indirect.scatter.add.f32 [tilespmem:s10], [sflag:$0x1], $0x1, s15, s9, $0xb8;
	[tilespmem:$0x2AF8] =	vst v63  }
0x54: {  	s15 =	sadd.s32 $0x100, s16  }
0x55: {  	[spmem:s1] =	stream.indirect.scatter.add.f32 [tilespmem:s10], [sflag:$0x1], $0x1, s15, s9, $0xb8;
	[tilespmem:$0x2AF8] =	vst v63  }
0x56: {  	s15 =	sadd.s32 $0x180, s16  }
0x57: {  	[spmem:s1] =	stream.indirect.scatter.add.f32 [tilespmem:s10], [sflag:$0x1], $0x1, s15, s9, $0xb8;
	[tilespmem:$0x2AF8] =	vst v63  }
0x58: {  	s15 =	sadd.s32 $0x200, s16  }
0x59: {  	[spmem:s1] =	stream.indirect.scatter.add.f32 [tilespmem:s10], [sflag:$0x1], $0x1, s15, s9, $0xb8;
	[tilespmem:$0x2AF8] =	vst v63  }
0x5a: {  	s15 =	sadd.s32 $0x280, s16  }
0x5b: {  	[spmem:s1] =	stream.indirect.scatter.add.f32 [tilespmem:s10], [sflag:$0x1], $0x1, s15, s9, $0xb8;
	[tilespmem:$0x2AF8] =	vst v63  }
0x5c: {  	s15 =	sadd.s32 $0x300, s16  }
0x5d: {  	[spmem:s1] =	stream.indirect.scatter.add.f32 [tilespmem:s10], [sflag:$0x1], $0x1, s15, s9, $0xb8;
	[tilespmem:$0x2AF8] =	vst v63  }
0x5e: {  	s15 =	sadd.s32 $0x380, s16  }
0x5f: {  	[spmem:s1] =	stream.indirect.scatter.add.f32 [tilespmem:s10], [sflag:$0x1], $0x1, s15, s9, $0xb8;
	[tilespmem:$0x2AF8] =	vst v63  }
0x60: {  	s15 =	sadd.s32 $0x400, s16  }
0x61: {  	[spmem:s1] =	stream.indirect.scatter.add.f32 [tilespmem:s10], [sflag:$0x1], $0x1, s15, s9, $0xb8;
	[tilespmem:$0x2AF8] =	vst v63  }
0x62: {  	s15 =	sadd.s32 $0x480, s16  }
0x63: {  	[spmem:s1] =	stream.indirect.scatter.add.f32 [tilespmem:s10], [sflag:$0x1], $0x1, s15, s9, $0xb8;
	[tilespmem:$0x2AF8] =	vst v63  }
0x64: {  	_ =	swait.ge [sflag:s11], $0x7D  }
0x65: {  	[sflag:s11] =	ssyncset.done $0x0  }
0x66: {  	[sflag:s11] =	ssyncadd.s32 $0xFFFFFF83  }
0x67: {  	_ =	swait.ge [sflag:s11], $0x7D  }
0x68: {  	[sflag:s11] =	ssyncset.done $0x0  }
0x69: {  	[sflag:s11] =	ssyncadd.s32 $0xFFFFFF83  }
0x6a: {  	_ =	swait.ge [sflag:s11], $0x7D  }
0x6b: {  	[sflag:s11] =	ssyncset.done $0x0  }
0x6c: {  	[sflag:s11] =	ssyncadd.s32 $0xFFFFFF83  }
0x6d: {  	_ =	swait.ge [sflag:s11], $0x7D  }
0x6e: {  	[sflag:s11] =	ssyncset.done $0x0  }
0x6f: {  	[sflag:s11] =	ssyncadd.s32 $0xFFFFFF83  }
0x70: {  	_ =	swait.ge [sflag:s11], $0x7D  }
0x71: {  	[sflag:s11] =	ssyncset.done $0x0  }
0x72: {  	[sflag:s11] =	ssyncadd.s32 $0xFFFFFF83  }
0x73: {  	_ =	swait.ge [sflag:s11], $0x7D  }
0x74: {  	[sflag:s11] =	ssyncset.done $0x0  }
0x75: {  	[sflag:s11] =	ssyncadd.s32 $0xFFFFFF83  }
0x76: {  	_ =	swait.ge [sflag:s11], $0x7D  }
0x77: {  	[sflag:s11] =	ssyncset.done $0x0  }
0x78: {  	[sflag:s11] =	ssyncadd.s32 $0xFFFFFF83  }
0x79: {  	_ =	swait.ge [sflag:s11], $0x7D  }
0x7a: {  	[sflag:s11] =	ssyncset.done $0x0  }
0x7b: {  	[sflag:s11] =	ssyncadd.s32 $0xFFFFFF83  }
.Ltmp0:
0x7c: {  	_ =	swait.ge [sflag:s11], $0x7D;
	(pc) =	sbr.rel @p1 .LBB2_2-.Ltmp0, $4  }
0x7d: {  	[sflag:s11] =	ssyncset.done $0x0  }
0x7e: {  	[sflag:s11] =	ssyncadd.s32 $0xFFFFFF83  }
0x7f: {  	_ =	swait.ge [sflag:s11], $0x7D  }
0x80: {  	s15 =	smov.u32 s14;
	[sflag:s11] =	ssyncset.done $0x0  }
0x81: {  	s13 =	sshra.s32 s13, $0x2;
	[sflag:s11] =	ssyncadd.s32 $0xFFFFFF83  }
0x82: {  	[spmem:s1] =	stream.indirect.scatter.add.f32 [tilespmem:s10], [sflag:$0x1], $0x1, s13, s9, $0xb8;
	[tilespmem:$0x2AF8] =	vst v63  }
0x83: {  	s14 =	sadd.s32 $0x80, s13  }
0x84: {  	[spmem:s1] =	stream.indirect.scatter.add.f32 [tilespmem:s10], [sflag:$0x1], $0x1, s14, s9, $0xb8;
	[tilespmem:$0x2AF8] =	vst v63  }
0x85: {  	s24 =	sadd.s32 $0x100, s13  }
0x86: {  	[spmem:s1] =	stream.indirect.scatter.add.f32 [tilespmem:s10], [sflag:$0x1], $0x1, s24, s9, $0xb8;
	[tilespmem:$0x2AF8] =	vst v63  }
0x87: {  	s25 =	sadd.s32 $0x180, s13  }
0x88: {  	[spmem:s1] =	stream.indirect.scatter.add.f32 [tilespmem:s10], [sflag:$0x1], $0x1, s25, s9, $0xb8;
	[tilespmem:$0x2AF8] =	vst v63  }
0x89: {  	s26 =	sadd.s32 $0x200, s13  }
0x8a: {  	[spmem:s1] =	stream.indirect.scatter.add.f32 [tilespmem:s10], [sflag:$0x1], $0x1, s26, s9, $0xb8;
	[tilespmem:$0x2AF8] =	vst v63  }
0x8b: {  	s28 =	sadd.s32 $0x280, s13  }
0x8c: {  	[spmem:s1] =	stream.indirect.scatter.add.f32 [tilespmem:s10], [sflag:$0x1], $0x1, s28, s9, $0xb8;
	[tilespmem:$0x2AF8] =	vst v63  }
0x8d: {  	s29 =	sadd.s32 $0x300, s13  }
0x8e: {  	[spmem:s1] =	stream.indirect.scatter.add.f32 [tilespmem:s10], [sflag:$0x1], $0x1, s29, s9, $0xb8;
	[tilespmem:$0x2AF8] =	vst v63  }
0x8f: {  	s30 =	sadd.s32 $0x380, s13  }
0x90: {  	[spmem:s1] =	stream.indirect.scatter.add.f32 [tilespmem:s10], [sflag:$0x1], $0x1, s30, s9, $0xb8;
	[tilespmem:$0x2AF8] =	vst v63  }
0x91: {  	s31 =	sadd.s32 $0x400, s13  }
0x92: {  	[spmem:s1] =	stream.indirect.scatter.add.f32 [tilespmem:s10], [sflag:$0x1], $0x1, s31, s9, $0xb8;
	[tilespmem:$0x2AF8] =	vst v63  }
0x93: {  	s13 =	sadd.s32 $0x480, s13  }
0x94: {  	[spmem:s1] =	stream.indirect.scatter.add.f32 [tilespmem:s10], [sflag:$0x1], $0x1, s13, s9, $0xb8;
	[tilespmem:$0x2AF8] =	vst v63  }
0x95: {  	_ =	swait.ge [sflag:s11], $0x7D  }
0x96: {  	[sflag:s11] =	ssyncset.done $0x0  }
0x97: {  	[sflag:s11] =	ssyncadd.s32 $0xFFFFFF83  }
0x98: {  	_ =	swait.ge [sflag:s11], $0x7D  }
0x99: {  	[sflag:s11] =	ssyncset.done $0x0  }
0x9a: {  	[sflag:s11] =	ssyncadd.s32 $0xFFFFFF83  }
0x9b: {  	_ =	swait.ge [sflag:s11], $0x7D  }
0x9c: {  	[sflag:s11] =	ssyncset.done $0x0  }
0x9d: {  	[sflag:s11] =	ssyncadd.s32 $0xFFFFFF83  }
0x9e: {  	_ =	swait.ge [sflag:s11], $0x7D  }
0x9f: {  	[sflag:s11] =	ssyncset.done $0x0  }
0xa0: {  	[sflag:s11] =	ssyncadd.s32 $0xFFFFFF83  }
0xa1: {  	_ =	swait.ge [sflag:s11], $0x7D  }
0xa2: {  	[sflag:s11] =	ssyncset.done $0x0  }
0xa3: {  	[sflag:s11] =	ssyncadd.s32 $0xFFFFFF83  }
0xa4: {  	_ =	swait.ge [sflag:s11], $0x7D  }
0xa5: {  	[sflag:s11] =	ssyncset.done $0x0  }
0xa6: {  	[sflag:s11] =	ssyncadd.s32 $0xFFFFFF83  }
0xa7: {  	_ =	swait.ge [sflag:s11], $0x7D  }
0xa8: {  	[sflag:s11] =	ssyncset.done $0x0  }
0xa9: {  	[sflag:s11] =	ssyncadd.s32 $0xFFFFFF83  }
0xaa: {  	_ =	swait.ge [sflag:s11], $0x7D  }
0xab: {  	[sflag:s11] =	ssyncset.done $0x0  }
0xac: {  	[sflag:s11] =	ssyncadd.s32 $0xFFFFFF83  }
0xad: {  	_ =	swait.ge [sflag:s11], $0x7D  }
0xae: {  	[sflag:s11] =	ssyncset.done $0x0  }
0xaf: {  	[sflag:s11] =	ssyncadd.s32 $0xFFFFFF83  }
0xb0: {  	_ =	swait.ge [sflag:s11], $0x7D  }
0xb1: {  	[sflag:s11] =	ssyncset.done $0x0  }
0xb2: {  	s12 =	sadd.s32 $0x1, s12;
	[sflag:s11] =	ssyncadd.s32 $0xFFFFFF83  }
0xb3: {  	p1 =	sne.s32 s12, s6;
	s13 =	simm.s32 @!p0 $0x1C02;
	[bflag:$0x0] =	sbarrier.arrive $0xFFFF  }
0xb4: {  	[hbm:s5], [sflag:s13] =	dma.local @!p0 [spmem:s7], $0x4E2  }
.Ltmp1:
0xb5: {  	_ = 	snop;
	(pc) =	sbr.rel @p1 .LBB2_1-.Ltmp1, $4  }
0xb6: {  	s13 =	simm.s32 @!p0 $0x2  }
0xb7: {  	_ =	swait.ge @!p0 [sflag:s13], $0x4E2  }
0xb8: {  	[sflag:s13] =	ssyncset.done @!p0 $0x0  }
0xb9: {  	[sflag:s13] =	ssyncadd.s32 @!p0 $0xFFFFFB1E  }
0xba: {  	_ =	sfence.sel $0x180000  }
0xbb: {  	[bflag:$0x0] =	sbarrier.arrive $0xFFFF  }
0xbc: {  	_ =	strace $0x90000047  }
0xbd: {  	s0 =	sadd.s32 @!p0 $0x100000, s0;
	[bflag:$0x2] =	sbarrier.arrive $0xFFFF  }
0xbe: {  	[sflag:s0] =	ssyncadd.tile.s32 @!p0 $0x1;
	_ =	shalt  }
.Lfunc_end2:
_tile_overlayer_lowered:
.L_overlay_start_2:
0xbf: {  	(tag) =	ssettag $0x2  }
0xc0: {  	s0 =	rddreg [dreg:$0x0];
	s2 =	stileid.u32  }
0xc1: {  	s1 =	rddreg [dreg:$0x1];
	p0 =	sne.s32 s2, $0x0  }
0xc2: {  	s3 =	rddreg [dreg:$0x2];
	[bflag:$0x3] =	sbarrier.arrive $0xFFFF;
	s2 =	simm.s32 @!p0 $0x1C02  }
0xc3: {  	[timem:s3], [sflag:s2] =	dma.local @!p0 [hbm:s0], s1  }
0xc4: {  	s0 =	simm.s32 @!p0 $0x2  }
0xc5: {  	_ =	swait.ge @!p0 [sflag:s0], s1  }
0xc6: {  	s1 =	ssub.s32 @!p0 $0x0, s1;
	[sflag:s0] =	ssyncset.done @!p0 $0x0  }
0xc7: {  	[sflag:s0] =	ssyncadd.s32 @!p0 s1  }
0xc8: {  	[bflag:$0x3] =	sbarrier.arrive $0xFFFF  }
0xc9: {  	_ =	shalt  }

</sc_bundles>
